<compile_context>
chip_gen: v7x
topology: tpu7x:2x2x1
jax: 0.10.2.dev20260603
libtpu: 0.0.44.dev20260713+nightly
codegen_flags: <defaults>
</compile_context>

<pallas_src>
import functools

import jax
import jax.numpy as jnp
from jax import lax
from jax.experimental import pallas as pl
from jax.experimental.pallas import tpu as pltpu
from jax.experimental.pallas import tpu_sc as plsc

BATCH = 4096
SEQ = 50
DIM = 128
HID = 1024
NCORES = 2
NSUB = 16
NWORK = NCORES * NSUB
ROWS_PER_W = BATCH // NWORK
NVREG = DIM // 16


NBUF = 8
NCHUNK = 1
CB = BATCH // NCHUNK
ROWS_PER_W_C = CB // NWORK


def _sc_pool_body(x_hbm, table_hbm, out_hbm, idx_v, rows_v, pooled_v, *sems):
    wid = lax.axis_index("s") * NCORES + lax.axis_index("c")
    base = wid * ROWS_PER_W_C
    pltpu.sync_copy(x_hbm.at[pl.ds(base, ROWS_PER_W_C)], idx_v)

    def start(b, slot):
        pltpu.async_copy(table_hbm.at[idx_v.at[b]], rows_v.at[slot], sems[slot])

    def wait(slot):
        pltpu.make_async_copy(
            table_hbm.at[idx_v.at[0]], rows_v.at[slot], sems[slot]
        ).wait()

    def accum(slot, b):
        def body(r, accs):
            return tuple(
                accs[k] + rows_v[slot, r, pl.ds(16 * k, 16)] for k in range(NVREG)
            )

        init = tuple(jnp.zeros((16,), jnp.float32) for _ in range(NVREG))
        accs = lax.fori_loop(0, SEQ, body, init, unroll=5)
        for k in range(NVREG):
            pooled_v[b, pl.ds(16 * k, 16)] = accs[k]

    for s in range(NBUF):
        start(s, s)

    def step(i, carry):
        b0 = i * NBUF
        for s in range(NBUF):
            wait(s)
            accum(s, b0 + s)

            @pl.when(b0 + NBUF + s < ROWS_PER_W_C)
            def _():
                start(b0 + NBUF + s, s)

        return carry

    lax.fori_loop(0, ROWS_PER_W_C // NBUF, step, 0)
    pltpu.sync_copy(pooled_v, out_hbm.at[pl.ds(base, ROWS_PER_W_C)])


def _sc_pool(x, table):
    mesh = plsc.VectorSubcoreMesh(core_axis_name="c", subcore_axis_name="s")
    return pl.kernel(
        _sc_pool_body,
        out_type=jax.ShapeDtypeStruct((CB, DIM), jnp.float32),
        mesh=mesh,
        scratch_types=[
            pltpu.VMEM((ROWS_PER_W_C, SEQ), jnp.int32),
            pltpu.VMEM((NBUF, SEQ, DIM), jnp.float32),
            pltpu.VMEM((ROWS_PER_W_C, DIM), jnp.float32),
        ]
        + [pltpu.SemaphoreType.DMA] * NBUF,
    )(x, table)


BLK = 2048


def _mlp_body(p_ref, w1_ref, b1_ref, w3_ref, b3_ref, o_ref):
    p = (p_ref[...] * (1.0 / SEQ)).astype(jnp.bfloat16)
    w1 = w1_ref[...].astype(jnp.bfloat16)
    h = jnp.dot(p, w1, preferred_element_type=jnp.float32) + b1_ref[...]
    h = jnp.maximum(h, 0.0)
    logits = jnp.dot(h, w3_ref[...], preferred_element_type=jnp.float32) + b3_ref[...]
    m = jnp.max(logits, axis=1, keepdims=True)
    lse = m + jnp.log(jnp.sum(jnp.exp(logits - m), axis=1, keepdims=True))
    o_ref[...] = logits - lse


def _mlp(pooled, w1, b1, w3, b3):
    grid = (CB // BLK,)
    return pl.pallas_call(
        _mlp_body,
        grid=grid,
        in_specs=[
            pl.BlockSpec((BLK, DIM), lambda i: (i, 0)),
            pl.BlockSpec((DIM, HID), lambda i: (0, 0)),
            pl.BlockSpec((1, HID), lambda i: (0, 0)),
            pl.BlockSpec((HID, 2), lambda i: (0, 0)),
            pl.BlockSpec((1, 2), lambda i: (0, 0)),
        ],
        out_specs=pl.BlockSpec((BLK, 2), lambda i: (i, 0)),
        out_shape=jax.ShapeDtypeStruct((CB, 2), jnp.float32),
    )(pooled, w1, b1, w3, b3)


@jax.jit
def _run(x, table, W1, b1, W3, b3):
    b1 = b1.reshape(1, HID)
    b3 = b3.reshape(1, 2)
    pooled = [_sc_pool(x[i * CB : (i + 1) * CB], table) for i in range(NCHUNK)]
    outs = [_mlp(p, W1, b1, W3, b3) for p in pooled]
    return jnp.concatenate(outs, axis=0)


def kernel(x, table, W1, b1, W3, b3):
    x = x.astype(jnp.int32)
    return _run(x, table, W1, b1, W3, b3)

# --- scband reference (transcript-rebuilt; emitter-appended) ---
"""Pipeline reference for scband-danmodel-79894981640750 (READ-ONLY COPY).

The authoritative reference and input builder live on the scoring server;
editing this copy changes nothing except your own understanding.
"""

import jax, jax.numpy as jnp
import numpy as np

VOCAB = 100000
EMBED_DIM = 128
HIDDEN = 1024
BATCH = 4096
SEQ = 50

def setup_inputs(seed: int = 0) -> dict:
    key = jax.random.key(seed)
    k1, k2, k3, k4, k5, k6 = jax.random.split(key, 6)
    x = jax.random.randint(k1, (BATCH, SEQ), 0, VOCAB, dtype=jnp.int64 if jax.config.jax_enable_x64 else jnp.int32)
    table = jax.random.normal(k2, (VOCAB, EMBED_DIM), dtype=jnp.float32) * 0.02
    W1 = jax.random.normal(k3, (EMBED_DIM, HIDDEN), dtype=jnp.float32) * (1.0 / np.sqrt(EMBED_DIM))
    b1 = jax.random.normal(k4, (HIDDEN,), dtype=jnp.float32) * 0.01
    W3 = jax.random.normal(k5, (HIDDEN, 2), dtype=jnp.float32) * (1.0 / np.sqrt(HIDDEN))
    b3 = jax.random.normal(k6, (2,), dtype=jnp.float32) * 0.01
    return {"x": x, "table": table, "W1": W1, "b1": b1, "W3": W3, "b3": b3}

def reference(x, table, W1, b1, W3, b3):
    # embedding lookup (gather)
    emb = jnp.take(table, x, axis=0)            # [B, S, D]
    # dropout is identity in eval mode
    pooled = jnp.mean(emb, axis=1)              # [B, D]
    h = jax.nn.relu(pooled @ W1 + b1)           # [B, H]
    logits = h @ W3 + b3                        # [B, 2]
    return jax.nn.log_softmax(logits, axis=1)

if __name__ == "__main__":
    import jax
    _d = setup_inputs()
    print(jax.jit(kernel)(*tuple(_d.values())))

</pallas_src>

<mosaic_0001>
#map = affine_map<(d0, d1) -> (0, 0)>
module attributes {stable_mosaic.version = 14 : i64} {
  func.func @_sc_pool_body(%arg0: i32, %arg1: i32, %arg2: memref<4096x50xi32, #tpu.memory_space<hbm>>, %arg3: memref<100000x128xf32, #tpu.memory_space<hbm>>, %arg4: memref<4096x128xf32, #tpu.memory_space<hbm>>, %arg5: memref<128x50xi32, #tpu.memory_space<vmem>>, %arg6: memref<8x50x128xf32, #tpu.memory_space<vmem>>, %arg7: memref<128x128xf32, #tpu.memory_space<vmem>>, %arg8: memref<!tpu.dma_semaphore, #tpu.memory_space<semaphore_mem>>, %arg9: memref<!tpu.dma_semaphore, #tpu.memory_space<semaphore_mem>>, %arg10: memref<!tpu.dma_semaphore, #tpu.memory_space<semaphore_mem>>, %arg11: memref<!tpu.dma_semaphore, #tpu.memory_space<semaphore_mem>>, %arg12: memref<!tpu.dma_semaphore, #tpu.memory_space<semaphore_mem>>, %arg13: memref<!tpu.dma_semaphore, #tpu.memory_space<semaphore_mem>>, %arg14: memref<!tpu.dma_semaphore, #tpu.memory_space<semaphore_mem>>, %arg15: memref<!tpu.dma_semaphore, #tpu.memory_space<semaphore_mem>>) attributes {dimension_semantics = [#tpu.dimension_semantics<core_parallel>, #tpu.dimension_semantics<subcore_parallel>], iteration_bounds = array<i64: 2, 16>, scalar_prefetch = 0 : i64, scratch_operands = 11 : i64, tpu.core_type = #tpu.core_type<sc_vector_subcore>, window_params = [{transform_indices = #map}, {transform_indices = #map}, {transform_indices = #map}]} {
    %mul3A = arith.constant 2 : i32
    %mul3A_0 = arith.muli %arg1, %mul3A : i32
    %add3A = arith.addi %mul3A_0, %arg0 : i32
    %mul3A_1 = arith.constant 128 : i32
    %mul3A_2 = arith.muli %add3A, %mul3A_1 : i32
    "tpu.region"() ({
      %run_scoped3A = tpu.sem_alloc : memref<!tpu.dma_semaphore, #tpu.memory_space<semaphore_mem>>
      %dma_start3A_103 = arith.constant 0 : i32
      %dma_start3A_104 = tpu.memref_slice %arg2[%mul3A_2, %dma_start3A_103] : memref<4096x50xi32, #tpu.memory_space<hbm>> -> memref<128x50xi32, #tpu.memory_space<hbm>>
      %dma_start3A_105 = arith.constant 0 : i32
      %dma_start3A_106 = tpu.memref_slice %arg2[%mul3A_2, %dma_start3A_105] : memref<4096x50xi32, #tpu.memory_space<hbm>> -> memref<128x50xi32, #tpu.memory_space<hbm>>
      tpu.enqueue_dma source(%dma_start3A_106 : memref<128x50xi32, #tpu.memory_space<hbm>>) target(%arg5 : memref<128x50xi32, #tpu.memory_space<vmem>>) target_semaphore(%run_scoped3A : memref<!tpu.dma_semaphore, #tpu.memory_space<semaphore_mem>>)
      %dma_wait3A = arith.constant 0 : i32
      %dma_wait3A_107 = tpu.memref_slice %arg2[%mul3A_2, %dma_wait3A] : memref<4096x50xi32, #tpu.memory_space<hbm>> -> memref<128x50xi32, #tpu.memory_space<hbm>>
      %dma_wait3A_108 = arith.constant 0 : i32
      %dma_wait3A_109 = tpu.memref_slice %arg2[%mul3A_2, %dma_wait3A_108] : memref<4096x50xi32, #tpu.memory_space<hbm>> -> memref<128x50xi32, #tpu.memory_space<hbm>>
      tpu.wait_dma2 semaphore(%run_scoped3A : memref<!tpu.dma_semaphore, #tpu.memory_space<semaphore_mem>>) src(%dma_wait3A_109 : memref<128x50xi32, #tpu.memory_space<hbm>>) dst(%arg5 : memref<128x50xi32, #tpu.memory_space<vmem>>)
      tpu.yield
    }) : () -> ()
    %dma_start3A = arith.constant 0 : i32
    %dma_start3A_3 = arith.constant 0 : i32
    %dma_start3A_4 = arith.constant 0 : i32
    %dma_start3A_5 = arith.constant 0 : i32
    %dma_start3A_6 = tpu.memref_slice %arg6[%dma_start3A_3, %dma_start3A_4, %dma_start3A_5] : memref<8x50x128xf32, #tpu.memory_space<vmem>> -> memref<1x50x128xf32, #tpu.memory_space<vmem>>
    %dma_start3A_7 = tpu.memref_squeeze %dma_start3A_6 : memref<1x50x128xf32, #tpu.memory_space<vmem>> -> memref<50x128xf32, #tpu.memory_space<vmem>>
    %dma_start3A_8 = arith.constant 0 : i32
    %dma_start3A_9 = tpu.memref_slice %arg5[%dma_start3A, %dma_start3A_8] : memref<128x50xi32, #tpu.memory_space<vmem>> -> memref<1x50xi32, #tpu.memory_space<vmem>>
    %dma_start3A_10 = tpu.memref_squeeze %dma_start3A_9 : memref<1x50xi32, #tpu.memory_space<vmem>> -> memref<50xi32, #tpu.memory_space<vmem>>
    %dma_start3A_11 = arith.constant 0 : i32
    %dma_start3A_12 = arith.constant 0 : i32
    %dma_start3A_13 = tpu.memref_slice %arg3[%dma_start3A_11, %dma_start3A_12] : memref<100000x128xf32, #tpu.memory_space<hbm>> -> memref<100000x128xf32, #tpu.memory_space<hbm>>
    tpu.enqueue_indirect_dma source(%dma_start3A_13 : memref<100000x128xf32, #tpu.memory_space<hbm>>) target(%dma_start3A_7 : memref<50x128xf32, #tpu.memory_space<vmem>>) offsets(%dma_start3A_10 : memref<50xi32, #tpu.memory_space<vmem>>) semaphore(%arg8 : memref<!tpu.dma_semaphore, #tpu.memory_space<semaphore_mem>>)
    %dma_start3A_14 = arith.constant 1 : i32
    %dma_start3A_15 = arith.constant 1 : i32
    %dma_start3A_16 = arith.constant 0 : i32
    %dma_start3A_17 = arith.constant 0 : i32
    %dma_start3A_18 = tpu.memref_slice %arg6[%dma_start3A_15, %dma_start3A_16, %dma_start3A_17] : memref<8x50x128xf32, #tpu.memory_space<vmem>> -> memref<1x50x128xf32, #tpu.memory_space<vmem>>
    %dma_start3A_19 = tpu.memref_squeeze %dma_start3A_18 : memref<1x50x128xf32, #tpu.memory_space<vmem>> -> memref<50x128xf32, #tpu.memory_space<vmem>>
    %dma_start3A_20 = arith.constant 0 : i32
    %dma_start3A_21 = tpu.memref_slice %arg5[%dma_start3A_14, %dma_start3A_20] : memref<128x50xi32, #tpu.memory_space<vmem>> -> memref<1x50xi32, #tpu.memory_space<vmem>>
    %dma_start3A_22 = tpu.memref_squeeze %dma_start3A_21 : memref<1x50xi32, #tpu.memory_space<vmem>> -> memref<50xi32, #tpu.memory_space<vmem>>
    %dma_start3A_23 = arith.constant 0 : i32
    %dma_start3A_24 = arith.constant 0 : i32
    %dma_start3A_25 = tpu.memref_slice %arg3[%dma_start3A_23, %dma_start3A_24] : memref<100000x128xf32, #tpu.memory_space<hbm>> -> memref<100000x128xf32, #tpu.memory_space<hbm>>
    tpu.enqueue_indirect_dma source(%dma_start3A_25 : memref<100000x128xf32, #tpu.memory_space<hbm>>) target(%dma_start3A_19 : memref<50x128xf32, #tpu.memory_space<vmem>>) offsets(%dma_start3A_22 : memref<50xi32, #tpu.memory_space<vmem>>) semaphore(%arg9 : memref<!tpu.dma_semaphore, #tpu.memory_space<semaphore_mem>>)
    %dma_start3A_26 = arith.constant 2 : i32
    %dma_start3A_27 = arith.constant 2 : i32
    %dma_start3A_28 = arith.constant 0 : i32
    %dma_start3A_29 = arith.constant 0 : i32
    %dma_start3A_30 = tpu.memref_slice %arg6[%dma_start3A_27, %dma_start3A_28, %dma_start3A_29] : memref<8x50x128xf32, #tpu.memory_space<vmem>> -> memref<1x50x128xf32, #tpu.memory_space<vmem>>
    %dma_start3A_31 = tpu.memref_squeeze %dma_start3A_30 : memref<1x50x128xf32, #tpu.memory_space<vmem>> -> memref<50x128xf32, #tpu.memory_space<vmem>>
    %dma_start3A_32 = arith.constant 0 : i32
    %dma_start3A_33 = tpu.memref_slice %arg5[%dma_start3A_26, %dma_start3A_32] : memref<128x50xi32, #tpu.memory_space<vmem>> -> memref<1x50xi32, #tpu.memory_space<vmem>>
    %dma_start3A_34 = tpu.memref_squeeze %dma_start3A_33 : memref<1x50xi32, #tpu.memory_space<vmem>> -> memref<50xi32, #tpu.memory_space<vmem>>
    %dma_start3A_35 = arith.constant 0 : i32
    %dma_start3A_36 = arith.constant 0 : i32
    %dma_start3A_37 = tpu.memref_slice %arg3[%dma_start3A_35, %dma_start3A_36] : memref<100000x128xf32, #tpu.memory_space<hbm>> -> memref<100000x128xf32, #tpu.memory_space<hbm>>
    tpu.enqueue_indirect_dma source(%dma_start3A_37 : memref<100000x128xf32, #tpu.memory_space<hbm>>) target(%dma_start3A_31 : memref<50x128xf32, #tpu.memory_space<vmem>>) offsets(%dma_start3A_34 : memref<50xi32, #tpu.memory_space<vmem>>) semaphore(%arg10 : memref<!tpu.dma_semaphore, #tpu.memory_space<semaphore_mem>>)
    %dma_start3A_38 = arith.constant 3 : i32
    %dma_start3A_39 = arith.constant 3 : i32
    %dma_start3A_40 = arith.constant 0 : i32
    %dma_start3A_41 = arith.constant 0 : i32
    %dma_start3A_42 = tpu.memref_slice %arg6[%dma_start3A_39, %dma_start3A_40, %dma_start3A_41] : memref<8x50x128xf32, #tpu.memory_space<vmem>> -> memref<1x50x128xf32, #tpu.memory_space<vmem>>
    %dma_start3A_43 = tpu.memref_squeeze %dma_start3A_42 : memref<1x50x128xf32, #tpu.memory_space<vmem>> -> memref<50x128xf32, #tpu.memory_space<vmem>>
    %dma_start3A_44 = arith.constant 0 : i32
    %dma_start3A_45 = tpu.memref_slice %arg5[%dma_start3A_38, %dma_start3A_44] : memref<128x50xi32, #tpu.memory_space<vmem>> -> memref<1x50xi32, #tpu.memory_space<vmem>>
    %dma_start3A_46 = tpu.memref_squeeze %dma_start3A_45 : memref<1x50xi32, #tpu.memory_space<vmem>> -> memref<50xi32, #tpu.memory_space<vmem>>
    %dma_start3A_47 = arith.constant 0 : i32
    %dma_start3A_48 = arith.constant 0 : i32
    %dma_start3A_49 = tpu.memref_slice %arg3[%dma_start3A_47, %dma_start3A_48] : memref<100000x128xf32, #tpu.memory_space<hbm>> -> memref<100000x128xf32, #tpu.memory_space<hbm>>
    tpu.enqueue_indirect_dma source(%dma_start3A_49 : memref<100000x128xf32, #tpu.memory_space<hbm>>) target(%dma_start3A_43 : memref<50x128xf32, #tpu.memory_space<vmem>>) offsets(%dma_start3A_46 : memref<50xi32, #tpu.memory_space<vmem>>) semaphore(%arg11 : memref<!tpu.dma_semaphore, #tpu.memory_space<semaphore_mem>>)
    %dma_start3A_50 = arith.constant 4 : i32
    %dma_start3A_51 = arith.constant 4 : i32
    %dma_start3A_52 = arith.constant 0 : i32
    %dma_start3A_53 = arith.constant 0 : i32
    %dma_start3A_54 = tpu.memref_slice %arg6[%dma_start3A_51, %dma_start3A_52, %dma_start3A_53] : memref<8x50x128xf32, #tpu.memory_space<vmem>> -> memref<1x50x128xf32, #tpu.memory_space<vmem>>
    %dma_start3A_55 = tpu.memref_squeeze %dma_start3A_54 : memref<1x50x128xf32, #tpu.memory_space<vmem>> -> memref<50x128xf32, #tpu.memory_space<vmem>>
    %dma_start3A_56 = arith.constant 0 : i32
    %dma_start3A_57 = tpu.memref_slice %arg5[%dma_start3A_50, %dma_start3A_56] : memref<128x50xi32, #tpu.memory_space<vmem>> -> memref<1x50xi32, #tpu.memory_space<vmem>>
    %dma_start3A_58 = tpu.memref_squeeze %dma_start3A_57 : memref<1x50xi32, #tpu.memory_space<vmem>> -> memref<50xi32, #tpu.memory_space<vmem>>
    %dma_start3A_59 = arith.constant 0 : i32
    %dma_start3A_60 = arith.constant 0 : i32
    %dma_start3A_61 = tpu.memref_slice %arg3[%dma_start3A_59, %dma_start3A_60] : memref<100000x128xf32, #tpu.memory_space<hbm>> -> memref<100000x128xf32, #tpu.memory_space<hbm>>
    tpu.enqueue_indirect_dma source(%dma_start3A_61 : memref<100000x128xf32, #tpu.memory_space<hbm>>) target(%dma_start3A_55 : memref<50x128xf32, #tpu.memory_space<vmem>>) offsets(%dma_start3A_58 : memref<50xi32, #tpu.memory_space<vmem>>) semaphore(%arg12 : memref<!tpu.dma_semaphore, #tpu.memory_space<semaphore_mem>>)
    %dma_start3A_62 = arith.constant 5 : i32
    %dma_start3A_63 = arith.constant 5 : i32
    %dma_start3A_64 = arith.constant 0 : i32
    %dma_start3A_65 = arith.constant 0 : i32
    %dma_start3A_66 = tpu.memref_slice %arg6[%dma_start3A_63, %dma_start3A_64, %dma_start3A_65] : memref<8x50x128xf32, #tpu.memory_space<vmem>> -> memref<1x50x128xf32, #tpu.memory_space<vmem>>
    %dma_start3A_67 = tpu.memref_squeeze %dma_start3A_66 : memref<1x50x128xf32, #tpu.memory_space<vmem>> -> memref<50x128xf32, #tpu.memory_space<vmem>>
    %dma_start3A_68 = arith.constant 0 : i32
    %dma_start3A_69 = tpu.memref_slice %arg5[%dma_start3A_62, %dma_start3A_68] : memref<128x50xi32, #tpu.memory_space<vmem>> -> memref<1x50xi32, #tpu.memory_space<vmem>>
    %dma_start3A_70 = tpu.memref_squeeze %dma_start3A_69 : memref<1x50xi32, #tpu.memory_space<vmem>> -> memref<50xi32, #tpu.memory_space<vmem>>
    %dma_start3A_71 = arith.constant 0 : i32
    %dma_start3A_72 = arith.constant 0 : i32
    %dma_start3A_73 = tpu.memref_slice %arg3[%dma_start3A_71, %dma_start3A_72] : memref<100000x128xf32, #tpu.memory_space<hbm>> -> memref<100000x128xf32, #tpu.memory_space<hbm>>
    tpu.enqueue_indirect_dma source(%dma_start3A_73 : memref<100000x128xf32, #tpu.memory_space<hbm>>) target(%dma_start3A_67 : memref<50x128xf32, #tpu.memory_space<vmem>>) offsets(%dma_start3A_70 : memref<50xi32, #tpu.memory_space<vmem>>) semaphore(%arg13 : memref<!tpu.dma_semaphore, #tpu.memory_space<semaphore_mem>>)
    %dma_start3A_74 = arith.constant 6 : i32
    %dma_start3A_75 = arith.constant 6 : i32
    %dma_start3A_76 = arith.constant 0 : i32
    %dma_start3A_77 = arith.constant 0 : i32
    %dma_start3A_78 = tpu.memref_slice %arg6[%dma_start3A_75, %dma_start3A_76, %dma_start3A_77] : memref<8x50x128xf32, #tpu.memory_space<vmem>> -> memref<1x50x128xf32, #tpu.memory_space<vmem>>
    %dma_start3A_79 = tpu.memref_squeeze %dma_start3A_78 : memref<1x50x128xf32, #tpu.memory_space<vmem>> -> memref<50x128xf32, #tpu.memory_space<vmem>>
    %dma_start3A_80 = arith.constant 0 : i32
    %dma_start3A_81 = tpu.memref_slice %arg5[%dma_start3A_74, %dma_start3A_80] : memref<128x50xi32, #tpu.memory_space<vmem>> -> memref<1x50xi32, #tpu.memory_space<vmem>>
    %dma_start3A_82 = tpu.memref_squeeze %dma_start3A_81 : memref<1x50xi32, #tpu.memory_space<vmem>> -> memref<50xi32, #tpu.memory_space<vmem>>
    %dma_start3A_83 = arith.constant 0 : i32
    %dma_start3A_84 = arith.constant 0 : i32
    %dma_start3A_85 = tpu.memref_slice %arg3[%dma_start3A_83, %dma_start3A_84] : memref<100000x128xf32, #tpu.memory_space<hbm>> -> memref<100000x128xf32, #tpu.memory_space<hbm>>
    tpu.enqueue_indirect_dma source(%dma_start3A_85 : memref<100000x128xf32, #tpu.memory_space<hbm>>) target(%dma_start3A_79 : memref<50x128xf32, #tpu.memory_space<vmem>>) offsets(%dma_start3A_82 : memref<50xi32, #tpu.memory_space<vmem>>) semaphore(%arg14 : memref<!tpu.dma_semaphore, #tpu.memory_space<semaphore_mem>>)
    %dma_start3A_86 = arith.constant 7 : i32
    %dma_start3A_87 = arith.constant 7 : i32
    %dma_start3A_88 = arith.constant 0 : i32
    %dma_start3A_89 = arith.constant 0 : i32
    %dma_start3A_90 = tpu.memref_slice %arg6[%dma_start3A_87, %dma_start3A_88, %dma_start3A_89] : memref<8x50x128xf32, #tpu.memory_space<vmem>> -> memref<1x50x128xf32, #tpu.memory_space<vmem>>
    %dma_start3A_91 = tpu.memref_squeeze %dma_start3A_90 : memref<1x50x128xf32, #tpu.memory_space<vmem>> -> memref<50x128xf32, #tpu.memory_space<vmem>>
    %dma_start3A_92 = arith.constant 0 : i32
    %dma_start3A_93 = tpu.memref_slice %arg5[%dma_start3A_86, %dma_start3A_92] : memref<128x50xi32, #tpu.memory_space<vmem>> -> memref<1x50xi32, #tpu.memory_space<vmem>>
    %dma_start3A_94 = tpu.memref_squeeze %dma_start3A_93 : memref<1x50xi32, #tpu.memory_space<vmem>> -> memref<50xi32, #tpu.memory_space<vmem>>
    %dma_start3A_95 = arith.constant 0 : i32
    %dma_start3A_96 = arith.constant 0 : i32
    %dma_start3A_97 = tpu.memref_slice %arg3[%dma_start3A_95, %dma_start3A_96] : memref<100000x128xf32, #tpu.memory_space<hbm>> -> memref<100000x128xf32, #tpu.memory_space<hbm>>
    tpu.enqueue_indirect_dma source(%dma_start3A_97 : memref<100000x128xf32, #tpu.memory_space<hbm>>) target(%dma_start3A_91 : memref<50x128xf32, #tpu.memory_space<vmem>>) offsets(%dma_start3A_94 : memref<50xi32, #tpu.memory_space<vmem>>) semaphore(%arg15 : memref<!tpu.dma_semaphore, #tpu.memory_space<semaphore_mem>>)
    %scan3A = arith.constant 0 : i32
    %scan3A_98 = arith.constant 0 : i32
    %scan3A_99 = arith.constant 16 : i32
    %scan3A_100 = arith.addi %scan3A_98, %scan3A_99 : i32
    %scan3A_101 = arith.constant 1 : i32
    scf.for %scan3A_103 = %scan3A_98 to %scan3A_100 step %scan3A_101  : i32 {
      %mul3A_104 = arith.constant 8 : i32
      %mul3A_105 = arith.muli %scan3A_103, %mul3A_104 : i32
      %dma_wait3A = arith.constant 0 : i32
      %dma_wait3A_106 = arith.constant 0 : i32
      %dma_wait3A_107 = arith.constant 0 : i32
      %dma_wait3A_108 = arith.constant 0 : i32
      %dma_wait3A_109 = tpu.memref_slice %arg6[%dma_wait3A_106, %dma_wait3A_107, %dma_wait3A_108] : memref<8x50x128xf32, #tpu.memory_space<vmem>> -> memref<1x50x128xf32, #tpu.memory_space<vmem>>
      %dma_wait3A_110 = tpu.memref_squeeze %dma_wait3A_109 : memref<1x50x128xf32, #tpu.memory_space<vmem>> -> memref<50x128xf32, #tpu.memory_space<vmem>>
      %dma_wait3A_111 = arith.constant 0 : i32
      %dma_wait3A_112 = tpu.memref_slice %arg5[%dma_wait3A, %dma_wait3A_111] : memref<128x50xi32, #tpu.memory_space<vmem>> -> memref<1x50xi32, #tpu.memory_space<vmem>>
      %dma_wait3A_113 = tpu.memref_squeeze %dma_wait3A_112 : memref<1x50xi32, #tpu.memory_space<vmem>> -> memref<50xi32, #tpu.memory_space<vmem>>
      %dma_wait3A_114 = arith.constant 0 : i32
      %dma_wait3A_115 = arith.constant 0 : i32
      %dma_wait3A_116 = tpu.memref_slice %arg3[%dma_wait3A_114, %dma_wait3A_115] : memref<100000x128xf32, #tpu.memory_space<hbm>> -> memref<100000x128xf32, #tpu.memory_space<hbm>>
      tpu.wait_indirect_dma semaphore(%arg8 : memref<!tpu.dma_semaphore, #tpu.memory_space<semaphore_mem>>) src(%dma_wait3A_116 : memref<100000x128xf32, #tpu.memory_space<hbm>>) dst(%dma_wait3A_110 : memref<50x128xf32, #tpu.memory_space<vmem>>)
      %add3A_117 = arith.constant 0 : i32
      %add3A_118 = arith.addi %mul3A_105, %add3A_117 : i32
      %broadcast_in_dim3A = arith.constant 0.000000e+00 : f32
      %broadcast_in_dim3A_119 = vector.broadcast %broadcast_in_dim3A : f32 to vector<16xf32>
      %broadcast_in_dim3A_120 = arith.constant 0.000000e+00 : f32
      %broadcast_in_dim3A_121 = vector.broadcast %broadcast_in_dim3A_120 : f32 to vector<16xf32>
      %broadcast_in_dim3A_122 = arith.constant 0.000000e+00 : f32
      %broadcast_in_dim3A_123 = vector.broadcast %broadcast_in_dim3A_122 : f32 to vector<16xf32>
      %broadcast_in_dim3A_124 = arith.constant 0.000000e+00 : f32
      %broadcast_in_dim3A_125 = vector.broadcast %broadcast_in_dim3A_124 : f32 to vector<16xf32>
      %broadcast_in_dim3A_126 = arith.constant 0.000000e+00 : f32
      %broadcast_in_dim3A_127 = vector.broadcast %broadcast_in_dim3A_126 : f32 to vector<16xf32>
      %broadcast_in_dim3A_128 = arith.constant 0.000000e+00 : f32
      %broadcast_in_dim3A_129 = vector.broadcast %broadcast_in_dim3A_128 : f32 to vector<16xf32>
      %broadcast_in_dim3A_130 = arith.constant 0.000000e+00 : f32
      %broadcast_in_dim3A_131 = vector.broadcast %broadcast_in_dim3A_130 : f32 to vector<16xf32>
      %broadcast_in_dim3A_132 = arith.constant 0.000000e+00 : f32
      %broadcast_in_dim3A_133 = vector.broadcast %broadcast_in_dim3A_132 : f32 to vector<16xf32>
      %scan3A_134 = arith.constant 0 : i32
      %scan3A_135 = arith.constant 50 : i32
      %scan3A_136 = arith.addi %scan3A_134, %scan3A_135 : i32
      %scan3A_137 = arith.constant 5 : i32
      %scan3A_138:8 = scf.for %scan3A_780 = %scan3A_134 to %scan3A_136 step %scan3A_137 iter_args(%scan3A_781 = %broadcast_in_dim3A_119, %scan3A_782 = %broadcast_in_dim3A_121, %scan3A_783 = %broadcast_in_dim3A_123, %scan3A_784 = %broadcast_in_dim3A_125, %scan3A_785 = %broadcast_in_dim3A_127, %scan3A_786 = %broadcast_in_dim3A_129, %scan3A_787 = %broadcast_in_dim3A_131, %scan3A_788 = %broadcast_in_dim3A_133) -> (vector<16xf32>, vector<16xf32>, vector<16xf32>, vector<16xf32>, vector<16xf32>, vector<16xf32>, vector<16xf32>, vector<16xf32>)  : i32 {
        %get3A = arith.constant 0 : i32
        %get3A_789 = arith.index_cast %get3A : i32 to index
        %get3A_790 = arith.index_cast %scan3A_780 : i32 to index
        %get3A_791 = arith.constant 0 : index
        %get3A_792 = tpu.vector_load %arg6[%get3A_789, %get3A_790, %get3A_791] {strides = array<i32>} : memref<8x50x128xf32, #tpu.memory_space<vmem>>, vector<1x1x16xf32>,
        %get3A_793 = vector.shape_cast %get3A_792 : vector<1x1x16xf32> to vector<16xf32>
        %add3A_794 = arith.addf %scan3A_781, %get3A_793 : vector<16xf32>
        %get3A_795 = arith.constant 0 : i32
        %get3A_796 = arith.index_cast %get3A_795 : i32 to index
        %get3A_797 = arith.index_cast %scan3A_780 : i32 to index
        %get3A_798 = arith.constant 16 : index
        %get3A_799 = tpu.vector_load %arg6[%get3A_796, %get3A_797, %get3A_798] {strides = array<i32>} : memref<8x50x128xf32, #tpu.memory_space<vmem>>, vector<1x1x16xf32>,
        %get3A_800 = vector.shape_cast %get3A_799 : vector<1x1x16xf32> to vector<16xf32>
        %add3A_801 = arith.addf %scan3A_782, %get3A_800 : vector<16xf32>
        %get3A_802 = arith.constant 0 : i32
        %get3A_803 = arith.index_cast %get3A_802 : i32 to index
        %get3A_804 = arith.index_cast %scan3A_780 : i32 to index
        %get3A_805 = arith.constant 32 : index
        %get3A_806 = tpu.vector_load %arg6[%get3A_803, %get3A_804, %get3A_805] {strides = array<i32>} : memref<8x50x128xf32, #tpu.memory_space<vmem>>, vector<1x1x16xf32>,
        %get3A_807 = vector.shape_cast %get3A_806 : vector<1x1x16xf32> to vector<16xf32>
        %add3A_808 = arith.addf %scan3A_783, %get3A_807 : vector<16xf32>
        %get3A_809 = arith.constant 0 : i32
        %get3A_810 = arith.index_cast %get3A_809 : i32 to index
        %get3A_811 = arith.index_cast %scan3A_780 : i32 to index
        %get3A_812 = arith.constant 48 : index
        %get3A_813 = tpu.vector_load %arg6[%get3A_810, %get3A_811, %get3A_812] {strides = array<i32>} : memref<8x50x128xf32, #tpu.memory_space<vmem>>, vector<1x1x16xf32>,
        %get3A_814 = vector.shape_cast %get3A_813 : vector<1x1x16xf32> to vector<16xf32>
        %add3A_815 = arith.addf %scan3A_784, %get3A_814 : vector<16xf32>
        %get3A_816 = arith.constant 0 : i32
        %get3A_817 = arith.index_cast %get3A_816 : i32 to index
        %get3A_818 = arith.index_cast %scan3A_780 : i32 to index
        %get3A_819 = arith.constant 64 : index
        %get3A_820 = tpu.vector_load %arg6[%get3A_817, %get3A_818, %get3A_819] {strides = array<i32>} : memref<8x50x128xf32, #tpu.memory_space<vmem>>, vector<1x1x16xf32>,
        %get3A_821 = vector.shape_cast %get3A_820 : vector<1x1x16xf32> to vector<16xf32>
        %add3A_822 = arith.addf %scan3A_785, %get3A_821 : vector<16xf32>
        %get3A_823 = arith.constant 0 : i32
        %get3A_824 = arith.index_cast %get3A_823 : i32 to index
        %get3A_825 = arith.index_cast %scan3A_780 : i32 to index
        %get3A_826 = arith.constant 80 : index
        %get3A_827 = tpu.vector_load %arg6[%get3A_824, %get3A_825, %get3A_826] {strides = array<i32>} : memref<8x50x128xf32, #tpu.memory_space<vmem>>, vector<1x1x16xf32>,
        %get3A_828 = vector.shape_cast %get3A_827 : vector<1x1x16xf32> to vector<16xf32>
        %add3A_829 = arith.addf %scan3A_786, %get3A_828 : vector<16xf32>
        %get3A_830 = arith.constant 0 : i32
        %get3A_831 = arith.index_cast %get3A_830 : i32 to index
        %get3A_832 = arith.index_cast %scan3A_780 : i32 to index
        %get3A_833 = arith.constant 96 : index
        %get3A_834 = tpu.vector_load %arg6[%get3A_831, %get3A_832, %get3A_833] {strides = array<i32>} : memref<8x50x128xf32, #tpu.memory_space<vmem>>, vector<1x1x16xf32>,
        %get3A_835 = vector.shape_cast %get3A_834 : vector<1x1x16xf32> to vector<16xf32>
        %add3A_836 = arith.addf %scan3A_787, %get3A_835 : vector<16xf32>
        %get3A_837 = arith.constant 0 : i32
        %get3A_838 = arith.index_cast %get3A_837 : i32 to index
        %get3A_839 = arith.index_cast %scan3A_780 : i32 to index
        %get3A_840 = arith.constant 112 : index
        %get3A_841 = tpu.vector_load %arg6[%get3A_838, %get3A_839, %get3A_840] {strides = array<i32>} : memref<8x50x128xf32, #tpu.memory_space<vmem>>, vector<1x1x16xf32>,
        %get3A_842 = vector.shape_cast %get3A_841 : vector<1x1x16xf32> to vector<16xf32>
        %add3A_843 = arith.addf %scan3A_788, %get3A_842 : vector<16xf32>
        %scan3A_844 = arith.constant 1 : i32
        %scan3A_845 = arith.addi %scan3A_780, %scan3A_844 : i32
        %get3A_846 = arith.constant 0 : i32
        %get3A_847 = arith.index_cast %get3A_846 : i32 to index
        %get3A_848 = arith.index_cast %scan3A_845 : i32 to index
        %get3A_849 = arith.constant 0 : index
        %get3A_850 = tpu.vector_load %arg6[%get3A_847, %get3A_848, %get3A_849] {strides = array<i32>} : memref<8x50x128xf32, #tpu.memory_space<vmem>>, vector<1x1x16xf32>,
        %get3A_851 = vector.shape_cast %get3A_850 : vector<1x1x16xf32> to vector<16xf32>
        %add3A_852 = arith.addf %add3A_794, %get3A_851 : vector<16xf32>
        %get3A_853 = arith.constant 0 : i32
        %get3A_854 = arith.index_cast %get3A_853 : i32 to index
        %get3A_855 = arith.index_cast %scan3A_845 : i32 to index
        %get3A_856 = arith.constant 16 : index
        %get3A_857 = tpu.vector_load %arg6[%get3A_854, %get3A_855, %get3A_856] {strides = array<i32>} : memref<8x50x128xf32, #tpu.memory_space<vmem>>, vector<1x1x16xf32>,
        %get3A_858 = vector.shape_cast %get3A_857 : vector<1x1x16xf32> to vector<16xf32>
        %add3A_859 = arith.addf %add3A_801, %get3A_858 : vector<16xf32>
        %get3A_860 = arith.constant 0 : i32
        %get3A_861 = arith.index_cast %get3A_860 : i32 to index
        %get3A_862 = arith.index_cast %scan3A_845 : i32 to index
        %get3A_863 = arith.constant 32 : index
        %get3A_864 = tpu.vector_load %arg6[%get3A_861, %get3A_862, %get3A_863] {strides = array<i32>} : memref<8x50x128xf32, #tpu.memory_space<vmem>>, vector<1x1x16xf32>,
        %get3A_865 = vector.shape_cast %get3A_864 : vector<1x1x16xf32> to vector<16xf32>
        %add3A_866 = arith.addf %add3A_808, %get3A_865 : vector<16xf32>
        %get3A_867 = arith.constant 0 : i32
        %get3A_868 = arith.index_cast %get3A_867 : i32 to index
        %get3A_869 = arith.index_cast %scan3A_845 : i32 to index
        %get3A_870 = arith.constant 48 : index
        %get3A_871 = tpu.vector_load %arg6[%get3A_868, %get3A_869, %get3A_870] {strides = array<i32>} : memref<8x50x128xf32, #tpu.memory_space<vmem>>, vector<1x1x16xf32>,
        %get3A_872 = vector.shape_cast %get3A_871 : vector<1x1x16xf32> to vector<16xf32>
        %add3A_873 = arith.addf %add3A_815, %get3A_872 : vector<16xf32>
        %get3A_874 = arith.constant 0 : i32
        %get3A_875 = arith.index_cast %get3A_874 : i32 to index
        %get3A_876 = arith.index_cast %scan3A_845 : i32 to index
        %get3A_877 = arith.constant 64 : index
        %get3A_878 = tpu.vector_load %arg6[%get3A_875, %get3A_876, %get3A_877] {strides = array<i32>} : memref<8x50x128xf32, #tpu.memory_space<vmem>>, vector<1x1x16xf32>,
        %get3A_879 = vector.shape_cast %get3A_878 : vector<1x1x16xf32> to vector<16xf32>
        %add3A_880 = arith.addf %add3A_822, %get3A_879 : vector<16xf32>
        %get3A_881 = arith.constant 0 : i32
        %get3A_882 = arith.index_cast %get3A_881 : i32 to index
        %get3A_883 = arith.index_cast %scan3A_845 : i32 to index
        %get3A_884 = arith.constant 80 : index
        %get3A_885 = tpu.vector_load %arg6[%get3A_882, %get3A_883, %get3A_884] {strides = array<i32>} : memref<8x50x128xf32, #tpu.memory_space<vmem>>, vector<1x1x16xf32>,
        %get3A_886 = vector.shape_cast %get3A_885 : vector<1x1x16xf32> to vector<16xf32>
        %add3A_887 = arith.addf %add3A_829, %get3A_886 : vector<16xf32>
        %get3A_888 = arith.constant 0 : i32
        %get3A_889 = arith.index_cast %get3A_888 : i32 to index
        %get3A_890 = arith.index_cast %scan3A_845 : i32 to index
        %get3A_891 = arith.constant 96 : index
        %get3A_892 = tpu.vector_load %arg6[%get3A_889, %get3A_890, %get3A_891] {strides = array<i32>} : memref<8x50x128xf32, #tpu.memory_space<vmem>>, vector<1x1x16xf32>,
        %get3A_893 = vector.shape_cast %get3A_892 : vector<1x1x16xf32> to vector<16xf32>
        %add3A_894 = arith.addf %add3A_836, %get3A_893 : vector<16xf32>
        %get3A_895 = arith.constant 0 : i32
        %get3A_896 = arith.index_cast %get3A_895 : i32 to index
        %get3A_897 = arith.index_cast %scan3A_845 : i32 to index
        %get3A_898 = arith.constant 112 : index
        %get3A_899 = tpu.vector_load %arg6[%get3A_896, %get3A_897, %get3A_898] {strides = array<i32>} : memref<8x50x128xf32, #tpu.memory_space<vmem>>, vector<1x1x16xf32>,
        %get3A_900 = vector.shape_cast %get3A_899 : vector<1x1x16xf32> to vector<16xf32>
        %add3A_901 = arith.addf %add3A_843, %get3A_900 : vector<16xf32>
        %scan3A_902 = arith.constant 2 : i32
        %scan3A_903 = arith.addi %scan3A_780, %scan3A_902 : i32
        %get3A_904 = arith.constant 0 : i32
        %get3A_905 = arith.index_cast %get3A_904 : i32 to index
        %get3A_906 = arith.index_cast %scan3A_903 : i32 to index
        %get3A_907 = arith.constant 0 : index
        %get3A_908 = tpu.vector_load %arg6[%get3A_905, %get3A_906, %get3A_907] {strides = array<i32>} : memref<8x50x128xf32, #tpu.memory_space<vmem>>, vector<1x1x16xf32>,
        %get3A_909 = vector.shape_cast %get3A_908 : vector<1x1x16xf32> to vector<16xf32>
        %add3A_910 = arith.addf %add3A_852, %get3A_909 : vector<16xf32>
        %get3A_911 = arith.constant 0 : i32
        %get3A_912 = arith.index_cast %get3A_911 : i32 to index
        %get3A_913 = arith.index_cast %scan3A_903 : i32 to index
        %get3A_914 = arith.constant 16 : index
        %get3A_915 = tpu.vector_load %arg6[%get3A_912, %get3A_913, %get3A_914] {strides = array<i32>} : memref<8x50x128xf32, #tpu.memory_space<vmem>>, vector<1x1x16xf32>,
        %get3A_916 = vector.shape_cast %get3A_915 : vector<1x1x16xf32> to vector<16xf32>
        %add3A_917 = arith.addf %add3A_859, %get3A_916 : vector<16xf32>
        %get3A_918 = arith.constant 0 : i32
        %get3A_919 = arith.index_cast %get3A_918 : i32 to index
        %get3A_920 = arith.index_cast %scan3A_903 : i32 to index
        %get3A_921 = arith.constant 32 : index
        %get3A_922 = tpu.vector_load %arg6[%get3A_919, %get3A_920, %get3A_921] {strides = array<i32>} : memref<8x50x128xf32, #tpu.memory_space<vmem>>, vector<1x1x16xf32>,
        %get3A_923 = vector.shape_cast %get3A_922 : vector<1x1x16xf32> to vector<16xf32>
        %add3A_924 = arith.addf %add3A_866, %get3A_923 : vector<16xf32>
        %get3A_925 = arith.constant 0 : i32
        %get3A_926 = arith.index_cast %get3A_925 : i32 to index
        %get3A_927 = arith.index_cast %scan3A_903 : i32 to index
        %get3A_928 = arith.constant 48 : index
        %get3A_929 = tpu.vector_load %arg6[%get3A_926, %get3A_927, %get3A_928] {strides = array<i32>} : memref<8x50x128xf32, #tpu.memory_space<vmem>>, vector<1x1x16xf32>,
        %get3A_930 = vector.shape_cast %get3A_929 : vector<1x1x16xf32> to vector<16xf32>
        %add3A_931 = arith.addf %add3A_873, %get3A_930 : vector<16xf32>
        %get3A_932 = arith.constant 0 : i32
        %get3A_933 = arith.index_cast %get3A_932 : i32 to index
        %get3A_934 = arith.index_cast %scan3A_903 : i32 to index
        %get3A_935 = arith.constant 64 : index
        %get3A_936 = tpu.vector_load %arg6[%get3A_933, %get3A_934, %get3A_935] {strides = array<i32>} : memref<8x50x128xf32, #tpu.memory_space<vmem>>, vector<1x1x16xf32>,
        %get3A_937 = vector.shape_cast %get3A_936 : vector<1x1x16xf32> to vector<16xf32>
        %add3A_938 = arith.addf %add3A_880, %get3A_937 : vector<16xf32>
        %get3A_939 = arith.constant 0 : i32
        %get3A_940 = arith.index_cast %get3A_939 : i32 to index
        %get3A_941 = arith.index_cast %scan3A_903 : i32 to index
        %get3A_942 = arith.constant 80 : index
        %get3A_943 = tpu.vector_load %arg6[%get3A_940, %get3A_941, %get3A_942] {strides = array<i32>} : memref<8x50x128xf32, #tpu.memory_space<vmem>>, vector<1x1x16xf32>,
        %get3A_944 = vector.shape_cast %get3A_943 : vector<1x1x16xf32> to vector<16xf32>
        %add3A_945 = arith.addf %add3A_887, %get3A_944 : vector<16xf32>
        %get3A_946 = arith.constant 0 : i32
        %get3A_947 = arith.index_cast %get3A_946 : i32 to index
        %get3A_948 = arith.index_cast %scan3A_903 : i32 to index
        %get3A_949 = arith.constant 96 : index
        %get3A_950 = tpu.vector_load %arg6[%get3A_947, %get3A_948, %get3A_949] {strides = array<i32>} : memref<8x50x128xf32, #tpu.memory_space<vmem>>, vector<1x1x16xf32>,
        %get3A_951 = vector.shape_cast %get3A_950 : vector<1x1x16xf32> to vector<16xf32>
        %add3A_952 = arith.addf %add3A_894, %get3A_951 : vector<16xf32>
        %get3A_953 = arith.constant 0 : i32
        %get3A_954 = arith.index_cast %get3A_953 : i32 to index
        %get3A_955 = arith.index_cast %scan3A_903 : i32 to index
        %get3A_956 = arith.constant 112 : index
        %get3A_957 = tpu.vector_load %arg6[%get3A_954, %get3A_955, %get3A_956] {strides = array<i32>} : memref<8x50x128xf32, #tpu.memory_space<vmem>>, vector<1x1x16xf32>,
        %get3A_958 = vector.shape_cast %get3A_957 : vector<1x1x16xf32> to vector<16xf32>
        %add3A_959 = arith.addf %add3A_901, %get3A_958 : vector<16xf32>
        %scan3A_960 = arith.constant 3 : i32
        %scan3A_961 = arith.addi %scan3A_780, %scan3A_960 : i32
        %get3A_962 = arith.constant 0 : i32
        %get3A_963 = arith.index_cast %get3A_962 : i32 to index
        %get3A_964 = arith.index_cast %scan3A_961 : i32 to index
        %get3A_965 = arith.constant 0 : index
        %get3A_966 = tpu.vector_load %arg6[%get3A_963, %get3A_964, %get3A_965] {strides = array<i32>} : memref<8x50x128xf32, #tpu.memory_space<vmem>>, vector<1x1x16xf32>,
        %get3A_967 = vector.shape_cast %get3A_966 : vector<1x1x16xf32> to vector<16xf32>
        %add3A_968 = arith.addf %add3A_910, %get3A_967 : vector<16xf32>
        %get3A_969 = arith.constant 0 : i32
        %get3A_970 = arith.index_cast %get3A_969 : i32 to index
        %get3A_971 = arith.index_cast %scan3A_961 : i32 to index
        %get3A_972 = arith.constant 16 : index
        %get3A_973 = tpu.vector_load %arg6[%get3A_970, %get3A_971, %get3A_972] {strides = array<i32>} : memref<8x50x128xf32, #tpu.memory_space<vmem>>, vector<1x1x16xf32>,
        %get3A_974 = vector.shape_cast %get3A_973 : vector<1x1x16xf32> to vector<16xf32>
        %add3A_975 = arith.addf %add3A_917, %get3A_974 : vector<16xf32>
        %get3A_976 = arith.constant 0 : i32
        %get3A_977 = arith.index_cast %get3A_976 : i32 to index
        %get3A_978 = arith.index_cast %scan3A_961 : i32 to index
        %get3A_979 = arith.constant 32 : index
        %get3A_980 = tpu.vector_load %arg6[%get3A_977, %get3A_978, %get3A_979] {strides = array<i32>} : memref<8x50x128xf32, #tpu.memory_space<vmem>>, vector<1x1x16xf32>,
        %get3A_981 = vector.shape_cast %get3A_980 : vector<1x1x16xf32> to vector<16xf32>
        %add3A_982 = arith.addf %add3A_924, %get3A_981 : vector<16xf32>
        %get3A_983 = arith.constant 0 : i32
        %get3A_984 = arith.index_cast %get3A_983 : i32 to index
        %get3A_985 = arith.index_cast %scan3A_961 : i32 to index
        %get3A_986 = arith.constant 48 : index
        %get3A_987 = tpu.vector_load %arg6[%get3A_984, %get3A_985, %get3A_986] {strides = array<i32>} : memref<8x50x128xf32, #tpu.memory_space<vmem>>, vector<1x1x16xf32>,
        %get3A_988 = vector.shape_cast %get3A_987 : vector<1x1x16xf32> to vector<16xf32>
        %add3A_989 = arith.addf %add3A_931, %get3A_988 : vector<16xf32>
        %get3A_990 = arith.constant 0 : i32
        %get3A_991 = arith.index_cast %get3A_990 : i32 to index
        %get3A_992 = arith.index_cast %scan3A_961 : i32 to index
        %get3A_993 = arith.constant 64 : index
        %get3A_994 = tpu.vector_load %arg6[%get3A_991, %get3A_992, %get3A_993] {strides = array<i32>} : memref<8x50x128xf32, #tpu.memory_space<vmem>>, vector<1x1x16xf32>,
        %get3A_995 = vector.shape_cast %get3A_994 : vector<1x1x16xf32> to vector<16xf32>
        %add3A_996 = arith.addf %add3A_938, %get3A_995 : vector<16xf32>
        %get3A_997 = arith.constant 0 : i32
        %get3A_998 = arith.index_cast %get3A_997 : i32 to index
        %get3A_999 = arith.index_cast %scan3A_961 : i32 to index
        %get3A_1000 = arith.constant 80 : index
        %get3A_1001 = tpu.vector_load %arg6[%get3A_998, %get3A_999, %get3A_1000] {strides = array<i32>} : memref<8x50x128xf32, #tpu.memory_space<vmem>>, vector<1x1x16xf32>,
        %get3A_1002 = vector.shape_cast %get3A_1001 : vector<1x1x16xf32> to vector<16xf32>
        %add3A_1003 = arith.addf %add3A_945, %get3A_1002 : vector<16xf32>
        %get3A_1004 = arith.constant 0 : i32
        %get3A_1005 = arith.index_cast %get3A_1004 : i32 to index
        %get3A_1006 = arith.index_cast %scan3A_961 : i32 to index
        %get3A_1007 = arith.constant 96 : index
        %get3A_1008 = tpu.vector_load %arg6[%get3A_1005, %get3A_1006, %get3A_1007] {strides = array<i32>} : memref<8x50x128xf32, #tpu.memory_space<vmem>>, vector<1x1x16xf32>,
        %get3A_1009 = vector.shape_cast %get3A_1008 : vector<1x1x16xf32> to vector<16xf32>
        %add3A_1010 = arith.addf %add3A_952, %get3A_1009 : vector<16xf32>
        %get3A_1011 = arith.constant 0 : i32
        %get3A_1012 = arith.index_cast %get3A_1011 : i32 to index
        %get3A_1013 = arith.index_cast %scan3A_961 : i32 to index
        %get3A_1014 = arith.constant 112 : index
        %get3A_1015 = tpu.vector_load %arg6[%get3A_1012, %get3A_1013, %get3A_1014] {strides = array<i32>} : memref<8x50x128xf32, #tpu.memory_space<vmem>>, vector<1x1x16xf32>,
        %get3A_1016 = vector.shape_cast %get3A_1015 : vector<1x1x16xf32> to vector<16xf32>
        %add3A_1017 = arith.addf %add3A_959, %get3A_1016 : vector<16xf32>
        %scan3A_1018 = arith.constant 4 : i32
        %scan3A_1019 = arith.addi %scan3A_780, %scan3A_1018 : i32
        %get3A_1020 = arith.constant 0 : i32
        %get3A_1021 = arith.index_cast %get3A_1020 : i32 to index
        %get3A_1022 = arith.index_cast %scan3A_1019 : i32 to index
        %get3A_1023 = arith.constant 0 : index
        %get3A_1024 = tpu.vector_load %arg6[%get3A_1021, %get3A_1022, %get3A_1023] {strides = array<i32>} : memref<8x50x128xf32, #tpu.memory_space<vmem>>, vector<1x1x16xf32>,
        %get3A_1025 = vector.shape_cast %get3A_1024 : vector<1x1x16xf32> to vector<16xf32>
        %add3A_1026 = arith.addf %add3A_968, %get3A_1025 : vector<16xf32>
        %get3A_1027 = arith.constant 0 : i32
        %get3A_1028 = arith.index_cast %get3A_1027 : i32 to index
        %get3A_1029 = arith.index_cast %scan3A_1019 : i32 to index
        %get3A_1030 = arith.constant 16 : index
        %get3A_1031 = tpu.vector_load %arg6[%get3A_1028, %get3A_1029, %get3A_1030] {strides = array<i32>} : memref<8x50x128xf32, #tpu.memory_space<vmem>>, vector<1x1x16xf32>,
        %get3A_1032 = vector.shape_cast %get3A_1031 : vector<1x1x16xf32> to vector<16xf32>
        %add3A_1033 = arith.addf %add3A_975, %get3A_1032 : vector<16xf32>
        %get3A_1034 = arith.constant 0 : i32
        %get3A_1035 = arith.index_cast %get3A_1034 : i32 to index
        %get3A_1036 = arith.index_cast %scan3A_1019 : i32 to index
        %get3A_1037 = arith.constant 32 : index
        %get3A_1038 = tpu.vector_load %arg6[%get3A_1035, %get3A_1036, %get3A_1037] {strides = array<i32>} : memref<8x50x128xf32, #tpu.memory_space<vmem>>, vector<1x1x16xf32>,
        %get3A_1039 = vector.shape_cast %get3A_1038 : vector<1x1x16xf32> to vector<16xf32>
        %add3A_1040 = arith.addf %add3A_982, %get3A_1039 : vector<16xf32>
        %get3A_1041 = arith.constant 0 : i32
        %get3A_1042 = arith.index_cast %get3A_1041 : i32 to index
        %get3A_1043 = arith.index_cast %scan3A_1019 : i32 to index
        %get3A_1044 = arith.constant 48 : index
        %get3A_1045 = tpu.vector_load %arg6[%get3A_1042, %get3A_1043, %get3A_1044] {strides = array<i32>} : memref<8x50x128xf32, #tpu.memory_space<vmem>>, vector<1x1x16xf32>,
        %get3A_1046 = vector.shape_cast %get3A_1045 : vector<1x1x16xf32> to vector<16xf32>
        %add3A_1047 = arith.addf %add3A_989, %get3A_1046 : vector<16xf32>
        %get3A_1048 = arith.constant 0 : i32
        %get3A_1049 = arith.index_cast %get3A_1048 : i32 to index
        %get3A_1050 = arith.index_cast %scan3A_1019 : i32 to index
        %get3A_1051 = arith.constant 64 : index
        %get3A_1052 = tpu.vector_load %arg6[%get3A_1049, %get3A_1050, %get3A_1051] {strides = array<i32>} : memref<8x50x128xf32, #tpu.memory_space<vmem>>, vector<1x1x16xf32>,
        %get3A_1053 = vector.shape_cast %get3A_1052 : vector<1x1x16xf32> to vector<16xf32>
        %add3A_1054 = arith.addf %add3A_996, %get3A_1053 : vector<16xf32>
        %get3A_1055 = arith.constant 0 : i32
        %get3A_1056 = arith.index_cast %get3A_1055 : i32 to index
        %get3A_1057 = arith.index_cast %scan3A_1019 : i32 to index
        %get3A_1058 = arith.constant 80 : index
        %get3A_1059 = tpu.vector_load %arg6[%get3A_1056, %get3A_1057, %get3A_1058] {strides = array<i32>} : memref<8x50x128xf32, #tpu.memory_space<vmem>>, vector<1x1x16xf32>,
        %get3A_1060 = vector.shape_cast %get3A_1059 : vector<1x1x16xf32> to vector<16xf32>
        %add3A_1061 = arith.addf %add3A_1003, %get3A_1060 : vector<16xf32>
        %get3A_1062 = arith.constant 0 : i32
        %get3A_1063 = arith.index_cast %get3A_1062 : i32 to index
        %get3A_1064 = arith.index_cast %scan3A_1019 : i32 to index
        %get3A_1065 = arith.constant 96 : index
        %get3A_1066 = tpu.vector_load %arg6[%get3A_1063, %get3A_1064, %get3A_1065] {strides = array<i32>} : memref<8x50x128xf32, #tpu.memory_space<vmem>>, vector<1x1x16xf32>,
        %get3A_1067 = vector.shape_cast %get3A_1066 : vector<1x1x16xf32> to vector<16xf32>
        %add3A_1068 = arith.addf %add3A_1010, %get3A_1067 : vector<16xf32>
        %get3A_1069 = arith.constant 0 : i32
        %get3A_1070 = arith.index_cast %get3A_1069 : i32 to index
        %get3A_1071 = arith.index_cast %scan3A_1019 : i32 to index
        %get3A_1072 = arith.constant 112 : index
        %get3A_1073 = tpu.vector_load %arg6[%get3A_1070, %get3A_1071, %get3A_1072] {strides = array<i32>} : memref<8x50x128xf32, #tpu.memory_space<vmem>>, vector<1x1x16xf32>,
        %get3A_1074 = vector.shape_cast %get3A_1073 : vector<1x1x16xf32> to vector<16xf32>
        %add3A_1075 = arith.addf %add3A_1017, %get3A_1074 : vector<16xf32>
        scf.yield %add3A_1026, %add3A_1033, %add3A_1040, %add3A_1047, %add3A_1054, %add3A_1061, %add3A_1068, %add3A_1075 : vector<16xf32>, vector<16xf32>, vector<16xf32>, vector<16xf32>, vector<16xf32>, vector<16xf32>, vector<16xf32>, vector<16xf32>
      }
      %scan3A_139 = arith.constant 50 : i32
      %swap3A = arith.index_cast %add3A_118 : i32 to index
      %swap3A_140 = arith.constant 0 : index
      %swap3A_141 = tpu.vector_load %arg7[%swap3A, %swap3A_140] {strides = array<i32>} : memref<128x128xf32, #tpu.memory_space<vmem>>, vector<1x16xf32>,
      %swap3A_142 = vector.shape_cast %swap3A_141 : vector<1x16xf32> to vector<16xf32>
      %swap3A_143 = vector.shape_cast %scan3A_138#0 : vector<16xf32> to vector<1x16xf32>
      tpu.vector_store %arg7[%swap3A, %swap3A_140], %swap3A_143 {strides = array<i32>} : memref<128x128xf32, #tpu.memory_space<vmem>>, vector<1x16xf32>,
      %swap3A_144 = arith.index_cast %add3A_118 : i32 to index
      %swap3A_145 = arith.constant 16 : index
      %swap3A_146 = tpu.vector_load %arg7[%swap3A_144, %swap3A_145] {strides = array<i32>} : memref<128x128xf32, #tpu.memory_space<vmem>>, vector<1x16xf32>,
      %swap3A_147 = vector.shape_cast %swap3A_146 : vector<1x16xf32> to vector<16xf32>
      %swap3A_148 = vector.shape_cast %scan3A_138#1 : vector<16xf32> to vector<1x16xf32>
      tpu.vector_store %arg7[%swap3A_144, %swap3A_145], %swap3A_148 {strides = array<i32>} : memref<128x128xf32, #tpu.memory_space<vmem>>, vector<1x16xf32>,
      %swap3A_149 = arith.index_cast %add3A_118 : i32 to index
      %swap3A_150 = arith.constant 32 : index
      %swap3A_151 = tpu.vector_load %arg7[%swap3A_149, %swap3A_150] {strides = array<i32>} : memref<128x128xf32, #tpu.memory_space<vmem>>, vector<1x16xf32>,
      %swap3A_152 = vector.shape_cast %swap3A_151 : vector<1x16xf32> to vector<16xf32>
      %swap3A_153 = vector.shape_cast %scan3A_138#2 : vector<16xf32> to vector<1x16xf32>
      tpu.vector_store %arg7[%swap3A_149, %swap3A_150], %swap3A_153 {strides = array<i32>} : memref<128x128xf32, #tpu.memory_space<vmem>>, vector<1x16xf32>,
      %swap3A_154 = arith.index_cast %add3A_118 : i32 to index
      %swap3A_155 = arith.constant 48 : index
      %swap3A_156 = tpu.vector_load %arg7[%swap3A_154, %swap3A_155] {strides = array<i32>} : memref<128x128xf32, #tpu.memory_space<vmem>>, vector<1x16xf32>,
      %swap3A_157 = vector.shape_cast %swap3A_156 : vector<1x16xf32> to vector<16xf32>
      %swap3A_158 = vector.shape_cast %scan3A_138#3 : vector<16xf32> to vector<1x16xf32>
      tpu.vector_store %arg7[%swap3A_154, %swap3A_155], %swap3A_158 {strides = array<i32>} : memref<128x128xf32, #tpu.memory_space<vmem>>, vector<1x16xf32>,
      %swap3A_159 = arith.index_cast %add3A_118 : i32 to index
      %swap3A_160 = arith.constant 64 : index
      %swap3A_161 = tpu.vector_load %arg7[%swap3A_159, %swap3A_160] {strides = array<i32>} : memref<128x128xf32, #tpu.memory_space<vmem>>, vector<1x16xf32>,
      %swap3A_162 = vector.shape_cast %swap3A_161 : vector<1x16xf32> to vector<16xf32>
      %swap3A_163 = vector.shape_cast %scan3A_138#4 : vector<16xf32> to vector<1x16xf32>
      tpu.vector_store %arg7[%swap3A_159, %swap3A_160], %swap3A_163 {strides = array<i32>} : memref<128x128xf32, #tpu.memory_space<vmem>>, vector<1x16xf32>,
      %swap3A_164 = arith.index_cast %add3A_118 : i32 to index
      %swap3A_165 = arith.constant 80 : index
      %swap3A_166 = tpu.vector_load %arg7[%swap3A_164, %swap3A_165] {strides = array<i32>} : memref<128x128xf32, #tpu.memory_space<vmem>>, vector<1x16xf32>,
      %swap3A_167 = vector.shape_cast %swap3A_166 : vector<1x16xf32> to vector<16xf32>
      %swap3A_168 = vector.shape_cast %scan3A_138#5 : vector<16xf32> to vector<1x16xf32>
      tpu.vector_store %arg7[%swap3A_164, %swap3A_165], %swap3A_168 {strides = array<i32>} : memref<128x128xf32, #tpu.memory_space<vmem>>, vector<1x16xf32>,
      %swap3A_169 = arith.index_cast %add3A_118 : i32 to index
      %swap3A_170 = arith.constant 96 : index
      %swap3A_171 = tpu.vector_load %arg7[%swap3A_169, %swap3A_170] {strides = array<i32>} : memref<128x128xf32, #tpu.memory_space<vmem>>, vector<1x16xf32>,
      %swap3A_172 = vector.shape_cast %swap3A_171 : vector<1x16xf32> to vector<16xf32>
      %swap3A_173 = vector.shape_cast %scan3A_138#6 : vector<16xf32> to vector<1x16xf32>
      tpu.vector_store %arg7[%swap3A_169, %swap3A_170], %swap3A_173 {strides = array<i32>} : memref<128x128xf32, #tpu.memory_space<vmem>>, vector<1x16xf32>,
      %swap3A_174 = arith.index_cast %add3A_118 : i32 to index
      %swap3A_175 = arith.constant 112 : index
      %swap3A_176 = tpu.vector_load %arg7[%swap3A_174, %swap3A_175] {strides = array<i32>} : memref<128x128xf32, #tpu.memory_space<vmem>>, vector<1x16xf32>,
      %swap3A_177 = vector.shape_cast %swap3A_176 : vector<1x16xf32> to vector<16xf32>
      %swap3A_178 = vector.shape_cast %scan3A_138#7 : vector<16xf32> to vector<1x16xf32>
      tpu.vector_store %arg7[%swap3A_174, %swap3A_175], %swap3A_178 {strides = array<i32>} : memref<128x128xf32, #tpu.memory_space<vmem>>, vector<1x16xf32>,
      %add3A_179 = arith.constant 8 : i32
      %add3A_180 = arith.addi %mul3A_105, %add3A_179 : i32
      %add3A_181 = arith.constant 0 : i32
      %add3A_182 = arith.addi %add3A_180, %add3A_181 : i32
      %lt3A = arith.constant 128 : i32
      %lt3A_183 = arith.cmpi slt, %add3A_182, %lt3A : i32
      %convert_element_type3A = arith.extui %lt3A_183 : i1 to i32
      %cond3A = arith.constant 0 : i32
      %cond3A_184 = arith.cmpi ne, %convert_element_type3A, %cond3A : i32
      scf.if %cond3A_184 {
        %add3A_780 = arith.constant 8 : i32
        %add3A_781 = arith.addi %mul3A_105, %add3A_780 : i32
        %add3A_782 = arith.constant 0 : i32
        %add3A_783 = arith.addi %add3A_781, %add3A_782 : i32
        %dma_start3A_784 = arith.constant 0 : i32
        %dma_start3A_785 = arith.constant 0 : i32
        %dma_start3A_786 = arith.constant 0 : i32
        %dma_start3A_787 = tpu.memref_slice %arg6[%dma_start3A_784, %dma_start3A_785, %dma_start3A_786] : memref<8x50x128xf32, #tpu.memory_space<vmem>> -> memref<1x50x128xf32, #tpu.memory_space<vmem>>
        %dma_start3A_788 = tpu.memref_squeeze %dma_start3A_787 : memref<1x50x128xf32, #tpu.memory_space<vmem>> -> memref<50x128xf32, #tpu.memory_space<vmem>>
        %dma_start3A_789 = arith.constant 0 : i32
        %dma_start3A_790 = tpu.memref_slice %arg5[%add3A_783, %dma_start3A_789] : memref<128x50xi32, #tpu.memory_space<vmem>> -> memref<1x50xi32, #tpu.memory_space<vmem>>
        %dma_start3A_791 = tpu.memref_squeeze %dma_start3A_790 : memref<1x50xi32, #tpu.memory_space<vmem>> -> memref<50xi32, #tpu.memory_space<vmem>>
        %dma_start3A_792 = arith.constant 0 : i32
        %dma_start3A_793 = arith.constant 0 : i32
        %dma_start3A_794 = tpu.memref_slice %arg3[%dma_start3A_792, %dma_start3A_793] : memref<100000x128xf32, #tpu.memory_space<hbm>> -> memref<100000x128xf32, #tpu.memory_space<hbm>>
        tpu.enqueue_indirect_dma source(%dma_start3A_794 : memref<100000x128xf32, #tpu.memory_space<hbm>>) target(%dma_start3A_788 : memref<50x128xf32, #tpu.memory_space<vmem>>) offsets(%dma_start3A_791 : memref<50xi32, #tpu.memory_space<vmem>>) semaphore(%arg8 : memref<!tpu.dma_semaphore, #tpu.memory_space<semaphore_mem>>)
      } else {
      }
      %dma_wait3A_185 = arith.constant 0 : i32
      %dma_wait3A_186 = arith.constant 1 : i32
      %dma_wait3A_187 = arith.constant 0 : i32
      %dma_wait3A_188 = arith.constant 0 : i32
      %dma_wait3A_189 = tpu.memref_slice %arg6[%dma_wait3A_186, %dma_wait3A_187, %dma_wait3A_188] : memref<8x50x128xf32, #tpu.memory_space<vmem>> -> memref<1x50x128xf32, #tpu.memory_space<vmem>>
      %dma_wait3A_190 = tpu.memref_squeeze %dma_wait3A_189 : memref<1x50x128xf32, #tpu.memory_space<vmem>> -> memref<50x128xf32, #tpu.memory_space<vmem>>
      %dma_wait3A_191 = arith.constant 0 : i32
      %dma_wait3A_192 = tpu.memref_slice %arg5[%dma_wait3A_185, %dma_wait3A_191] : memref<128x50xi32, #tpu.memory_space<vmem>> -> memref<1x50xi32, #tpu.memory_space<vmem>>
      %dma_wait3A_193 = tpu.memref_squeeze %dma_wait3A_192 : memref<1x50xi32, #tpu.memory_space<vmem>> -> memref<50xi32, #tpu.memory_space<vmem>>
      %dma_wait3A_194 = arith.constant 0 : i32
      %dma_wait3A_195 = arith.constant 0 : i32
      %dma_wait3A_196 = tpu.memref_slice %arg3[%dma_wait3A_194, %dma_wait3A_195] : memref<100000x128xf32, #tpu.memory_space<hbm>> -> memref<100000x128xf32, #tpu.memory_space<hbm>>
      tpu.wait_indirect_dma semaphore(%arg9 : memref<!tpu.dma_semaphore, #tpu.memory_space<semaphore_mem>>) src(%dma_wait3A_196 : memref<100000x128xf32, #tpu.memory_space<hbm>>) dst(%dma_wait3A_190 : memref<50x128xf32, #tpu.memory_space<vmem>>)
      %add3A_197 = arith.constant 1 : i32
      %add3A_198 = arith.addi %mul3A_105, %add3A_197 : i32
      %broadcast_in_dim3A_199 = arith.constant 0.000000e+00 : f32
      %broadcast_in_dim3A_200 = vector.broadcast %broadcast_in_dim3A_199 : f32 to vector<16xf32>
      %broadcast_in_dim3A_201 = arith.constant 0.000000e+00 : f32
      %broadcast_in_dim3A_202 = vector.broadcast %broadcast_in_dim3A_201 : f32 to vector<16xf32>
      %broadcast_in_dim3A_203 = arith.constant 0.000000e+00 : f32
      %broadcast_in_dim3A_204 = vector.broadcast %broadcast_in_dim3A_203 : f32 to vector<16xf32>
      %broadcast_in_dim3A_205 = arith.constant 0.000000e+00 : f32
      %broadcast_in_dim3A_206 = vector.broadcast %broadcast_in_dim3A_205 : f32 to vector<16xf32>
      %broadcast_in_dim3A_207 = arith.constant 0.000000e+00 : f32
      %broadcast_in_dim3A_208 = vector.broadcast %broadcast_in_dim3A_207 : f32 to vector<16xf32>
      %broadcast_in_dim3A_209 = arith.constant 0.000000e+00 : f32
      %broadcast_in_dim3A_210 = vector.broadcast %broadcast_in_dim3A_209 : f32 to vector<16xf32>
      %broadcast_in_dim3A_211 = arith.constant 0.000000e+00 : f32
      %broadcast_in_dim3A_212 = vector.broadcast %broadcast_in_dim3A_211 : f32 to vector<16xf32>
      %broadcast_in_dim3A_213 = arith.constant 0.000000e+00 : f32
      %broadcast_in_dim3A_214 = vector.broadcast %broadcast_in_dim3A_213 : f32 to vector<16xf32>
      %scan3A_215 = arith.constant 0 : i32
      %scan3A_216 = arith.constant 50 : i32
      %scan3A_217 = arith.addi %scan3A_215, %scan3A_216 : i32
      %scan3A_218 = arith.constant 5 : i32
      %scan3A_219:8 = scf.for %scan3A_780 = %scan3A_215 to %scan3A_217 step %scan3A_218 iter_args(%scan3A_781 = %broadcast_in_dim3A_200, %scan3A_782 = %broadcast_in_dim3A_202, %scan3A_783 = %broadcast_in_dim3A_204, %scan3A_784 = %broadcast_in_dim3A_206, %scan3A_785 = %broadcast_in_dim3A_208, %scan3A_786 = %broadcast_in_dim3A_210, %scan3A_787 = %broadcast_in_dim3A_212, %scan3A_788 = %broadcast_in_dim3A_214) -> (vector<16xf32>, vector<16xf32>, vector<16xf32>, vector<16xf32>, vector<16xf32>, vector<16xf32>, vector<16xf32>, vector<16xf32>)  : i32 {
        %get3A = arith.constant 1 : i32
        %get3A_789 = arith.index_cast %get3A : i32 to index
        %get3A_790 = arith.index_cast %scan3A_780 : i32 to index
        %get3A_791 = arith.constant 0 : index
        %get3A_792 = tpu.vector_load %arg6[%get3A_789, %get3A_790, %get3A_791] {strides = array<i32>} : memref<8x50x128xf32, #tpu.memory_space<vmem>>, vector<1x1x16xf32>,
        %get3A_793 = vector.shape_cast %get3A_792 : vector<1x1x16xf32> to vector<16xf32>
        %add3A_794 = arith.addf %scan3A_781, %get3A_793 : vector<16xf32>
        %get3A_795 = arith.constant 1 : i32
        %get3A_796 = arith.index_cast %get3A_795 : i32 to index
        %get3A_797 = arith.index_cast %scan3A_780 : i32 to index
        %get3A_798 = arith.constant 16 : index
        %get3A_799 = tpu.vector_load %arg6[%get3A_796, %get3A_797, %get3A_798] {strides = array<i32>} : memref<8x50x128xf32, #tpu.memory_space<vmem>>, vector<1x1x16xf32>,
        %get3A_800 = vector.shape_cast %get3A_799 : vector<1x1x16xf32> to vector<16xf32>
        %add3A_801 = arith.addf %scan3A_782, %get3A_800 : vector<16xf32>
        %get3A_802 = arith.constant 1 : i32
        %get3A_803 = arith.index_cast %get3A_802 : i32 to index
        %get3A_804 = arith.index_cast %scan3A_780 : i32 to index
        %get3A_805 = arith.constant 32 : index
        %get3A_806 = tpu.vector_load %arg6[%get3A_803, %get3A_804, %get3A_805] {strides = array<i32>} : memref<8x50x128xf32, #tpu.memory_space<vmem>>, vector<1x1x16xf32>,
        %get3A_807 = vector.shape_cast %get3A_806 : vector<1x1x16xf32> to vector<16xf32>
        %add3A_808 = arith.addf %scan3A_783, %get3A_807 : vector<16xf32>
        %get3A_809 = arith.constant 1 : i32
        %get3A_810 = arith.index_cast %get3A_809 : i32 to index
        %get3A_811 = arith.index_cast %scan3A_780 : i32 to index
        %get3A_812 = arith.constant 48 : index
        %get3A_813 = tpu.vector_load %arg6[%get3A_810, %get3A_811, %get3A_812] {strides = array<i32>} : memref<8x50x128xf32, #tpu.memory_space<vmem>>, vector<1x1x16xf32>,
        %get3A_814 = vector.shape_cast %get3A_813 : vector<1x1x16xf32> to vector<16xf32>
        %add3A_815 = arith.addf %scan3A_784, %get3A_814 : vector<16xf32>
        %get3A_816 = arith.constant 1 : i32
        %get3A_817 = arith.index_cast %get3A_816 : i32 to index
        %get3A_818 = arith.index_cast %scan3A_780 : i32 to index
        %get3A_819 = arith.constant 64 : index
        %get3A_820 = tpu.vector_load %arg6[%get3A_817, %get3A_818, %get3A_819] {strides = array<i32>} : memref<8x50x128xf32, #tpu.memory_space<vmem>>, vector<1x1x16xf32>,
        %get3A_821 = vector.shape_cast %get3A_820 : vector<1x1x16xf32> to vector<16xf32>
        %add3A_822 = arith.addf %scan3A_785, %get3A_821 : vector<16xf32>
        %get3A_823 = arith.constant 1 : i32
        %get3A_824 = arith.index_cast %get3A_823 : i32 to index
        %get3A_825 = arith.index_cast %scan3A_780 : i32 to index
        %get3A_826 = arith.constant 80 : index
        %get3A_827 = tpu.vector_load %arg6[%get3A_824, %get3A_825, %get3A_826] {strides = array<i32>} : memref<8x50x128xf32, #tpu.memory_space<vmem>>, vector<1x1x16xf32>,
        %get3A_828 = vector.shape_cast %get3A_827 : vector<1x1x16xf32> to vector<16xf32>
        %add3A_829 = arith.addf %scan3A_786, %get3A_828 : vector<16xf32>
        %get3A_830 = arith.constant 1 : i32
        %get3A_831 = arith.index_cast %get3A_830 : i32 to index
        %get3A_832 = arith.index_cast %scan3A_780 : i32 to index
        %get3A_833 = arith.constant 96 : index
        %get3A_834 = tpu.vector_load %arg6[%get3A_831, %get3A_832, %get3A_833] {strides = array<i32>} : memref<8x50x128xf32, #tpu.memory_space<vmem>>, vector<1x1x16xf32>,
        %get3A_835 = vector.shape_cast %get3A_834 : vector<1x1x16xf32> to vector<16xf32>
        %add3A_836 = arith.addf %scan3A_787, %get3A_835 : vector<16xf32>
        %get3A_837 = arith.constant 1 : i32
        %get3A_838 = arith.index_cast %get3A_837 : i32 to index
        %get3A_839 = arith.index_cast %scan3A_780 : i32 to index
        %get3A_840 = arith.constant 112 : index
        %get3A_841 = tpu.vector_load %arg6[%get3A_838, %get3A_839, %get3A_840] {strides = array<i32>} : memref<8x50x128xf32, #tpu.memory_space<vmem>>, vector<1x1x16xf32>,
        %get3A_842 = vector.shape_cast %get3A_841 : vector<1x1x16xf32> to vector<16xf32>
        %add3A_843 = arith.addf %scan3A_788, %get3A_842 : vector<16xf32>
        %scan3A_844 = arith.constant 1 : i32
        %scan3A_845 = arith.addi %scan3A_780, %scan3A_844 : i32
        %get3A_846 = arith.constant 1 : i32
        %get3A_847 = arith.index_cast %get3A_846 : i32 to index
        %get3A_848 = arith.index_cast %scan3A_845 : i32 to index
        %get3A_849 = arith.constant 0 : index
        %get3A_850 = tpu.vector_load %arg6[%get3A_847, %get3A_848, %get3A_849] {strides = array<i32>} : memref<8x50x128xf32, #tpu.memory_space<vmem>>, vector<1x1x16xf32>,
        %get3A_851 = vector.shape_cast %get3A_850 : vector<1x1x16xf32> to vector<16xf32>
        %add3A_852 = arith.addf %add3A_794, %get3A_851 : vector<16xf32>
        %get3A_853 = arith.constant 1 : i32
        %get3A_854 = arith.index_cast %get3A_853 : i32 to index
        %get3A_855 = arith.index_cast %scan3A_845 : i32 to index
        %get3A_856 = arith.constant 16 : index
        %get3A_857 = tpu.vector_load %arg6[%get3A_854, %get3A_855, %get3A_856] {strides = array<i32>} : memref<8x50x128xf32, #tpu.memory_space<vmem>>, vector<1x1x16xf32>,
        %get3A_858 = vector.shape_cast %get3A_857 : vector<1x1x16xf32> to vector<16xf32>
        %add3A_859 = arith.addf %add3A_801, %get3A_858 : vector<16xf32>
        %get3A_860 = arith.constant 1 : i32
        %get3A_861 = arith.index_cast %get3A_860 : i32 to index
        %get3A_862 = arith.index_cast %scan3A_845 : i32 to index
        %get3A_863 = arith.constant 32 : index
        %get3A_864 = tpu.vector_load %arg6[%get3A_861, %get3A_862, %get3A_863] {strides = array<i32>} : memref<8x50x128xf32, #tpu.memory_space<vmem>>, vector<1x1x16xf32>,
        %get3A_865 = vector.shape_cast %get3A_864 : vector<1x1x16xf32> to vector<16xf32>
        %add3A_866 = arith.addf %add3A_808, %get3A_865 : vector<16xf32>
        %get3A_867 = arith.constant 1 : i32
        %get3A_868 = arith.index_cast %get3A_867 : i32 to index
        %get3A_869 = arith.index_cast %scan3A_845 : i32 to index
        %get3A_870 = arith.constant 48 : index
        %get3A_871 = tpu.vector_load %arg6[%get3A_868, %get3A_869, %get3A_870] {strides = array<i32>} : memref<8x50x128xf32, #tpu.memory_space<vmem>>, vector<1x1x16xf32>,
        %get3A_872 = vector.shape_cast %get3A_871 : vector<1x1x16xf32> to vector<16xf32>
        %add3A_873 = arith.addf %add3A_815, %get3A_872 : vector<16xf32>
        %get3A_874 = arith.constant 1 : i32
        %get3A_875 = arith.index_cast %get3A_874 : i32 to index
        %get3A_876 = arith.index_cast %scan3A_845 : i32 to index
        %get3A_877 = arith.constant 64 : index
        %get3A_878 = tpu.vector_load %arg6[%get3A_875, %get3A_876, %get3A_877] {strides = array<i32>} : memref<8x50x128xf32, #tpu.memory_space<vmem>>, vector<1x1x16xf32>,
        %get3A_879 = vector.shape_cast %get3A_878 : vector<1x1x16xf32> to vector<16xf32>
        %add3A_880 = arith.addf %add3A_822, %get3A_879 : vector<16xf32>
        %get3A_881 = arith.constant 1 : i32
        %get3A_882 = arith.index_cast %get3A_881 : i32 to index
        %get3A_883 = arith.index_cast %scan3A_845 : i32 to index
        %get3A_884 = arith.constant 80 : index
        %get3A_885 = tpu.vector_load %arg6[%get3A_882, %get3A_883, %get3A_884] {strides = array<i32>} : memref<8x50x128xf32, #tpu.memory_space<vmem>>, vector<1x1x16xf32>,
        %get3A_886 = vector.shape_cast %get3A_885 : vector<1x1x16xf32> to vector<16xf32>
        %add3A_887 = arith.addf %add3A_829, %get3A_886 : vector<16xf32>
        %get3A_888 = arith.constant 1 : i32
        %get3A_889 = arith.index_cast %get3A_888 : i32 to index
        %get3A_890 = arith.index_cast %scan3A_845 : i32 to index
        %get3A_891 = arith.constant 96 : index
        %get3A_892 = tpu.vector_load %arg6[%get3A_889, %get3A_890, %get3A_891] {strides = array<i32>} : memref<8x50x128xf32, #tpu.memory_space<vmem>>, vector<1x1x16xf32>,
        %get3A_893 = vector.shape_cast %get3A_892 : vector<1x1x16xf32> to vector<16xf32>
        %add3A_894 = arith.addf %add3A_836, %get3A_893 : vector<16xf32>
        %get3A_895 = arith.constant 1 : i32
        %get3A_896 = arith.index_cast %get3A_895 : i32 to index
        %get3A_897 = arith.index_cast %scan3A_845 : i32 to index
        %get3A_898 = arith.constant 112 : index
        %get3A_899 = tpu.vector_load %arg6[%get3A_896, %get3A_897, %get3A_898] {strides = array<i32>} : memref<8x50x128xf32, #tpu.memory_space<vmem>>, vector<1x1x16xf32>,
        %get3A_900 = vector.shape_cast %get3A_899 : vector<1x1x16xf32> to vector<16xf32>
        %add3A_901 = arith.addf %add3A_843, %get3A_900 : vector<16xf32>
        %scan3A_902 = arith.constant 2 : i32
        %scan3A_903 = arith.addi %scan3A_780, %scan3A_902 : i32
        %get3A_904 = arith.constant 1 : i32
        %get3A_905 = arith.index_cast %get3A_904 : i32 to index
        %get3A_906 = arith.index_cast %scan3A_903 : i32 to index
        %get3A_907 = arith.constant 0 : index
        %get3A_908 = tpu.vector_load %arg6[%get3A_905, %get3A_906, %get3A_907] {strides = array<i32>} : memref<8x50x128xf32, #tpu.memory_space<vmem>>, vector<1x1x16xf32>,
        %get3A_909 = vector.shape_cast %get3A_908 : vector<1x1x16xf32> to vector<16xf32>
        %add3A_910 = arith.addf %add3A_852, %get3A_909 : vector<16xf32>
        %get3A_911 = arith.constant 1 : i32
        %get3A_912 = arith.index_cast %get3A_911 : i32 to index
        %get3A_913 = arith.index_cast %scan3A_903 : i32 to index
        %get3A_914 = arith.constant 16 : index
        %get3A_915 = tpu.vector_load %arg6[%get3A_912, %get3A_913, %get3A_914] {strides = array<i32>} : memref<8x50x128xf32, #tpu.memory_space<vmem>>, vector<1x1x16xf32>,
        %get3A_916 = vector.shape_cast %get3A_915 : vector<1x1x16xf32> to vector<16xf32>
        %add3A_917 = arith.addf %add3A_859, %get3A_916 : vector<16xf32>
        %get3A_918 = arith.constant 1 : i32
        %get3A_919 = arith.index_cast %get3A_918 : i32 to index
        %get3A_920 = arith.index_cast %scan3A_903 : i32 to index
        %get3A_921 = arith.constant 32 : index
        %get3A_922 = tpu.vector_load %arg6[%get3A_919, %get3A_920, %get3A_921] {strides = array<i32>} : memref<8x50x128xf32, #tpu.memory_space<vmem>>, vector<1x1x16xf32>,
        %get3A_923 = vector.shape_cast %get3A_922 : vector<1x1x16xf32> to vector<16xf32>
        %add3A_924 = arith.addf %add3A_866, %get3A_923 : vector<16xf32>
        %get3A_925 = arith.constant 1 : i32
        %get3A_926 = arith.index_cast %get3A_925 : i32 to index
        %get3A_927 = arith.index_cast %scan3A_903 : i32 to index
        %get3A_928 = arith.constant 48 : index
        %get3A_929 = tpu.vector_load %arg6[%get3A_926, %get3A_927, %get3A_928] {strides = array<i32>} : memref<8x50x128xf32, #tpu.memory_space<vmem>>, vector<1x1x16xf32>,
        %get3A_930 = vector.shape_cast %get3A_929 : vector<1x1x16xf32> to vector<16xf32>
        %add3A_931 = arith.addf %add3A_873, %get3A_930 : vector<16xf32>
        %get3A_932 = arith.constant 1 : i32
        %get3A_933 = arith.index_cast %get3A_932 : i32 to index
        %get3A_934 = arith.index_cast %scan3A_903 : i32 to index
        %get3A_935 = arith.constant 64 : index
        %get3A_936 = tpu.vector_load %arg6[%get3A_933, %get3A_934, %get3A_935] {strides = array<i32>} : memref<8x50x128xf32, #tpu.memory_space<vmem>>, vector<1x1x16xf32>,
        %get3A_937 = vector.shape_cast %get3A_936 : vector<1x1x16xf32> to vector<16xf32>
        %add3A_938 = arith.addf %add3A_880, %get3A_937 : vector<16xf32>
        %get3A_939 = arith.constant 1 : i32
        %get3A_940 = arith.index_cast %get3A_939 : i32 to index
        %get3A_941 = arith.index_cast %scan3A_903 : i32 to index
        %get3A_942 = arith.constant 80 : index
        %get3A_943 = tpu.vector_load %arg6[%get3A_940, %get3A_941, %get3A_942] {strides = array<i32>} : memref<8x50x128xf32, #tpu.memory_space<vmem>>, vector<1x1x16xf32>,
        %get3A_944 = vector.shape_cast %get3A_943 : vector<1x1x16xf32> to vector<16xf32>
        %add3A_945 = arith.addf %add3A_887, %get3A_944 : vector<16xf32>
        %get3A_946 = arith.constant 1 : i32
        %get3A_947 = arith.index_cast %get3A_946 : i32 to index
        %get3A_948 = arith.index_cast %scan3A_903 : i32 to index
        %get3A_949 = arith.constant 96 : index
        %get3A_950 = tpu.vector_load %arg6[%get3A_947, %get3A_948, %get3A_949] {strides = array<i32>} : memref<8x50x128xf32, #tpu.memory_space<vmem>>, vector<1x1x16xf32>,
        %get3A_951 = vector.shape_cast %get3A_950 : vector<1x1x16xf32> to vector<16xf32>
        %add3A_952 = arith.addf %add3A_894, %get3A_951 : vector<16xf32>
        %get3A_953 = arith.constant 1 : i32
        %get3A_954 = arith.index_cast %get3A_953 : i32 to index
        %get3A_955 = arith.index_cast %scan3A_903 : i32 to index
        %get3A_956 = arith.constant 112 : index
        %get3A_957 = tpu.vector_load %arg6[%get3A_954, %get3A_955, %get3A_956] {strides = array<i32>} : memref<8x50x128xf32, #tpu.memory_space<vmem>>, vector<1x1x16xf32>,
        %get3A_958 = vector.shape_cast %get3A_957 : vector<1x1x16xf32> to vector<16xf32>
        %add3A_959 = arith.addf %add3A_901, %get3A_958 : vector<16xf32>
        %scan3A_960 = arith.constant 3 : i32
        %scan3A_961 = arith.addi %scan3A_780, %scan3A_960 : i32
        %get3A_962 = arith.constant 1 : i32
        %get3A_963 = arith.index_cast %get3A_962 : i32 to index
        %get3A_964 = arith.index_cast %scan3A_961 : i32 to index
        %get3A_965 = arith.constant 0 : index
        %get3A_966 = tpu.vector_load %arg6[%get3A_963, %get3A_964, %get3A_965] {strides = array<i32>} : memref<8x50x128xf32, #tpu.memory_space<vmem>>, vector<1x1x16xf32>,
        %get3A_967 = vector.shape_cast %get3A_966 : vector<1x1x16xf32> to vector<16xf32>
        %add3A_968 = arith.addf %add3A_910, %get3A_967 : vector<16xf32>
        %get3A_969 = arith.constant 1 : i32
        %get3A_970 = arith.index_cast %get3A_969 : i32 to index
        %get3A_971 = arith.index_cast %scan3A_961 : i32 to index
        %get3A_972 = arith.constant 16 : index
        %get3A_973 = tpu.vector_load %arg6[%get3A_970, %get3A_971, %get3A_972] {strides = array<i32>} : memref<8x50x128xf32, #tpu.memory_space<vmem>>, vector<1x1x16xf32>,
        %get3A_974 = vector.shape_cast %get3A_973 : vector<1x1x16xf32> to vector<16xf32>
        %add3A_975 = arith.addf %add3A_917, %get3A_974 : vector<16xf32>
        %get3A_976 = arith.constant 1 : i32
        %get3A_977 = arith.index_cast %get3A_976 : i32 to index
        %get3A_978 = arith.index_cast %scan3A_961 : i32 to index
        %get3A_979 = arith.constant 32 : index
        %get3A_980 = tpu.vector_load %arg6[%get3A_977, %get3A_978, %get3A_979] {strides = array<i32>} : memref<8x50x128xf32, #tpu.memory_space<vmem>>, vector<1x1x16xf32>,
        %get3A_981 = vector.shape_cast %get3A_980 : vector<1x1x16xf32> to vector<16xf32>
        %add3A_982 = arith.addf %add3A_924, %get3A_981 : vector<16xf32>
        %get3A_983 = arith.constant 1 : i32
        %get3A_984 = arith.index_cast %get3A_983 : i32 to index
        %get3A_985 = arith.index_cast %scan3A_961 : i32 to index
        %get3A_986 = arith.constant 48 : index
        %get3A_987 = tpu.vector_load %arg6[%get3A_984, %get3A_985, %get3A_986] {strides = array<i32>} : memref<8x50x128xf32, #tpu.memory_space<vmem>>, vector<1x1x16xf32>,
        %get3A_988 = vector.shape_cast %get3A_987 : vector<1x1x16xf32> to vector<16xf32>
        %add3A_989 = arith.addf %add3A_931, %get3A_988 : vector<16xf32>
        %get3A_990 = arith.constant 1 : i32
        %get3A_991 = arith.index_cast %get3A_990 : i32 to index
        %get3A_992 = arith.index_cast %scan3A_961 : i32 to index
        %get3A_993 = arith.constant 64 : index
        %get3A_994 = tpu.vector_load %arg6[%get3A_991, %get3A_992, %get3A_993] {strides = array<i32>} : memref<8x50x128xf32, #tpu.memory_space<vmem>>, vector<1x1x16xf32>,
        %get3A_995 = vector.shape_cast %get3A_994 : vector<1x1x16xf32> to vector<16xf32>
        %add3A_996 = arith.addf %add3A_938, %get3A_995 : vector<16xf32>
        %get3A_997 = arith.constant 1 : i32
        %get3A_998 = arith.index_cast %get3A_997 : i32 to index
        %get3A_999 = arith.index_cast %scan3A_961 : i32 to index
        %get3A_1000 = arith.constant 80 : index
        %get3A_1001 = tpu.vector_load %arg6[%get3A_998, %get3A_999, %get3A_1000] {strides = array<i32>} : memref<8x50x128xf32, #tpu.memory_space<vmem>>, vector<1x1x16xf32>,
        %get3A_1002 = vector.shape_cast %get3A_1001 : vector<1x1x16xf32> to vector<16xf32>
        %add3A_1003 = arith.addf %add3A_945, %get3A_1002 : vector<16xf32>
        %get3A_1004 = arith.constant 1 : i32
        %get3A_1005 = arith.index_cast %get3A_1004 : i32 to index
        %get3A_1006 = arith.index_cast %scan3A_961 : i32 to index
        %get3A_1007 = arith.constant 96 : index
        %get3A_1008 = tpu.vector_load %arg6[%get3A_1005, %get3A_1006, %get3A_1007] {strides = array<i32>} : memref<8x50x128xf32, #tpu.memory_space<vmem>>, vector<1x1x16xf32>,
        %get3A_1009 = vector.shape_cast %get3A_1008 : vector<1x1x16xf32> to vector<16xf32>
        %add3A_1010 = arith.addf %add3A_952, %get3A_1009 : vector<16xf32>
        %get3A_1011 = arith.constant 1 : i32
        %get3A_1012 = arith.index_cast %get3A_1011 : i32 to index
        %get3A_1013 = arith.index_cast %scan3A_961 : i32 to index
        %get3A_1014 = arith.constant 112 : index
        %get3A_1015 = tpu.vector_load %arg6[%get3A_1012, %get3A_1013, %get3A_1014] {strides = array<i32>} : memref<8x50x128xf32, #tpu.memory_space<vmem>>, vector<1x1x16xf32>,
        %get3A_1016 = vector.shape_cast %get3A_1015 : vector<1x1x16xf32> to vector<16xf32>
        %add3A_1017 = arith.addf %add3A_959, %get3A_1016 : vector<16xf32>
        %scan3A_1018 = arith.constant 4 : i32
        %scan3A_1019 = arith.addi %scan3A_780, %scan3A_1018 : i32
        %get3A_1020 = arith.constant 1 : i32
        %get3A_1021 = arith.index_cast %get3A_1020 : i32 to index
        %get3A_1022 = arith.index_cast %scan3A_1019 : i32 to index
        %get3A_1023 = arith.constant 0 : index
        %get3A_1024 = tpu.vector_load %arg6[%get3A_1021, %get3A_1022, %get3A_1023] {strides = array<i32>} : memref<8x50x128xf32, #tpu.memory_space<vmem>>, vector<1x1x16xf32>,
        %get3A_1025 = vector.shape_cast %get3A_1024 : vector<1x1x16xf32> to vector<16xf32>
        %add3A_1026 = arith.addf %add3A_968, %get3A_1025 : vector<16xf32>
        %get3A_1027 = arith.constant 1 : i32
        %get3A_1028 = arith.index_cast %get3A_1027 : i32 to index
        %get3A_1029 = arith.index_cast %scan3A_1019 : i32 to index
        %get3A_1030 = arith.constant 16 : index
        %get3A_1031 = tpu.vector_load %arg6[%get3A_1028, %get3A_1029, %get3A_1030] {strides = array<i32>} : memref<8x50x128xf32, #tpu.memory_space<vmem>>, vector<1x1x16xf32>,
        %get3A_1032 = vector.shape_cast %get3A_1031 : vector<1x1x16xf32> to vector<16xf32>
        %add3A_1033 = arith.addf %add3A_975, %get3A_1032 : vector<16xf32>
        %get3A_1034 = arith.constant 1 : i32
        %get3A_1035 = arith.index_cast %get3A_1034 : i32 to index
        %get3A_1036 = arith.index_cast %scan3A_1019 : i32 to index
        %get3A_1037 = arith.constant 32 : index
        %get3A_1038 = tpu.vector_load %arg6[%get3A_1035, %get3A_1036, %get3A_1037] {strides = array<i32>} : memref<8x50x128xf32, #tpu.memory_space<vmem>>, vector<1x1x16xf32>,
        %get3A_1039 = vector.shape_cast %get3A_1038 : vector<1x1x16xf32> to vector<16xf32>
        %add3A_1040 = arith.addf %add3A_982, %get3A_1039 : vector<16xf32>
        %get3A_1041 = arith.constant 1 : i32
        %get3A_1042 = arith.index_cast %get3A_1041 : i32 to index
        %get3A_1043 = arith.index_cast %scan3A_1019 : i32 to index
        %get3A_1044 = arith.constant 48 : index
        %get3A_1045 = tpu.vector_load %arg6[%get3A_1042, %get3A_1043, %get3A_1044] {strides = array<i32>} : memref<8x50x128xf32, #tpu.memory_space<vmem>>, vector<1x1x16xf32>,
        %get3A_1046 = vector.shape_cast %get3A_1045 : vector<1x1x16xf32> to vector<16xf32>
        %add3A_1047 = arith.addf %add3A_989, %get3A_1046 : vector<16xf32>
        %get3A_1048 = arith.constant 1 : i32
        %get3A_1049 = arith.index_cast %get3A_1048 : i32 to index
        %get3A_1050 = arith.index_cast %scan3A_1019 : i32 to index
        %get3A_1051 = arith.constant 64 : index
        %get3A_1052 = tpu.vector_load %arg6[%get3A_1049, %get3A_1050, %get3A_1051] {strides = array<i32>} : memref<8x50x128xf32, #tpu.memory_space<vmem>>, vector<1x1x16xf32>,
        %get3A_1053 = vector.shape_cast %get3A_1052 : vector<1x1x16xf32> to vector<16xf32>
        %add3A_1054 = arith.addf %add3A_996, %get3A_1053 : vector<16xf32>
        %get3A_1055 = arith.constant 1 : i32
        %get3A_1056 = arith.index_cast %get3A_1055 : i32 to index
        %get3A_1057 = arith.index_cast %scan3A_1019 : i32 to index
        %get3A_1058 = arith.constant 80 : index
        %get3A_1059 = tpu.vector_load %arg6[%get3A_1056, %get3A_1057, %get3A_1058] {strides = array<i32>} : memref<8x50x128xf32, #tpu.memory_space<vmem>>, vector<1x1x16xf32>,
        %get3A_1060 = vector.shape_cast %get3A_1059 : vector<1x1x16xf32> to vector<16xf32>
        %add3A_1061 = arith.addf %add3A_1003, %get3A_1060 : vector<16xf32>
        %get3A_1062 = arith.constant 1 : i32
        %get3A_1063 = arith.index_cast %get3A_1062 : i32 to index
        %get3A_1064 = arith.index_cast %scan3A_1019 : i32 to index
        %get3A_1065 = arith.constant 96 : index
        %get3A_1066 = tpu.vector_load %arg6[%get3A_1063, %get3A_1064, %get3A_1065] {strides = array<i32>} : memref<8x50x128xf32, #tpu.memory_space<vmem>>, vector<1x1x16xf32>,
        %get3A_1067 = vector.shape_cast %get3A_1066 : vector<1x1x16xf32> to vector<16xf32>
        %add3A_1068 = arith.addf %add3A_1010, %get3A_1067 : vector<16xf32>
        %get3A_1069 = arith.constant 1 : i32
        %get3A_1070 = arith.index_cast %get3A_1069 : i32 to index
        %get3A_1071 = arith.index_cast %scan3A_1019 : i32 to index
        %get3A_1072 = arith.constant 112 : index
        %get3A_1073 = tpu.vector_load %arg6[%get3A_1070, %get3A_1071, %get3A_1072] {strides = array<i32>} : memref<8x50x128xf32, #tpu.memory_space<vmem>>, vector<1x1x16xf32>,
        %get3A_1074 = vector.shape_cast %get3A_1073 : vector<1x1x16xf32> to vector<16xf32>
        %add3A_1075 = arith.addf %add3A_1017, %get3A_1074 : vector<16xf32>
        scf.yield %add3A_1026, %add3A_1033, %add3A_1040, %add3A_1047, %add3A_1054, %add3A_1061, %add3A_1068, %add3A_1075 : vector<16xf32>, vector<16xf32>, vector<16xf32>, vector<16xf32>, vector<16xf32>, vector<16xf32>, vector<16xf32>, vector<16xf32>
      }
      %scan3A_220 = arith.constant 50 : i32
      %swap3A_221 = arith.index_cast %add3A_198 : i32 to index
      %swap3A_222 = arith.constant 0 : index
      %swap3A_223 = tpu.vector_load %arg7[%swap3A_221, %swap3A_222] {strides = array<i32>} : memref<128x128xf32, #tpu.memory_space<vmem>>, vector<1x16xf32>,
      %swap3A_224 = vector.shape_cast %swap3A_223 : vector<1x16xf32> to vector<16xf32>
      %swap3A_225 = vector.shape_cast %scan3A_219#0 : vector<16xf32> to vector<1x16xf32>
      tpu.vector_store %arg7[%swap3A_221, %swap3A_222], %swap3A_225 {strides = array<i32>} : memref<128x128xf32, #tpu.memory_space<vmem>>, vector<1x16xf32>,
      %swap3A_226 = arith.index_cast %add3A_198 : i32 to index
      %swap3A_227 = arith.constant 16 : index
      %swap3A_228 = tpu.vector_load %arg7[%swap3A_226, %swap3A_227] {strides = array<i32>} : memref<128x128xf32, #tpu.memory_space<vmem>>, vector<1x16xf32>,
      %swap3A_229 = vector.shape_cast %swap3A_228 : vector<1x16xf32> to vector<16xf32>
      %swap3A_230 = vector.shape_cast %scan3A_219#1 : vector<16xf32> to vector<1x16xf32>
      tpu.vector_store %arg7[%swap3A_226, %swap3A_227], %swap3A_230 {strides = array<i32>} : memref<128x128xf32, #tpu.memory_space<vmem>>, vector<1x16xf32>,
      %swap3A_231 = arith.index_cast %add3A_198 : i32 to index
      %swap3A_232 = arith.constant 32 : index
      %swap3A_233 = tpu.vector_load %arg7[%swap3A_231, %swap3A_232] {strides = array<i32>} : memref<128x128xf32, #tpu.memory_space<vmem>>, vector<1x16xf32>,
      %swap3A_234 = vector.shape_cast %swap3A_233 : vector<1x16xf32> to vector<16xf32>
      %swap3A_235 = vector.shape_cast %scan3A_219#2 : vector<16xf32> to vector<1x16xf32>
      tpu.vector_store %arg7[%swap3A_231, %swap3A_232], %swap3A_235 {strides = array<i32>} : memref<128x128xf32, #tpu.memory_space<vmem>>, vector<1x16xf32>,
      %swap3A_236 = arith.index_cast %add3A_198 : i32 to index
      %swap3A_237 = arith.constant 48 : index
      %swap3A_238 = tpu.vector_load %arg7[%swap3A_236, %swap3A_237] {strides = array<i32>} : memref<128x128xf32, #tpu.memory_space<vmem>>, vector<1x16xf32>,
      %swap3A_239 = vector.shape_cast %swap3A_238 : vector<1x16xf32> to vector<16xf32>
      %swap3A_240 = vector.shape_cast %scan3A_219#3 : vector<16xf32> to vector<1x16xf32>
      tpu.vector_store %arg7[%swap3A_236, %swap3A_237], %swap3A_240 {strides = array<i32>} : memref<128x128xf32, #tpu.memory_space<vmem>>, vector<1x16xf32>,
      %swap3A_241 = arith.index_cast %add3A_198 : i32 to index
      %swap3A_242 = arith.constant 64 : index
      %swap3A_243 = tpu.vector_load %arg7[%swap3A_241, %swap3A_242] {strides = array<i32>} : memref<128x128xf32, #tpu.memory_space<vmem>>, vector<1x16xf32>,
      %swap3A_244 = vector.shape_cast %swap3A_243 : vector<1x16xf32> to vector<16xf32>
      %swap3A_245 = vector.shape_cast %scan3A_219#4 : vector<16xf32> to vector<1x16xf32>
      tpu.vector_store %arg7[%swap3A_241, %swap3A_242], %swap3A_245 {strides = array<i32>} : memref<128x128xf32, #tpu.memory_space<vmem>>, vector<1x16xf32>,
      %swap3A_246 = arith.index_cast %add3A_198 : i32 to index
      %swap3A_247 = arith.constant 80 : index
      %swap3A_248 = tpu.vector_load %arg7[%swap3A_246, %swap3A_247] {strides = array<i32>} : memref<128x128xf32, #tpu.memory_space<vmem>>, vector<1x16xf32>,
      %swap3A_249 = vector.shape_cast %swap3A_248 : vector<1x16xf32> to vector<16xf32>
      %swap3A_250 = vector.shape_cast %scan3A_219#5 : vector<16xf32> to vector<1x16xf32>
      tpu.vector_store %arg7[%swap3A_246, %swap3A_247], %swap3A_250 {strides = array<i32>} : memref<128x128xf32, #tpu.memory_space<vmem>>, vector<1x16xf32>,
      %swap3A_251 = arith.index_cast %add3A_198 : i32 to index
      %swap3A_252 = arith.constant 96 : index
      %swap3A_253 = tpu.vector_load %arg7[%swap3A_251, %swap3A_252] {strides = array<i32>} : memref<128x128xf32, #tpu.memory_space<vmem>>, vector<1x16xf32>,
      %swap3A_254 = vector.shape_cast %swap3A_253 : vector<1x16xf32> to vector<16xf32>
      %swap3A_255 = vector.shape_cast %scan3A_219#6 : vector<16xf32> to vector<1x16xf32>
      tpu.vector_store %arg7[%swap3A_251, %swap3A_252], %swap3A_255 {strides = array<i32>} : memref<128x128xf32, #tpu.memory_space<vmem>>, vector<1x16xf32>,
      %swap3A_256 = arith.index_cast %add3A_198 : i32 to index
      %swap3A_257 = arith.constant 112 : index
      %swap3A_258 = tpu.vector_load %arg7[%swap3A_256, %swap3A_257] {strides = array<i32>} : memref<128x128xf32, #tpu.memory_space<vmem>>, vector<1x16xf32>,
      %swap3A_259 = vector.shape_cast %swap3A_258 : vector<1x16xf32> to vector<16xf32>
      %swap3A_260 = vector.shape_cast %scan3A_219#7 : vector<16xf32> to vector<1x16xf32>
      tpu.vector_store %arg7[%swap3A_256, %swap3A_257], %swap3A_260 {strides = array<i32>} : memref<128x128xf32, #tpu.memory_space<vmem>>, vector<1x16xf32>,
      %add3A_261 = arith.constant 8 : i32
      %add3A_262 = arith.addi %mul3A_105, %add3A_261 : i32
      %add3A_263 = arith.constant 1 : i32
      %add3A_264 = arith.addi %add3A_262, %add3A_263 : i32
      %lt3A_265 = arith.constant 128 : i32
      %lt3A_266 = arith.cmpi slt, %add3A_264, %lt3A_265 : i32
      %convert_element_type3A_267 = arith.extui %lt3A_266 : i1 to i32
      %cond3A_268 = arith.constant 0 : i32
      %cond3A_269 = arith.cmpi ne, %convert_element_type3A_267, %cond3A_268 : i32
      scf.if %cond3A_269 {
        %add3A_780 = arith.constant 8 : i32
        %add3A_781 = arith.addi %mul3A_105, %add3A_780 : i32
        %add3A_782 = arith.constant 1 : i32
        %add3A_783 = arith.addi %add3A_781, %add3A_782 : i32
        %dma_start3A_784 = arith.constant 1 : i32
        %dma_start3A_785 = arith.constant 0 : i32
        %dma_start3A_786 = arith.constant 0 : i32
        %dma_start3A_787 = tpu.memref_slice %arg6[%dma_start3A_784, %dma_start3A_785, %dma_start3A_786] : memref<8x50x128xf32, #tpu.memory_space<vmem>> -> memref<1x50x128xf32, #tpu.memory_space<vmem>>
        %dma_start3A_788 = tpu.memref_squeeze %dma_start3A_787 : memref<1x50x128xf32, #tpu.memory_space<vmem>> -> memref<50x128xf32, #tpu.memory_space<vmem>>
        %dma_start3A_789 = arith.constant 0 : i32
        %dma_start3A_790 = tpu.memref_slice %arg5[%add3A_783, %dma_start3A_789] : memref<128x50xi32, #tpu.memory_space<vmem>> -> memref<1x50xi32, #tpu.memory_space<vmem>>
        %dma_start3A_791 = tpu.memref_squeeze %dma_start3A_790 : memref<1x50xi32, #tpu.memory_space<vmem>> -> memref<50xi32, #tpu.memory_space<vmem>>
        %dma_start3A_792 = arith.constant 0 : i32
        %dma_start3A_793 = arith.constant 0 : i32
        %dma_start3A_794 = tpu.memref_slice %arg3[%dma_start3A_792, %dma_start3A_793] : memref<100000x128xf32, #tpu.memory_space<hbm>> -> memref<100000x128xf32, #tpu.memory_space<hbm>>
        tpu.enqueue_indirect_dma source(%dma_start3A_794 : memref<100000x128xf32, #tpu.memory_space<hbm>>) target(%dma_start3A_788 : memref<50x128xf32, #tpu.memory_space<vmem>>) offsets(%dma_start3A_791 : memref<50xi32, #tpu.memory_space<vmem>>) semaphore(%arg9 : memref<!tpu.dma_semaphore, #tpu.memory_space<semaphore_mem>>)
      } else {
      }
      %dma_wait3A_270 = arith.constant 0 : i32
      %dma_wait3A_271 = arith.constant 2 : i32
      %dma_wait3A_272 = arith.constant 0 : i32
      %dma_wait3A_273 = arith.constant 0 : i32
      %dma_wait3A_274 = tpu.memref_slice %arg6[%dma_wait3A_271, %dma_wait3A_272, %dma_wait3A_273] : memref<8x50x128xf32, #tpu.memory_space<vmem>> -> memref<1x50x128xf32, #tpu.memory_space<vmem>>
      %dma_wait3A_275 = tpu.memref_squeeze %dma_wait3A_274 : memref<1x50x128xf32, #tpu.memory_space<vmem>> -> memref<50x128xf32, #tpu.memory_space<vmem>>
      %dma_wait3A_276 = arith.constant 0 : i32
      %dma_wait3A_277 = tpu.memref_slice %arg5[%dma_wait3A_270, %dma_wait3A_276] : memref<128x50xi32, #tpu.memory_space<vmem>> -> memref<1x50xi32, #tpu.memory_space<vmem>>
      %dma_wait3A_278 = tpu.memref_squeeze %dma_wait3A_277 : memref<1x50xi32, #tpu.memory_space<vmem>> -> memref<50xi32, #tpu.memory_space<vmem>>
      %dma_wait3A_279 = arith.constant 0 : i32
      %dma_wait3A_280 = arith.constant 0 : i32
      %dma_wait3A_281 = tpu.memref_slice %arg3[%dma_wait3A_279, %dma_wait3A_280] : memref<100000x128xf32, #tpu.memory_space<hbm>> -> memref<100000x128xf32, #tpu.memory_space<hbm>>
      tpu.wait_indirect_dma semaphore(%arg10 : memref<!tpu.dma_semaphore, #tpu.memory_space<semaphore_mem>>) src(%dma_wait3A_281 : memref<100000x128xf32, #tpu.memory_space<hbm>>) dst(%dma_wait3A_275 : memref<50x128xf32, #tpu.memory_space<vmem>>)
      %add3A_282 = arith.constant 2 : i32
      %add3A_283 = arith.addi %mul3A_105, %add3A_282 : i32
      %broadcast_in_dim3A_284 = arith.constant 0.000000e+00 : f32
      %broadcast_in_dim3A_285 = vector.broadcast %broadcast_in_dim3A_284 : f32 to vector<16xf32>
      %broadcast_in_dim3A_286 = arith.constant 0.000000e+00 : f32
      %broadcast_in_dim3A_287 = vector.broadcast %broadcast_in_dim3A_286 : f32 to vector<16xf32>
      %broadcast_in_dim3A_288 = arith.constant 0.000000e+00 : f32
      %broadcast_in_dim3A_289 = vector.broadcast %broadcast_in_dim3A_288 : f32 to vector<16xf32>
      %broadcast_in_dim3A_290 = arith.constant 0.000000e+00 : f32
      %broadcast_in_dim3A_291 = vector.broadcast %broadcast_in_dim3A_290 : f32 to vector<16xf32>
      %broadcast_in_dim3A_292 = arith.constant 0.000000e+00 : f32
      %broadcast_in_dim3A_293 = vector.broadcast %broadcast_in_dim3A_292 : f32 to vector<16xf32>
      %broadcast_in_dim3A_294 = arith.constant 0.000000e+00 : f32
      %broadcast_in_dim3A_295 = vector.broadcast %broadcast_in_dim3A_294 : f32 to vector<16xf32>
      %broadcast_in_dim3A_296 = arith.constant 0.000000e+00 : f32
      %broadcast_in_dim3A_297 = vector.broadcast %broadcast_in_dim3A_296 : f32 to vector<16xf32>
      %broadcast_in_dim3A_298 = arith.constant 0.000000e+00 : f32
      %broadcast_in_dim3A_299 = vector.broadcast %broadcast_in_dim3A_298 : f32 to vector<16xf32>
      %scan3A_300 = arith.constant 0 : i32
      %scan3A_301 = arith.constant 50 : i32
      %scan3A_302 = arith.addi %scan3A_300, %scan3A_301 : i32
      %scan3A_303 = arith.constant 5 : i32
      %scan3A_304:8 = scf.for %scan3A_780 = %scan3A_300 to %scan3A_302 step %scan3A_303 iter_args(%scan3A_781 = %broadcast_in_dim3A_285, %scan3A_782 = %broadcast_in_dim3A_287, %scan3A_783 = %broadcast_in_dim3A_289, %scan3A_784 = %broadcast_in_dim3A_291, %scan3A_785 = %broadcast_in_dim3A_293, %scan3A_786 = %broadcast_in_dim3A_295, %scan3A_787 = %broadcast_in_dim3A_297, %scan3A_788 = %broadcast_in_dim3A_299) -> (vector<16xf32>, vector<16xf32>, vector<16xf32>, vector<16xf32>, vector<16xf32>, vector<16xf32>, vector<16xf32>, vector<16xf32>)  : i32 {
        %get3A = arith.constant 2 : i32
        %get3A_789 = arith.index_cast %get3A : i32 to index
        %get3A_790 = arith.index_cast %scan3A_780 : i32 to index
        %get3A_791 = arith.constant 0 : index
        %get3A_792 = tpu.vector_load %arg6[%get3A_789, %get3A_790, %get3A_791] {strides = array<i32>} : memref<8x50x128xf32, #tpu.memory_space<vmem>>, vector<1x1x16xf32>,
        %get3A_793 = vector.shape_cast %get3A_792 : vector<1x1x16xf32> to vector<16xf32>
        %add3A_794 = arith.addf %scan3A_781, %get3A_793 : vector<16xf32>
        %get3A_795 = arith.constant 2 : i32
        %get3A_796 = arith.index_cast %get3A_795 : i32 to index
        %get3A_797 = arith.index_cast %scan3A_780 : i32 to index
        %get3A_798 = arith.constant 16 : index
        %get3A_799 = tpu.vector_load %arg6[%get3A_796, %get3A_797, %get3A_798] {strides = array<i32>} : memref<8x50x128xf32, #tpu.memory_space<vmem>>, vector<1x1x16xf32>,
        %get3A_800 = vector.shape_cast %get3A_799 : vector<1x1x16xf32> to vector<16xf32>
        %add3A_801 = arith.addf %scan3A_782, %get3A_800 : vector<16xf32>
        %get3A_802 = arith.constant 2 : i32
        %get3A_803 = arith.index_cast %get3A_802 : i32 to index
        %get3A_804 = arith.index_cast %scan3A_780 : i32 to index
        %get3A_805 = arith.constant 32 : index
        %get3A_806 = tpu.vector_load %arg6[%get3A_803, %get3A_804, %get3A_805] {strides = array<i32>} : memref<8x50x128xf32, #tpu.memory_space<vmem>>, vector<1x1x16xf32>,
        %get3A_807 = vector.shape_cast %get3A_806 : vector<1x1x16xf32> to vector<16xf32>
        %add3A_808 = arith.addf %scan3A_783, %get3A_807 : vector<16xf32>
        %get3A_809 = arith.constant 2 : i32
        %get3A_810 = arith.index_cast %get3A_809 : i32 to index
        %get3A_811 = arith.index_cast %scan3A_780 : i32 to index
        %get3A_812 = arith.constant 48 : index
        %get3A_813 = tpu.vector_load %arg6[%get3A_810, %get3A_811, %get3A_812] {strides = array<i32>} : memref<8x50x128xf32, #tpu.memory_space<vmem>>, vector<1x1x16xf32>,
        %get3A_814 = vector.shape_cast %get3A_813 : vector<1x1x16xf32> to vector<16xf32>
        %add3A_815 = arith.addf %scan3A_784, %get3A_814 : vector<16xf32>
        %get3A_816 = arith.constant 2 : i32
        %get3A_817 = arith.index_cast %get3A_816 : i32 to index
        %get3A_818 = arith.index_cast %scan3A_780 : i32 to index
        %get3A_819 = arith.constant 64 : index
        %get3A_820 = tpu.vector_load %arg6[%get3A_817, %get3A_818, %get3A_819] {strides = array<i32>} : memref<8x50x128xf32, #tpu.memory_space<vmem>>, vector<1x1x16xf32>,
        %get3A_821 = vector.shape_cast %get3A_820 : vector<1x1x16xf32> to vector<16xf32>
        %add3A_822 = arith.addf %scan3A_785, %get3A_821 : vector<16xf32>
        %get3A_823 = arith.constant 2 : i32
        %get3A_824 = arith.index_cast %get3A_823 : i32 to index
        %get3A_825 = arith.index_cast %scan3A_780 : i32 to index
        %get3A_826 = arith.constant 80 : index
        %get3A_827 = tpu.vector_load %arg6[%get3A_824, %get3A_825, %get3A_826] {strides = array<i32>} : memref<8x50x128xf32, #tpu.memory_space<vmem>>, vector<1x1x16xf32>,
        %get3A_828 = vector.shape_cast %get3A_827 : vector<1x1x16xf32> to vector<16xf32>
        %add3A_829 = arith.addf %scan3A_786, %get3A_828 : vector<16xf32>
        %get3A_830 = arith.constant 2 : i32
        %get3A_831 = arith.index_cast %get3A_830 : i32 to index
        %get3A_832 = arith.index_cast %scan3A_780 : i32 to index
        %get3A_833 = arith.constant 96 : index
        %get3A_834 = tpu.vector_load %arg6[%get3A_831, %get3A_832, %get3A_833] {strides = array<i32>} : memref<8x50x128xf32, #tpu.memory_space<vmem>>, vector<1x1x16xf32>,
        %get3A_835 = vector.shape_cast %get3A_834 : vector<1x1x16xf32> to vector<16xf32>
        %add3A_836 = arith.addf %scan3A_787, %get3A_835 : vector<16xf32>
        %get3A_837 = arith.constant 2 : i32
        %get3A_838 = arith.index_cast %get3A_837 : i32 to index
        %get3A_839 = arith.index_cast %scan3A_780 : i32 to index
        %get3A_840 = arith.constant 112 : index
        %get3A_841 = tpu.vector_load %arg6[%get3A_838, %get3A_839, %get3A_840] {strides = array<i32>} : memref<8x50x128xf32, #tpu.memory_space<vmem>>, vector<1x1x16xf32>,
        %get3A_842 = vector.shape_cast %get3A_841 : vector<1x1x16xf32> to vector<16xf32>
        %add3A_843 = arith.addf %scan3A_788, %get3A_842 : vector<16xf32>
        %scan3A_844 = arith.constant 1 : i32
        %scan3A_845 = arith.addi %scan3A_780, %scan3A_844 : i32
        %get3A_846 = arith.constant 2 : i32
        %get3A_847 = arith.index_cast %get3A_846 : i32 to index
        %get3A_848 = arith.index_cast %scan3A_845 : i32 to index
        %get3A_849 = arith.constant 0 : index
        %get3A_850 = tpu.vector_load %arg6[%get3A_847, %get3A_848, %get3A_849] {strides = array<i32>} : memref<8x50x128xf32, #tpu.memory_space<vmem>>, vector<1x1x16xf32>,
        %get3A_851 = vector.shape_cast %get3A_850 : vector<1x1x16xf32> to vector<16xf32>
        %add3A_852 = arith.addf %add3A_794, %get3A_851 : vector<16xf32>
        %get3A_853 = arith.constant 2 : i32
        %get3A_854 = arith.index_cast %get3A_853 : i32 to index
        %get3A_855 = arith.index_cast %scan3A_845 : i32 to index
        %get3A_856 = arith.constant 16 : index
        %get3A_857 = tpu.vector_load %arg6[%get3A_854, %get3A_855, %get3A_856] {strides = array<i32>} : memref<8x50x128xf32, #tpu.memory_space<vmem>>, vector<1x1x16xf32>,
        %get3A_858 = vector.shape_cast %get3A_857 : vector<1x1x16xf32> to vector<16xf32>
        %add3A_859 = arith.addf %add3A_801, %get3A_858 : vector<16xf32>
        %get3A_860 = arith.constant 2 : i32
        %get3A_861 = arith.index_cast %get3A_860 : i32 to index
        %get3A_862 = arith.index_cast %scan3A_845 : i32 to index
        %get3A_863 = arith.constant 32 : index
        %get3A_864 = tpu.vector_load %arg6[%get3A_861, %get3A_862, %get3A_863] {strides = array<i32>} : memref<8x50x128xf32, #tpu.memory_space<vmem>>, vector<1x1x16xf32>,
        %get3A_865 = vector.shape_cast %get3A_864 : vector<1x1x16xf32> to vector<16xf32>
        %add3A_866 = arith.addf %add3A_808, %get3A_865 : vector<16xf32>
        %get3A_867 = arith.constant 2 : i32
        %get3A_868 = arith.index_cast %get3A_867 : i32 to index
        %get3A_869 = arith.index_cast %scan3A_845 : i32 to index
        %get3A_870 = arith.constant 48 : index
        %get3A_871 = tpu.vector_load %arg6[%get3A_868, %get3A_869, %get3A_870] {strides = array<i32>} : memref<8x50x128xf32, #tpu.memory_space<vmem>>, vector<1x1x16xf32>,
        %get3A_872 = vector.shape_cast %get3A_871 : vector<1x1x16xf32> to vector<16xf32>
        %add3A_873 = arith.addf %add3A_815, %get3A_872 : vector<16xf32>
        %get3A_874 = arith.constant 2 : i32
        %get3A_875 = arith.index_cast %get3A_874 : i32 to index
        %get3A_876 = arith.index_cast %scan3A_845 : i32 to index
        %get3A_877 = arith.constant 64 : index
        %get3A_878 = tpu.vector_load %arg6[%get3A_875, %get3A_876, %get3A_877] {strides = array<i32>} : memref<8x50x128xf32, #tpu.memory_space<vmem>>, vector<1x1x16xf32>,
        %get3A_879 = vector.shape_cast %get3A_878 : vector<1x1x16xf32> to vector<16xf32>
        %add3A_880 = arith.addf %add3A_822, %get3A_879 : vector<16xf32>
        %get3A_881 = arith.constant 2 : i32
        %get3A_882 = arith.index_cast %get3A_881 : i32 to index
        %get3A_883 = arith.index_cast %scan3A_845 : i32 to index
        %get3A_884 = arith.constant 80 : index
        %get3A_885 = tpu.vector_load %arg6[%get3A_882, %get3A_883, %get3A_884] {strides = array<i32>} : memref<8x50x128xf32, #tpu.memory_space<vmem>>, vector<1x1x16xf32>,
        %get3A_886 = vector.shape_cast %get3A_885 : vector<1x1x16xf32> to vector<16xf32>
        %add3A_887 = arith.addf %add3A_829, %get3A_886 : vector<16xf32>
        %get3A_888 = arith.constant 2 : i32
        %get3A_889 = arith.index_cast %get3A_888 : i32 to index
        %get3A_890 = arith.index_cast %scan3A_845 : i32 to index
        %get3A_891 = arith.constant 96 : index
        %get3A_892 = tpu.vector_load %arg6[%get3A_889, %get3A_890, %get3A_891] {strides = array<i32>} : memref<8x50x128xf32, #tpu.memory_space<vmem>>, vector<1x1x16xf32>,
        %get3A_893 = vector.shape_cast %get3A_892 : vector<1x1x16xf32> to vector<16xf32>
        %add3A_894 = arith.addf %add3A_836, %get3A_893 : vector<16xf32>
        %get3A_895 = arith.constant 2 : i32
        %get3A_896 = arith.index_cast %get3A_895 : i32 to index
        %get3A_897 = arith.index_cast %scan3A_845 : i32 to index
        %get3A_898 = arith.constant 112 : index
        %get3A_899 = tpu.vector_load %arg6[%get3A_896, %get3A_897, %get3A_898] {strides = array<i32>} : memref<8x50x128xf32, #tpu.memory_space<vmem>>, vector<1x1x16xf32>,
        %get3A_900 = vector.shape_cast %get3A_899 : vector<1x1x16xf32> to vector<16xf32>
        %add3A_901 = arith.addf %add3A_843, %get3A_900 : vector<16xf32>
        %scan3A_902 = arith.constant 2 : i32
        %scan3A_903 = arith.addi %scan3A_780, %scan3A_902 : i32
        %get3A_904 = arith.constant 2 : i32
        %get3A_905 = arith.index_cast %get3A_904 : i32 to index
        %get3A_906 = arith.index_cast %scan3A_903 : i32 to index
        %get3A_907 = arith.constant 0 : index
        %get3A_908 = tpu.vector_load %arg6[%get3A_905, %get3A_906, %get3A_907] {strides = array<i32>} : memref<8x50x128xf32, #tpu.memory_space<vmem>>, vector<1x1x16xf32>,
        %get3A_909 = vector.shape_cast %get3A_908 : vector<1x1x16xf32> to vector<16xf32>
        %add3A_910 = arith.addf %add3A_852, %get3A_909 : vector<16xf32>
        %get3A_911 = arith.constant 2 : i32
        %get3A_912 = arith.index_cast %get3A_911 : i32 to index
        %get3A_913 = arith.index_cast %scan3A_903 : i32 to index
        %get3A_914 = arith.constant 16 : index
        %get3A_915 = tpu.vector_load %arg6[%get3A_912, %get3A_913, %get3A_914] {strides = array<i32>} : memref<8x50x128xf32, #tpu.memory_space<vmem>>, vector<1x1x16xf32>,
        %get3A_916 = vector.shape_cast %get3A_915 : vector<1x1x16xf32> to vector<16xf32>
        %add3A_917 = arith.addf %add3A_859, %get3A_916 : vector<16xf32>
        %get3A_918 = arith.constant 2 : i32
        %get3A_919 = arith.index_cast %get3A_918 : i32 to index
        %get3A_920 = arith.index_cast %scan3A_903 : i32 to index
        %get3A_921 = arith.constant 32 : index
        %get3A_922 = tpu.vector_load %arg6[%get3A_919, %get3A_920, %get3A_921] {strides = array<i32>} : memref<8x50x128xf32, #tpu.memory_space<vmem>>, vector<1x1x16xf32>,
        %get3A_923 = vector.shape_cast %get3A_922 : vector<1x1x16xf32> to vector<16xf32>
        %add3A_924 = arith.addf %add3A_866, %get3A_923 : vector<16xf32>
        %get3A_925 = arith.constant 2 : i32
        %get3A_926 = arith.index_cast %get3A_925 : i32 to index
        %get3A_927 = arith.index_cast %scan3A_903 : i32 to index
        %get3A_928 = arith.constant 48 : index
        %get3A_929 = tpu.vector_load %arg6[%get3A_926, %get3A_927, %get3A_928] {strides = array<i32>} : memref<8x50x128xf32, #tpu.memory_space<vmem>>, vector<1x1x16xf32>,
        %get3A_930 = vector.shape_cast %get3A_929 : vector<1x1x16xf32> to vector<16xf32>
        %add3A_931 = arith.addf %add3A_873, %get3A_930 : vector<16xf32>
        %get3A_932 = arith.constant 2 : i32
        %get3A_933 = arith.index_cast %get3A_932 : i32 to index
        %get3A_934 = arith.index_cast %scan3A_903 : i32 to index
        %get3A_935 = arith.constant 64 : index
        %get3A_936 = tpu.vector_load %arg6[%get3A_933, %get3A_934, %get3A_935] {strides = array<i32>} : memref<8x50x128xf32, #tpu.memory_space<vmem>>, vector<1x1x16xf32>,
        %get3A_937 = vector.shape_cast %get3A_936 : vector<1x1x16xf32> to vector<16xf32>
        %add3A_938 = arith.addf %add3A_880, %get3A_937 : vector<16xf32>
        %get3A_939 = arith.constant 2 : i32
        %get3A_940 = arith.index_cast %get3A_939 : i32 to index
        %get3A_941 = arith.index_cast %scan3A_903 : i32 to index
        %get3A_942 = arith.constant 80 : index
        %get3A_943 = tpu.vector_load %arg6[%get3A_940, %get3A_941, %get3A_942] {strides = array<i32>} : memref<8x50x128xf32, #tpu.memory_space<vmem>>, vector<1x1x16xf32>,
        %get3A_944 = vector.shape_cast %get3A_943 : vector<1x1x16xf32> to vector<16xf32>
        %add3A_945 = arith.addf %add3A_887, %get3A_944 : vector<16xf32>
        %get3A_946 = arith.constant 2 : i32
        %get3A_947 = arith.index_cast %get3A_946 : i32 to index
        %get3A_948 = arith.index_cast %scan3A_903 : i32 to index
        %get3A_949 = arith.constant 96 : index
        %get3A_950 = tpu.vector_load %arg6[%get3A_947, %get3A_948, %get3A_949] {strides = array<i32>} : memref<8x50x128xf32, #tpu.memory_space<vmem>>, vector<1x1x16xf32>,
        %get3A_951 = vector.shape_cast %get3A_950 : vector<1x1x16xf32> to vector<16xf32>
        %add3A_952 = arith.addf %add3A_894, %get3A_951 : vector<16xf32>
        %get3A_953 = arith.constant 2 : i32
        %get3A_954 = arith.index_cast %get3A_953 : i32 to index
        %get3A_955 = arith.index_cast %scan3A_903 : i32 to index
        %get3A_956 = arith.constant 112 : index
        %get3A_957 = tpu.vector_load %arg6[%get3A_954, %get3A_955, %get3A_956] {strides = array<i32>} : memref<8x50x128xf32, #tpu.memory_space<vmem>>, vector<1x1x16xf32>,
        %get3A_958 = vector.shape_cast %get3A_957 : vector<1x1x16xf32> to vector<16xf32>
        %add3A_959 = arith.addf %add3A_901, %get3A_958 : vector<16xf32>
        %scan3A_960 = arith.constant 3 : i32
        %scan3A_961 = arith.addi %scan3A_780, %scan3A_960 : i32
        %get3A_962 = arith.constant 2 : i32
        %get3A_963 = arith.index_cast %get3A_962 : i32 to index
        %get3A_964 = arith.index_cast %scan3A_961 : i32 to index
        %get3A_965 = arith.constant 0 : index
        %get3A_966 = tpu.vector_load %arg6[%get3A_963, %get3A_964, %get3A_965] {strides = array<i32>} : memref<8x50x128xf32, #tpu.memory_space<vmem>>, vector<1x1x16xf32>,
        %get3A_967 = vector.shape_cast %get3A_966 : vector<1x1x16xf32> to vector<16xf32>
        %add3A_968 = arith.addf %add3A_910, %get3A_967 : vector<16xf32>
        %get3A_969 = arith.constant 2 : i32
        %get3A_970 = arith.index_cast %get3A_969 : i32 to index
        %get3A_971 = arith.index_cast %scan3A_961 : i32 to index
        %get3A_972 = arith.constant 16 : index
        %get3A_973 = tpu.vector_load %arg6[%get3A_970, %get3A_971, %get3A_972] {strides = array<i32>} : memref<8x50x128xf32, #tpu.memory_space<vmem>>, vector<1x1x16xf32>,
        %get3A_974 = vector.shape_cast %get3A_973 : vector<1x1x16xf32> to vector<16xf32>
        %add3A_975 = arith.addf %add3A_917, %get3A_974 : vector<16xf32>
        %get3A_976 = arith.constant 2 : i32
        %get3A_977 = arith.index_cast %get3A_976 : i32 to index
        %get3A_978 = arith.index_cast %scan3A_961 : i32 to index
        %get3A_979 = arith.constant 32 : index
        %get3A_980 = tpu.vector_load %arg6[%get3A_977, %get3A_978, %get3A_979] {strides = array<i32>} : memref<8x50x128xf32, #tpu.memory_space<vmem>>, vector<1x1x16xf32>,
        %get3A_981 = vector.shape_cast %get3A_980 : vector<1x1x16xf32> to vector<16xf32>
        %add3A_982 = arith.addf %add3A_924, %get3A_981 : vector<16xf32>
        %get3A_983 = arith.constant 2 : i32
        %get3A_984 = arith.index_cast %get3A_983 : i32 to index
        %get3A_985 = arith.index_cast %scan3A_961 : i32 to index
        %get3A_986 = arith.constant 48 : index
        %get3A_987 = tpu.vector_load %arg6[%get3A_984, %get3A_985, %get3A_986] {strides = array<i32>} : memref<8x50x128xf32, #tpu.memory_space<vmem>>, vector<1x1x16xf32>,
        %get3A_988 = vector.shape_cast %get3A_987 : vector<1x1x16xf32> to vector<16xf32>
        %add3A_989 = arith.addf %add3A_931, %get3A_988 : vector<16xf32>
        %get3A_990 = arith.constant 2 : i32
        %get3A_991 = arith.index_cast %get3A_990 : i32 to index
        %get3A_992 = arith.index_cast %scan3A_961 : i32 to index
        %get3A_993 = arith.constant 64 : index
        %get3A_994 = tpu.vector_load %arg6[%get3A_991, %get3A_992, %get3A_993] {strides = array<i32>} : memref<8x50x128xf32, #tpu.memory_space<vmem>>, vector<1x1x16xf32>,
        %get3A_995 = vector.shape_cast %get3A_994 : vector<1x1x16xf32> to vector<16xf32>
        %add3A_996 = arith.addf %add3A_938, %get3A_995 : vector<16xf32>
        %get3A_997 = arith.constant 2 : i32
        %get3A_998 = arith.index_cast %get3A_997 : i32 to index
        %get3A_999 = arith.index_cast %scan3A_961 : i32 to index
        %get3A_1000 = arith.constant 80 : index
        %get3A_1001 = tpu.vector_load %arg6[%get3A_998, %get3A_999, %get3A_1000] {strides = array<i32>} : memref<8x50x128xf32, #tpu.memory_space<vmem>>, vector<1x1x16xf32>,
        %get3A_1002 = vector.shape_cast %get3A_1001 : vector<1x1x16xf32> to vector<16xf32>
        %add3A_1003 = arith.addf %add3A_945, %get3A_1002 : vector<16xf32>
        %get3A_1004 = arith.constant 2 : i32
        %get3A_1005 = arith.index_cast %get3A_1004 : i32 to index
        %get3A_1006 = arith.index_cast %scan3A_961 : i32 to index
        %get3A_1007 = arith.constant 96 : index
        %get3A_1008 = tpu.vector_load %arg6[%get3A_1005, %get3A_1006, %get3A_1007] {strides = array<i32>} : memref<8x50x128xf32, #tpu.memory_space<vmem>>, vector<1x1x16xf32>,
        %get3A_1009 = vector.shape_cast %get3A_1008 : vector<1x1x16xf32> to vector<16xf32>
        %add3A_1010 = arith.addf %add3A_952, %get3A_1009 : vector<16xf32>
        %get3A_1011 = arith.constant 2 : i32
        %get3A_1012 = arith.index_cast %get3A_1011 : i32 to index
        %get3A_1013 = arith.index_cast %scan3A_961 : i32 to index
        %get3A_1014 = arith.constant 112 : index
        %get3A_1015 = tpu.vector_load %arg6[%get3A_1012, %get3A_1013, %get3A_1014] {strides = array<i32>} : memref<8x50x128xf32, #tpu.memory_space<vmem>>, vector<1x1x16xf32>,
        %get3A_1016 = vector.shape_cast %get3A_1015 : vector<1x1x16xf32> to vector<16xf32>
        %add3A_1017 = arith.addf %add3A_959, %get3A_1016 : vector<16xf32>
        %scan3A_1018 = arith.constant 4 : i32
        %scan3A_1019 = arith.addi %scan3A_780, %scan3A_1018 : i32
        %get3A_1020 = arith.constant 2 : i32
        %get3A_1021 = arith.index_cast %get3A_1020 : i32 to index
        %get3A_1022 = arith.index_cast %scan3A_1019 : i32 to index
        %get3A_1023 = arith.constant 0 : index
        %get3A_1024 = tpu.vector_load %arg6[%get3A_1021, %get3A_1022, %get3A_1023] {strides = array<i32>} : memref<8x50x128xf32, #tpu.memory_space<vmem>>, vector<1x1x16xf32>,
        %get3A_1025 = vector.shape_cast %get3A_1024 : vector<1x1x16xf32> to vector<16xf32>
        %add3A_1026 = arith.addf %add3A_968, %get3A_1025 : vector<16xf32>
        %get3A_1027 = arith.constant 2 : i32
        %get3A_1028 = arith.index_cast %get3A_1027 : i32 to index
        %get3A_1029 = arith.index_cast %scan3A_1019 : i32 to index
        %get3A_1030 = arith.constant 16 : index
        %get3A_1031 = tpu.vector_load %arg6[%get3A_1028, %get3A_1029, %get3A_1030] {strides = array<i32>} : memref<8x50x128xf32, #tpu.memory_space<vmem>>, vector<1x1x16xf32>,
        %get3A_1032 = vector.shape_cast %get3A_1031 : vector<1x1x16xf32> to vector<16xf32>
        %add3A_1033 = arith.addf %add3A_975, %get3A_1032 : vector<16xf32>
        %get3A_1034 = arith.constant 2 : i32
        %get3A_1035 = arith.index_cast %get3A_1034 : i32 to index
        %get3A_1036 = arith.index_cast %scan3A_1019 : i32 to index
        %get3A_1037 = arith.constant 32 : index
        %get3A_1038 = tpu.vector_load %arg6[%get3A_1035, %get3A_1036, %get3A_1037] {strides = array<i32>} : memref<8x50x128xf32, #tpu.memory_space<vmem>>, vector<1x1x16xf32>,
        %get3A_1039 = vector.shape_cast %get3A_1038 : vector<1x1x16xf32> to vector<16xf32>
        %add3A_1040 = arith.addf %add3A_982, %get3A_1039 : vector<16xf32>
        %get3A_1041 = arith.constant 2 : i32
        %get3A_1042 = arith.index_cast %get3A_1041 : i32 to index
        %get3A_1043 = arith.index_cast %scan3A_1019 : i32 to index
        %get3A_1044 = arith.constant 48 : index
        %get3A_1045 = tpu.vector_load %arg6[%get3A_1042, %get3A_1043, %get3A_1044] {strides = array<i32>} : memref<8x50x128xf32, #tpu.memory_space<vmem>>, vector<1x1x16xf32>,
        %get3A_1046 = vector.shape_cast %get3A_1045 : vector<1x1x16xf32> to vector<16xf32>
        %add3A_1047 = arith.addf %add3A_989, %get3A_1046 : vector<16xf32>
        %get3A_1048 = arith.constant 2 : i32
        %get3A_1049 = arith.index_cast %get3A_1048 : i32 to index
        %get3A_1050 = arith.index_cast %scan3A_1019 : i32 to index
        %get3A_1051 = arith.constant 64 : index
        %get3A_1052 = tpu.vector_load %arg6[%get3A_1049, %get3A_1050, %get3A_1051] {strides = array<i32>} : memref<8x50x128xf32, #tpu.memory_space<vmem>>, vector<1x1x16xf32>,
        %get3A_1053 = vector.shape_cast %get3A_1052 : vector<1x1x16xf32> to vector<16xf32>
        %add3A_1054 = arith.addf %add3A_996, %get3A_1053 : vector<16xf32>
        %get3A_1055 = arith.constant 2 : i32
        %get3A_1056 = arith.index_cast %get3A_1055 : i32 to index
        %get3A_1057 = arith.index_cast %scan3A_1019 : i32 to index
        %get3A_1058 = arith.constant 80 : index
        %get3A_1059 = tpu.vector_load %arg6[%get3A_1056, %get3A_1057, %get3A_1058] {strides = array<i32>} : memref<8x50x128xf32, #tpu.memory_space<vmem>>, vector<1x1x16xf32>,
        %get3A_1060 = vector.shape_cast %get3A_1059 : vector<1x1x16xf32> to vector<16xf32>
        %add3A_1061 = arith.addf %add3A_1003, %get3A_1060 : vector<16xf32>
        %get3A_1062 = arith.constant 2 : i32
        %get3A_1063 = arith.index_cast %get3A_1062 : i32 to index
        %get3A_1064 = arith.index_cast %scan3A_1019 : i32 to index
        %get3A_1065 = arith.constant 96 : index
        %get3A_1066 = tpu.vector_load %arg6[%get3A_1063, %get3A_1064, %get3A_1065] {strides = array<i32>} : memref<8x50x128xf32, #tpu.memory_space<vmem>>, vector<1x1x16xf32>,
        %get3A_1067 = vector.shape_cast %get3A_1066 : vector<1x1x16xf32> to vector<16xf32>
        %add3A_1068 = arith.addf %add3A_1010, %get3A_1067 : vector<16xf32>
        %get3A_1069 = arith.constant 2 : i32
        %get3A_1070 = arith.index_cast %get3A_1069 : i32 to index
        %get3A_1071 = arith.index_cast %scan3A_1019 : i32 to index
        %get3A_1072 = arith.constant 112 : index
        %get3A_1073 = tpu.vector_load %arg6[%get3A_1070, %get3A_1071, %get3A_1072] {strides = array<i32>} : memref<8x50x128xf32, #tpu.memory_space<vmem>>, vector<1x1x16xf32>,
        %get3A_1074 = vector.shape_cast %get3A_1073 : vector<1x1x16xf32> to vector<16xf32>
        %add3A_1075 = arith.addf %add3A_1017, %get3A_1074 : vector<16xf32>
        scf.yield %add3A_1026, %add3A_1033, %add3A_1040, %add3A_1047, %add3A_1054, %add3A_1061, %add3A_1068, %add3A_1075 : vector<16xf32>, vector<16xf32>, vector<16xf32>, vector<16xf32>, vector<16xf32>, vector<16xf32>, vector<16xf32>, vector<16xf32>
      }
      %scan3A_305 = arith.constant 50 : i32
      %swap3A_306 = arith.index_cast %add3A_283 : i32 to index
      %swap3A_307 = arith.constant 0 : index
      %swap3A_308 = tpu.vector_load %arg7[%swap3A_306, %swap3A_307] {strides = array<i32>} : memref<128x128xf32, #tpu.memory_space<vmem>>, vector<1x16xf32>,
      %swap3A_309 = vector.shape_cast %swap3A_308 : vector<1x16xf32> to vector<16xf32>
      %swap3A_310 = vector.shape_cast %scan3A_304#0 : vector<16xf32> to vector<1x16xf32>
      tpu.vector_store %arg7[%swap3A_306, %swap3A_307], %swap3A_310 {strides = array<i32>} : memref<128x128xf32, #tpu.memory_space<vmem>>, vector<1x16xf32>,
      %swap3A_311 = arith.index_cast %add3A_283 : i32 to index
      %swap3A_312 = arith.constant 16 : index
      %swap3A_313 = tpu.vector_load %arg7[%swap3A_311, %swap3A_312] {strides = array<i32>} : memref<128x128xf32, #tpu.memory_space<vmem>>, vector<1x16xf32>,
      %swap3A_314 = vector.shape_cast %swap3A_313 : vector<1x16xf32> to vector<16xf32>
      %swap3A_315 = vector.shape_cast %scan3A_304#1 : vector<16xf32> to vector<1x16xf32>
      tpu.vector_store %arg7[%swap3A_311, %swap3A_312], %swap3A_315 {strides = array<i32>} : memref<128x128xf32, #tpu.memory_space<vmem>>, vector<1x16xf32>,
      %swap3A_316 = arith.index_cast %add3A_283 : i32 to index
      %swap3A_317 = arith.constant 32 : index
      %swap3A_318 = tpu.vector_load %arg7[%swap3A_316, %swap3A_317] {strides = array<i32>} : memref<128x128xf32, #tpu.memory_space<vmem>>, vector<1x16xf32>,
      %swap3A_319 = vector.shape_cast %swap3A_318 : vector<1x16xf32> to vector<16xf32>
      %swap3A_320 = vector.shape_cast %scan3A_304#2 : vector<16xf32> to vector<1x16xf32>
      tpu.vector_store %arg7[%swap3A_316, %swap3A_317], %swap3A_320 {strides = array<i32>} : memref<128x128xf32, #tpu.memory_space<vmem>>, vector<1x16xf32>,
      %swap3A_321 = arith.index_cast %add3A_283 : i32 to index
      %swap3A_322 = arith.constant 48 : index
      %swap3A_323 = tpu.vector_load %arg7[%swap3A_321, %swap3A_322] {strides = array<i32>} : memref<128x128xf32, #tpu.memory_space<vmem>>, vector<1x16xf32>,
      %swap3A_324 = vector.shape_cast %swap3A_323 : vector<1x16xf32> to vector<16xf32>
      %swap3A_325 = vector.shape_cast %scan3A_304#3 : vector<16xf32> to vector<1x16xf32>
      tpu.vector_store %arg7[%swap3A_321, %swap3A_322], %swap3A_325 {strides = array<i32>} : memref<128x128xf32, #tpu.memory_space<vmem>>, vector<1x16xf32>,
      %swap3A_326 = arith.index_cast %add3A_283 : i32 to index
      %swap3A_327 = arith.constant 64 : index
      %swap3A_328 = tpu.vector_load %arg7[%swap3A_326, %swap3A_327] {strides = array<i32>} : memref<128x128xf32, #tpu.memory_space<vmem>>, vector<1x16xf32>,
      %swap3A_329 = vector.shape_cast %swap3A_328 : vector<1x16xf32> to vector<16xf32>
      %swap3A_330 = vector.shape_cast %scan3A_304#4 : vector<16xf32> to vector<1x16xf32>
      tpu.vector_store %arg7[%swap3A_326, %swap3A_327], %swap3A_330 {strides = array<i32>} : memref<128x128xf32, #tpu.memory_space<vmem>>, vector<1x16xf32>,
      %swap3A_331 = arith.index_cast %add3A_283 : i32 to index
      %swap3A_332 = arith.constant 80 : index
      %swap3A_333 = tpu.vector_load %arg7[%swap3A_331, %swap3A_332] {strides = array<i32>} : memref<128x128xf32, #tpu.memory_space<vmem>>, vector<1x16xf32>,
      %swap3A_334 = vector.shape_cast %swap3A_333 : vector<1x16xf32> to vector<16xf32>
      %swap3A_335 = vector.shape_cast %scan3A_304#5 : vector<16xf32> to vector<1x16xf32>
      tpu.vector_store %arg7[%swap3A_331, %swap3A_332], %swap3A_335 {strides = array<i32>} : memref<128x128xf32, #tpu.memory_space<vmem>>, vector<1x16xf32>,
      %swap3A_336 = arith.index_cast %add3A_283 : i32 to index
      %swap3A_337 = arith.constant 96 : index
      %swap3A_338 = tpu.vector_load %arg7[%swap3A_336, %swap3A_337] {strides = array<i32>} : memref<128x128xf32, #tpu.memory_space<vmem>>, vector<1x16xf32>,
      %swap3A_339 = vector.shape_cast %swap3A_338 : vector<1x16xf32> to vector<16xf32>
      %swap3A_340 = vector.shape_cast %scan3A_304#6 : vector<16xf32> to vector<1x16xf32>
      tpu.vector_store %arg7[%swap3A_336, %swap3A_337], %swap3A_340 {strides = array<i32>} : memref<128x128xf32, #tpu.memory_space<vmem>>, vector<1x16xf32>,
      %swap3A_341 = arith.index_cast %add3A_283 : i32 to index
      %swap3A_342 = arith.constant 112 : index
      %swap3A_343 = tpu.vector_load %arg7[%swap3A_341, %swap3A_342] {strides = array<i32>} : memref<128x128xf32, #tpu.memory_space<vmem>>, vector<1x16xf32>,
      %swap3A_344 = vector.shape_cast %swap3A_343 : vector<1x16xf32> to vector<16xf32>
      %swap3A_345 = vector.shape_cast %scan3A_304#7 : vector<16xf32> to vector<1x16xf32>
      tpu.vector_store %arg7[%swap3A_341, %swap3A_342], %swap3A_345 {strides = array<i32>} : memref<128x128xf32, #tpu.memory_space<vmem>>, vector<1x16xf32>,
      %add3A_346 = arith.constant 8 : i32
      %add3A_347 = arith.addi %mul3A_105, %add3A_346 : i32
      %add3A_348 = arith.constant 2 : i32
      %add3A_349 = arith.addi %add3A_347, %add3A_348 : i32
      %lt3A_350 = arith.constant 128 : i32
      %lt3A_351 = arith.cmpi slt, %add3A_349, %lt3A_350 : i32
      %convert_element_type3A_352 = arith.extui %lt3A_351 : i1 to i32
      %cond3A_353 = arith.constant 0 : i32
      %cond3A_354 = arith.cmpi ne, %convert_element_type3A_352, %cond3A_353 : i32
      scf.if %cond3A_354 {
        %add3A_780 = arith.constant 8 : i32
        %add3A_781 = arith.addi %mul3A_105, %add3A_780 : i32
        %add3A_782 = arith.constant 2 : i32
        %add3A_783 = arith.addi %add3A_781, %add3A_782 : i32
        %dma_start3A_784 = arith.constant 2 : i32
        %dma_start3A_785 = arith.constant 0 : i32
        %dma_start3A_786 = arith.constant 0 : i32
        %dma_start3A_787 = tpu.memref_slice %arg6[%dma_start3A_784, %dma_start3A_785, %dma_start3A_786] : memref<8x50x128xf32, #tpu.memory_space<vmem>> -> memref<1x50x128xf32, #tpu.memory_space<vmem>>
        %dma_start3A_788 = tpu.memref_squeeze %dma_start3A_787 : memref<1x50x128xf32, #tpu.memory_space<vmem>> -> memref<50x128xf32, #tpu.memory_space<vmem>>
        %dma_start3A_789 = arith.constant 0 : i32
        %dma_start3A_790 = tpu.memref_slice %arg5[%add3A_783, %dma_start3A_789] : memref<128x50xi32, #tpu.memory_space<vmem>> -> memref<1x50xi32, #tpu.memory_space<vmem>>
        %dma_start3A_791 = tpu.memref_squeeze %dma_start3A_790 : memref<1x50xi32, #tpu.memory_space<vmem>> -> memref<50xi32, #tpu.memory_space<vmem>>
        %dma_start3A_792 = arith.constant 0 : i32
        %dma_start3A_793 = arith.constant 0 : i32
        %dma_start3A_794 = tpu.memref_slice %arg3[%dma_start3A_792, %dma_start3A_793] : memref<100000x128xf32, #tpu.memory_space<hbm>> -> memref<100000x128xf32, #tpu.memory_space<hbm>>
        tpu.enqueue_indirect_dma source(%dma_start3A_794 : memref<100000x128xf32, #tpu.memory_space<hbm>>) target(%dma_start3A_788 : memref<50x128xf32, #tpu.memory_space<vmem>>) offsets(%dma_start3A_791 : memref<50xi32, #tpu.memory_space<vmem>>) semaphore(%arg10 : memref<!tpu.dma_semaphore, #tpu.memory_space<semaphore_mem>>)
      } else {
      }
      %dma_wait3A_355 = arith.constant 0 : i32
      %dma_wait3A_356 = arith.constant 3 : i32
      %dma_wait3A_357 = arith.constant 0 : i32
      %dma_wait3A_358 = arith.constant 0 : i32
      %dma_wait3A_359 = tpu.memref_slice %arg6[%dma_wait3A_356, %dma_wait3A_357, %dma_wait3A_358] : memref<8x50x128xf32, #tpu.memory_space<vmem>> -> memref<1x50x128xf32, #tpu.memory_space<vmem>>
      %dma_wait3A_360 = tpu.memref_squeeze %dma_wait3A_359 : memref<1x50x128xf32, #tpu.memory_space<vmem>> -> memref<50x128xf32, #tpu.memory_space<vmem>>
      %dma_wait3A_361 = arith.constant 0 : i32
      %dma_wait3A_362 = tpu.memref_slice %arg5[%dma_wait3A_355, %dma_wait3A_361] : memref<128x50xi32, #tpu.memory_space<vmem>> -> memref<1x50xi32, #tpu.memory_space<vmem>>
      %dma_wait3A_363 = tpu.memref_squeeze %dma_wait3A_362 : memref<1x50xi32, #tpu.memory_space<vmem>> -> memref<50xi32, #tpu.memory_space<vmem>>
      %dma_wait3A_364 = arith.constant 0 : i32
      %dma_wait3A_365 = arith.constant 0 : i32
      %dma_wait3A_366 = tpu.memref_slice %arg3[%dma_wait3A_364, %dma_wait3A_365] : memref<100000x128xf32, #tpu.memory_space<hbm>> -> memref<100000x128xf32, #tpu.memory_space<hbm>>
      tpu.wait_indirect_dma semaphore(%arg11 : memref<!tpu.dma_semaphore, #tpu.memory_space<semaphore_mem>>) src(%dma_wait3A_366 : memref<100000x128xf32, #tpu.memory_space<hbm>>) dst(%dma_wait3A_360 : memref<50x128xf32, #tpu.memory_space<vmem>>)
      %add3A_367 = arith.constant 3 : i32
      %add3A_368 = arith.addi %mul3A_105, %add3A_367 : i32
      %broadcast_in_dim3A_369 = arith.constant 0.000000e+00 : f32
      %broadcast_in_dim3A_370 = vector.broadcast %broadcast_in_dim3A_369 : f32 to vector<16xf32>
      %broadcast_in_dim3A_371 = arith.constant 0.000000e+00 : f32
      %broadcast_in_dim3A_372 = vector.broadcast %broadcast_in_dim3A_371 : f32 to vector<16xf32>
      %broadcast_in_dim3A_373 = arith.constant 0.000000e+00 : f32
      %broadcast_in_dim3A_374 = vector.broadcast %broadcast_in_dim3A_373 : f32 to vector<16xf32>
      %broadcast_in_dim3A_375 = arith.constant 0.000000e+00 : f32
      %broadcast_in_dim3A_376 = vector.broadcast %broadcast_in_dim3A_375 : f32 to vector<16xf32>
      %broadcast_in_dim3A_377 = arith.constant 0.000000e+00 : f32
      %broadcast_in_dim3A_378 = vector.broadcast %broadcast_in_dim3A_377 : f32 to vector<16xf32>
      %broadcast_in_dim3A_379 = arith.constant 0.000000e+00 : f32
      %broadcast_in_dim3A_380 = vector.broadcast %broadcast_in_dim3A_379 : f32 to vector<16xf32>
      %broadcast_in_dim3A_381 = arith.constant 0.000000e+00 : f32
      %broadcast_in_dim3A_382 = vector.broadcast %broadcast_in_dim3A_381 : f32 to vector<16xf32>
      %broadcast_in_dim3A_383 = arith.constant 0.000000e+00 : f32
      %broadcast_in_dim3A_384 = vector.broadcast %broadcast_in_dim3A_383 : f32 to vector<16xf32>
      %scan3A_385 = arith.constant 0 : i32
      %scan3A_386 = arith.constant 50 : i32
      %scan3A_387 = arith.addi %scan3A_385, %scan3A_386 : i32
      %scan3A_388 = arith.constant 5 : i32
      %scan3A_389:8 = scf.for %scan3A_780 = %scan3A_385 to %scan3A_387 step %scan3A_388 iter_args(%scan3A_781 = %broadcast_in_dim3A_370, %scan3A_782 = %broadcast_in_dim3A_372, %scan3A_783 = %broadcast_in_dim3A_374, %scan3A_784 = %broadcast_in_dim3A_376, %scan3A_785 = %broadcast_in_dim3A_378, %scan3A_786 = %broadcast_in_dim3A_380, %scan3A_787 = %broadcast_in_dim3A_382, %scan3A_788 = %broadcast_in_dim3A_384) -> (vector<16xf32>, vector<16xf32>, vector<16xf32>, vector<16xf32>, vector<16xf32>, vector<16xf32>, vector<16xf32>, vector<16xf32>)  : i32 {
        %get3A = arith.constant 3 : i32
        %get3A_789 = arith.index_cast %get3A : i32 to index
        %get3A_790 = arith.index_cast %scan3A_780 : i32 to index
        %get3A_791 = arith.constant 0 : index
        %get3A_792 = tpu.vector_load %arg6[%get3A_789, %get3A_790, %get3A_791] {strides = array<i32>} : memref<8x50x128xf32, #tpu.memory_space<vmem>>, vector<1x1x16xf32>,
        %get3A_793 = vector.shape_cast %get3A_792 : vector<1x1x16xf32> to vector<16xf32>
        %add3A_794 = arith.addf %scan3A_781, %get3A_793 : vector<16xf32>
        %get3A_795 = arith.constant 3 : i32
        %get3A_796 = arith.index_cast %get3A_795 : i32 to index
        %get3A_797 = arith.index_cast %scan3A_780 : i32 to index
        %get3A_798 = arith.constant 16 : index
        %get3A_799 = tpu.vector_load %arg6[%get3A_796, %get3A_797, %get3A_798] {strides = array<i32>} : memref<8x50x128xf32, #tpu.memory_space<vmem>>, vector<1x1x16xf32>,
        %get3A_800 = vector.shape_cast %get3A_799 : vector<1x1x16xf32> to vector<16xf32>
        %add3A_801 = arith.addf %scan3A_782, %get3A_800 : vector<16xf32>
        %get3A_802 = arith.constant 3 : i32
        %get3A_803 = arith.index_cast %get3A_802 : i32 to index
        %get3A_804 = arith.index_cast %scan3A_780 : i32 to index
        %get3A_805 = arith.constant 32 : index
        %get3A_806 = tpu.vector_load %arg6[%get3A_803, %get3A_804, %get3A_805] {strides = array<i32>} : memref<8x50x128xf32, #tpu.memory_space<vmem>>, vector<1x1x16xf32>,
        %get3A_807 = vector.shape_cast %get3A_806 : vector<1x1x16xf32> to vector<16xf32>
        %add3A_808 = arith.addf %scan3A_783, %get3A_807 : vector<16xf32>
        %get3A_809 = arith.constant 3 : i32
        %get3A_810 = arith.index_cast %get3A_809 : i32 to index
        %get3A_811 = arith.index_cast %scan3A_780 : i32 to index
        %get3A_812 = arith.constant 48 : index
        %get3A_813 = tpu.vector_load %arg6[%get3A_810, %get3A_811, %get3A_812] {strides = array<i32>} : memref<8x50x128xf32, #tpu.memory_space<vmem>>, vector<1x1x16xf32>,
        %get3A_814 = vector.shape_cast %get3A_813 : vector<1x1x16xf32> to vector<16xf32>
        %add3A_815 = arith.addf %scan3A_784, %get3A_814 : vector<16xf32>
        %get3A_816 = arith.constant 3 : i32
        %get3A_817 = arith.index_cast %get3A_816 : i32 to index
        %get3A_818 = arith.index_cast %scan3A_780 : i32 to index
        %get3A_819 = arith.constant 64 : index
        %get3A_820 = tpu.vector_load %arg6[%get3A_817, %get3A_818, %get3A_819] {strides = array<i32>} : memref<8x50x128xf32, #tpu.memory_space<vmem>>, vector<1x1x16xf32>,
        %get3A_821 = vector.shape_cast %get3A_820 : vector<1x1x16xf32> to vector<16xf32>
        %add3A_822 = arith.addf %scan3A_785, %get3A_821 : vector<16xf32>
        %get3A_823 = arith.constant 3 : i32
        %get3A_824 = arith.index_cast %get3A_823 : i32 to index
        %get3A_825 = arith.index_cast %scan3A_780 : i32 to index
        %get3A_826 = arith.constant 80 : index
        %get3A_827 = tpu.vector_load %arg6[%get3A_824, %get3A_825, %get3A_826] {strides = array<i32>} : memref<8x50x128xf32, #tpu.memory_space<vmem>>, vector<1x1x16xf32>,
        %get3A_828 = vector.shape_cast %get3A_827 : vector<1x1x16xf32> to vector<16xf32>
        %add3A_829 = arith.addf %scan3A_786, %get3A_828 : vector<16xf32>
        %get3A_830 = arith.constant 3 : i32
        %get3A_831 = arith.index_cast %get3A_830 : i32 to index
        %get3A_832 = arith.index_cast %scan3A_780 : i32 to index
        %get3A_833 = arith.constant 96 : index
        %get3A_834 = tpu.vector_load %arg6[%get3A_831, %get3A_832, %get3A_833] {strides = array<i32>} : memref<8x50x128xf32, #tpu.memory_space<vmem>>, vector<1x1x16xf32>,
        %get3A_835 = vector.shape_cast %get3A_834 : vector<1x1x16xf32> to vector<16xf32>
        %add3A_836 = arith.addf %scan3A_787, %get3A_835 : vector<16xf32>
        %get3A_837 = arith.constant 3 : i32
        %get3A_838 = arith.index_cast %get3A_837 : i32 to index
        %get3A_839 = arith.index_cast %scan3A_780 : i32 to index
        %get3A_840 = arith.constant 112 : index
        %get3A_841 = tpu.vector_load %arg6[%get3A_838, %get3A_839, %get3A_840] {strides = array<i32>} : memref<8x50x128xf32, #tpu.memory_space<vmem>>, vector<1x1x16xf32>,
        %get3A_842 = vector.shape_cast %get3A_841 : vector<1x1x16xf32> to vector<16xf32>
        %add3A_843 = arith.addf %scan3A_788, %get3A_842 : vector<16xf32>
        %scan3A_844 = arith.constant 1 : i32
        %scan3A_845 = arith.addi %scan3A_780, %scan3A_844 : i32
        %get3A_846 = arith.constant 3 : i32
        %get3A_847 = arith.index_cast %get3A_846 : i32 to index
        %get3A_848 = arith.index_cast %scan3A_845 : i32 to index
        %get3A_849 = arith.constant 0 : index
        %get3A_850 = tpu.vector_load %arg6[%get3A_847, %get3A_848, %get3A_849] {strides = array<i32>} : memref<8x50x128xf32, #tpu.memory_space<vmem>>, vector<1x1x16xf32>,
        %get3A_851 = vector.shape_cast %get3A_850 : vector<1x1x16xf32> to vector<16xf32>
        %add3A_852 = arith.addf %add3A_794, %get3A_851 : vector<16xf32>
        %get3A_853 = arith.constant 3 : i32
        %get3A_854 = arith.index_cast %get3A_853 : i32 to index
        %get3A_855 = arith.index_cast %scan3A_845 : i32 to index
        %get3A_856 = arith.constant 16 : index
        %get3A_857 = tpu.vector_load %arg6[%get3A_854, %get3A_855, %get3A_856] {strides = array<i32>} : memref<8x50x128xf32, #tpu.memory_space<vmem>>, vector<1x1x16xf32>,
        %get3A_858 = vector.shape_cast %get3A_857 : vector<1x1x16xf32> to vector<16xf32>
        %add3A_859 = arith.addf %add3A_801, %get3A_858 : vector<16xf32>
        %get3A_860 = arith.constant 3 : i32
        %get3A_861 = arith.index_cast %get3A_860 : i32 to index
        %get3A_862 = arith.index_cast %scan3A_845 : i32 to index
        %get3A_863 = arith.constant 32 : index
        %get3A_864 = tpu.vector_load %arg6[%get3A_861, %get3A_862, %get3A_863] {strides = array<i32>} : memref<8x50x128xf32, #tpu.memory_space<vmem>>, vector<1x1x16xf32>,
        %get3A_865 = vector.shape_cast %get3A_864 : vector<1x1x16xf32> to vector<16xf32>
        %add3A_866 = arith.addf %add3A_808, %get3A_865 : vector<16xf32>
        %get3A_867 = arith.constant 3 : i32
        %get3A_868 = arith.index_cast %get3A_867 : i32 to index
        %get3A_869 = arith.index_cast %scan3A_845 : i32 to index
        %get3A_870 = arith.constant 48 : index
        %get3A_871 = tpu.vector_load %arg6[%get3A_868, %get3A_869, %get3A_870] {strides = array<i32>} : memref<8x50x128xf32, #tpu.memory_space<vmem>>, vector<1x1x16xf32>,
        %get3A_872 = vector.shape_cast %get3A_871 : vector<1x1x16xf32> to vector<16xf32>
        %add3A_873 = arith.addf %add3A_815, %get3A_872 : vector<16xf32>
        %get3A_874 = arith.constant 3 : i32
        %get3A_875 = arith.index_cast %get3A_874 : i32 to index
        %get3A_876 = arith.index_cast %scan3A_845 : i32 to index
        %get3A_877 = arith.constant 64 : index
        %get3A_878 = tpu.vector_load %arg6[%get3A_875, %get3A_876, %get3A_877] {strides = array<i32>} : memref<8x50x128xf32, #tpu.memory_space<vmem>>, vector<1x1x16xf32>,
        %get3A_879 = vector.shape_cast %get3A_878 : vector<1x1x16xf32> to vector<16xf32>
        %add3A_880 = arith.addf %add3A_822, %get3A_879 : vector<16xf32>
        %get3A_881 = arith.constant 3 : i32
        %get3A_882 = arith.index_cast %get3A_881 : i32 to index
        %get3A_883 = arith.index_cast %scan3A_845 : i32 to index
        %get3A_884 = arith.constant 80 : index
        %get3A_885 = tpu.vector_load %arg6[%get3A_882, %get3A_883, %get3A_884] {strides = array<i32>} : memref<8x50x128xf32, #tpu.memory_space<vmem>>, vector<1x1x16xf32>,
        %get3A_886 = vector.shape_cast %get3A_885 : vector<1x1x16xf32> to vector<16xf32>
        %add3A_887 = arith.addf %add3A_829, %get3A_886 : vector<16xf32>
        %get3A_888 = arith.constant 3 : i32
        %get3A_889 = arith.index_cast %get3A_888 : i32 to index
        %get3A_890 = arith.index_cast %scan3A_845 : i32 to index
        %get3A_891 = arith.constant 96 : index
        %get3A_892 = tpu.vector_load %arg6[%get3A_889, %get3A_890, %get3A_891] {strides = array<i32>} : memref<8x50x128xf32, #tpu.memory_space<vmem>>, vector<1x1x16xf32>,
        %get3A_893 = vector.shape_cast %get3A_892 : vector<1x1x16xf32> to vector<16xf32>
        %add3A_894 = arith.addf %add3A_836, %get3A_893 : vector<16xf32>
        %get3A_895 = arith.constant 3 : i32
        %get3A_896 = arith.index_cast %get3A_895 : i32 to index
        %get3A_897 = arith.index_cast %scan3A_845 : i32 to index
        %get3A_898 = arith.constant 112 : index
        %get3A_899 = tpu.vector_load %arg6[%get3A_896, %get3A_897, %get3A_898] {strides = array<i32>} : memref<8x50x128xf32, #tpu.memory_space<vmem>>, vector<1x1x16xf32>,
        %get3A_900 = vector.shape_cast %get3A_899 : vector<1x1x16xf32> to vector<16xf32>
        %add3A_901 = arith.addf %add3A_843, %get3A_900 : vector<16xf32>
        %scan3A_902 = arith.constant 2 : i32
        %scan3A_903 = arith.addi %scan3A_780, %scan3A_902 : i32
        %get3A_904 = arith.constant 3 : i32
        %get3A_905 = arith.index_cast %get3A_904 : i32 to index
        %get3A_906 = arith.index_cast %scan3A_903 : i32 to index
        %get3A_907 = arith.constant 0 : index
        %get3A_908 = tpu.vector_load %arg6[%get3A_905, %get3A_906, %get3A_907] {strides = array<i32>} : memref<8x50x128xf32, #tpu.memory_space<vmem>>, vector<1x1x16xf32>,
        %get3A_909 = vector.shape_cast %get3A_908 : vector<1x1x16xf32> to vector<16xf32>
        %add3A_910 = arith.addf %add3A_852, %get3A_909 : vector<16xf32>
        %get3A_911 = arith.constant 3 : i32
        %get3A_912 = arith.index_cast %get3A_911 : i32 to index
        %get3A_913 = arith.index_cast %scan3A_903 : i32 to index
        %get3A_914 = arith.constant 16 : index
        %get3A_915 = tpu.vector_load %arg6[%get3A_912, %get3A_913, %get3A_914] {strides = array<i32>} : memref<8x50x128xf32, #tpu.memory_space<vmem>>, vector<1x1x16xf32>,
        %get3A_916 = vector.shape_cast %get3A_915 : vector<1x1x16xf32> to vector<16xf32>
        %add3A_917 = arith.addf %add3A_859, %get3A_916 : vector<16xf32>
        %get3A_918 = arith.constant 3 : i32
        %get3A_919 = arith.index_cast %get3A_918 : i32 to index
        %get3A_920 = arith.index_cast %scan3A_903 : i32 to index
        %get3A_921 = arith.constant 32 : index
        %get3A_922 = tpu.vector_load %arg6[%get3A_919, %get3A_920, %get3A_921] {strides = array<i32>} : memref<8x50x128xf32, #tpu.memory_space<vmem>>, vector<1x1x16xf32>,
        %get3A_923 = vector.shape_cast %get3A_922 : vector<1x1x16xf32> to vector<16xf32>
        %add3A_924 = arith.addf %add3A_866, %get3A_923 : vector<16xf32>
        %get3A_925 = arith.constant 3 : i32
        %get3A_926 = arith.index_cast %get3A_925 : i32 to index
        %get3A_927 = arith.index_cast %scan3A_903 : i32 to index
        %get3A_928 = arith.constant 48 : index
        %get3A_929 = tpu.vector_load %arg6[%get3A_926, %get3A_927, %get3A_928] {strides = array<i32>} : memref<8x50x128xf32, #tpu.memory_space<vmem>>, vector<1x1x16xf32>,
        %get3A_930 = vector.shape_cast %get3A_929 : vector<1x1x16xf32> to vector<16xf32>
        %add3A_931 = arith.addf %add3A_873, %get3A_930 : vector<16xf32>
        %get3A_932 = arith.constant 3 : i32
        %get3A_933 = arith.index_cast %get3A_932 : i32 to index
        %get3A_934 = arith.index_cast %scan3A_903 : i32 to index
        %get3A_935 = arith.constant 64 : index
        %get3A_936 = tpu.vector_load %arg6[%get3A_933, %get3A_934, %get3A_935] {strides = array<i32>} : memref<8x50x128xf32, #tpu.memory_space<vmem>>, vector<1x1x16xf32>,
        %get3A_937 = vector.shape_cast %get3A_936 : vector<1x1x16xf32> to vector<16xf32>
        %add3A_938 = arith.addf %add3A_880, %get3A_937 : vector<16xf32>
        %get3A_939 = arith.constant 3 : i32
        %get3A_940 = arith.index_cast %get3A_939 : i32 to index
        %get3A_941 = arith.index_cast %scan3A_903 : i32 to index
        %get3A_942 = arith.constant 80 : index
        %get3A_943 = tpu.vector_load %arg6[%get3A_940, %get3A_941, %get3A_942] {strides = array<i32>} : memref<8x50x128xf32, #tpu.memory_space<vmem>>, vector<1x1x16xf32>,
        %get3A_944 = vector.shape_cast %get3A_943 : vector<1x1x16xf32> to vector<16xf32>
        %add3A_945 = arith.addf %add3A_887, %get3A_944 : vector<16xf32>
        %get3A_946 = arith.constant 3 : i32
        %get3A_947 = arith.index_cast %get3A_946 : i32 to index
        %get3A_948 = arith.index_cast %scan3A_903 : i32 to index
        %get3A_949 = arith.constant 96 : index
        %get3A_950 = tpu.vector_load %arg6[%get3A_947, %get3A_948, %get3A_949] {strides = array<i32>} : memref<8x50x128xf32, #tpu.memory_space<vmem>>, vector<1x1x16xf32>,
        %get3A_951 = vector.shape_cast %get3A_950 : vector<1x1x16xf32> to vector<16xf32>
        %add3A_952 = arith.addf %add3A_894, %get3A_951 : vector<16xf32>
        %get3A_953 = arith.constant 3 : i32
        %get3A_954 = arith.index_cast %get3A_953 : i32 to index
        %get3A_955 = arith.index_cast %scan3A_903 : i32 to index
        %get3A_956 = arith.constant 112 : index
        %get3A_957 = tpu.vector_load %arg6[%get3A_954, %get3A_955, %get3A_956] {strides = array<i32>} : memref<8x50x128xf32, #tpu.memory_space<vmem>>, vector<1x1x16xf32>,
        %get3A_958 = vector.shape_cast %get3A_957 : vector<1x1x16xf32> to vector<16xf32>
        %add3A_959 = arith.addf %add3A_901, %get3A_958 : vector<16xf32>
        %scan3A_960 = arith.constant 3 : i32
        %scan3A_961 = arith.addi %scan3A_780, %scan3A_960 : i32
        %get3A_962 = arith.constant 3 : i32
        %get3A_963 = arith.index_cast %get3A_962 : i32 to index
        %get3A_964 = arith.index_cast %scan3A_961 : i32 to index
        %get3A_965 = arith.constant 0 : index
        %get3A_966 = tpu.vector_load %arg6[%get3A_963, %get3A_964, %get3A_965] {strides = array<i32>} : memref<8x50x128xf32, #tpu.memory_space<vmem>>, vector<1x1x16xf32>,
        %get3A_967 = vector.shape_cast %get3A_966 : vector<1x1x16xf32> to vector<16xf32>
        %add3A_968 = arith.addf %add3A_910, %get3A_967 : vector<16xf32>
        %get3A_969 = arith.constant 3 : i32
        %get3A_970 = arith.index_cast %get3A_969 : i32 to index
        %get3A_971 = arith.index_cast %scan3A_961 : i32 to index
        %get3A_972 = arith.constant 16 : index
        %get3A_973 = tpu.vector_load %arg6[%get3A_970, %get3A_971, %get3A_972] {strides = array<i32>} : memref<8x50x128xf32, #tpu.memory_space<vmem>>, vector<1x1x16xf32>,
        %get3A_974 = vector.shape_cast %get3A_973 : vector<1x1x16xf32> to vector<16xf32>
        %add3A_975 = arith.addf %add3A_917, %get3A_974 : vector<16xf32>
        %get3A_976 = arith.constant 3 : i32
        %get3A_977 = arith.index_cast %get3A_976 : i32 to index
        %get3A_978 = arith.index_cast %scan3A_961 : i32 to index
        %get3A_979 = arith.constant 32 : index
        %get3A_980 = tpu.vector_load %arg6[%get3A_977, %get3A_978, %get3A_979] {strides = array<i32>} : memref<8x50x128xf32, #tpu.memory_space<vmem>>, vector<1x1x16xf32>,
        %get3A_981 = vector.shape_cast %get3A_980 : vector<1x1x16xf32> to vector<16xf32>
        %add3A_982 = arith.addf %add3A_924, %get3A_981 : vector<16xf32>
        %get3A_983 = arith.constant 3 : i32
        %get3A_984 = arith.index_cast %get3A_983 : i32 to index
        %get3A_985 = arith.index_cast %scan3A_961 : i32 to index
        %get3A_986 = arith.constant 48 : index
        %get3A_987 = tpu.vector_load %arg6[%get3A_984, %get3A_985, %get3A_986] {strides = array<i32>} : memref<8x50x128xf32, #tpu.memory_space<vmem>>, vector<1x1x16xf32>,
        %get3A_988 = vector.shape_cast %get3A_987 : vector<1x1x16xf32> to vector<16xf32>
        %add3A_989 = arith.addf %add3A_931, %get3A_988 : vector<16xf32>
        %get3A_990 = arith.constant 3 : i32
        %get3A_991 = arith.index_cast %get3A_990 : i32 to index
        %get3A_992 = arith.index_cast %scan3A_961 : i32 to index
        %get3A_993 = arith.constant 64 : index
        %get3A_994 = tpu.vector_load %arg6[%get3A_991, %get3A_992, %get3A_993] {strides = array<i32>} : memref<8x50x128xf32, #tpu.memory_space<vmem>>, vector<1x1x16xf32>,
        %get3A_995 = vector.shape_cast %get3A_994 : vector<1x1x16xf32> to vector<16xf32>
        %add3A_996 = arith.addf %add3A_938, %get3A_995 : vector<16xf32>
        %get3A_997 = arith.constant 3 : i32
        %get3A_998 = arith.index_cast %get3A_997 : i32 to index
        %get3A_999 = arith.index_cast %scan3A_961 : i32 to index
        %get3A_1000 = arith.constant 80 : index
        %get3A_1001 = tpu.vector_load %arg6[%get3A_998, %get3A_999, %get3A_1000] {strides = array<i32>} : memref<8x50x128xf32, #tpu.memory_space<vmem>>, vector<1x1x16xf32>,
        %get3A_1002 = vector.shape_cast %get3A_1001 : vector<1x1x16xf32> to vector<16xf32>
        %add3A_1003 = arith.addf %add3A_945, %get3A_1002 : vector<16xf32>
        %get3A_1004 = arith.constant 3 : i32
        %get3A_1005 = arith.index_cast %get3A_1004 : i32 to index
        %get3A_1006 = arith.index_cast %scan3A_961 : i32 to index
        %get3A_1007 = arith.constant 96 : index
        %get3A_1008 = tpu.vector_load %arg6[%get3A_1005, %get3A_1006, %get3A_1007] {strides = array<i32>} : memref<8x50x128xf32, #tpu.memory_space<vmem>>, vector<1x1x16xf32>,
        %get3A_1009 = vector.shape_cast %get3A_1008 : vector<1x1x16xf32> to vector<16xf32>
        %add3A_1010 = arith.addf %add3A_952, %get3A_1009 : vector<16xf32>
        %get3A_1011 = arith.constant 3 : i32
        %get3A_1012 = arith.index_cast %get3A_1011 : i32 to index
        %get3A_1013 = arith.index_cast %scan3A_961 : i32 to index
        %get3A_1014 = arith.constant 112 : index
        %get3A_1015 = tpu.vector_load %arg6[%get3A_1012, %get3A_1013, %get3A_1014] {strides = array<i32>} : memref<8x50x128xf32, #tpu.memory_space<vmem>>, vector<1x1x16xf32>,
        %get3A_1016 = vector.shape_cast %get3A_1015 : vector<1x1x16xf32> to vector<16xf32>
        %add3A_1017 = arith.addf %add3A_959, %get3A_1016 : vector<16xf32>
        %scan3A_1018 = arith.constant 4 : i32
        %scan3A_1019 = arith.addi %scan3A_780, %scan3A_1018 : i32
        %get3A_1020 = arith.constant 3 : i32
        %get3A_1021 = arith.index_cast %get3A_1020 : i32 to index
        %get3A_1022 = arith.index_cast %scan3A_1019 : i32 to index
        %get3A_1023 = arith.constant 0 : index
        %get3A_1024 = tpu.vector_load %arg6[%get3A_1021, %get3A_1022, %get3A_1023] {strides = array<i32>} : memref<8x50x128xf32, #tpu.memory_space<vmem>>, vector<1x1x16xf32>,
        %get3A_1025 = vector.shape_cast %get3A_1024 : vector<1x1x16xf32> to vector<16xf32>
        %add3A_1026 = arith.addf %add3A_968, %get3A_1025 : vector<16xf32>
        %get3A_1027 = arith.constant 3 : i32
        %get3A_1028 = arith.index_cast %get3A_1027 : i32 to index
        %get3A_1029 = arith.index_cast %scan3A_1019 : i32 to index
        %get3A_1030 = arith.constant 16 : index
        %get3A_1031 = tpu.vector_load %arg6[%get3A_1028, %get3A_1029, %get3A_1030] {strides = array<i32>} : memref<8x50x128xf32, #tpu.memory_space<vmem>>, vector<1x1x16xf32>,
        %get3A_1032 = vector.shape_cast %get3A_1031 : vector<1x1x16xf32> to vector<16xf32>
        %add3A_1033 = arith.addf %add3A_975, %get3A_1032 : vector<16xf32>
        %get3A_1034 = arith.constant 3 : i32
        %get3A_1035 = arith.index_cast %get3A_1034 : i32 to index
        %get3A_1036 = arith.index_cast %scan3A_1019 : i32 to index
        %get3A_1037 = arith.constant 32 : index
        %get3A_1038 = tpu.vector_load %arg6[%get3A_1035, %get3A_1036, %get3A_1037] {strides = array<i32>} : memref<8x50x128xf32, #tpu.memory_space<vmem>>, vector<1x1x16xf32>,
        %get3A_1039 = vector.shape_cast %get3A_1038 : vector<1x1x16xf32> to vector<16xf32>
        %add3A_1040 = arith.addf %add3A_982, %get3A_1039 : vector<16xf32>
        %get3A_1041 = arith.constant 3 : i32
        %get3A_1042 = arith.index_cast %get3A_1041 : i32 to index
        %get3A_1043 = arith.index_cast %scan3A_1019 : i32 to index
        %get3A_1044 = arith.constant 48 : index
        %get3A_1045 = tpu.vector_load %arg6[%get3A_1042, %get3A_1043, %get3A_1044] {strides = array<i32>} : memref<8x50x128xf32, #tpu.memory_space<vmem>>, vector<1x1x16xf32>,
        %get3A_1046 = vector.shape_cast %get3A_1045 : vector<1x1x16xf32> to vector<16xf32>
        %add3A_1047 = arith.addf %add3A_989, %get3A_1046 : vector<16xf32>
        %get3A_1048 = arith.constant 3 : i32
        %get3A_1049 = arith.index_cast %get3A_1048 : i32 to index
        %get3A_1050 = arith.index_cast %scan3A_1019 : i32 to index
        %get3A_1051 = arith.constant 64 : index
        %get3A_1052 = tpu.vector_load %arg6[%get3A_1049, %get3A_1050, %get3A_1051] {strides = array<i32>} : memref<8x50x128xf32, #tpu.memory_space<vmem>>, vector<1x1x16xf32>,
        %get3A_1053 = vector.shape_cast %get3A_1052 : vector<1x1x16xf32> to vector<16xf32>
        %add3A_1054 = arith.addf %add3A_996, %get3A_1053 : vector<16xf32>
        %get3A_1055 = arith.constant 3 : i32
        %get3A_1056 = arith.index_cast %get3A_1055 : i32 to index
        %get3A_1057 = arith.index_cast %scan3A_1019 : i32 to index
        %get3A_1058 = arith.constant 80 : index
        %get3A_1059 = tpu.vector_load %arg6[%get3A_1056, %get3A_1057, %get3A_1058] {strides = array<i32>} : memref<8x50x128xf32, #tpu.memory_space<vmem>>, vector<1x1x16xf32>,
        %get3A_1060 = vector.shape_cast %get3A_1059 : vector<1x1x16xf32> to vector<16xf32>
        %add3A_1061 = arith.addf %add3A_1003, %get3A_1060 : vector<16xf32>
        %get3A_1062 = arith.constant 3 : i32
        %get3A_1063 = arith.index_cast %get3A_1062 : i32 to index
        %get3A_1064 = arith.index_cast %scan3A_1019 : i32 to index
        %get3A_1065 = arith.constant 96 : index
        %get3A_1066 = tpu.vector_load %arg6[%get3A_1063, %get3A_1064, %get3A_1065] {strides = array<i32>} : memref<8x50x128xf32, #tpu.memory_space<vmem>>, vector<1x1x16xf32>,
        %get3A_1067 = vector.shape_cast %get3A_1066 : vector<1x1x16xf32> to vector<16xf32>
        %add3A_1068 = arith.addf %add3A_1010, %get3A_1067 : vector<16xf32>
        %get3A_1069 = arith.constant 3 : i32
        %get3A_1070 = arith.index_cast %get3A_1069 : i32 to index
        %get3A_1071 = arith.index_cast %scan3A_1019 : i32 to index
        %get3A_1072 = arith.constant 112 : index
        %get3A_1073 = tpu.vector_load %arg6[%get3A_1070, %get3A_1071, %get3A_1072] {strides = array<i32>} : memref<8x50x128xf32, #tpu.memory_space<vmem>>, vector<1x1x16xf32>,
        %get3A_1074 = vector.shape_cast %get3A_1073 : vector<1x1x16xf32> to vector<16xf32>
        %add3A_1075 = arith.addf %add3A_1017, %get3A_1074 : vector<16xf32>
        scf.yield %add3A_1026, %add3A_1033, %add3A_1040, %add3A_1047, %add3A_1054, %add3A_1061, %add3A_1068, %add3A_1075 : vector<16xf32>, vector<16xf32>, vector<16xf32>, vector<16xf32>, vector<16xf32>, vector<16xf32>, vector<16xf32>, vector<16xf32>
      }
      %scan3A_390 = arith.constant 50 : i32
      %swap3A_391 = arith.index_cast %add3A_368 : i32 to index
      %swap3A_392 = arith.constant 0 : index
      %swap3A_393 = tpu.vector_load %arg7[%swap3A_391, %swap3A_392] {strides = array<i32>} : memref<128x128xf32, #tpu.memory_space<vmem>>, vector<1x16xf32>,
      %swap3A_394 = vector.shape_cast %swap3A_393 : vector<1x16xf32> to vector<16xf32>
      %swap3A_395 = vector.shape_cast %scan3A_389#0 : vector<16xf32> to vector<1x16xf32>
      tpu.vector_store %arg7[%swap3A_391, %swap3A_392], %swap3A_395 {strides = array<i32>} : memref<128x128xf32, #tpu.memory_space<vmem>>, vector<1x16xf32>,
      %swap3A_396 = arith.index_cast %add3A_368 : i32 to index
      %swap3A_397 = arith.constant 16 : index
      %swap3A_398 = tpu.vector_load %arg7[%swap3A_396, %swap3A_397] {strides = array<i32>} : memref<128x128xf32, #tpu.memory_space<vmem>>, vector<1x16xf32>,
      %swap3A_399 = vector.shape_cast %swap3A_398 : vector<1x16xf32> to vector<16xf32>
      %swap3A_400 = vector.shape_cast %scan3A_389#1 : vector<16xf32> to vector<1x16xf32>
      tpu.vector_store %arg7[%swap3A_396, %swap3A_397], %swap3A_400 {strides = array<i32>} : memref<128x128xf32, #tpu.memory_space<vmem>>, vector<1x16xf32>,
      %swap3A_401 = arith.index_cast %add3A_368 : i32 to index
      %swap3A_402 = arith.constant 32 : index
      %swap3A_403 = tpu.vector_load %arg7[%swap3A_401, %swap3A_402] {strides = array<i32>} : memref<128x128xf32, #tpu.memory_space<vmem>>, vector<1x16xf32>,
      %swap3A_404 = vector.shape_cast %swap3A_403 : vector<1x16xf32> to vector<16xf32>
      %swap3A_405 = vector.shape_cast %scan3A_389#2 : vector<16xf32> to vector<1x16xf32>
      tpu.vector_store %arg7[%swap3A_401, %swap3A_402], %swap3A_405 {strides = array<i32>} : memref<128x128xf32, #tpu.memory_space<vmem>>, vector<1x16xf32>,
      %swap3A_406 = arith.index_cast %add3A_368 : i32 to index
      %swap3A_407 = arith.constant 48 : index
      %swap3A_408 = tpu.vector_load %arg7[%swap3A_406, %swap3A_407] {strides = array<i32>} : memref<128x128xf32, #tpu.memory_space<vmem>>, vector<1x16xf32>,
      %swap3A_409 = vector.shape_cast %swap3A_408 : vector<1x16xf32> to vector<16xf32>
      %swap3A_410 = vector.shape_cast %scan3A_389#3 : vector<16xf32> to vector<1x16xf32>
      tpu.vector_store %arg7[%swap3A_406, %swap3A_407], %swap3A_410 {strides = array<i32>} : memref<128x128xf32, #tpu.memory_space<vmem>>, vector<1x16xf32>,
      %swap3A_411 = arith.index_cast %add3A_368 : i32 to index
      %swap3A_412 = arith.constant 64 : index
      %swap3A_413 = tpu.vector_load %arg7[%swap3A_411, %swap3A_412] {strides = array<i32>} : memref<128x128xf32, #tpu.memory_space<vmem>>, vector<1x16xf32>,
      %swap3A_414 = vector.shape_cast %swap3A_413 : vector<1x16xf32> to vector<16xf32>
      %swap3A_415 = vector.shape_cast %scan3A_389#4 : vector<16xf32> to vector<1x16xf32>
      tpu.vector_store %arg7[%swap3A_411, %swap3A_412], %swap3A_415 {strides = array<i32>} : memref<128x128xf32, #tpu.memory_space<vmem>>, vector<1x16xf32>,
      %swap3A_416 = arith.index_cast %add3A_368 : i32 to index
      %swap3A_417 = arith.constant 80 : index
      %swap3A_418 = tpu.vector_load %arg7[%swap3A_416, %swap3A_417] {strides = array<i32>} : memref<128x128xf32, #tpu.memory_space<vmem>>, vector<1x16xf32>,
      %swap3A_419 = vector.shape_cast %swap3A_418 : vector<1x16xf32> to vector<16xf32>
      %swap3A_420 = vector.shape_cast %scan3A_389#5 : vector<16xf32> to vector<1x16xf32>
      tpu.vector_store %arg7[%swap3A_416, %swap3A_417], %swap3A_420 {strides = array<i32>} : memref<128x128xf32, #tpu.memory_space<vmem>>, vector<1x16xf32>,
      %swap3A_421 = arith.index_cast %add3A_368 : i32 to index
      %swap3A_422 = arith.constant 96 : index
      %swap3A_423 = tpu.vector_load %arg7[%swap3A_421, %swap3A_422] {strides = array<i32>} : memref<128x128xf32, #tpu.memory_space<vmem>>, vector<1x16xf32>,
      %swap3A_424 = vector.shape_cast %swap3A_423 : vector<1x16xf32> to vector<16xf32>
      %swap3A_425 = vector.shape_cast %scan3A_389#6 : vector<16xf32> to vector<1x16xf32>
      tpu.vector_store %arg7[%swap3A_421, %swap3A_422], %swap3A_425 {strides = array<i32>} : memref<128x128xf32, #tpu.memory_space<vmem>>, vector<1x16xf32>,
      %swap3A_426 = arith.index_cast %add3A_368 : i32 to index
      %swap3A_427 = arith.constant 112 : index
      %swap3A_428 = tpu.vector_load %arg7[%swap3A_426, %swap3A_427] {strides = array<i32>} : memref<128x128xf32, #tpu.memory_space<vmem>>, vector<1x16xf32>,
      %swap3A_429 = vector.shape_cast %swap3A_428 : vector<1x16xf32> to vector<16xf32>
      %swap3A_430 = vector.shape_cast %scan3A_389#7 : vector<16xf32> to vector<1x16xf32>
      tpu.vector_store %arg7[%swap3A_426, %swap3A_427], %swap3A_430 {strides = array<i32>} : memref<128x128xf32, #tpu.memory_space<vmem>>, vector<1x16xf32>,
      %add3A_431 = arith.constant 8 : i32
      %add3A_432 = arith.addi %mul3A_105, %add3A_431 : i32
      %add3A_433 = arith.constant 3 : i32
      %add3A_434 = arith.addi %add3A_432, %add3A_433 : i32
      %lt3A_435 = arith.constant 128 : i32
      %lt3A_436 = arith.cmpi slt, %add3A_434, %lt3A_435 : i32
      %convert_element_type3A_437 = arith.extui %lt3A_436 : i1 to i32
      %cond3A_438 = arith.constant 0 : i32
      %cond3A_439 = arith.cmpi ne, %convert_element_type3A_437, %cond3A_438 : i32
      scf.if %cond3A_439 {
        %add3A_780 = arith.constant 8 : i32
        %add3A_781 = arith.addi %mul3A_105, %add3A_780 : i32
        %add3A_782 = arith.constant 3 : i32
        %add3A_783 = arith.addi %add3A_781, %add3A_782 : i32
        %dma_start3A_784 = arith.constant 3 : i32
        %dma_start3A_785 = arith.constant 0 : i32
        %dma_start3A_786 = arith.constant 0 : i32
        %dma_start3A_787 = tpu.memref_slice %arg6[%dma_start3A_784, %dma_start3A_785, %dma_start3A_786] : memref<8x50x128xf32, #tpu.memory_space<vmem>> -> memref<1x50x128xf32, #tpu.memory_space<vmem>>
        %dma_start3A_788 = tpu.memref_squeeze %dma_start3A_787 : memref<1x50x128xf32, #tpu.memory_space<vmem>> -> memref<50x128xf32, #tpu.memory_space<vmem>>
        %dma_start3A_789 = arith.constant 0 : i32
        %dma_start3A_790 = tpu.memref_slice %arg5[%add3A_783, %dma_start3A_789] : memref<128x50xi32, #tpu.memory_space<vmem>> -> memref<1x50xi32, #tpu.memory_space<vmem>>
        %dma_start3A_791 = tpu.memref_squeeze %dma_start3A_790 : memref<1x50xi32, #tpu.memory_space<vmem>> -> memref<50xi32, #tpu.memory_space<vmem>>
        %dma_start3A_792 = arith.constant 0 : i32
        %dma_start3A_793 = arith.constant 0 : i32
        %dma_start3A_794 = tpu.memref_slice %arg3[%dma_start3A_792, %dma_start3A_793] : memref<100000x128xf32, #tpu.memory_space<hbm>> -> memref<100000x128xf32, #tpu.memory_space<hbm>>
        tpu.enqueue_indirect_dma source(%dma_start3A_794 : memref<100000x128xf32, #tpu.memory_space<hbm>>) target(%dma_start3A_788 : memref<50x128xf32, #tpu.memory_space<vmem>>) offsets(%dma_start3A_791 : memref<50xi32, #tpu.memory_space<vmem>>) semaphore(%arg11 : memref<!tpu.dma_semaphore, #tpu.memory_space<semaphore_mem>>)
      } else {
      }
      %dma_wait3A_440 = arith.constant 0 : i32
      %dma_wait3A_441 = arith.constant 4 : i32
      %dma_wait3A_442 = arith.constant 0 : i32
      %dma_wait3A_443 = arith.constant 0 : i32
      %dma_wait3A_444 = tpu.memref_slice %arg6[%dma_wait3A_441, %dma_wait3A_442, %dma_wait3A_443] : memref<8x50x128xf32, #tpu.memory_space<vmem>> -> memref<1x50x128xf32, #tpu.memory_space<vmem>>
      %dma_wait3A_445 = tpu.memref_squeeze %dma_wait3A_444 : memref<1x50x128xf32, #tpu.memory_space<vmem>> -> memref<50x128xf32, #tpu.memory_space<vmem>>
      %dma_wait3A_446 = arith.constant 0 : i32
      %dma_wait3A_447 = tpu.memref_slice %arg5[%dma_wait3A_440, %dma_wait3A_446] : memref<128x50xi32, #tpu.memory_space<vmem>> -> memref<1x50xi32, #tpu.memory_space<vmem>>
      %dma_wait3A_448 = tpu.memref_squeeze %dma_wait3A_447 : memref<1x50xi32, #tpu.memory_space<vmem>> -> memref<50xi32, #tpu.memory_space<vmem>>
      %dma_wait3A_449 = arith.constant 0 : i32
      %dma_wait3A_450 = arith.constant 0 : i32
      %dma_wait3A_451 = tpu.memref_slice %arg3[%dma_wait3A_449, %dma_wait3A_450] : memref<100000x128xf32, #tpu.memory_space<hbm>> -> memref<100000x128xf32, #tpu.memory_space<hbm>>
      tpu.wait_indirect_dma semaphore(%arg12 : memref<!tpu.dma_semaphore, #tpu.memory_space<semaphore_mem>>) src(%dma_wait3A_451 : memref<100000x128xf32, #tpu.memory_space<hbm>>) dst(%dma_wait3A_445 : memref<50x128xf32, #tpu.memory_space<vmem>>)
      %add3A_452 = arith.constant 4 : i32
      %add3A_453 = arith.addi %mul3A_105, %add3A_452 : i32
      %broadcast_in_dim3A_454 = arith.constant 0.000000e+00 : f32
      %broadcast_in_dim3A_455 = vector.broadcast %broadcast_in_dim3A_454 : f32 to vector<16xf32>
      %broadcast_in_dim3A_456 = arith.constant 0.000000e+00 : f32
      %broadcast_in_dim3A_457 = vector.broadcast %broadcast_in_dim3A_456 : f32 to vector<16xf32>
      %broadcast_in_dim3A_458 = arith.constant 0.000000e+00 : f32
      %broadcast_in_dim3A_459 = vector.broadcast %broadcast_in_dim3A_458 : f32 to vector<16xf32>
      %broadcast_in_dim3A_460 = arith.constant 0.000000e+00 : f32
      %broadcast_in_dim3A_461 = vector.broadcast %broadcast_in_dim3A_460 : f32 to vector<16xf32>
      %broadcast_in_dim3A_462 = arith.constant 0.000000e+00 : f32
      %broadcast_in_dim3A_463 = vector.broadcast %broadcast_in_dim3A_462 : f32 to vector<16xf32>
      %broadcast_in_dim3A_464 = arith.constant 0.000000e+00 : f32
      %broadcast_in_dim3A_465 = vector.broadcast %broadcast_in_dim3A_464 : f32 to vector<16xf32>
      %broadcast_in_dim3A_466 = arith.constant 0.000000e+00 : f32
      %broadcast_in_dim3A_467 = vector.broadcast %broadcast_in_dim3A_466 : f32 to vector<16xf32>
      %broadcast_in_dim3A_468 = arith.constant 0.000000e+00 : f32
      %broadcast_in_dim3A_469 = vector.broadcast %broadcast_in_dim3A_468 : f32 to vector<16xf32>
      %scan3A_470 = arith.constant 0 : i32
      %scan3A_471 = arith.constant 50 : i32
      %scan3A_472 = arith.addi %scan3A_470, %scan3A_471 : i32
      %scan3A_473 = arith.constant 5 : i32
      %scan3A_474:8 = scf.for %scan3A_780 = %scan3A_470 to %scan3A_472 step %scan3A_473 iter_args(%scan3A_781 = %broadcast_in_dim3A_455, %scan3A_782 = %broadcast_in_dim3A_457, %scan3A_783 = %broadcast_in_dim3A_459, %scan3A_784 = %broadcast_in_dim3A_461, %scan3A_785 = %broadcast_in_dim3A_463, %scan3A_786 = %broadcast_in_dim3A_465, %scan3A_787 = %broadcast_in_dim3A_467, %scan3A_788 = %broadcast_in_dim3A_469) -> (vector<16xf32>, vector<16xf32>, vector<16xf32>, vector<16xf32>, vector<16xf32>, vector<16xf32>, vector<16xf32>, vector<16xf32>)  : i32 {
        %get3A = arith.constant 4 : i32
        %get3A_789 = arith.index_cast %get3A : i32 to index
        %get3A_790 = arith.index_cast %scan3A_780 : i32 to index
        %get3A_791 = arith.constant 0 : index
        %get3A_792 = tpu.vector_load %arg6[%get3A_789, %get3A_790, %get3A_791] {strides = array<i32>} : memref<8x50x128xf32, #tpu.memory_space<vmem>>, vector<1x1x16xf32>,
        %get3A_793 = vector.shape_cast %get3A_792 : vector<1x1x16xf32> to vector<16xf32>
        %add3A_794 = arith.addf %scan3A_781, %get3A_793 : vector<16xf32>
        %get3A_795 = arith.constant 4 : i32
        %get3A_796 = arith.index_cast %get3A_795 : i32 to index
        %get3A_797 = arith.index_cast %scan3A_780 : i32 to index
        %get3A_798 = arith.constant 16 : index
        %get3A_799 = tpu.vector_load %arg6[%get3A_796, %get3A_797, %get3A_798] {strides = array<i32>} : memref<8x50x128xf32, #tpu.memory_space<vmem>>, vector<1x1x16xf32>,
        %get3A_800 = vector.shape_cast %get3A_799 : vector<1x1x16xf32> to vector<16xf32>
        %add3A_801 = arith.addf %scan3A_782, %get3A_800 : vector<16xf32>
        %get3A_802 = arith.constant 4 : i32
        %get3A_803 = arith.index_cast %get3A_802 : i32 to index
        %get3A_804 = arith.index_cast %scan3A_780 : i32 to index
        %get3A_805 = arith.constant 32 : index
        %get3A_806 = tpu.vector_load %arg6[%get3A_803, %get3A_804, %get3A_805] {strides = array<i32>} : memref<8x50x128xf32, #tpu.memory_space<vmem>>, vector<1x1x16xf32>,
        %get3A_807 = vector.shape_cast %get3A_806 : vector<1x1x16xf32> to vector<16xf32>
        %add3A_808 = arith.addf %scan3A_783, %get3A_807 : vector<16xf32>
        %get3A_809 = arith.constant 4 : i32
        %get3A_810 = arith.index_cast %get3A_809 : i32 to index
        %get3A_811 = arith.index_cast %scan3A_780 : i32 to index
        %get3A_812 = arith.constant 48 : index
        %get3A_813 = tpu.vector_load %arg6[%get3A_810, %get3A_811, %get3A_812] {strides = array<i32>} : memref<8x50x128xf32, #tpu.memory_space<vmem>>, vector<1x1x16xf32>,
        %get3A_814 = vector.shape_cast %get3A_813 : vector<1x1x16xf32> to vector<16xf32>
        %add3A_815 = arith.addf %scan3A_784, %get3A_814 : vector<16xf32>
        %get3A_816 = arith.constant 4 : i32
        %get3A_817 = arith.index_cast %get3A_816 : i32 to index
        %get3A_818 = arith.index_cast %scan3A_780 : i32 to index
        %get3A_819 = arith.constant 64 : index
        %get3A_820 = tpu.vector_load %arg6[%get3A_817, %get3A_818, %get3A_819] {strides = array<i32>} : memref<8x50x128xf32, #tpu.memory_space<vmem>>, vector<1x1x16xf32>,
        %get3A_821 = vector.shape_cast %get3A_820 : vector<1x1x16xf32> to vector<16xf32>
        %add3A_822 = arith.addf %scan3A_785, %get3A_821 : vector<16xf32>
        %get3A_823 = arith.constant 4 : i32
        %get3A_824 = arith.index_cast %get3A_823 : i32 to index
        %get3A_825 = arith.index_cast %scan3A_780 : i32 to index
        %get3A_826 = arith.constant 80 : index
        %get3A_827 = tpu.vector_load %arg6[%get3A_824, %get3A_825, %get3A_826] {strides = array<i32>} : memref<8x50x128xf32, #tpu.memory_space<vmem>>, vector<1x1x16xf32>,
        %get3A_828 = vector.shape_cast %get3A_827 : vector<1x1x16xf32> to vector<16xf32>
        %add3A_829 = arith.addf %scan3A_786, %get3A_828 : vector<16xf32>
        %get3A_830 = arith.constant 4 : i32
        %get3A_831 = arith.index_cast %get3A_830 : i32 to index
        %get3A_832 = arith.index_cast %scan3A_780 : i32 to index
        %get3A_833 = arith.constant 96 : index
        %get3A_834 = tpu.vector_load %arg6[%get3A_831, %get3A_832, %get3A_833] {strides = array<i32>} : memref<8x50x128xf32, #tpu.memory_space<vmem>>, vector<1x1x16xf32>,
        %get3A_835 = vector.shape_cast %get3A_834 : vector<1x1x16xf32> to vector<16xf32>
        %add3A_836 = arith.addf %scan3A_787, %get3A_835 : vector<16xf32>
        %get3A_837 = arith.constant 4 : i32
        %get3A_838 = arith.index_cast %get3A_837 : i32 to index
        %get3A_839 = arith.index_cast %scan3A_780 : i32 to index
        %get3A_840 = arith.constant 112 : index
        %get3A_841 = tpu.vector_load %arg6[%get3A_838, %get3A_839, %get3A_840] {strides = array<i32>} : memref<8x50x128xf32, #tpu.memory_space<vmem>>, vector<1x1x16xf32>,
        %get3A_842 = vector.shape_cast %get3A_841 : vector<1x1x16xf32> to vector<16xf32>
        %add3A_843 = arith.addf %scan3A_788, %get3A_842 : vector<16xf32>
        %scan3A_844 = arith.constant 1 : i32
        %scan3A_845 = arith.addi %scan3A_780, %scan3A_844 : i32
        %get3A_846 = arith.constant 4 : i32
        %get3A_847 = arith.index_cast %get3A_846 : i32 to index
        %get3A_848 = arith.index_cast %scan3A_845 : i32 to index
        %get3A_849 = arith.constant 0 : index
        %get3A_850 = tpu.vector_load %arg6[%get3A_847, %get3A_848, %get3A_849] {strides = array<i32>} : memref<8x50x128xf32, #tpu.memory_space<vmem>>, vector<1x1x16xf32>,
        %get3A_851 = vector.shape_cast %get3A_850 : vector<1x1x16xf32> to vector<16xf32>
        %add3A_852 = arith.addf %add3A_794, %get3A_851 : vector<16xf32>
        %get3A_853 = arith.constant 4 : i32
        %get3A_854 = arith.index_cast %get3A_853 : i32 to index
        %get3A_855 = arith.index_cast %scan3A_845 : i32 to index
        %get3A_856 = arith.constant 16 : index
        %get3A_857 = tpu.vector_load %arg6[%get3A_854, %get3A_855, %get3A_856] {strides = array<i32>} : memref<8x50x128xf32, #tpu.memory_space<vmem>>, vector<1x1x16xf32>,
        %get3A_858 = vector.shape_cast %get3A_857 : vector<1x1x16xf32> to vector<16xf32>
        %add3A_859 = arith.addf %add3A_801, %get3A_858 : vector<16xf32>
        %get3A_860 = arith.constant 4 : i32
        %get3A_861 = arith.index_cast %get3A_860 : i32 to index
        %get3A_862 = arith.index_cast %scan3A_845 : i32 to index
        %get3A_863 = arith.constant 32 : index
        %get3A_864 = tpu.vector_load %arg6[%get3A_861, %get3A_862, %get3A_863] {strides = array<i32>} : memref<8x50x128xf32, #tpu.memory_space<vmem>>, vector<1x1x16xf32>,
        %get3A_865 = vector.shape_cast %get3A_864 : vector<1x1x16xf32> to vector<16xf32>
        %add3A_866 = arith.addf %add3A_808, %get3A_865 : vector<16xf32>
        %get3A_867 = arith.constant 4 : i32
        %get3A_868 = arith.index_cast %get3A_867 : i32 to index
        %get3A_869 = arith.index_cast %scan3A_845 : i32 to index
        %get3A_870 = arith.constant 48 : index
        %get3A_871 = tpu.vector_load %arg6[%get3A_868, %get3A_869, %get3A_870] {strides = array<i32>} : memref<8x50x128xf32, #tpu.memory_space<vmem>>, vector<1x1x16xf32>,
        %get3A_872 = vector.shape_cast %get3A_871 : vector<1x1x16xf32> to vector<16xf32>
        %add3A_873 = arith.addf %add3A_815, %get3A_872 : vector<16xf32>
        %get3A_874 = arith.constant 4 : i32
        %get3A_875 = arith.index_cast %get3A_874 : i32 to index
        %get3A_876 = arith.index_cast %scan3A_845 : i32 to index
        %get3A_877 = arith.constant 64 : index
        %get3A_878 = tpu.vector_load %arg6[%get3A_875, %get3A_876, %get3A_877] {strides = array<i32>} : memref<8x50x128xf32, #tpu.memory_space<vmem>>, vector<1x1x16xf32>,
        %get3A_879 = vector.shape_cast %get3A_878 : vector<1x1x16xf32> to vector<16xf32>
        %add3A_880 = arith.addf %add3A_822, %get3A_879 : vector<16xf32>
        %get3A_881 = arith.constant 4 : i32
        %get3A_882 = arith.index_cast %get3A_881 : i32 to index
        %get3A_883 = arith.index_cast %scan3A_845 : i32 to index
        %get3A_884 = arith.constant 80 : index
        %get3A_885 = tpu.vector_load %arg6[%get3A_882, %get3A_883, %get3A_884] {strides = array<i32>} : memref<8x50x128xf32, #tpu.memory_space<vmem>>, vector<1x1x16xf32>,
        %get3A_886 = vector.shape_cast %get3A_885 : vector<1x1x16xf32> to vector<16xf32>
        %add3A_887 = arith.addf %add3A_829, %get3A_886 : vector<16xf32>
        %get3A_888 = arith.constant 4 : i32
        %get3A_889 = arith.index_cast %get3A_888 : i32 to index
        %get3A_890 = arith.index_cast %scan3A_845 : i32 to index
        %get3A_891 = arith.constant 96 : index
        %get3A_892 = tpu.vector_load %arg6[%get3A_889, %get3A_890, %get3A_891] {strides = array<i32>} : memref<8x50x128xf32, #tpu.memory_space<vmem>>, vector<1x1x16xf32>,
        %get3A_893 = vector.shape_cast %get3A_892 : vector<1x1x16xf32> to vector<16xf32>
        %add3A_894 = arith.addf %add3A_836, %get3A_893 : vector<16xf32>
        %get3A_895 = arith.constant 4 : i32
        %get3A_896 = arith.index_cast %get3A_895 : i32 to index
        %get3A_897 = arith.index_cast %scan3A_845 : i32 to index
        %get3A_898 = arith.constant 112 : index
        %get3A_899 = tpu.vector_load %arg6[%get3A_896, %get3A_897, %get3A_898] {strides = array<i32>} : memref<8x50x128xf32, #tpu.memory_space<vmem>>, vector<1x1x16xf32>,
        %get3A_900 = vector.shape_cast %get3A_899 : vector<1x1x16xf32> to vector<16xf32>
        %add3A_901 = arith.addf %add3A_843, %get3A_900 : vector<16xf32>
        %scan3A_902 = arith.constant 2 : i32
        %scan3A_903 = arith.addi %scan3A_780, %scan3A_902 : i32
        %get3A_904 = arith.constant 4 : i32
        %get3A_905 = arith.index_cast %get3A_904 : i32 to index
        %get3A_906 = arith.index_cast %scan3A_903 : i32 to index
        %get3A_907 = arith.constant 0 : index
        %get3A_908 = tpu.vector_load %arg6[%get3A_905, %get3A_906, %get3A_907] {strides = array<i32>} : memref<8x50x128xf32, #tpu.memory_space<vmem>>, vector<1x1x16xf32>,
        %get3A_909 = vector.shape_cast %get3A_908 : vector<1x1x16xf32> to vector<16xf32>
        %add3A_910 = arith.addf %add3A_852, %get3A_909 : vector<16xf32>
        %get3A_911 = arith.constant 4 : i32
        %get3A_912 = arith.index_cast %get3A_911 : i32 to index
        %get3A_913 = arith.index_cast %scan3A_903 : i32 to index
        %get3A_914 = arith.constant 16 : index
        %get3A_915 = tpu.vector_load %arg6[%get3A_912, %get3A_913, %get3A_914] {strides = array<i32>} : memref<8x50x128xf32, #tpu.memory_space<vmem>>, vector<1x1x16xf32>,
        %get3A_916 = vector.shape_cast %get3A_915 : vector<1x1x16xf32> to vector<16xf32>
        %add3A_917 = arith.addf %add3A_859, %get3A_916 : vector<16xf32>
        %get3A_918 = arith.constant 4 : i32
        %get3A_919 = arith.index_cast %get3A_918 : i32 to index
        %get3A_920 = arith.index_cast %scan3A_903 : i32 to index
        %get3A_921 = arith.constant 32 : index
        %get3A_922 = tpu.vector_load %arg6[%get3A_919, %get3A_920, %get3A_921] {strides = array<i32>} : memref<8x50x128xf32, #tpu.memory_space<vmem>>, vector<1x1x16xf32>,
        %get3A_923 = vector.shape_cast %get3A_922 : vector<1x1x16xf32> to vector<16xf32>
        %add3A_924 = arith.addf %add3A_866, %get3A_923 : vector<16xf32>
        %get3A_925 = arith.constant 4 : i32
        %get3A_926 = arith.index_cast %get3A_925 : i32 to index
        %get3A_927 = arith.index_cast %scan3A_903 : i32 to index
        %get3A_928 = arith.constant 48 : index
        %get3A_929 = tpu.vector_load %arg6[%get3A_926, %get3A_927, %get3A_928] {strides = array<i32>} : memref<8x50x128xf32, #tpu.memory_space<vmem>>, vector<1x1x16xf32>,
        %get3A_930 = vector.shape_cast %get3A_929 : vector<1x1x16xf32> to vector<16xf32>
        %add3A_931 = arith.addf %add3A_873, %get3A_930 : vector<16xf32>
        %get3A_932 = arith.constant 4 : i32
        %get3A_933 = arith.index_cast %get3A_932 : i32 to index
        %get3A_934 = arith.index_cast %scan3A_903 : i32 to index
        %get3A_935 = arith.constant 64 : index
        %get3A_936 = tpu.vector_load %arg6[%get3A_933, %get3A_934, %get3A_935] {strides = array<i32>} : memref<8x50x128xf32, #tpu.memory_space<vmem>>, vector<1x1x16xf32>,
        %get3A_937 = vector.shape_cast %get3A_936 : vector<1x1x16xf32> to vector<16xf32>
        %add3A_938 = arith.addf %add3A_880, %get3A_937 : vector<16xf32>
        %get3A_939 = arith.constant 4 : i32
        %get3A_940 = arith.index_cast %get3A_939 : i32 to index
        %get3A_941 = arith.index_cast %scan3A_903 : i32 to index
        %get3A_942 = arith.constant 80 : index
        %get3A_943 = tpu.vector_load %arg6[%get3A_940, %get3A_941, %get3A_942] {strides = array<i32>} : memref<8x50x128xf32, #tpu.memory_space<vmem>>, vector<1x1x16xf32>,
        %get3A_944 = vector.shape_cast %get3A_943 : vector<1x1x16xf32> to vector<16xf32>
        %add3A_945 = arith.addf %add3A_887, %get3A_944 : vector<16xf32>
        %get3A_946 = arith.constant 4 : i32
        %get3A_947 = arith.index_cast %get3A_946 : i32 to index
        %get3A_948 = arith.index_cast %scan3A_903 : i32 to index
        %get3A_949 = arith.constant 96 : index
        %get3A_950 = tpu.vector_load %arg6[%get3A_947, %get3A_948, %get3A_949] {strides = array<i32>} : memref<8x50x128xf32, #tpu.memory_space<vmem>>, vector<1x1x16xf32>,
        %get3A_951 = vector.shape_cast %get3A_950 : vector<1x1x16xf32> to vector<16xf32>
        %add3A_952 = arith.addf %add3A_894, %get3A_951 : vector<16xf32>
        %get3A_953 = arith.constant 4 : i32
        %get3A_954 = arith.index_cast %get3A_953 : i32 to index
        %get3A_955 = arith.index_cast %scan3A_903 : i32 to index
        %get3A_956 = arith.constant 112 : index
        %get3A_957 = tpu.vector_load %arg6[%get3A_954, %get3A_955, %get3A_956] {strides = array<i32>} : memref<8x50x128xf32, #tpu.memory_space<vmem>>, vector<1x1x16xf32>,
        %get3A_958 = vector.shape_cast %get3A_957 : vector<1x1x16xf32> to vector<16xf32>
        %add3A_959 = arith.addf %add3A_901, %get3A_958 : vector<16xf32>
        %scan3A_960 = arith.constant 3 : i32
        %scan3A_961 = arith.addi %scan3A_780, %scan3A_960 : i32
        %get3A_962 = arith.constant 4 : i32
        %get3A_963 = arith.index_cast %get3A_962 : i32 to index
        %get3A_964 = arith.index_cast %scan3A_961 : i32 to index
        %get3A_965 = arith.constant 0 : index
        %get3A_966 = tpu.vector_load %arg6[%get3A_963, %get3A_964, %get3A_965] {strides = array<i32>} : memref<8x50x128xf32, #tpu.memory_space<vmem>>, vector<1x1x16xf32>,
        %get3A_967 = vector.shape_cast %get3A_966 : vector<1x1x16xf32> to vector<16xf32>
        %add3A_968 = arith.addf %add3A_910, %get3A_967 : vector<16xf32>
        %get3A_969 = arith.constant 4 : i32
        %get3A_970 = arith.index_cast %get3A_969 : i32 to index
        %get3A_971 = arith.index_cast %scan3A_961 : i32 to index
        %get3A_972 = arith.constant 16 : index
        %get3A_973 = tpu.vector_load %arg6[%get3A_970, %get3A_971, %get3A_972] {strides = array<i32>} : memref<8x50x128xf32, #tpu.memory_space<vmem>>, vector<1x1x16xf32>,
        %get3A_974 = vector.shape_cast %get3A_973 : vector<1x1x16xf32> to vector<16xf32>
        %add3A_975 = arith.addf %add3A_917, %get3A_974 : vector<16xf32>
        %get3A_976 = arith.constant 4 : i32
        %get3A_977 = arith.index_cast %get3A_976 : i32 to index
        %get3A_978 = arith.index_cast %scan3A_961 : i32 to index
        %get3A_979 = arith.constant 32 : index
        %get3A_980 = tpu.vector_load %arg6[%get3A_977, %get3A_978, %get3A_979] {strides = array<i32>} : memref<8x50x128xf32, #tpu.memory_space<vmem>>, vector<1x1x16xf32>,
        %get3A_981 = vector.shape_cast %get3A_980 : vector<1x1x16xf32> to vector<16xf32>
        %add3A_982 = arith.addf %add3A_924, %get3A_981 : vector<16xf32>
        %get3A_983 = arith.constant 4 : i32
        %get3A_984 = arith.index_cast %get3A_983 : i32 to index
        %get3A_985 = arith.index_cast %scan3A_961 : i32 to index
        %get3A_986 = arith.constant 48 : index
        %get3A_987 = tpu.vector_load %arg6[%get3A_984, %get3A_985, %get3A_986] {strides = array<i32>} : memref<8x50x128xf32, #tpu.memory_space<vmem>>, vector<1x1x16xf32>,
        %get3A_988 = vector.shape_cast %get3A_987 : vector<1x1x16xf32> to vector<16xf32>
        %add3A_989 = arith.addf %add3A_931, %get3A_988 : vector<16xf32>
        %get3A_990 = arith.constant 4 : i32
        %get3A_991 = arith.index_cast %get3A_990 : i32 to index
        %get3A_992 = arith.index_cast %scan3A_961 : i32 to index
        %get3A_993 = arith.constant 64 : index
        %get3A_994 = tpu.vector_load %arg6[%get3A_991, %get3A_992, %get3A_993] {strides = array<i32>} : memref<8x50x128xf32, #tpu.memory_space<vmem>>, vector<1x1x16xf32>,
        %get3A_995 = vector.shape_cast %get3A_994 : vector<1x1x16xf32> to vector<16xf32>
        %add3A_996 = arith.addf %add3A_938, %get3A_995 : vector<16xf32>
        %get3A_997 = arith.constant 4 : i32
        %get3A_998 = arith.index_cast %get3A_997 : i32 to index
        %get3A_999 = arith.index_cast %scan3A_961 : i32 to index
        %get3A_1000 = arith.constant 80 : index
        %get3A_1001 = tpu.vector_load %arg6[%get3A_998, %get3A_999, %get3A_1000] {strides = array<i32>} : memref<8x50x128xf32, #tpu.memory_space<vmem>>, vector<1x1x16xf32>,
        %get3A_1002 = vector.shape_cast %get3A_1001 : vector<1x1x16xf32> to vector<16xf32>
        %add3A_1003 = arith.addf %add3A_945, %get3A_1002 : vector<16xf32>
        %get3A_1004 = arith.constant 4 : i32
        %get3A_1005 = arith.index_cast %get3A_1004 : i32 to index
        %get3A_1006 = arith.index_cast %scan3A_961 : i32 to index
        %get3A_1007 = arith.constant 96 : index
        %get3A_1008 = tpu.vector_load %arg6[%get3A_1005, %get3A_1006, %get3A_1007] {strides = array<i32>} : memref<8x50x128xf32, #tpu.memory_space<vmem>>, vector<1x1x16xf32>,
        %get3A_1009 = vector.shape_cast %get3A_1008 : vector<1x1x16xf32> to vector<16xf32>
        %add3A_1010 = arith.addf %add3A_952, %get3A_1009 : vector<16xf32>
        %get3A_1011 = arith.constant 4 : i32
        %get3A_1012 = arith.index_cast %get3A_1011 : i32 to index
        %get3A_1013 = arith.index_cast %scan3A_961 : i32 to index
        %get3A_1014 = arith.constant 112 : index
        %get3A_1015 = tpu.vector_load %arg6[%get3A_1012, %get3A_1013, %get3A_1014] {strides = array<i32>} : memref<8x50x128xf32, #tpu.memory_space<vmem>>, vector<1x1x16xf32>,
        %get3A_1016 = vector.shape_cast %get3A_1015 : vector<1x1x16xf32> to vector<16xf32>
        %add3A_1017 = arith.addf %add3A_959, %get3A_1016 : vector<16xf32>
        %scan3A_1018 = arith.constant 4 : i32
        %scan3A_1019 = arith.addi %scan3A_780, %scan3A_1018 : i32
        %get3A_1020 = arith.constant 4 : i32
        %get3A_1021 = arith.index_cast %get3A_1020 : i32 to index
        %get3A_1022 = arith.index_cast %scan3A_1019 : i32 to index
        %get3A_1023 = arith.constant 0 : index
        %get3A_1024 = tpu.vector_load %arg6[%get3A_1021, %get3A_1022, %get3A_1023] {strides = array<i32>} : memref<8x50x128xf32, #tpu.memory_space<vmem>>, vector<1x1x16xf32>,
        %get3A_1025 = vector.shape_cast %get3A_1024 : vector<1x1x16xf32> to vector<16xf32>
        %add3A_1026 = arith.addf %add3A_968, %get3A_1025 : vector<16xf32>
        %get3A_1027 = arith.constant 4 : i32
        %get3A_1028 = arith.index_cast %get3A_1027 : i32 to index
        %get3A_1029 = arith.index_cast %scan3A_1019 : i32 to index
        %get3A_1030 = arith.constant 16 : index
        %get3A_1031 = tpu.vector_load %arg6[%get3A_1028, %get3A_1029, %get3A_1030] {strides = array<i32>} : memref<8x50x128xf32, #tpu.memory_space<vmem>>, vector<1x1x16xf32>,
        %get3A_1032 = vector.shape_cast %get3A_1031 : vector<1x1x16xf32> to vector<16xf32>
        %add3A_1033 = arith.addf %add3A_975, %get3A_1032 : vector<16xf32>
        %get3A_1034 = arith.constant 4 : i32
        %get3A_1035 = arith.index_cast %get3A_1034 : i32 to index
        %get3A_1036 = arith.index_cast %scan3A_1019 : i32 to index
        %get3A_1037 = arith.constant 32 : index
        %get3A_1038 = tpu.vector_load %arg6[%get3A_1035, %get3A_1036, %get3A_1037] {strides = array<i32>} : memref<8x50x128xf32, #tpu.memory_space<vmem>>, vector<1x1x16xf32>,
        %get3A_1039 = vector.shape_cast %get3A_1038 : vector<1x1x16xf32> to vector<16xf32>
        %add3A_1040 = arith.addf %add3A_982, %get3A_1039 : vector<16xf32>
        %get3A_1041 = arith.constant 4 : i32
        %get3A_1042 = arith.index_cast %get3A_1041 : i32 to index
        %get3A_1043 = arith.index_cast %scan3A_1019 : i32 to index
        %get3A_1044 = arith.constant 48 : index
        %get3A_1045 = tpu.vector_load %arg6[%get3A_1042, %get3A_1043, %get3A_1044] {strides = array<i32>} : memref<8x50x128xf32, #tpu.memory_space<vmem>>, vector<1x1x16xf32>,
        %get3A_1046 = vector.shape_cast %get3A_1045 : vector<1x1x16xf32> to vector<16xf32>
        %add3A_1047 = arith.addf %add3A_989, %get3A_1046 : vector<16xf32>
        %get3A_1048 = arith.constant 4 : i32
        %get3A_1049 = arith.index_cast %get3A_1048 : i32 to index
        %get3A_1050 = arith.index_cast %scan3A_1019 : i32 to index
        %get3A_1051 = arith.constant 64 : index
        %get3A_1052 = tpu.vector_load %arg6[%get3A_1049, %get3A_1050, %get3A_1051] {strides = array<i32>} : memref<8x50x128xf32, #tpu.memory_space<vmem>>, vector<1x1x16xf32>,
        %get3A_1053 = vector.shape_cast %get3A_1052 : vector<1x1x16xf32> to vector<16xf32>
        %add3A_1054 = arith.addf %add3A_996, %get3A_1053 : vector<16xf32>
        %get3A_1055 = arith.constant 4 : i32
        %get3A_1056 = arith.index_cast %get3A_1055 : i32 to index
        %get3A_1057 = arith.index_cast %scan3A_1019 : i32 to index
        %get3A_1058 = arith.constant 80 : index
        %get3A_1059 = tpu.vector_load %arg6[%get3A_1056, %get3A_1057, %get3A_1058] {strides = array<i32>} : memref<8x50x128xf32, #tpu.memory_space<vmem>>, vector<1x1x16xf32>,
        %get3A_1060 = vector.shape_cast %get3A_1059 : vector<1x1x16xf32> to vector<16xf32>
        %add3A_1061 = arith.addf %add3A_1003, %get3A_1060 : vector<16xf32>
        %get3A_1062 = arith.constant 4 : i32
        %get3A_1063 = arith.index_cast %get3A_1062 : i32 to index
        %get3A_1064 = arith.index_cast %scan3A_1019 : i32 to index
        %get3A_1065 = arith.constant 96 : index
        %get3A_1066 = tpu.vector_load %arg6[%get3A_1063, %get3A_1064, %get3A_1065] {strides = array<i32>} : memref<8x50x128xf32, #tpu.memory_space<vmem>>, vector<1x1x16xf32>,
        %get3A_1067 = vector.shape_cast %get3A_1066 : vector<1x1x16xf32> to vector<16xf32>
        %add3A_1068 = arith.addf %add3A_1010, %get3A_1067 : vector<16xf32>
        %get3A_1069 = arith.constant 4 : i32
        %get3A_1070 = arith.index_cast %get3A_1069 : i32 to index
        %get3A_1071 = arith.index_cast %scan3A_1019 : i32 to index
        %get3A_1072 = arith.constant 112 : index
        %get3A_1073 = tpu.vector_load %arg6[%get3A_1070, %get3A_1071, %get3A_1072] {strides = array<i32>} : memref<8x50x128xf32, #tpu.memory_space<vmem>>, vector<1x1x16xf32>,
        %get3A_1074 = vector.shape_cast %get3A_1073 : vector<1x1x16xf32> to vector<16xf32>
        %add3A_1075 = arith.addf %add3A_1017, %get3A_1074 : vector<16xf32>
        scf.yield %add3A_1026, %add3A_1033, %add3A_1040, %add3A_1047, %add3A_1054, %add3A_1061, %add3A_1068, %add3A_1075 : vector<16xf32>, vector<16xf32>, vector<16xf32>, vector<16xf32>, vector<16xf32>, vector<16xf32>, vector<16xf32>, vector<16xf32>
      }
      %scan3A_475 = arith.constant 50 : i32
      %swap3A_476 = arith.index_cast %add3A_453 : i32 to index
      %swap3A_477 = arith.constant 0 : index
      %swap3A_478 = tpu.vector_load %arg7[%swap3A_476, %swap3A_477] {strides = array<i32>} : memref<128x128xf32, #tpu.memory_space<vmem>>, vector<1x16xf32>,
      %swap3A_479 = vector.shape_cast %swap3A_478 : vector<1x16xf32> to vector<16xf32>
      %swap3A_480 = vector.shape_cast %scan3A_474#0 : vector<16xf32> to vector<1x16xf32>
      tpu.vector_store %arg7[%swap3A_476, %swap3A_477], %swap3A_480 {strides = array<i32>} : memref<128x128xf32, #tpu.memory_space<vmem>>, vector<1x16xf32>,
      %swap3A_481 = arith.index_cast %add3A_453 : i32 to index
      %swap3A_482 = arith.constant 16 : index
      %swap3A_483 = tpu.vector_load %arg7[%swap3A_481, %swap3A_482] {strides = array<i32>} : memref<128x128xf32, #tpu.memory_space<vmem>>, vector<1x16xf32>,
      %swap3A_484 = vector.shape_cast %swap3A_483 : vector<1x16xf32> to vector<16xf32>
      %swap3A_485 = vector.shape_cast %scan3A_474#1 : vector<16xf32> to vector<1x16xf32>
      tpu.vector_store %arg7[%swap3A_481, %swap3A_482], %swap3A_485 {strides = array<i32>} : memref<128x128xf32, #tpu.memory_space<vmem>>, vector<1x16xf32>,
      %swap3A_486 = arith.index_cast %add3A_453 : i32 to index
      %swap3A_487 = arith.constant 32 : index
      %swap3A_488 = tpu.vector_load %arg7[%swap3A_486, %swap3A_487] {strides = array<i32>} : memref<128x128xf32, #tpu.memory_space<vmem>>, vector<1x16xf32>,
      %swap3A_489 = vector.shape_cast %swap3A_488 : vector<1x16xf32> to vector<16xf32>
      %swap3A_490 = vector.shape_cast %scan3A_474#2 : vector<16xf32> to vector<1x16xf32>
      tpu.vector_store %arg7[%swap3A_486, %swap3A_487], %swap3A_490 {strides = array<i32>} : memref<128x128xf32, #tpu.memory_space<vmem>>, vector<1x16xf32>,
      %swap3A_491 = arith.index_cast %add3A_453 : i32 to index
      %swap3A_492 = arith.constant 48 : index
      %swap3A_493 = tpu.vector_load %arg7[%swap3A_491, %swap3A_492] {strides = array<i32>} : memref<128x128xf32, #tpu.memory_space<vmem>>, vector<1x16xf32>,
      %swap3A_494 = vector.shape_cast %swap3A_493 : vector<1x16xf32> to vector<16xf32>
      %swap3A_495 = vector.shape_cast %scan3A_474#3 : vector<16xf32> to vector<1x16xf32>
      tpu.vector_store %arg7[%swap3A_491, %swap3A_492], %swap3A_495 {strides = array<i32>} : memref<128x128xf32, #tpu.memory_space<vmem>>, vector<1x16xf32>,
      %swap3A_496 = arith.index_cast %add3A_453 : i32 to index
      %swap3A_497 = arith.constant 64 : index
      %swap3A_498 = tpu.vector_load %arg7[%swap3A_496, %swap3A_497] {strides = array<i32>} : memref<128x128xf32, #tpu.memory_space<vmem>>, vector<1x16xf32>,
      %swap3A_499 = vector.shape_cast %swap3A_498 : vector<1x16xf32> to vector<16xf32>
      %swap3A_500 = vector.shape_cast %scan3A_474#4 : vector<16xf32> to vector<1x16xf32>
      tpu.vector_store %arg7[%swap3A_496, %swap3A_497], %swap3A_500 {strides = array<i32>} : memref<128x128xf32, #tpu.memory_space<vmem>>, vector<1x16xf32>,
      %swap3A_501 = arith.index_cast %add3A_453 : i32 to index
      %swap3A_502 = arith.constant 80 : index
      %swap3A_503 = tpu.vector_load %arg7[%swap3A_501, %swap3A_502] {strides = array<i32>} : memref<128x128xf32, #tpu.memory_space<vmem>>, vector<1x16xf32>,
      %swap3A_504 = vector.shape_cast %swap3A_503 : vector<1x16xf32> to vector<16xf32>
      %swap3A_505 = vector.shape_cast %scan3A_474#5 : vector<16xf32> to vector<1x16xf32>
      tpu.vector_store %arg7[%swap3A_501, %swap3A_502], %swap3A_505 {strides = array<i32>} : memref<128x128xf32, #tpu.memory_space<vmem>>, vector<1x16xf32>,
      %swap3A_506 = arith.index_cast %add3A_453 : i32 to index
      %swap3A_507 = arith.constant 96 : index
      %swap3A_508 = tpu.vector_load %arg7[%swap3A_506, %swap3A_507] {strides = array<i32>} : memref<128x128xf32, #tpu.memory_space<vmem>>, vector<1x16xf32>,
      %swap3A_509 = vector.shape_cast %swap3A_508 : vector<1x16xf32> to vector<16xf32>
      %swap3A_510 = vector.shape_cast %scan3A_474#6 : vector<16xf32> to vector<1x16xf32>
      tpu.vector_store %arg7[%swap3A_506, %swap3A_507], %swap3A_510 {strides = array<i32>} : memref<128x128xf32, #tpu.memory_space<vmem>>, vector<1x16xf32>,
      %swap3A_511 = arith.index_cast %add3A_453 : i32 to index
      %swap3A_512 = arith.constant 112 : index
      %swap3A_513 = tpu.vector_load %arg7[%swap3A_511, %swap3A_512] {strides = array<i32>} : memref<128x128xf32, #tpu.memory_space<vmem>>, vector<1x16xf32>,
      %swap3A_514 = vector.shape_cast %swap3A_513 : vector<1x16xf32> to vector<16xf32>
      %swap3A_515 = vector.shape_cast %scan3A_474#7 : vector<16xf32> to vector<1x16xf32>
      tpu.vector_store %arg7[%swap3A_511, %swap3A_512], %swap3A_515 {strides = array<i32>} : memref<128x128xf32, #tpu.memory_space<vmem>>, vector<1x16xf32>,
      %add3A_516 = arith.constant 8 : i32
      %add3A_517 = arith.addi %mul3A_105, %add3A_516 : i32
      %add3A_518 = arith.constant 4 : i32
      %add3A_519 = arith.addi %add3A_517, %add3A_518 : i32
      %lt3A_520 = arith.constant 128 : i32
      %lt3A_521 = arith.cmpi slt, %add3A_519, %lt3A_520 : i32
      %convert_element_type3A_522 = arith.extui %lt3A_521 : i1 to i32
      %cond3A_523 = arith.constant 0 : i32
      %cond3A_524 = arith.cmpi ne, %convert_element_type3A_522, %cond3A_523 : i32
      scf.if %cond3A_524 {
        %add3A_780 = arith.constant 8 : i32
        %add3A_781 = arith.addi %mul3A_105, %add3A_780 : i32
        %add3A_782 = arith.constant 4 : i32
        %add3A_783 = arith.addi %add3A_781, %add3A_782 : i32
        %dma_start3A_784 = arith.constant 4 : i32
        %dma_start3A_785 = arith.constant 0 : i32
        %dma_start3A_786 = arith.constant 0 : i32
        %dma_start3A_787 = tpu.memref_slice %arg6[%dma_start3A_784, %dma_start3A_785, %dma_start3A_786] : memref<8x50x128xf32, #tpu.memory_space<vmem>> -> memref<1x50x128xf32, #tpu.memory_space<vmem>>
        %dma_start3A_788 = tpu.memref_squeeze %dma_start3A_787 : memref<1x50x128xf32, #tpu.memory_space<vmem>> -> memref<50x128xf32, #tpu.memory_space<vmem>>
        %dma_start3A_789 = arith.constant 0 : i32
        %dma_start3A_790 = tpu.memref_slice %arg5[%add3A_783, %dma_start3A_789] : memref<128x50xi32, #tpu.memory_space<vmem>> -> memref<1x50xi32, #tpu.memory_space<vmem>>
        %dma_start3A_791 = tpu.memref_squeeze %dma_start3A_790 : memref<1x50xi32, #tpu.memory_space<vmem>> -> memref<50xi32, #tpu.memory_space<vmem>>
        %dma_start3A_792 = arith.constant 0 : i32
        %dma_start3A_793 = arith.constant 0 : i32
        %dma_start3A_794 = tpu.memref_slice %arg3[%dma_start3A_792, %dma_start3A_793] : memref<100000x128xf32, #tpu.memory_space<hbm>> -> memref<100000x128xf32, #tpu.memory_space<hbm>>
        tpu.enqueue_indirect_dma source(%dma_start3A_794 : memref<100000x128xf32, #tpu.memory_space<hbm>>) target(%dma_start3A_788 : memref<50x128xf32, #tpu.memory_space<vmem>>) offsets(%dma_start3A_791 : memref<50xi32, #tpu.memory_space<vmem>>) semaphore(%arg12 : memref<!tpu.dma_semaphore, #tpu.memory_space<semaphore_mem>>)
      } else {
      }
      %dma_wait3A_525 = arith.constant 0 : i32
      %dma_wait3A_526 = arith.constant 5 : i32
      %dma_wait3A_527 = arith.constant 0 : i32
      %dma_wait3A_528 = arith.constant 0 : i32
      %dma_wait3A_529 = tpu.memref_slice %arg6[%dma_wait3A_526, %dma_wait3A_527, %dma_wait3A_528] : memref<8x50x128xf32, #tpu.memory_space<vmem>> -> memref<1x50x128xf32, #tpu.memory_space<vmem>>
      %dma_wait3A_530 = tpu.memref_squeeze %dma_wait3A_529 : memref<1x50x128xf32, #tpu.memory_space<vmem>> -> memref<50x128xf32, #tpu.memory_space<vmem>>
      %dma_wait3A_531 = arith.constant 0 : i32
      %dma_wait3A_532 = tpu.memref_slice %arg5[%dma_wait3A_525, %dma_wait3A_531] : memref<128x50xi32, #tpu.memory_space<vmem>> -> memref<1x50xi32, #tpu.memory_space<vmem>>
      %dma_wait3A_533 = tpu.memref_squeeze %dma_wait3A_532 : memref<1x50xi32, #tpu.memory_space<vmem>> -> memref<50xi32, #tpu.memory_space<vmem>>
      %dma_wait3A_534 = arith.constant 0 : i32
      %dma_wait3A_535 = arith.constant 0 : i32
      %dma_wait3A_536 = tpu.memref_slice %arg3[%dma_wait3A_534, %dma_wait3A_535] : memref<100000x128xf32, #tpu.memory_space<hbm>> -> memref<100000x128xf32, #tpu.memory_space<hbm>>
      tpu.wait_indirect_dma semaphore(%arg13 : memref<!tpu.dma_semaphore, #tpu.memory_space<semaphore_mem>>) src(%dma_wait3A_536 : memref<100000x128xf32, #tpu.memory_space<hbm>>) dst(%dma_wait3A_530 : memref<50x128xf32, #tpu.memory_space<vmem>>)
      %add3A_537 = arith.constant 5 : i32
      %add3A_538 = arith.addi %mul3A_105, %add3A_537 : i32
      %broadcast_in_dim3A_539 = arith.constant 0.000000e+00 : f32
      %broadcast_in_dim3A_540 = vector.broadcast %broadcast_in_dim3A_539 : f32 to vector<16xf32>
      %broadcast_in_dim3A_541 = arith.constant 0.000000e+00 : f32
      %broadcast_in_dim3A_542 = vector.broadcast %broadcast_in_dim3A_541 : f32 to vector<16xf32>
      %broadcast_in_dim3A_543 = arith.constant 0.000000e+00 : f32
      %broadcast_in_dim3A_544 = vector.broadcast %broadcast_in_dim3A_543 : f32 to vector<16xf32>
      %broadcast_in_dim3A_545 = arith.constant 0.000000e+00 : f32
      %broadcast_in_dim3A_546 = vector.broadcast %broadcast_in_dim3A_545 : f32 to vector<16xf32>
      %broadcast_in_dim3A_547 = arith.constant 0.000000e+00 : f32
      %broadcast_in_dim3A_548 = vector.broadcast %broadcast_in_dim3A_547 : f32 to vector<16xf32>
      %broadcast_in_dim3A_549 = arith.constant 0.000000e+00 : f32
      %broadcast_in_dim3A_550 = vector.broadcast %broadcast_in_dim3A_549 : f32 to vector<16xf32>
      %broadcast_in_dim3A_551 = arith.constant 0.000000e+00 : f32
      %broadcast_in_dim3A_552 = vector.broadcast %broadcast_in_dim3A_551 : f32 to vector<16xf32>
      %broadcast_in_dim3A_553 = arith.constant 0.000000e+00 : f32
      %broadcast_in_dim3A_554 = vector.broadcast %broadcast_in_dim3A_553 : f32 to vector<16xf32>
      %scan3A_555 = arith.constant 0 : i32
      %scan3A_556 = arith.constant 50 : i32
      %scan3A_557 = arith.addi %scan3A_555, %scan3A_556 : i32
      %scan3A_558 = arith.constant 5 : i32
      %scan3A_559:8 = scf.for %scan3A_780 = %scan3A_555 to %scan3A_557 step %scan3A_558 iter_args(%scan3A_781 = %broadcast_in_dim3A_540, %scan3A_782 = %broadcast_in_dim3A_542, %scan3A_783 = %broadcast_in_dim3A_544, %scan3A_784 = %broadcast_in_dim3A_546, %scan3A_785 = %broadcast_in_dim3A_548, %scan3A_786 = %broadcast_in_dim3A_550, %scan3A_787 = %broadcast_in_dim3A_552, %scan3A_788 = %broadcast_in_dim3A_554) -> (vector<16xf32>, vector<16xf32>, vector<16xf32>, vector<16xf32>, vector<16xf32>, vector<16xf32>, vector<16xf32>, vector<16xf32>)  : i32 {
        %get3A = arith.constant 5 : i32
        %get3A_789 = arith.index_cast %get3A : i32 to index
        %get3A_790 = arith.index_cast %scan3A_780 : i32 to index
        %get3A_791 = arith.constant 0 : index
        %get3A_792 = tpu.vector_load %arg6[%get3A_789, %get3A_790, %get3A_791] {strides = array<i32>} : memref<8x50x128xf32, #tpu.memory_space<vmem>>, vector<1x1x16xf32>,
        %get3A_793 = vector.shape_cast %get3A_792 : vector<1x1x16xf32> to vector<16xf32>
        %add3A_794 = arith.addf %scan3A_781, %get3A_793 : vector<16xf32>
        %get3A_795 = arith.constant 5 : i32
        %get3A_796 = arith.index_cast %get3A_795 : i32 to index
        %get3A_797 = arith.index_cast %scan3A_780 : i32 to index
        %get3A_798 = arith.constant 16 : index
        %get3A_799 = tpu.vector_load %arg6[%get3A_796, %get3A_797, %get3A_798] {strides = array<i32>} : memref<8x50x128xf32, #tpu.memory_space<vmem>>, vector<1x1x16xf32>,
        %get3A_800 = vector.shape_cast %get3A_799 : vector<1x1x16xf32> to vector<16xf32>
        %add3A_801 = arith.addf %scan3A_782, %get3A_800 : vector<16xf32>
        %get3A_802 = arith.constant 5 : i32
        %get3A_803 = arith.index_cast %get3A_802 : i32 to index
        %get3A_804 = arith.index_cast %scan3A_780 : i32 to index
        %get3A_805 = arith.constant 32 : index
        %get3A_806 = tpu.vector_load %arg6[%get3A_803, %get3A_804, %get3A_805] {strides = array<i32>} : memref<8x50x128xf32, #tpu.memory_space<vmem>>, vector<1x1x16xf32>,
        %get3A_807 = vector.shape_cast %get3A_806 : vector<1x1x16xf32> to vector<16xf32>
        %add3A_808 = arith.addf %scan3A_783, %get3A_807 : vector<16xf32>
        %get3A_809 = arith.constant 5 : i32
        %get3A_810 = arith.index_cast %get3A_809 : i32 to index
        %get3A_811 = arith.index_cast %scan3A_780 : i32 to index
        %get3A_812 = arith.constant 48 : index
        %get3A_813 = tpu.vector_load %arg6[%get3A_810, %get3A_811, %get3A_812] {strides = array<i32>} : memref<8x50x128xf32, #tpu.memory_space<vmem>>, vector<1x1x16xf32>,
        %get3A_814 = vector.shape_cast %get3A_813 : vector<1x1x16xf32> to vector<16xf32>
        %add3A_815 = arith.addf %scan3A_784, %get3A_814 : vector<16xf32>
        %get3A_816 = arith.constant 5 : i32
        %get3A_817 = arith.index_cast %get3A_816 : i32 to index
        %get3A_818 = arith.index_cast %scan3A_780 : i32 to index
        %get3A_819 = arith.constant 64 : index
        %get3A_820 = tpu.vector_load %arg6[%get3A_817, %get3A_818, %get3A_819] {strides = array<i32>} : memref<8x50x128xf32, #tpu.memory_space<vmem>>, vector<1x1x16xf32>,
        %get3A_821 = vector.shape_cast %get3A_820 : vector<1x1x16xf32> to vector<16xf32>
        %add3A_822 = arith.addf %scan3A_785, %get3A_821 : vector<16xf32>
        %get3A_823 = arith.constant 5 : i32
        %get3A_824 = arith.index_cast %get3A_823 : i32 to index
        %get3A_825 = arith.index_cast %scan3A_780 : i32 to index
        %get3A_826 = arith.constant 80 : index
        %get3A_827 = tpu.vector_load %arg6[%get3A_824, %get3A_825, %get3A_826] {strides = array<i32>} : memref<8x50x128xf32, #tpu.memory_space<vmem>>, vector<1x1x16xf32>,
        %get3A_828 = vector.shape_cast %get3A_827 : vector<1x1x16xf32> to vector<16xf32>
        %add3A_829 = arith.addf %scan3A_786, %get3A_828 : vector<16xf32>
        %get3A_830 = arith.constant 5 : i32
        %get3A_831 = arith.index_cast %get3A_830 : i32 to index
        %get3A_832 = arith.index_cast %scan3A_780 : i32 to index
        %get3A_833 = arith.constant 96 : index
        %get3A_834 = tpu.vector_load %arg6[%get3A_831, %get3A_832, %get3A_833] {strides = array<i32>} : memref<8x50x128xf32, #tpu.memory_space<vmem>>, vector<1x1x16xf32>,
        %get3A_835 = vector.shape_cast %get3A_834 : vector<1x1x16xf32> to vector<16xf32>
        %add3A_836 = arith.addf %scan3A_787, %get3A_835 : vector<16xf32>
        %get3A_837 = arith.constant 5 : i32
        %get3A_838 = arith.index_cast %get3A_837 : i32 to index
        %get3A_839 = arith.index_cast %scan3A_780 : i32 to index
        %get3A_840 = arith.constant 112 : index
        %get3A_841 = tpu.vector_load %arg6[%get3A_838, %get3A_839, %get3A_840] {strides = array<i32>} : memref<8x50x128xf32, #tpu.memory_space<vmem>>, vector<1x1x16xf32>,
        %get3A_842 = vector.shape_cast %get3A_841 : vector<1x1x16xf32> to vector<16xf32>
        %add3A_843 = arith.addf %scan3A_788, %get3A_842 : vector<16xf32>
        %scan3A_844 = arith.constant 1 : i32
        %scan3A_845 = arith.addi %scan3A_780, %scan3A_844 : i32
        %get3A_846 = arith.constant 5 : i32
        %get3A_847 = arith.index_cast %get3A_846 : i32 to index
        %get3A_848 = arith.index_cast %scan3A_845 : i32 to index
        %get3A_849 = arith.constant 0 : index
        %get3A_850 = tpu.vector_load %arg6[%get3A_847, %get3A_848, %get3A_849] {strides = array<i32>} : memref<8x50x128xf32, #tpu.memory_space<vmem>>, vector<1x1x16xf32>,
        %get3A_851 = vector.shape_cast %get3A_850 : vector<1x1x16xf32> to vector<16xf32>
        %add3A_852 = arith.addf %add3A_794, %get3A_851 : vector<16xf32>
        %get3A_853 = arith.constant 5 : i32
        %get3A_854 = arith.index_cast %get3A_853 : i32 to index
        %get3A_855 = arith.index_cast %scan3A_845 : i32 to index
        %get3A_856 = arith.constant 16 : index
        %get3A_857 = tpu.vector_load %arg6[%get3A_854, %get3A_855, %get3A_856] {strides = array<i32>} : memref<8x50x128xf32, #tpu.memory_space<vmem>>, vector<1x1x16xf32>,
        %get3A_858 = vector.shape_cast %get3A_857 : vector<1x1x16xf32> to vector<16xf32>
        %add3A_859 = arith.addf %add3A_801, %get3A_858 : vector<16xf32>
        %get3A_860 = arith.constant 5 : i32
        %get3A_861 = arith.index_cast %get3A_860 : i32 to index
        %get3A_862 = arith.index_cast %scan3A_845 : i32 to index
        %get3A_863 = arith.constant 32 : index
        %get3A_864 = tpu.vector_load %arg6[%get3A_861, %get3A_862, %get3A_863] {strides = array<i32>} : memref<8x50x128xf32, #tpu.memory_space<vmem>>, vector<1x1x16xf32>,
        %get3A_865 = vector.shape_cast %get3A_864 : vector<1x1x16xf32> to vector<16xf32>
        %add3A_866 = arith.addf %add3A_808, %get3A_865 : vector<16xf32>
        %get3A_867 = arith.constant 5 : i32
        %get3A_868 = arith.index_cast %get3A_867 : i32 to index
        %get3A_869 = arith.index_cast %scan3A_845 : i32 to index
        %get3A_870 = arith.constant 48 : index
        %get3A_871 = tpu.vector_load %arg6[%get3A_868, %get3A_869, %get3A_870] {strides = array<i32>} : memref<8x50x128xf32, #tpu.memory_space<vmem>>, vector<1x1x16xf32>,
        %get3A_872 = vector.shape_cast %get3A_871 : vector<1x1x16xf32> to vector<16xf32>
        %add3A_873 = arith.addf %add3A_815, %get3A_872 : vector<16xf32>
        %get3A_874 = arith.constant 5 : i32
        %get3A_875 = arith.index_cast %get3A_874 : i32 to index
        %get3A_876 = arith.index_cast %scan3A_845 : i32 to index
        %get3A_877 = arith.constant 64 : index
        %get3A_878 = tpu.vector_load %arg6[%get3A_875, %get3A_876, %get3A_877] {strides = array<i32>} : memref<8x50x128xf32, #tpu.memory_space<vmem>>, vector<1x1x16xf32>,
        %get3A_879 = vector.shape_cast %get3A_878 : vector<1x1x16xf32> to vector<16xf32>
        %add3A_880 = arith.addf %add3A_822, %get3A_879 : vector<16xf32>
        %get3A_881 = arith.constant 5 : i32
        %get3A_882 = arith.index_cast %get3A_881 : i32 to index
        %get3A_883 = arith.index_cast %scan3A_845 : i32 to index
        %get3A_884 = arith.constant 80 : index
        %get3A_885 = tpu.vector_load %arg6[%get3A_882, %get3A_883, %get3A_884] {strides = array<i32>} : memref<8x50x128xf32, #tpu.memory_space<vmem>>, vector<1x1x16xf32>,
        %get3A_886 = vector.shape_cast %get3A_885 : vector<1x1x16xf32> to vector<16xf32>
        %add3A_887 = arith.addf %add3A_829, %get3A_886 : vector<16xf32>
        %get3A_888 = arith.constant 5 : i32
        %get3A_889 = arith.index_cast %get3A_888 : i32 to index
        %get3A_890 = arith.index_cast %scan3A_845 : i32 to index
        %get3A_891 = arith.constant 96 : index
        %get3A_892 = tpu.vector_load %arg6[%get3A_889, %get3A_890, %get3A_891] {strides = array<i32>} : memref<8x50x128xf32, #tpu.memory_space<vmem>>, vector<1x1x16xf32>,
        %get3A_893 = vector.shape_cast %get3A_892 : vector<1x1x16xf32> to vector<16xf32>
        %add3A_894 = arith.addf %add3A_836, %get3A_893 : vector<16xf32>
        %get3A_895 = arith.constant 5 : i32
        %get3A_896 = arith.index_cast %get3A_895 : i32 to index
        %get3A_897 = arith.index_cast %scan3A_845 : i32 to index
        %get3A_898 = arith.constant 112 : index
        %get3A_899 = tpu.vector_load %arg6[%get3A_896, %get3A_897, %get3A_898] {strides = array<i32>} : memref<8x50x128xf32, #tpu.memory_space<vmem>>, vector<1x1x16xf32>,
        %get3A_900 = vector.shape_cast %get3A_899 : vector<1x1x16xf32> to vector<16xf32>
        %add3A_901 = arith.addf %add3A_843, %get3A_900 : vector<16xf32>
        %scan3A_902 = arith.constant 2 : i32
        %scan3A_903 = arith.addi %scan3A_780, %scan3A_902 : i32
        %get3A_904 = arith.constant 5 : i32
        %get3A_905 = arith.index_cast %get3A_904 : i32 to index
        %get3A_906 = arith.index_cast %scan3A_903 : i32 to index
        %get3A_907 = arith.constant 0 : index
        %get3A_908 = tpu.vector_load %arg6[%get3A_905, %get3A_906, %get3A_907] {strides = array<i32>} : memref<8x50x128xf32, #tpu.memory_space<vmem>>, vector<1x1x16xf32>,
        %get3A_909 = vector.shape_cast %get3A_908 : vector<1x1x16xf32> to vector<16xf32>
        %add3A_910 = arith.addf %add3A_852, %get3A_909 : vector<16xf32>
        %get3A_911 = arith.constant 5 : i32
        %get3A_912 = arith.index_cast %get3A_911 : i32 to index
        %get3A_913 = arith.index_cast %scan3A_903 : i32 to index
        %get3A_914 = arith.constant 16 : index
        %get3A_915 = tpu.vector_load %arg6[%get3A_912, %get3A_913, %get3A_914] {strides = array<i32>} : memref<8x50x128xf32, #tpu.memory_space<vmem>>, vector<1x1x16xf32>,
        %get3A_916 = vector.shape_cast %get3A_915 : vector<1x1x16xf32> to vector<16xf32>
        %add3A_917 = arith.addf %add3A_859, %get3A_916 : vector<16xf32>
        %get3A_918 = arith.constant 5 : i32
        %get3A_919 = arith.index_cast %get3A_918 : i32 to index
        %get3A_920 = arith.index_cast %scan3A_903 : i32 to index
        %get3A_921 = arith.constant 32 : index
        %get3A_922 = tpu.vector_load %arg6[%get3A_919, %get3A_920, %get3A_921] {strides = array<i32>} : memref<8x50x128xf32, #tpu.memory_space<vmem>>, vector<1x1x16xf32>,
        %get3A_923 = vector.shape_cast %get3A_922 : vector<1x1x16xf32> to vector<16xf32>
        %add3A_924 = arith.addf %add3A_866, %get3A_923 : vector<16xf32>
        %get3A_925 = arith.constant 5 : i32
        %get3A_926 = arith.index_cast %get3A_925 : i32 to index
        %get3A_927 = arith.index_cast %scan3A_903 : i32 to index
        %get3A_928 = arith.constant 48 : index
        %get3A_929 = tpu.vector_load %arg6[%get3A_926, %get3A_927, %get3A_928] {strides = array<i32>} : memref<8x50x128xf32, #tpu.memory_space<vmem>>, vector<1x1x16xf32>,
        %get3A_930 = vector.shape_cast %get3A_929 : vector<1x1x16xf32> to vector<16xf32>
        %add3A_931 = arith.addf %add3A_873, %get3A_930 : vector<16xf32>
        %get3A_932 = arith.constant 5 : i32
        %get3A_933 = arith.index_cast %get3A_932 : i32 to index
        %get3A_934 = arith.index_cast %scan3A_903 : i32 to index
        %get3A_935 = arith.constant 64 : index
        %get3A_936 = tpu.vector_load %arg6[%get3A_933, %get3A_934, %get3A_935] {strides = array<i32>} : memref<8x50x128xf32, #tpu.memory_space<vmem>>, vector<1x1x16xf32>,
        %get3A_937 = vector.shape_cast %get3A_936 : vector<1x1x16xf32> to vector<16xf32>
        %add3A_938 = arith.addf %add3A_880, %get3A_937 : vector<16xf32>
        %get3A_939 = arith.constant 5 : i32
        %get3A_940 = arith.index_cast %get3A_939 : i32 to index
        %get3A_941 = arith.index_cast %scan3A_903 : i32 to index
        %get3A_942 = arith.constant 80 : index
        %get3A_943 = tpu.vector_load %arg6[%get3A_940, %get3A_941, %get3A_942] {strides = array<i32>} : memref<8x50x128xf32, #tpu.memory_space<vmem>>, vector<1x1x16xf32>,
        %get3A_944 = vector.shape_cast %get3A_943 : vector<1x1x16xf32> to vector<16xf32>
        %add3A_945 = arith.addf %add3A_887, %get3A_944 : vector<16xf32>
        %get3A_946 = arith.constant 5 : i32
        %get3A_947 = arith.index_cast %get3A_946 : i32 to index
        %get3A_948 = arith.index_cast %scan3A_903 : i32 to index
        %get3A_949 = arith.constant 96 : index
        %get3A_950 = tpu.vector_load %arg6[%get3A_947, %get3A_948, %get3A_949] {strides = array<i32>} : memref<8x50x128xf32, #tpu.memory_space<vmem>>, vector<1x1x16xf32>,
        %get3A_951 = vector.shape_cast %get3A_950 : vector<1x1x16xf32> to vector<16xf32>
        %add3A_952 = arith.addf %add3A_894, %get3A_951 : vector<16xf32>
        %get3A_953 = arith.constant 5 : i32
        %get3A_954 = arith.index_cast %get3A_953 : i32 to index
        %get3A_955 = arith.index_cast %scan3A_903 : i32 to index
        %get3A_956 = arith.constant 112 : index
        %get3A_957 = tpu.vector_load %arg6[%get3A_954, %get3A_955, %get3A_956] {strides = array<i32>} : memref<8x50x128xf32, #tpu.memory_space<vmem>>, vector<1x1x16xf32>,
        %get3A_958 = vector.shape_cast %get3A_957 : vector<1x1x16xf32> to vector<16xf32>
        %add3A_959 = arith.addf %add3A_901, %get3A_958 : vector<16xf32>
        %scan3A_960 = arith.constant 3 : i32
        %scan3A_961 = arith.addi %scan3A_780, %scan3A_960 : i32
        %get3A_962 = arith.constant 5 : i32
        %get3A_963 = arith.index_cast %get3A_962 : i32 to index
        %get3A_964 = arith.index_cast %scan3A_961 : i32 to index
        %get3A_965 = arith.constant 0 : index
        %get3A_966 = tpu.vector_load %arg6[%get3A_963, %get3A_964, %get3A_965] {strides = array<i32>} : memref<8x50x128xf32, #tpu.memory_space<vmem>>, vector<1x1x16xf32>,
        %get3A_967 = vector.shape_cast %get3A_966 : vector<1x1x16xf32> to vector<16xf32>
        %add3A_968 = arith.addf %add3A_910, %get3A_967 : vector<16xf32>
        %get3A_969 = arith.constant 5 : i32
        %get3A_970 = arith.index_cast %get3A_969 : i32 to index
        %get3A_971 = arith.index_cast %scan3A_961 : i32 to index
        %get3A_972 = arith.constant 16 : index
        %get3A_973 = tpu.vector_load %arg6[%get3A_970, %get3A_971, %get3A_972] {strides = array<i32>} : memref<8x50x128xf32, #tpu.memory_space<vmem>>, vector<1x1x16xf32>,
        %get3A_974 = vector.shape_cast %get3A_973 : vector<1x1x16xf32> to vector<16xf32>
        %add3A_975 = arith.addf %add3A_917, %get3A_974 : vector<16xf32>
        %get3A_976 = arith.constant 5 : i32
        %get3A_977 = arith.index_cast %get3A_976 : i32 to index
        %get3A_978 = arith.index_cast %scan3A_961 : i32 to index
        %get3A_979 = arith.constant 32 : index
        %get3A_980 = tpu.vector_load %arg6[%get3A_977, %get3A_978, %get3A_979] {strides = array<i32>} : memref<8x50x128xf32, #tpu.memory_space<vmem>>, vector<1x1x16xf32>,
        %get3A_981 = vector.shape_cast %get3A_980 : vector<1x1x16xf32> to vector<16xf32>
        %add3A_982 = arith.addf %add3A_924, %get3A_981 : vector<16xf32>
        %get3A_983 = arith.constant 5 : i32
        %get3A_984 = arith.index_cast %get3A_983 : i32 to index
        %get3A_985 = arith.index_cast %scan3A_961 : i32 to index
        %get3A_986 = arith.constant 48 : index
        %get3A_987 = tpu.vector_load %arg6[%get3A_984, %get3A_985, %get3A_986] {strides = array<i32>} : memref<8x50x128xf32, #tpu.memory_space<vmem>>, vector<1x1x16xf32>,
        %get3A_988 = vector.shape_cast %get3A_987 : vector<1x1x16xf32> to vector<16xf32>
        %add3A_989 = arith.addf %add3A_931, %get3A_988 : vector<16xf32>
        %get3A_990 = arith.constant 5 : i32
        %get3A_991 = arith.index_cast %get3A_990 : i32 to index
        %get3A_992 = arith.index_cast %scan3A_961 : i32 to index
        %get3A_993 = arith.constant 64 : index
        %get3A_994 = tpu.vector_load %arg6[%get3A_991, %get3A_992, %get3A_993] {strides = array<i32>} : memref<8x50x128xf32, #tpu.memory_space<vmem>>, vector<1x1x16xf32>,
        %get3A_995 = vector.shape_cast %get3A_994 : vector<1x1x16xf32> to vector<16xf32>
        %add3A_996 = arith.addf %add3A_938, %get3A_995 : vector<16xf32>
        %get3A_997 = arith.constant 5 : i32
        %get3A_998 = arith.index_cast %get3A_997 : i32 to index
        %get3A_999 = arith.index_cast %scan3A_961 : i32 to index
        %get3A_1000 = arith.constant 80 : index
        %get3A_1001 = tpu.vector_load %arg6[%get3A_998, %get3A_999, %get3A_1000] {strides = array<i32>} : memref<8x50x128xf32, #tpu.memory_space<vmem>>, vector<1x1x16xf32>,
        %get3A_1002 = vector.shape_cast %get3A_1001 : vector<1x1x16xf32> to vector<16xf32>
        %add3A_1003 = arith.addf %add3A_945, %get3A_1002 : vector<16xf32>
        %get3A_1004 = arith.constant 5 : i32
        %get3A_1005 = arith.index_cast %get3A_1004 : i32 to index
        %get3A_1006 = arith.index_cast %scan3A_961 : i32 to index
        %get3A_1007 = arith.constant 96 : index
        %get3A_1008 = tpu.vector_load %arg6[%get3A_1005, %get3A_1006, %get3A_1007] {strides = array<i32>} : memref<8x50x128xf32, #tpu.memory_space<vmem>>, vector<1x1x16xf32>,
        %get3A_1009 = vector.shape_cast %get3A_1008 : vector<1x1x16xf32> to vector<16xf32>
        %add3A_1010 = arith.addf %add3A_952, %get3A_1009 : vector<16xf32>
        %get3A_1011 = arith.constant 5 : i32
        %get3A_1012 = arith.index_cast %get3A_1011 : i32 to index
        %get3A_1013 = arith.index_cast %scan3A_961 : i32 to index
        %get3A_1014 = arith.constant 112 : index
        %get3A_1015 = tpu.vector_load %arg6[%get3A_1012, %get3A_1013, %get3A_1014] {strides = array<i32>} : memref<8x50x128xf32, #tpu.memory_space<vmem>>, vector<1x1x16xf32>,
        %get3A_1016 = vector.shape_cast %get3A_1015 : vector<1x1x16xf32> to vector<16xf32>
        %add3A_1017 = arith.addf %add3A_959, %get3A_1016 : vector<16xf32>
        %scan3A_1018 = arith.constant 4 : i32
        %scan3A_1019 = arith.addi %scan3A_780, %scan3A_1018 : i32
        %get3A_1020 = arith.constant 5 : i32
        %get3A_1021 = arith.index_cast %get3A_1020 : i32 to index
        %get3A_1022 = arith.index_cast %scan3A_1019 : i32 to index
        %get3A_1023 = arith.constant 0 : index
        %get3A_1024 = tpu.vector_load %arg6[%get3A_1021, %get3A_1022, %get3A_1023] {strides = array<i32>} : memref<8x50x128xf32, #tpu.memory_space<vmem>>, vector<1x1x16xf32>,
        %get3A_1025 = vector.shape_cast %get3A_1024 : vector<1x1x16xf32> to vector<16xf32>
        %add3A_1026 = arith.addf %add3A_968, %get3A_1025 : vector<16xf32>
        %get3A_1027 = arith.constant 5 : i32
        %get3A_1028 = arith.index_cast %get3A_1027 : i32 to index
        %get3A_1029 = arith.index_cast %scan3A_1019 : i32 to index
        %get3A_1030 = arith.constant 16 : index
        %get3A_1031 = tpu.vector_load %arg6[%get3A_1028, %get3A_1029, %get3A_1030] {strides = array<i32>} : memref<8x50x128xf32, #tpu.memory_space<vmem>>, vector<1x1x16xf32>,
        %get3A_1032 = vector.shape_cast %get3A_1031 : vector<1x1x16xf32> to vector<16xf32>
        %add3A_1033 = arith.addf %add3A_975, %get3A_1032 : vector<16xf32>
        %get3A_1034 = arith.constant 5 : i32
        %get3A_1035 = arith.index_cast %get3A_1034 : i32 to index
        %get3A_1036 = arith.index_cast %scan3A_1019 : i32 to index
        %get3A_1037 = arith.constant 32 : index
        %get3A_1038 = tpu.vector_load %arg6[%get3A_1035, %get3A_1036, %get3A_1037] {strides = array<i32>} : memref<8x50x128xf32, #tpu.memory_space<vmem>>, vector<1x1x16xf32>,
        %get3A_1039 = vector.shape_cast %get3A_1038 : vector<1x1x16xf32> to vector<16xf32>
        %add3A_1040 = arith.addf %add3A_982, %get3A_1039 : vector<16xf32>
        %get3A_1041 = arith.constant 5 : i32
        %get3A_1042 = arith.index_cast %get3A_1041 : i32 to index
        %get3A_1043 = arith.index_cast %scan3A_1019 : i32 to index
        %get3A_1044 = arith.constant 48 : index
        %get3A_1045 = tpu.vector_load %arg6[%get3A_1042, %get3A_1043, %get3A_1044] {strides = array<i32>} : memref<8x50x128xf32, #tpu.memory_space<vmem>>, vector<1x1x16xf32>,
        %get3A_1046 = vector.shape_cast %get3A_1045 : vector<1x1x16xf32> to vector<16xf32>
        %add3A_1047 = arith.addf %add3A_989, %get3A_1046 : vector<16xf32>
        %get3A_1048 = arith.constant 5 : i32
        %get3A_1049 = arith.index_cast %get3A_1048 : i32 to index
        %get3A_1050 = arith.index_cast %scan3A_1019 : i32 to index
        %get3A_1051 = arith.constant 64 : index
        %get3A_1052 = tpu.vector_load %arg6[%get3A_1049, %get3A_1050, %get3A_1051] {strides = array<i32>} : memref<8x50x128xf32, #tpu.memory_space<vmem>>, vector<1x1x16xf32>,
        %get3A_1053 = vector.shape_cast %get3A_1052 : vector<1x1x16xf32> to vector<16xf32>
        %add3A_1054 = arith.addf %add3A_996, %get3A_1053 : vector<16xf32>
        %get3A_1055 = arith.constant 5 : i32
        %get3A_1056 = arith.index_cast %get3A_1055 : i32 to index
        %get3A_1057 = arith.index_cast %scan3A_1019 : i32 to index
        %get3A_1058 = arith.constant 80 : index
        %get3A_1059 = tpu.vector_load %arg6[%get3A_1056, %get3A_1057, %get3A_1058] {strides = array<i32>} : memref<8x50x128xf32, #tpu.memory_space<vmem>>, vector<1x1x16xf32>,
        %get3A_1060 = vector.shape_cast %get3A_1059 : vector<1x1x16xf32> to vector<16xf32>
        %add3A_1061 = arith.addf %add3A_1003, %get3A_1060 : vector<16xf32>
        %get3A_1062 = arith.constant 5 : i32
        %get3A_1063 = arith.index_cast %get3A_1062 : i32 to index
        %get3A_1064 = arith.index_cast %scan3A_1019 : i32 to index
        %get3A_1065 = arith.constant 96 : index
        %get3A_1066 = tpu.vector_load %arg6[%get3A_1063, %get3A_1064, %get3A_1065] {strides = array<i32>} : memref<8x50x128xf32, #tpu.memory_space<vmem>>, vector<1x1x16xf32>,
        %get3A_1067 = vector.shape_cast %get3A_1066 : vector<1x1x16xf32> to vector<16xf32>
        %add3A_1068 = arith.addf %add3A_1010, %get3A_1067 : vector<16xf32>
        %get3A_1069 = arith.constant 5 : i32
        %get3A_1070 = arith.index_cast %get3A_1069 : i32 to index
        %get3A_1071 = arith.index_cast %scan3A_1019 : i32 to index
        %get3A_1072 = arith.constant 112 : index
        %get3A_1073 = tpu.vector_load %arg6[%get3A_1070, %get3A_1071, %get3A_1072] {strides = array<i32>} : memref<8x50x128xf32, #tpu.memory_space<vmem>>, vector<1x1x16xf32>,
        %get3A_1074 = vector.shape_cast %get3A_1073 : vector<1x1x16xf32> to vector<16xf32>
        %add3A_1075 = arith.addf %add3A_1017, %get3A_1074 : vector<16xf32>
        scf.yield %add3A_1026, %add3A_1033, %add3A_1040, %add3A_1047, %add3A_1054, %add3A_1061, %add3A_1068, %add3A_1075 : vector<16xf32>, vector<16xf32>, vector<16xf32>, vector<16xf32>, vector<16xf32>, vector<16xf32>, vector<16xf32>, vector<16xf32>
      }
      %scan3A_560 = arith.constant 50 : i32
      %swap3A_561 = arith.index_cast %add3A_538 : i32 to index
      %swap3A_562 = arith.constant 0 : index
      %swap3A_563 = tpu.vector_load %arg7[%swap3A_561, %swap3A_562] {strides = array<i32>} : memref<128x128xf32, #tpu.memory_space<vmem>>, vector<1x16xf32>,
      %swap3A_564 = vector.shape_cast %swap3A_563 : vector<1x16xf32> to vector<16xf32>
      %swap3A_565 = vector.shape_cast %scan3A_559#0 : vector<16xf32> to vector<1x16xf32>
      tpu.vector_store %arg7[%swap3A_561, %swap3A_562], %swap3A_565 {strides = array<i32>} : memref<128x128xf32, #tpu.memory_space<vmem>>, vector<1x16xf32>,
      %swap3A_566 = arith.index_cast %add3A_538 : i32 to index
      %swap3A_567 = arith.constant 16 : index
      %swap3A_568 = tpu.vector_load %arg7[%swap3A_566, %swap3A_567] {strides = array<i32>} : memref<128x128xf32, #tpu.memory_space<vmem>>, vector<1x16xf32>,
      %swap3A_569 = vector.shape_cast %swap3A_568 : vector<1x16xf32> to vector<16xf32>
      %swap3A_570 = vector.shape_cast %scan3A_559#1 : vector<16xf32> to vector<1x16xf32>
      tpu.vector_store %arg7[%swap3A_566, %swap3A_567], %swap3A_570 {strides = array<i32>} : memref<128x128xf32, #tpu.memory_space<vmem>>, vector<1x16xf32>,
      %swap3A_571 = arith.index_cast %add3A_538 : i32 to index
      %swap3A_572 = arith.constant 32 : index
      %swap3A_573 = tpu.vector_load %arg7[%swap3A_571, %swap3A_572] {strides = array<i32>} : memref<128x128xf32, #tpu.memory_space<vmem>>, vector<1x16xf32>,
      %swap3A_574 = vector.shape_cast %swap3A_573 : vector<1x16xf32> to vector<16xf32>
      %swap3A_575 = vector.shape_cast %scan3A_559#2 : vector<16xf32> to vector<1x16xf32>
      tpu.vector_store %arg7[%swap3A_571, %swap3A_572], %swap3A_575 {strides = array<i32>} : memref<128x128xf32, #tpu.memory_space<vmem>>, vector<1x16xf32>,
      %swap3A_576 = arith.index_cast %add3A_538 : i32 to index
      %swap3A_577 = arith.constant 48 : index
      %swap3A_578 = tpu.vector_load %arg7[%swap3A_576, %swap3A_577] {strides = array<i32>} : memref<128x128xf32, #tpu.memory_space<vmem>>, vector<1x16xf32>,
      %swap3A_579 = vector.shape_cast %swap3A_578 : vector<1x16xf32> to vector<16xf32>
      %swap3A_580 = vector.shape_cast %scan3A_559#3 : vector<16xf32> to vector<1x16xf32>
      tpu.vector_store %arg7[%swap3A_576, %swap3A_577], %swap3A_580 {strides = array<i32>} : memref<128x128xf32, #tpu.memory_space<vmem>>, vector<1x16xf32>,
      %swap3A_581 = arith.index_cast %add3A_538 : i32 to index
      %swap3A_582 = arith.constant 64 : index
      %swap3A_583 = tpu.vector_load %arg7[%swap3A_581, %swap3A_582] {strides = array<i32>} : memref<128x128xf32, #tpu.memory_space<vmem>>, vector<1x16xf32>,
      %swap3A_584 = vector.shape_cast %swap3A_583 : vector<1x16xf32> to vector<16xf32>
      %swap3A_585 = vector.shape_cast %scan3A_559#4 : vector<16xf32> to vector<1x16xf32>
      tpu.vector_store %arg7[%swap3A_581, %swap3A_582], %swap3A_585 {strides = array<i32>} : memref<128x128xf32, #tpu.memory_space<vmem>>, vector<1x16xf32>,
      %swap3A_586 = arith.index_cast %add3A_538 : i32 to index
      %swap3A_587 = arith.constant 80 : index
      %swap3A_588 = tpu.vector_load %arg7[%swap3A_586, %swap3A_587] {strides = array<i32>} : memref<128x128xf32, #tpu.memory_space<vmem>>, vector<1x16xf32>,
      %swap3A_589 = vector.shape_cast %swap3A_588 : vector<1x16xf32> to vector<16xf32>
      %swap3A_590 = vector.shape_cast %scan3A_559#5 : vector<16xf32> to vector<1x16xf32>
      tpu.vector_store %arg7[%swap3A_586, %swap3A_587], %swap3A_590 {strides = array<i32>} : memref<128x128xf32, #tpu.memory_space<vmem>>, vector<1x16xf32>,
      %swap3A_591 = arith.index_cast %add3A_538 : i32 to index
      %swap3A_592 = arith.constant 96 : index
      %swap3A_593 = tpu.vector_load %arg7[%swap3A_591, %swap3A_592] {strides = array<i32>} : memref<128x128xf32, #tpu.memory_space<vmem>>, vector<1x16xf32>,
      %swap3A_594 = vector.shape_cast %swap3A_593 : vector<1x16xf32> to vector<16xf32>
      %swap3A_595 = vector.shape_cast %scan3A_559#6 : vector<16xf32> to vector<1x16xf32>
      tpu.vector_store %arg7[%swap3A_591, %swap3A_592], %swap3A_595 {strides = array<i32>} : memref<128x128xf32, #tpu.memory_space<vmem>>, vector<1x16xf32>,
      %swap3A_596 = arith.index_cast %add3A_538 : i32 to index
      %swap3A_597 = arith.constant 112 : index
      %swap3A_598 = tpu.vector_load %arg7[%swap3A_596, %swap3A_597] {strides = array<i32>} : memref<128x128xf32, #tpu.memory_space<vmem>>, vector<1x16xf32>,
      %swap3A_599 = vector.shape_cast %swap3A_598 : vector<1x16xf32> to vector<16xf32>
      %swap3A_600 = vector.shape_cast %scan3A_559#7 : vector<16xf32> to vector<1x16xf32>
      tpu.vector_store %arg7[%swap3A_596, %swap3A_597], %swap3A_600 {strides = array<i32>} : memref<128x128xf32, #tpu.memory_space<vmem>>, vector<1x16xf32>,
      %add3A_601 = arith.constant 8 : i32
      %add3A_602 = arith.addi %mul3A_105, %add3A_601 : i32
      %add3A_603 = arith.constant 5 : i32
      %add3A_604 = arith.addi %add3A_602, %add3A_603 : i32
      %lt3A_605 = arith.constant 128 : i32
      %lt3A_606 = arith.cmpi slt, %add3A_604, %lt3A_605 : i32
      %convert_element_type3A_607 = arith.extui %lt3A_606 : i1 to i32
      %cond3A_608 = arith.constant 0 : i32
      %cond3A_609 = arith.cmpi ne, %convert_element_type3A_607, %cond3A_608 : i32
      scf.if %cond3A_609 {
        %add3A_780 = arith.constant 8 : i32
        %add3A_781 = arith.addi %mul3A_105, %add3A_780 : i32
        %add3A_782 = arith.constant 5 : i32
        %add3A_783 = arith.addi %add3A_781, %add3A_782 : i32
        %dma_start3A_784 = arith.constant 5 : i32
        %dma_start3A_785 = arith.constant 0 : i32
        %dma_start3A_786 = arith.constant 0 : i32
        %dma_start3A_787 = tpu.memref_slice %arg6[%dma_start3A_784, %dma_start3A_785, %dma_start3A_786] : memref<8x50x128xf32, #tpu.memory_space<vmem>> -> memref<1x50x128xf32, #tpu.memory_space<vmem>>
        %dma_start3A_788 = tpu.memref_squeeze %dma_start3A_787 : memref<1x50x128xf32, #tpu.memory_space<vmem>> -> memref<50x128xf32, #tpu.memory_space<vmem>>
        %dma_start3A_789 = arith.constant 0 : i32
        %dma_start3A_790 = tpu.memref_slice %arg5[%add3A_783, %dma_start3A_789] : memref<128x50xi32, #tpu.memory_space<vmem>> -> memref<1x50xi32, #tpu.memory_space<vmem>>
        %dma_start3A_791 = tpu.memref_squeeze %dma_start3A_790 : memref<1x50xi32, #tpu.memory_space<vmem>> -> memref<50xi32, #tpu.memory_space<vmem>>
        %dma_start3A_792 = arith.constant 0 : i32
        %dma_start3A_793 = arith.constant 0 : i32
        %dma_start3A_794 = tpu.memref_slice %arg3[%dma_start3A_792, %dma_start3A_793] : memref<100000x128xf32, #tpu.memory_space<hbm>> -> memref<100000x128xf32, #tpu.memory_space<hbm>>
        tpu.enqueue_indirect_dma source(%dma_start3A_794 : memref<100000x128xf32, #tpu.memory_space<hbm>>) target(%dma_start3A_788 : memref<50x128xf32, #tpu.memory_space<vmem>>) offsets(%dma_start3A_791 : memref<50xi32, #tpu.memory_space<vmem>>) semaphore(%arg13 : memref<!tpu.dma_semaphore, #tpu.memory_space<semaphore_mem>>)
      } else {
      }
      %dma_wait3A_610 = arith.constant 0 : i32
      %dma_wait3A_611 = arith.constant 6 : i32
      %dma_wait3A_612 = arith.constant 0 : i32
      %dma_wait3A_613 = arith.constant 0 : i32
      %dma_wait3A_614 = tpu.memref_slice %arg6[%dma_wait3A_611, %dma_wait3A_612, %dma_wait3A_613] : memref<8x50x128xf32, #tpu.memory_space<vmem>> -> memref<1x50x128xf32, #tpu.memory_space<vmem>>
      %dma_wait3A_615 = tpu.memref_squeeze %dma_wait3A_614 : memref<1x50x128xf32, #tpu.memory_space<vmem>> -> memref<50x128xf32, #tpu.memory_space<vmem>>
      %dma_wait3A_616 = arith.constant 0 : i32
      %dma_wait3A_617 = tpu.memref_slice %arg5[%dma_wait3A_610, %dma_wait3A_616] : memref<128x50xi32, #tpu.memory_space<vmem>> -> memref<1x50xi32, #tpu.memory_space<vmem>>
      %dma_wait3A_618 = tpu.memref_squeeze %dma_wait3A_617 : memref<1x50xi32, #tpu.memory_space<vmem>> -> memref<50xi32, #tpu.memory_space<vmem>>
      %dma_wait3A_619 = arith.constant 0 : i32
      %dma_wait3A_620 = arith.constant 0 : i32
      %dma_wait3A_621 = tpu.memref_slice %arg3[%dma_wait3A_619, %dma_wait3A_620] : memref<100000x128xf32, #tpu.memory_space<hbm>> -> memref<100000x128xf32, #tpu.memory_space<hbm>>
      tpu.wait_indirect_dma semaphore(%arg14 : memref<!tpu.dma_semaphore, #tpu.memory_space<semaphore_mem>>) src(%dma_wait3A_621 : memref<100000x128xf32, #tpu.memory_space<hbm>>) dst(%dma_wait3A_615 : memref<50x128xf32, #tpu.memory_space<vmem>>)
      %add3A_622 = arith.constant 6 : i32
      %add3A_623 = arith.addi %mul3A_105, %add3A_622 : i32
      %broadcast_in_dim3A_624 = arith.constant 0.000000e+00 : f32
      %broadcast_in_dim3A_625 = vector.broadcast %broadcast_in_dim3A_624 : f32 to vector<16xf32>
      %broadcast_in_dim3A_626 = arith.constant 0.000000e+00 : f32
      %broadcast_in_dim3A_627 = vector.broadcast %broadcast_in_dim3A_626 : f32 to vector<16xf32>
      %broadcast_in_dim3A_628 = arith.constant 0.000000e+00 : f32
      %broadcast_in_dim3A_629 = vector.broadcast %broadcast_in_dim3A_628 : f32 to vector<16xf32>
      %broadcast_in_dim3A_630 = arith.constant 0.000000e+00 : f32
      %broadcast_in_dim3A_631 = vector.broadcast %broadcast_in_dim3A_630 : f32 to vector<16xf32>
      %broadcast_in_dim3A_632 = arith.constant 0.000000e+00 : f32
      %broadcast_in_dim3A_633 = vector.broadcast %broadcast_in_dim3A_632 : f32 to vector<16xf32>
      %broadcast_in_dim3A_634 = arith.constant 0.000000e+00 : f32
      %broadcast_in_dim3A_635 = vector.broadcast %broadcast_in_dim3A_634 : f32 to vector<16xf32>
      %broadcast_in_dim3A_636 = arith.constant 0.000000e+00 : f32
      %broadcast_in_dim3A_637 = vector.broadcast %broadcast_in_dim3A_636 : f32 to vector<16xf32>
      %broadcast_in_dim3A_638 = arith.constant 0.000000e+00 : f32
      %broadcast_in_dim3A_639 = vector.broadcast %broadcast_in_dim3A_638 : f32 to vector<16xf32>
      %scan3A_640 = arith.constant 0 : i32
      %scan3A_641 = arith.constant 50 : i32
      %scan3A_642 = arith.addi %scan3A_640, %scan3A_641 : i32
      %scan3A_643 = arith.constant 5 : i32
      %scan3A_644:8 = scf.for %scan3A_780 = %scan3A_640 to %scan3A_642 step %scan3A_643 iter_args(%scan3A_781 = %broadcast_in_dim3A_625, %scan3A_782 = %broadcast_in_dim3A_627, %scan3A_783 = %broadcast_in_dim3A_629, %scan3A_784 = %broadcast_in_dim3A_631, %scan3A_785 = %broadcast_in_dim3A_633, %scan3A_786 = %broadcast_in_dim3A_635, %scan3A_787 = %broadcast_in_dim3A_637, %scan3A_788 = %broadcast_in_dim3A_639) -> (vector<16xf32>, vector<16xf32>, vector<16xf32>, vector<16xf32>, vector<16xf32>, vector<16xf32>, vector<16xf32>, vector<16xf32>)  : i32 {
        %get3A = arith.constant 6 : i32
        %get3A_789 = arith.index_cast %get3A : i32 to index
        %get3A_790 = arith.index_cast %scan3A_780 : i32 to index
        %get3A_791 = arith.constant 0 : index
        %get3A_792 = tpu.vector_load %arg6[%get3A_789, %get3A_790, %get3A_791] {strides = array<i32>} : memref<8x50x128xf32, #tpu.memory_space<vmem>>, vector<1x1x16xf32>,
        %get3A_793 = vector.shape_cast %get3A_792 : vector<1x1x16xf32> to vector<16xf32>
        %add3A_794 = arith.addf %scan3A_781, %get3A_793 : vector<16xf32>
        %get3A_795 = arith.constant 6 : i32
        %get3A_796 = arith.index_cast %get3A_795 : i32 to index
        %get3A_797 = arith.index_cast %scan3A_780 : i32 to index
        %get3A_798 = arith.constant 16 : index
        %get3A_799 = tpu.vector_load %arg6[%get3A_796, %get3A_797, %get3A_798] {strides = array<i32>} : memref<8x50x128xf32, #tpu.memory_space<vmem>>, vector<1x1x16xf32>,
        %get3A_800 = vector.shape_cast %get3A_799 : vector<1x1x16xf32> to vector<16xf32>
        %add3A_801 = arith.addf %scan3A_782, %get3A_800 : vector<16xf32>
        %get3A_802 = arith.constant 6 : i32
        %get3A_803 = arith.index_cast %get3A_802 : i32 to index
        %get3A_804 = arith.index_cast %scan3A_780 : i32 to index
        %get3A_805 = arith.constant 32 : index
        %get3A_806 = tpu.vector_load %arg6[%get3A_803, %get3A_804, %get3A_805] {strides = array<i32>} : memref<8x50x128xf32, #tpu.memory_space<vmem>>, vector<1x1x16xf32>,
        %get3A_807 = vector.shape_cast %get3A_806 : vector<1x1x16xf32> to vector<16xf32>
        %add3A_808 = arith.addf %scan3A_783, %get3A_807 : vector<16xf32>
        %get3A_809 = arith.constant 6 : i32
        %get3A_810 = arith.index_cast %get3A_809 : i32 to index
        %get3A_811 = arith.index_cast %scan3A_780 : i32 to index
        %get3A_812 = arith.constant 48 : index
        %get3A_813 = tpu.vector_load %arg6[%get3A_810, %get3A_811, %get3A_812] {strides = array<i32>} : memref<8x50x128xf32, #tpu.memory_space<vmem>>, vector<1x1x16xf32>,
        %get3A_814 = vector.shape_cast %get3A_813 : vector<1x1x16xf32> to vector<16xf32>
        %add3A_815 = arith.addf %scan3A_784, %get3A_814 : vector<16xf32>
        %get3A_816 = arith.constant 6 : i32
        %get3A_817 = arith.index_cast %get3A_816 : i32 to index
        %get3A_818 = arith.index_cast %scan3A_780 : i32 to index
        %get3A_819 = arith.constant 64 : index
        %get3A_820 = tpu.vector_load %arg6[%get3A_817, %get3A_818, %get3A_819] {strides = array<i32>} : memref<8x50x128xf32, #tpu.memory_space<vmem>>, vector<1x1x16xf32>,
        %get3A_821 = vector.shape_cast %get3A_820 : vector<1x1x16xf32> to vector<16xf32>
        %add3A_822 = arith.addf %scan3A_785, %get3A_821 : vector<16xf32>
        %get3A_823 = arith.constant 6 : i32
        %get3A_824 = arith.index_cast %get3A_823 : i32 to index
        %get3A_825 = arith.index_cast %scan3A_780 : i32 to index
        %get3A_826 = arith.constant 80 : index
        %get3A_827 = tpu.vector_load %arg6[%get3A_824, %get3A_825, %get3A_826] {strides = array<i32>} : memref<8x50x128xf32, #tpu.memory_space<vmem>>, vector<1x1x16xf32>,
        %get3A_828 = vector.shape_cast %get3A_827 : vector<1x1x16xf32> to vector<16xf32>
        %add3A_829 = arith.addf %scan3A_786, %get3A_828 : vector<16xf32>
        %get3A_830 = arith.constant 6 : i32
        %get3A_831 = arith.index_cast %get3A_830 : i32 to index
        %get3A_832 = arith.index_cast %scan3A_780 : i32 to index
        %get3A_833 = arith.constant 96 : index
        %get3A_834 = tpu.vector_load %arg6[%get3A_831, %get3A_832, %get3A_833] {strides = array<i32>} : memref<8x50x128xf32, #tpu.memory_space<vmem>>, vector<1x1x16xf32>,
        %get3A_835 = vector.shape_cast %get3A_834 : vector<1x1x16xf32> to vector<16xf32>
        %add3A_836 = arith.addf %scan3A_787, %get3A_835 : vector<16xf32>
        %get3A_837 = arith.constant 6 : i32
        %get3A_838 = arith.index_cast %get3A_837 : i32 to index
        %get3A_839 = arith.index_cast %scan3A_780 : i32 to index
        %get3A_840 = arith.constant 112 : index
        %get3A_841 = tpu.vector_load %arg6[%get3A_838, %get3A_839, %get3A_840] {strides = array<i32>} : memref<8x50x128xf32, #tpu.memory_space<vmem>>, vector<1x1x16xf32>,
        %get3A_842 = vector.shape_cast %get3A_841 : vector<1x1x16xf32> to vector<16xf32>
        %add3A_843 = arith.addf %scan3A_788, %get3A_842 : vector<16xf32>
        %scan3A_844 = arith.constant 1 : i32
        %scan3A_845 = arith.addi %scan3A_780, %scan3A_844 : i32
        %get3A_846 = arith.constant 6 : i32
        %get3A_847 = arith.index_cast %get3A_846 : i32 to index
        %get3A_848 = arith.index_cast %scan3A_845 : i32 to index
        %get3A_849 = arith.constant 0 : index
        %get3A_850 = tpu.vector_load %arg6[%get3A_847, %get3A_848, %get3A_849] {strides = array<i32>} : memref<8x50x128xf32, #tpu.memory_space<vmem>>, vector<1x1x16xf32>,
        %get3A_851 = vector.shape_cast %get3A_850 : vector<1x1x16xf32> to vector<16xf32>
        %add3A_852 = arith.addf %add3A_794, %get3A_851 : vector<16xf32>
        %get3A_853 = arith.constant 6 : i32
        %get3A_854 = arith.index_cast %get3A_853 : i32 to index
        %get3A_855 = arith.index_cast %scan3A_845 : i32 to index
        %get3A_856 = arith.constant 16 : index
        %get3A_857 = tpu.vector_load %arg6[%get3A_854, %get3A_855, %get3A_856] {strides = array<i32>} : memref<8x50x128xf32, #tpu.memory_space<vmem>>, vector<1x1x16xf32>,
        %get3A_858 = vector.shape_cast %get3A_857 : vector<1x1x16xf32> to vector<16xf32>
        %add3A_859 = arith.addf %add3A_801, %get3A_858 : vector<16xf32>
        %get3A_860 = arith.constant 6 : i32
        %get3A_861 = arith.index_cast %get3A_860 : i32 to index
        %get3A_862 = arith.index_cast %scan3A_845 : i32 to index
        %get3A_863 = arith.constant 32 : index
        %get3A_864 = tpu.vector_load %arg6[%get3A_861, %get3A_862, %get3A_863] {strides = array<i32>} : memref<8x50x128xf32, #tpu.memory_space<vmem>>, vector<1x1x16xf32>,
        %get3A_865 = vector.shape_cast %get3A_864 : vector<1x1x16xf32> to vector<16xf32>
        %add3A_866 = arith.addf %add3A_808, %get3A_865 : vector<16xf32>
        %get3A_867 = arith.constant 6 : i32
        %get3A_868 = arith.index_cast %get3A_867 : i32 to index
        %get3A_869 = arith.index_cast %scan3A_845 : i32 to index
        %get3A_870 = arith.constant 48 : index
        %get3A_871 = tpu.vector_load %arg6[%get3A_868, %get3A_869, %get3A_870] {strides = array<i32>} : memref<8x50x128xf32, #tpu.memory_space<vmem>>, vector<1x1x16xf32>,
        %get3A_872 = vector.shape_cast %get3A_871 : vector<1x1x16xf32> to vector<16xf32>
        %add3A_873 = arith.addf %add3A_815, %get3A_872 : vector<16xf32>
        %get3A_874 = arith.constant 6 : i32
        %get3A_875 = arith.index_cast %get3A_874 : i32 to index
        %get3A_876 = arith.index_cast %scan3A_845 : i32 to index
        %get3A_877 = arith.constant 64 : index
        %get3A_878 = tpu.vector_load %arg6[%get3A_875, %get3A_876, %get3A_877] {strides = array<i32>} : memref<8x50x128xf32, #tpu.memory_space<vmem>>, vector<1x1x16xf32>,
        %get3A_879 = vector.shape_cast %get3A_878 : vector<1x1x16xf32> to vector<16xf32>
        %add3A_880 = arith.addf %add3A_822, %get3A_879 : vector<16xf32>
        %get3A_881 = arith.constant 6 : i32
        %get3A_882 = arith.index_cast %get3A_881 : i32 to index
        %get3A_883 = arith.index_cast %scan3A_845 : i32 to index
        %get3A_884 = arith.constant 80 : index
        %get3A_885 = tpu.vector_load %arg6[%get3A_882, %get3A_883, %get3A_884] {strides = array<i32>} : memref<8x50x128xf32, #tpu.memory_space<vmem>>, vector<1x1x16xf32>,
        %get3A_886 = vector.shape_cast %get3A_885 : vector<1x1x16xf32> to vector<16xf32>
        %add3A_887 = arith.addf %add3A_829, %get3A_886 : vector<16xf32>
        %get3A_888 = arith.constant 6 : i32
        %get3A_889 = arith.index_cast %get3A_888 : i32 to index
        %get3A_890 = arith.index_cast %scan3A_845 : i32 to index
        %get3A_891 = arith.constant 96 : index
        %get3A_892 = tpu.vector_load %arg6[%get3A_889, %get3A_890, %get3A_891] {strides = array<i32>} : memref<8x50x128xf32, #tpu.memory_space<vmem>>, vector<1x1x16xf32>,
        %get3A_893 = vector.shape_cast %get3A_892 : vector<1x1x16xf32> to vector<16xf32>
        %add3A_894 = arith.addf %add3A_836, %get3A_893 : vector<16xf32>
        %get3A_895 = arith.constant 6 : i32
        %get3A_896 = arith.index_cast %get3A_895 : i32 to index
        %get3A_897 = arith.index_cast %scan3A_845 : i32 to index
        %get3A_898 = arith.constant 112 : index
        %get3A_899 = tpu.vector_load %arg6[%get3A_896, %get3A_897, %get3A_898] {strides = array<i32>} : memref<8x50x128xf32, #tpu.memory_space<vmem>>, vector<1x1x16xf32>,
        %get3A_900 = vector.shape_cast %get3A_899 : vector<1x1x16xf32> to vector<16xf32>
        %add3A_901 = arith.addf %add3A_843, %get3A_900 : vector<16xf32>
        %scan3A_902 = arith.constant 2 : i32
        %scan3A_903 = arith.addi %scan3A_780, %scan3A_902 : i32
        %get3A_904 = arith.constant 6 : i32
        %get3A_905 = arith.index_cast %get3A_904 : i32 to index
        %get3A_906 = arith.index_cast %scan3A_903 : i32 to index
        %get3A_907 = arith.constant 0 : index
        %get3A_908 = tpu.vector_load %arg6[%get3A_905, %get3A_906, %get3A_907] {strides = array<i32>} : memref<8x50x128xf32, #tpu.memory_space<vmem>>, vector<1x1x16xf32>,
        %get3A_909 = vector.shape_cast %get3A_908 : vector<1x1x16xf32> to vector<16xf32>
        %add3A_910 = arith.addf %add3A_852, %get3A_909 : vector<16xf32>
        %get3A_911 = arith.constant 6 : i32
        %get3A_912 = arith.index_cast %get3A_911 : i32 to index
        %get3A_913 = arith.index_cast %scan3A_903 : i32 to index
        %get3A_914 = arith.constant 16 : index
        %get3A_915 = tpu.vector_load %arg6[%get3A_912, %get3A_913, %get3A_914] {strides = array<i32>} : memref<8x50x128xf32, #tpu.memory_space<vmem>>, vector<1x1x16xf32>,
        %get3A_916 = vector.shape_cast %get3A_915 : vector<1x1x16xf32> to vector<16xf32>
        %add3A_917 = arith.addf %add3A_859, %get3A_916 : vector<16xf32>
        %get3A_918 = arith.constant 6 : i32
        %get3A_919 = arith.index_cast %get3A_918 : i32 to index
        %get3A_920 = arith.index_cast %scan3A_903 : i32 to index
        %get3A_921 = arith.constant 32 : index
        %get3A_922 = tpu.vector_load %arg6[%get3A_919, %get3A_920, %get3A_921] {strides = array<i32>} : memref<8x50x128xf32, #tpu.memory_space<vmem>>, vector<1x1x16xf32>,
        %get3A_923 = vector.shape_cast %get3A_922 : vector<1x1x16xf32> to vector<16xf32>
        %add3A_924 = arith.addf %add3A_866, %get3A_923 : vector<16xf32>
        %get3A_925 = arith.constant 6 : i32
        %get3A_926 = arith.index_cast %get3A_925 : i32 to index
        %get3A_927 = arith.index_cast %scan3A_903 : i32 to index
        %get3A_928 = arith.constant 48 : index
        %get3A_929 = tpu.vector_load %arg6[%get3A_926, %get3A_927, %get3A_928] {strides = array<i32>} : memref<8x50x128xf32, #tpu.memory_space<vmem>>, vector<1x1x16xf32>,
        %get3A_930 = vector.shape_cast %get3A_929 : vector<1x1x16xf32> to vector<16xf32>
        %add3A_931 = arith.addf %add3A_873, %get3A_930 : vector<16xf32>
        %get3A_932 = arith.constant 6 : i32
        %get3A_933 = arith.index_cast %get3A_932 : i32 to index
        %get3A_934 = arith.index_cast %scan3A_903 : i32 to index
        %get3A_935 = arith.constant 64 : index
        %get3A_936 = tpu.vector_load %arg6[%get3A_933, %get3A_934, %get3A_935] {strides = array<i32>} : memref<8x50x128xf32, #tpu.memory_space<vmem>>, vector<1x1x16xf32>,
        %get3A_937 = vector.shape_cast %get3A_936 : vector<1x1x16xf32> to vector<16xf32>
        %add3A_938 = arith.addf %add3A_880, %get3A_937 : vector<16xf32>
        %get3A_939 = arith.constant 6 : i32
        %get3A_940 = arith.index_cast %get3A_939 : i32 to index
        %get3A_941 = arith.index_cast %scan3A_903 : i32 to index
        %get3A_942 = arith.constant 80 : index
        %get3A_943 = tpu.vector_load %arg6[%get3A_940, %get3A_941, %get3A_942] {strides = array<i32>} : memref<8x50x128xf32, #tpu.memory_space<vmem>>, vector<1x1x16xf32>,
        %get3A_944 = vector.shape_cast %get3A_943 : vector<1x1x16xf32> to vector<16xf32>
        %add3A_945 = arith.addf %add3A_887, %get3A_944 : vector<16xf32>
        %get3A_946 = arith.constant 6 : i32
        %get3A_947 = arith.index_cast %get3A_946 : i32 to index
        %get3A_948 = arith.index_cast %scan3A_903 : i32 to index
        %get3A_949 = arith.constant 96 : index
        %get3A_950 = tpu.vector_load %arg6[%get3A_947, %get3A_948, %get3A_949] {strides = array<i32>} : memref<8x50x128xf32, #tpu.memory_space<vmem>>, vector<1x1x16xf32>,
        %get3A_951 = vector.shape_cast %get3A_950 : vector<1x1x16xf32> to vector<16xf32>
        %add3A_952 = arith.addf %add3A_894, %get3A_951 : vector<16xf32>
        %get3A_953 = arith.constant 6 : i32
        %get3A_954 = arith.index_cast %get3A_953 : i32 to index
        %get3A_955 = arith.index_cast %scan3A_903 : i32 to index
        %get3A_956 = arith.constant 112 : index
        %get3A_957 = tpu.vector_load %arg6[%get3A_954, %get3A_955, %get3A_956] {strides = array<i32>} : memref<8x50x128xf32, #tpu.memory_space<vmem>>, vector<1x1x16xf32>,
        %get3A_958 = vector.shape_cast %get3A_957 : vector<1x1x16xf32> to vector<16xf32>
        %add3A_959 = arith.addf %add3A_901, %get3A_958 : vector<16xf32>
        %scan3A_960 = arith.constant 3 : i32
        %scan3A_961 = arith.addi %scan3A_780, %scan3A_960 : i32
        %get3A_962 = arith.constant 6 : i32
        %get3A_963 = arith.index_cast %get3A_962 : i32 to index
        %get3A_964 = arith.index_cast %scan3A_961 : i32 to index
        %get3A_965 = arith.constant 0 : index
        %get3A_966 = tpu.vector_load %arg6[%get3A_963, %get3A_964, %get3A_965] {strides = array<i32>} : memref<8x50x128xf32, #tpu.memory_space<vmem>>, vector<1x1x16xf32>,
        %get3A_967 = vector.shape_cast %get3A_966 : vector<1x1x16xf32> to vector<16xf32>
        %add3A_968 = arith.addf %add3A_910, %get3A_967 : vector<16xf32>
        %get3A_969 = arith.constant 6 : i32
        %get3A_970 = arith.index_cast %get3A_969 : i32 to index
        %get3A_971 = arith.index_cast %scan3A_961 : i32 to index
        %get3A_972 = arith.constant 16 : index
        %get3A_973 = tpu.vector_load %arg6[%get3A_970, %get3A_971, %get3A_972] {strides = array<i32>} : memref<8x50x128xf32, #tpu.memory_space<vmem>>, vector<1x1x16xf32>,
        %get3A_974 = vector.shape_cast %get3A_973 : vector<1x1x16xf32> to vector<16xf32>
        %add3A_975 = arith.addf %add3A_917, %get3A_974 : vector<16xf32>
        %get3A_976 = arith.constant 6 : i32
        %get3A_977 = arith.index_cast %get3A_976 : i32 to index
        %get3A_978 = arith.index_cast %scan3A_961 : i32 to index
        %get3A_979 = arith.constant 32 : index
        %get3A_980 = tpu.vector_load %arg6[%get3A_977, %get3A_978, %get3A_979] {strides = array<i32>} : memref<8x50x128xf32, #tpu.memory_space<vmem>>, vector<1x1x16xf32>,
        %get3A_981 = vector.shape_cast %get3A_980 : vector<1x1x16xf32> to vector<16xf32>
        %add3A_982 = arith.addf %add3A_924, %get3A_981 : vector<16xf32>
        %get3A_983 = arith.constant 6 : i32
        %get3A_984 = arith.index_cast %get3A_983 : i32 to index
        %get3A_985 = arith.index_cast %scan3A_961 : i32 to index
        %get3A_986 = arith.constant 48 : index
        %get3A_987 = tpu.vector_load %arg6[%get3A_984, %get3A_985, %get3A_986] {strides = array<i32>} : memref<8x50x128xf32, #tpu.memory_space<vmem>>, vector<1x1x16xf32>,
        %get3A_988 = vector.shape_cast %get3A_987 : vector<1x1x16xf32> to vector<16xf32>
        %add3A_989 = arith.addf %add3A_931, %get3A_988 : vector<16xf32>
        %get3A_990 = arith.constant 6 : i32
        %get3A_991 = arith.index_cast %get3A_990 : i32 to index
        %get3A_992 = arith.index_cast %scan3A_961 : i32 to index
        %get3A_993 = arith.constant 64 : index
        %get3A_994 = tpu.vector_load %arg6[%get3A_991, %get3A_992, %get3A_993] {strides = array<i32>} : memref<8x50x128xf32, #tpu.memory_space<vmem>>, vector<1x1x16xf32>,
        %get3A_995 = vector.shape_cast %get3A_994 : vector<1x1x16xf32> to vector<16xf32>
        %add3A_996 = arith.addf %add3A_938, %get3A_995 : vector<16xf32>
        %get3A_997 = arith.constant 6 : i32
        %get3A_998 = arith.index_cast %get3A_997 : i32 to index
        %get3A_999 = arith.index_cast %scan3A_961 : i32 to index
        %get3A_1000 = arith.constant 80 : index
        %get3A_1001 = tpu.vector_load %arg6[%get3A_998, %get3A_999, %get3A_1000] {strides = array<i32>} : memref<8x50x128xf32, #tpu.memory_space<vmem>>, vector<1x1x16xf32>,
        %get3A_1002 = vector.shape_cast %get3A_1001 : vector<1x1x16xf32> to vector<16xf32>
        %add3A_1003 = arith.addf %add3A_945, %get3A_1002 : vector<16xf32>
        %get3A_1004 = arith.constant 6 : i32
        %get3A_1005 = arith.index_cast %get3A_1004 : i32 to index
        %get3A_1006 = arith.index_cast %scan3A_961 : i32 to index
        %get3A_1007 = arith.constant 96 : index
        %get3A_1008 = tpu.vector_load %arg6[%get3A_1005, %get3A_1006, %get3A_1007] {strides = array<i32>} : memref<8x50x128xf32, #tpu.memory_space<vmem>>, vector<1x1x16xf32>,
        %get3A_1009 = vector.shape_cast %get3A_1008 : vector<1x1x16xf32> to vector<16xf32>
        %add3A_1010 = arith.addf %add3A_952, %get3A_1009 : vector<16xf32>
        %get3A_1011 = arith.constant 6 : i32
        %get3A_1012 = arith.index_cast %get3A_1011 : i32 to index
        %get3A_1013 = arith.index_cast %scan3A_961 : i32 to index
        %get3A_1014 = arith.constant 112 : index
        %get3A_1015 = tpu.vector_load %arg6[%get3A_1012, %get3A_1013, %get3A_1014] {strides = array<i32>} : memref<8x50x128xf32, #tpu.memory_space<vmem>>, vector<1x1x16xf32>,
        %get3A_1016 = vector.shape_cast %get3A_1015 : vector<1x1x16xf32> to vector<16xf32>
        %add3A_1017 = arith.addf %add3A_959, %get3A_1016 : vector<16xf32>
        %scan3A_1018 = arith.constant 4 : i32
        %scan3A_1019 = arith.addi %scan3A_780, %scan3A_1018 : i32
        %get3A_1020 = arith.constant 6 : i32
        %get3A_1021 = arith.index_cast %get3A_1020 : i32 to index
        %get3A_1022 = arith.index_cast %scan3A_1019 : i32 to index
        %get3A_1023 = arith.constant 0 : index
        %get3A_1024 = tpu.vector_load %arg6[%get3A_1021, %get3A_1022, %get3A_1023] {strides = array<i32>} : memref<8x50x128xf32, #tpu.memory_space<vmem>>, vector<1x1x16xf32>,
        %get3A_1025 = vector.shape_cast %get3A_1024 : vector<1x1x16xf32> to vector<16xf32>
        %add3A_1026 = arith.addf %add3A_968, %get3A_1025 : vector<16xf32>
        %get3A_1027 = arith.constant 6 : i32
        %get3A_1028 = arith.index_cast %get3A_1027 : i32 to index
        %get3A_1029 = arith.index_cast %scan3A_1019 : i32 to index
        %get3A_1030 = arith.constant 16 : index
        %get3A_1031 = tpu.vector_load %arg6[%get3A_1028, %get3A_1029, %get3A_1030] {strides = array<i32>} : memref<8x50x128xf32, #tpu.memory_space<vmem>>, vector<1x1x16xf32>,
        %get3A_1032 = vector.shape_cast %get3A_1031 : vector<1x1x16xf32> to vector<16xf32>
        %add3A_1033 = arith.addf %add3A_975, %get3A_1032 : vector<16xf32>
        %get3A_1034 = arith.constant 6 : i32
        %get3A_1035 = arith.index_cast %get3A_1034 : i32 to index
        %get3A_1036 = arith.index_cast %scan3A_1019 : i32 to index
        %get3A_1037 = arith.constant 32 : index
        %get3A_1038 = tpu.vector_load %arg6[%get3A_1035, %get3A_1036, %get3A_1037] {strides = array<i32>} : memref<8x50x128xf32, #tpu.memory_space<vmem>>, vector<1x1x16xf32>,
        %get3A_1039 = vector.shape_cast %get3A_1038 : vector<1x1x16xf32> to vector<16xf32>
        %add3A_1040 = arith.addf %add3A_982, %get3A_1039 : vector<16xf32>
        %get3A_1041 = arith.constant 6 : i32
        %get3A_1042 = arith.index_cast %get3A_1041 : i32 to index
        %get3A_1043 = arith.index_cast %scan3A_1019 : i32 to index
        %get3A_1044 = arith.constant 48 : index
        %get3A_1045 = tpu.vector_load %arg6[%get3A_1042, %get3A_1043, %get3A_1044] {strides = array<i32>} : memref<8x50x128xf32, #tpu.memory_space<vmem>>, vector<1x1x16xf32>,
        %get3A_1046 = vector.shape_cast %get3A_1045 : vector<1x1x16xf32> to vector<16xf32>
        %add3A_1047 = arith.addf %add3A_989, %get3A_1046 : vector<16xf32>
        %get3A_1048 = arith.constant 6 : i32
        %get3A_1049 = arith.index_cast %get3A_1048 : i32 to index
        %get3A_1050 = arith.index_cast %scan3A_1019 : i32 to index
        %get3A_1051 = arith.constant 64 : index
        %get3A_1052 = tpu.vector_load %arg6[%get3A_1049, %get3A_1050, %get3A_1051] {strides = array<i32>} : memref<8x50x128xf32, #tpu.memory_space<vmem>>, vector<1x1x16xf32>,
        %get3A_1053 = vector.shape_cast %get3A_1052 : vector<1x1x16xf32> to vector<16xf32>
        %add3A_1054 = arith.addf %add3A_996, %get3A_1053 : vector<16xf32>
        %get3A_1055 = arith.constant 6 : i32
        %get3A_1056 = arith.index_cast %get3A_1055 : i32 to index
        %get3A_1057 = arith.index_cast %scan3A_1019 : i32 to index
        %get3A_1058 = arith.constant 80 : index
        %get3A_1059 = tpu.vector_load %arg6[%get3A_1056, %get3A_1057, %get3A_1058] {strides = array<i32>} : memref<8x50x128xf32, #tpu.memory_space<vmem>>, vector<1x1x16xf32>,
        %get3A_1060 = vector.shape_cast %get3A_1059 : vector<1x1x16xf32> to vector<16xf32>
        %add3A_1061 = arith.addf %add3A_1003, %get3A_1060 : vector<16xf32>
        %get3A_1062 = arith.constant 6 : i32
        %get3A_1063 = arith.index_cast %get3A_1062 : i32 to index
        %get3A_1064 = arith.index_cast %scan3A_1019 : i32 to index
        %get3A_1065 = arith.constant 96 : index
        %get3A_1066 = tpu.vector_load %arg6[%get3A_1063, %get3A_1064, %get3A_1065] {strides = array<i32>} : memref<8x50x128xf32, #tpu.memory_space<vmem>>, vector<1x1x16xf32>,
        %get3A_1067 = vector.shape_cast %get3A_1066 : vector<1x1x16xf32> to vector<16xf32>
        %add3A_1068 = arith.addf %add3A_1010, %get3A_1067 : vector<16xf32>
        %get3A_1069 = arith.constant 6 : i32
        %get3A_1070 = arith.index_cast %get3A_1069 : i32 to index
        %get3A_1071 = arith.index_cast %scan3A_1019 : i32 to index
        %get3A_1072 = arith.constant 112 : index
        %get3A_1073 = tpu.vector_load %arg6[%get3A_1070, %get3A_1071, %get3A_1072] {strides = array<i32>} : memref<8x50x128xf32, #tpu.memory_space<vmem>>, vector<1x1x16xf32>,
        %get3A_1074 = vector.shape_cast %get3A_1073 : vector<1x1x16xf32> to vector<16xf32>
        %add3A_1075 = arith.addf %add3A_1017, %get3A_1074 : vector<16xf32>
        scf.yield %add3A_1026, %add3A_1033, %add3A_1040, %add3A_1047, %add3A_1054, %add3A_1061, %add3A_1068, %add3A_1075 : vector<16xf32>, vector<16xf32>, vector<16xf32>, vector<16xf32>, vector<16xf32>, vector<16xf32>, vector<16xf32>, vector<16xf32>
      }
      %scan3A_645 = arith.constant 50 : i32
      %swap3A_646 = arith.index_cast %add3A_623 : i32 to index
      %swap3A_647 = arith.constant 0 : index
      %swap3A_648 = tpu.vector_load %arg7[%swap3A_646, %swap3A_647] {strides = array<i32>} : memref<128x128xf32, #tpu.memory_space<vmem>>, vector<1x16xf32>,
      %swap3A_649 = vector.shape_cast %swap3A_648 : vector<1x16xf32> to vector<16xf32>
      %swap3A_650 = vector.shape_cast %scan3A_644#0 : vector<16xf32> to vector<1x16xf32>
      tpu.vector_store %arg7[%swap3A_646, %swap3A_647], %swap3A_650 {strides = array<i32>} : memref<128x128xf32, #tpu.memory_space<vmem>>, vector<1x16xf32>,
      %swap3A_651 = arith.index_cast %add3A_623 : i32 to index
      %swap3A_652 = arith.constant 16 : index
      %swap3A_653 = tpu.vector_load %arg7[%swap3A_651, %swap3A_652] {strides = array<i32>} : memref<128x128xf32, #tpu.memory_space<vmem>>, vector<1x16xf32>,
      %swap3A_654 = vector.shape_cast %swap3A_653 : vector<1x16xf32> to vector<16xf32>
      %swap3A_655 = vector.shape_cast %scan3A_644#1 : vector<16xf32> to vector<1x16xf32>
      tpu.vector_store %arg7[%swap3A_651, %swap3A_652], %swap3A_655 {strides = array<i32>} : memref<128x128xf32, #tpu.memory_space<vmem>>, vector<1x16xf32>,
      %swap3A_656 = arith.index_cast %add3A_623 : i32 to index
      %swap3A_657 = arith.constant 32 : index
      %swap3A_658 = tpu.vector_load %arg7[%swap3A_656, %swap3A_657] {strides = array<i32>} : memref<128x128xf32, #tpu.memory_space<vmem>>, vector<1x16xf32>,
      %swap3A_659 = vector.shape_cast %swap3A_658 : vector<1x16xf32> to vector<16xf32>
      %swap3A_660 = vector.shape_cast %scan3A_644#2 : vector<16xf32> to vector<1x16xf32>
      tpu.vector_store %arg7[%swap3A_656, %swap3A_657], %swap3A_660 {strides = array<i32>} : memref<128x128xf32, #tpu.memory_space<vmem>>, vector<1x16xf32>,
      %swap3A_661 = arith.index_cast %add3A_623 : i32 to index
      %swap3A_662 = arith.constant 48 : index
      %swap3A_663 = tpu.vector_load %arg7[%swap3A_661, %swap3A_662] {strides = array<i32>} : memref<128x128xf32, #tpu.memory_space<vmem>>, vector<1x16xf32>,
      %swap3A_664 = vector.shape_cast %swap3A_663 : vector<1x16xf32> to vector<16xf32>
      %swap3A_665 = vector.shape_cast %scan3A_644#3 : vector<16xf32> to vector<1x16xf32>
      tpu.vector_store %arg7[%swap3A_661, %swap3A_662], %swap3A_665 {strides = array<i32>} : memref<128x128xf32, #tpu.memory_space<vmem>>, vector<1x16xf32>,
      %swap3A_666 = arith.index_cast %add3A_623 : i32 to index
      %swap3A_667 = arith.constant 64 : index
      %swap3A_668 = tpu.vector_load %arg7[%swap3A_666, %swap3A_667] {strides = array<i32>} : memref<128x128xf32, #tpu.memory_space<vmem>>, vector<1x16xf32>,
      %swap3A_669 = vector.shape_cast %swap3A_668 : vector<1x16xf32> to vector<16xf32>
      %swap3A_670 = vector.shape_cast %scan3A_644#4 : vector<16xf32> to vector<1x16xf32>
      tpu.vector_store %arg7[%swap3A_666, %swap3A_667], %swap3A_670 {strides = array<i32>} : memref<128x128xf32, #tpu.memory_space<vmem>>, vector<1x16xf32>,
      %swap3A_671 = arith.index_cast %add3A_623 : i32 to index
      %swap3A_672 = arith.constant 80 : index
      %swap3A_673 = tpu.vector_load %arg7[%swap3A_671, %swap3A_672] {strides = array<i32>} : memref<128x128xf32, #tpu.memory_space<vmem>>, vector<1x16xf32>,
      %swap3A_674 = vector.shape_cast %swap3A_673 : vector<1x16xf32> to vector<16xf32>
      %swap3A_675 = vector.shape_cast %scan3A_644#5 : vector<16xf32> to vector<1x16xf32>
      tpu.vector_store %arg7[%swap3A_671, %swap3A_672], %swap3A_675 {strides = array<i32>} : memref<128x128xf32, #tpu.memory_space<vmem>>, vector<1x16xf32>,
      %swap3A_676 = arith.index_cast %add3A_623 : i32 to index
      %swap3A_677 = arith.constant 96 : index
      %swap3A_678 = tpu.vector_load %arg7[%swap3A_676, %swap3A_677] {strides = array<i32>} : memref<128x128xf32, #tpu.memory_space<vmem>>, vector<1x16xf32>,
      %swap3A_679 = vector.shape_cast %swap3A_678 : vector<1x16xf32> to vector<16xf32>
      %swap3A_680 = vector.shape_cast %scan3A_644#6 : vector<16xf32> to vector<1x16xf32>
      tpu.vector_store %arg7[%swap3A_676, %swap3A_677], %swap3A_680 {strides = array<i32>} : memref<128x128xf32, #tpu.memory_space<vmem>>, vector<1x16xf32>,
      %swap3A_681 = arith.index_cast %add3A_623 : i32 to index
      %swap3A_682 = arith.constant 112 : index
      %swap3A_683 = tpu.vector_load %arg7[%swap3A_681, %swap3A_682] {strides = array<i32>} : memref<128x128xf32, #tpu.memory_space<vmem>>, vector<1x16xf32>,
      %swap3A_684 = vector.shape_cast %swap3A_683 : vector<1x16xf32> to vector<16xf32>
      %swap3A_685 = vector.shape_cast %scan3A_644#7 : vector<16xf32> to vector<1x16xf32>
      tpu.vector_store %arg7[%swap3A_681, %swap3A_682], %swap3A_685 {strides = array<i32>} : memref<128x128xf32, #tpu.memory_space<vmem>>, vector<1x16xf32>,
      %add3A_686 = arith.constant 8 : i32
      %add3A_687 = arith.addi %mul3A_105, %add3A_686 : i32
      %add3A_688 = arith.constant 6 : i32
      %add3A_689 = arith.addi %add3A_687, %add3A_688 : i32
      %lt3A_690 = arith.constant 128 : i32
      %lt3A_691 = arith.cmpi slt, %add3A_689, %lt3A_690 : i32
      %convert_element_type3A_692 = arith.extui %lt3A_691 : i1 to i32
      %cond3A_693 = arith.constant 0 : i32
      %cond3A_694 = arith.cmpi ne, %convert_element_type3A_692, %cond3A_693 : i32
      scf.if %cond3A_694 {
        %add3A_780 = arith.constant 8 : i32
        %add3A_781 = arith.addi %mul3A_105, %add3A_780 : i32
        %add3A_782 = arith.constant 6 : i32
        %add3A_783 = arith.addi %add3A_781, %add3A_782 : i32
        %dma_start3A_784 = arith.constant 6 : i32
        %dma_start3A_785 = arith.constant 0 : i32
        %dma_start3A_786 = arith.constant 0 : i32
        %dma_start3A_787 = tpu.memref_slice %arg6[%dma_start3A_784, %dma_start3A_785, %dma_start3A_786] : memref<8x50x128xf32, #tpu.memory_space<vmem>> -> memref<1x50x128xf32, #tpu.memory_space<vmem>>
        %dma_start3A_788 = tpu.memref_squeeze %dma_start3A_787 : memref<1x50x128xf32, #tpu.memory_space<vmem>> -> memref<50x128xf32, #tpu.memory_space<vmem>>
        %dma_start3A_789 = arith.constant 0 : i32
        %dma_start3A_790 = tpu.memref_slice %arg5[%add3A_783, %dma_start3A_789] : memref<128x50xi32, #tpu.memory_space<vmem>> -> memref<1x50xi32, #tpu.memory_space<vmem>>
        %dma_start3A_791 = tpu.memref_squeeze %dma_start3A_790 : memref<1x50xi32, #tpu.memory_space<vmem>> -> memref<50xi32, #tpu.memory_space<vmem>>
        %dma_start3A_792 = arith.constant 0 : i32
        %dma_start3A_793 = arith.constant 0 : i32
        %dma_start3A_794 = tpu.memref_slice %arg3[%dma_start3A_792, %dma_start3A_793] : memref<100000x128xf32, #tpu.memory_space<hbm>> -> memref<100000x128xf32, #tpu.memory_space<hbm>>
        tpu.enqueue_indirect_dma source(%dma_start3A_794 : memref<100000x128xf32, #tpu.memory_space<hbm>>) target(%dma_start3A_788 : memref<50x128xf32, #tpu.memory_space<vmem>>) offsets(%dma_start3A_791 : memref<50xi32, #tpu.memory_space<vmem>>) semaphore(%arg14 : memref<!tpu.dma_semaphore, #tpu.memory_space<semaphore_mem>>)
      } else {
      }
      %dma_wait3A_695 = arith.constant 0 : i32
      %dma_wait3A_696 = arith.constant 7 : i32
      %dma_wait3A_697 = arith.constant 0 : i32
      %dma_wait3A_698 = arith.constant 0 : i32
      %dma_wait3A_699 = tpu.memref_slice %arg6[%dma_wait3A_696, %dma_wait3A_697, %dma_wait3A_698] : memref<8x50x128xf32, #tpu.memory_space<vmem>> -> memref<1x50x128xf32, #tpu.memory_space<vmem>>
      %dma_wait3A_700 = tpu.memref_squeeze %dma_wait3A_699 : memref<1x50x128xf32, #tpu.memory_space<vmem>> -> memref<50x128xf32, #tpu.memory_space<vmem>>
      %dma_wait3A_701 = arith.constant 0 : i32
      %dma_wait3A_702 = tpu.memref_slice %arg5[%dma_wait3A_695, %dma_wait3A_701] : memref<128x50xi32, #tpu.memory_space<vmem>> -> memref<1x50xi32, #tpu.memory_space<vmem>>
      %dma_wait3A_703 = tpu.memref_squeeze %dma_wait3A_702 : memref<1x50xi32, #tpu.memory_space<vmem>> -> memref<50xi32, #tpu.memory_space<vmem>>
      %dma_wait3A_704 = arith.constant 0 : i32
      %dma_wait3A_705 = arith.constant 0 : i32
      %dma_wait3A_706 = tpu.memref_slice %arg3[%dma_wait3A_704, %dma_wait3A_705] : memref<100000x128xf32, #tpu.memory_space<hbm>> -> memref<100000x128xf32, #tpu.memory_space<hbm>>
      tpu.wait_indirect_dma semaphore(%arg15 : memref<!tpu.dma_semaphore, #tpu.memory_space<semaphore_mem>>) src(%dma_wait3A_706 : memref<100000x128xf32, #tpu.memory_space<hbm>>) dst(%dma_wait3A_700 : memref<50x128xf32, #tpu.memory_space<vmem>>)
      %add3A_707 = arith.constant 7 : i32
      %add3A_708 = arith.addi %mul3A_105, %add3A_707 : i32
      %broadcast_in_dim3A_709 = arith.constant 0.000000e+00 : f32
      %broadcast_in_dim3A_710 = vector.broadcast %broadcast_in_dim3A_709 : f32 to vector<16xf32>
      %broadcast_in_dim3A_711 = arith.constant 0.000000e+00 : f32
      %broadcast_in_dim3A_712 = vector.broadcast %broadcast_in_dim3A_711 : f32 to vector<16xf32>
      %broadcast_in_dim3A_713 = arith.constant 0.000000e+00 : f32
      %broadcast_in_dim3A_714 = vector.broadcast %broadcast_in_dim3A_713 : f32 to vector<16xf32>
      %broadcast_in_dim3A_715 = arith.constant 0.000000e+00 : f32
      %broadcast_in_dim3A_716 = vector.broadcast %broadcast_in_dim3A_715 : f32 to vector<16xf32>
      %broadcast_in_dim3A_717 = arith.constant 0.000000e+00 : f32
      %broadcast_in_dim3A_718 = vector.broadcast %broadcast_in_dim3A_717 : f32 to vector<16xf32>
      %broadcast_in_dim3A_719 = arith.constant 0.000000e+00 : f32
      %broadcast_in_dim3A_720 = vector.broadcast %broadcast_in_dim3A_719 : f32 to vector<16xf32>
      %broadcast_in_dim3A_721 = arith.constant 0.000000e+00 : f32
      %broadcast_in_dim3A_722 = vector.broadcast %broadcast_in_dim3A_721 : f32 to vector<16xf32>
      %broadcast_in_dim3A_723 = arith.constant 0.000000e+00 : f32
      %broadcast_in_dim3A_724 = vector.broadcast %broadcast_in_dim3A_723 : f32 to vector<16xf32>
      %scan3A_725 = arith.constant 0 : i32
      %scan3A_726 = arith.constant 50 : i32
      %scan3A_727 = arith.addi %scan3A_725, %scan3A_726 : i32
      %scan3A_728 = arith.constant 5 : i32
      %scan3A_729:8 = scf.for %scan3A_780 = %scan3A_725 to %scan3A_727 step %scan3A_728 iter_args(%scan3A_781 = %broadcast_in_dim3A_710, %scan3A_782 = %broadcast_in_dim3A_712, %scan3A_783 = %broadcast_in_dim3A_714, %scan3A_784 = %broadcast_in_dim3A_716, %scan3A_785 = %broadcast_in_dim3A_718, %scan3A_786 = %broadcast_in_dim3A_720, %scan3A_787 = %broadcast_in_dim3A_722, %scan3A_788 = %broadcast_in_dim3A_724) -> (vector<16xf32>, vector<16xf32>, vector<16xf32>, vector<16xf32>, vector<16xf32>, vector<16xf32>, vector<16xf32>, vector<16xf32>)  : i32 {
        %get3A = arith.constant 7 : i32
        %get3A_789 = arith.index_cast %get3A : i32 to index
        %get3A_790 = arith.index_cast %scan3A_780 : i32 to index
        %get3A_791 = arith.constant 0 : index
        %get3A_792 = tpu.vector_load %arg6[%get3A_789, %get3A_790, %get3A_791] {strides = array<i32>} : memref<8x50x128xf32, #tpu.memory_space<vmem>>, vector<1x1x16xf32>,
        %get3A_793 = vector.shape_cast %get3A_792 : vector<1x1x16xf32> to vector<16xf32>
        %add3A_794 = arith.addf %scan3A_781, %get3A_793 : vector<16xf32>
        %get3A_795 = arith.constant 7 : i32
        %get3A_796 = arith.index_cast %get3A_795 : i32 to index
        %get3A_797 = arith.index_cast %scan3A_780 : i32 to index
        %get3A_798 = arith.constant 16 : index
        %get3A_799 = tpu.vector_load %arg6[%get3A_796, %get3A_797, %get3A_798] {strides = array<i32>} : memref<8x50x128xf32, #tpu.memory_space<vmem>>, vector<1x1x16xf32>,
        %get3A_800 = vector.shape_cast %get3A_799 : vector<1x1x16xf32> to vector<16xf32>
        %add3A_801 = arith.addf %scan3A_782, %get3A_800 : vector<16xf32>
        %get3A_802 = arith.constant 7 : i32
        %get3A_803 = arith.index_cast %get3A_802 : i32 to index
        %get3A_804 = arith.index_cast %scan3A_780 : i32 to index
        %get3A_805 = arith.constant 32 : index
        %get3A_806 = tpu.vector_load %arg6[%get3A_803, %get3A_804, %get3A_805] {strides = array<i32>} : memref<8x50x128xf32, #tpu.memory_space<vmem>>, vector<1x1x16xf32>,
        %get3A_807 = vector.shape_cast %get3A_806 : vector<1x1x16xf32> to vector<16xf32>
        %add3A_808 = arith.addf %scan3A_783, %get3A_807 : vector<16xf32>
        %get3A_809 = arith.constant 7 : i32
        %get3A_810 = arith.index_cast %get3A_809 : i32 to index
        %get3A_811 = arith.index_cast %scan3A_780 : i32 to index
        %get3A_812 = arith.constant 48 : index
        %get3A_813 = tpu.vector_load %arg6[%get3A_810, %get3A_811, %get3A_812] {strides = array<i32>} : memref<8x50x128xf32, #tpu.memory_space<vmem>>, vector<1x1x16xf32>,
        %get3A_814 = vector.shape_cast %get3A_813 : vector<1x1x16xf32> to vector<16xf32>
        %add3A_815 = arith.addf %scan3A_784, %get3A_814 : vector<16xf32>
        %get3A_816 = arith.constant 7 : i32
        %get3A_817 = arith.index_cast %get3A_816 : i32 to index
        %get3A_818 = arith.index_cast %scan3A_780 : i32 to index
        %get3A_819 = arith.constant 64 : index
        %get3A_820 = tpu.vector_load %arg6[%get3A_817, %get3A_818, %get3A_819] {strides = array<i32>} : memref<8x50x128xf32, #tpu.memory_space<vmem>>, vector<1x1x16xf32>,
        %get3A_821 = vector.shape_cast %get3A_820 : vector<1x1x16xf32> to vector<16xf32>
        %add3A_822 = arith.addf %scan3A_785, %get3A_821 : vector<16xf32>
        %get3A_823 = arith.constant 7 : i32
        %get3A_824 = arith.index_cast %get3A_823 : i32 to index
        %get3A_825 = arith.index_cast %scan3A_780 : i32 to index
        %get3A_826 = arith.constant 80 : index
        %get3A_827 = tpu.vector_load %arg6[%get3A_824, %get3A_825, %get3A_826] {strides = array<i32>} : memref<8x50x128xf32, #tpu.memory_space<vmem>>, vector<1x1x16xf32>,
        %get3A_828 = vector.shape_cast %get3A_827 : vector<1x1x16xf32> to vector<16xf32>
        %add3A_829 = arith.addf %scan3A_786, %get3A_828 : vector<16xf32>
        %get3A_830 = arith.constant 7 : i32
        %get3A_831 = arith.index_cast %get3A_830 : i32 to index
        %get3A_832 = arith.index_cast %scan3A_780 : i32 to index
        %get3A_833 = arith.constant 96 : index
        %get3A_834 = tpu.vector_load %arg6[%get3A_831, %get3A_832, %get3A_833] {strides = array<i32>} : memref<8x50x128xf32, #tpu.memory_space<vmem>>, vector<1x1x16xf32>,
        %get3A_835 = vector.shape_cast %get3A_834 : vector<1x1x16xf32> to vector<16xf32>
        %add3A_836 = arith.addf %scan3A_787, %get3A_835 : vector<16xf32>
        %get3A_837 = arith.constant 7 : i32
        %get3A_838 = arith.index_cast %get3A_837 : i32 to index
        %get3A_839 = arith.index_cast %scan3A_780 : i32 to index
        %get3A_840 = arith.constant 112 : index
        %get3A_841 = tpu.vector_load %arg6[%get3A_838, %get3A_839, %get3A_840] {strides = array<i32>} : memref<8x50x128xf32, #tpu.memory_space<vmem>>, vector<1x1x16xf32>,
        %get3A_842 = vector.shape_cast %get3A_841 : vector<1x1x16xf32> to vector<16xf32>
        %add3A_843 = arith.addf %scan3A_788, %get3A_842 : vector<16xf32>
        %scan3A_844 = arith.constant 1 : i32
        %scan3A_845 = arith.addi %scan3A_780, %scan3A_844 : i32
        %get3A_846 = arith.constant 7 : i32
        %get3A_847 = arith.index_cast %get3A_846 : i32 to index
        %get3A_848 = arith.index_cast %scan3A_845 : i32 to index
        %get3A_849 = arith.constant 0 : index
        %get3A_850 = tpu.vector_load %arg6[%get3A_847, %get3A_848, %get3A_849] {strides = array<i32>} : memref<8x50x128xf32, #tpu.memory_space<vmem>>, vector<1x1x16xf32>,
        %get3A_851 = vector.shape_cast %get3A_850 : vector<1x1x16xf32> to vector<16xf32>
        %add3A_852 = arith.addf %add3A_794, %get3A_851 : vector<16xf32>
        %get3A_853 = arith.constant 7 : i32
        %get3A_854 = arith.index_cast %get3A_853 : i32 to index
        %get3A_855 = arith.index_cast %scan3A_845 : i32 to index
        %get3A_856 = arith.constant 16 : index
        %get3A_857 = tpu.vector_load %arg6[%get3A_854, %get3A_855, %get3A_856] {strides = array<i32>} : memref<8x50x128xf32, #tpu.memory_space<vmem>>, vector<1x1x16xf32>,
        %get3A_858 = vector.shape_cast %get3A_857 : vector<1x1x16xf32> to vector<16xf32>
        %add3A_859 = arith.addf %add3A_801, %get3A_858 : vector<16xf32>
        %get3A_860 = arith.constant 7 : i32
        %get3A_861 = arith.index_cast %get3A_860 : i32 to index
        %get3A_862 = arith.index_cast %scan3A_845 : i32 to index
        %get3A_863 = arith.constant 32 : index
        %get3A_864 = tpu.vector_load %arg6[%get3A_861, %get3A_862, %get3A_863] {strides = array<i32>} : memref<8x50x128xf32, #tpu.memory_space<vmem>>, vector<1x1x16xf32>,
        %get3A_865 = vector.shape_cast %get3A_864 : vector<1x1x16xf32> to vector<16xf32>
        %add3A_866 = arith.addf %add3A_808, %get3A_865 : vector<16xf32>
        %get3A_867 = arith.constant 7 : i32
        %get3A_868 = arith.index_cast %get3A_867 : i32 to index
        %get3A_869 = arith.index_cast %scan3A_845 : i32 to index
        %get3A_870 = arith.constant 48 : index
        %get3A_871 = tpu.vector_load %arg6[%get3A_868, %get3A_869, %get3A_870] {strides = array<i32>} : memref<8x50x128xf32, #tpu.memory_space<vmem>>, vector<1x1x16xf32>,
        %get3A_872 = vector.shape_cast %get3A_871 : vector<1x1x16xf32> to vector<16xf32>
        %add3A_873 = arith.addf %add3A_815, %get3A_872 : vector<16xf32>
        %get3A_874 = arith.constant 7 : i32
        %get3A_875 = arith.index_cast %get3A_874 : i32 to index
        %get3A_876 = arith.index_cast %scan3A_845 : i32 to index
        %get3A_877 = arith.constant 64 : index
        %get3A_878 = tpu.vector_load %arg6[%get3A_875, %get3A_876, %get3A_877] {strides = array<i32>} : memref<8x50x128xf32, #tpu.memory_space<vmem>>, vector<1x1x16xf32>,
        %get3A_879 = vector.shape_cast %get3A_878 : vector<1x1x16xf32> to vector<16xf32>
        %add3A_880 = arith.addf %add3A_822, %get3A_879 : vector<16xf32>
        %get3A_881 = arith.constant 7 : i32
        %get3A_882 = arith.index_cast %get3A_881 : i32 to index
        %get3A_883 = arith.index_cast %scan3A_845 : i32 to index
        %get3A_884 = arith.constant 80 : index
        %get3A_885 = tpu.vector_load %arg6[%get3A_882, %get3A_883, %get3A_884] {strides = array<i32>} : memref<8x50x128xf32, #tpu.memory_space<vmem>>, vector<1x1x16xf32>,
        %get3A_886 = vector.shape_cast %get3A_885 : vector<1x1x16xf32> to vector<16xf32>
        %add3A_887 = arith.addf %add3A_829, %get3A_886 : vector<16xf32>
        %get3A_888 = arith.constant 7 : i32
        %get3A_889 = arith.index_cast %get3A_888 : i32 to index
        %get3A_890 = arith.index_cast %scan3A_845 : i32 to index
        %get3A_891 = arith.constant 96 : index
        %get3A_892 = tpu.vector_load %arg6[%get3A_889, %get3A_890, %get3A_891] {strides = array<i32>} : memref<8x50x128xf32, #tpu.memory_space<vmem>>, vector<1x1x16xf32>,
        %get3A_893 = vector.shape_cast %get3A_892 : vector<1x1x16xf32> to vector<16xf32>
        %add3A_894 = arith.addf %add3A_836, %get3A_893 : vector<16xf32>
        %get3A_895 = arith.constant 7 : i32
        %get3A_896 = arith.index_cast %get3A_895 : i32 to index
        %get3A_897 = arith.index_cast %scan3A_845 : i32 to index
        %get3A_898 = arith.constant 112 : index
        %get3A_899 = tpu.vector_load %arg6[%get3A_896, %get3A_897, %get3A_898] {strides = array<i32>} : memref<8x50x128xf32, #tpu.memory_space<vmem>>, vector<1x1x16xf32>,
        %get3A_900 = vector.shape_cast %get3A_899 : vector<1x1x16xf32> to vector<16xf32>
        %add3A_901 = arith.addf %add3A_843, %get3A_900 : vector<16xf32>
        %scan3A_902 = arith.constant 2 : i32
        %scan3A_903 = arith.addi %scan3A_780, %scan3A_902 : i32
        %get3A_904 = arith.constant 7 : i32
        %get3A_905 = arith.index_cast %get3A_904 : i32 to index
        %get3A_906 = arith.index_cast %scan3A_903 : i32 to index
        %get3A_907 = arith.constant 0 : index
        %get3A_908 = tpu.vector_load %arg6[%get3A_905, %get3A_906, %get3A_907] {strides = array<i32>} : memref<8x50x128xf32, #tpu.memory_space<vmem>>, vector<1x1x16xf32>,
        %get3A_909 = vector.shape_cast %get3A_908 : vector<1x1x16xf32> to vector<16xf32>
        %add3A_910 = arith.addf %add3A_852, %get3A_909 : vector<16xf32>
        %get3A_911 = arith.constant 7 : i32
        %get3A_912 = arith.index_cast %get3A_911 : i32 to index
        %get3A_913 = arith.index_cast %scan3A_903 : i32 to index
        %get3A_914 = arith.constant 16 : index
        %get3A_915 = tpu.vector_load %arg6[%get3A_912, %get3A_913, %get3A_914] {strides = array<i32>} : memref<8x50x128xf32, #tpu.memory_space<vmem>>, vector<1x1x16xf32>,
        %get3A_916 = vector.shape_cast %get3A_915 : vector<1x1x16xf32> to vector<16xf32>
        %add3A_917 = arith.addf %add3A_859, %get3A_916 : vector<16xf32>
        %get3A_918 = arith.constant 7 : i32
        %get3A_919 = arith.index_cast %get3A_918 : i32 to index
        %get3A_920 = arith.index_cast %scan3A_903 : i32 to index
        %get3A_921 = arith.constant 32 : index
        %get3A_922 = tpu.vector_load %arg6[%get3A_919, %get3A_920, %get3A_921] {strides = array<i32>} : memref<8x50x128xf32, #tpu.memory_space<vmem>>, vector<1x1x16xf32>,
        %get3A_923 = vector.shape_cast %get3A_922 : vector<1x1x16xf32> to vector<16xf32>
        %add3A_924 = arith.addf %add3A_866, %get3A_923 : vector<16xf32>
        %get3A_925 = arith.constant 7 : i32
        %get3A_926 = arith.index_cast %get3A_925 : i32 to index
        %get3A_927 = arith.index_cast %scan3A_903 : i32 to index
        %get3A_928 = arith.constant 48 : index
        %get3A_929 = tpu.vector_load %arg6[%get3A_926, %get3A_927, %get3A_928] {strides = array<i32>} : memref<8x50x128xf32, #tpu.memory_space<vmem>>, vector<1x1x16xf32>,
        %get3A_930 = vector.shape_cast %get3A_929 : vector<1x1x16xf32> to vector<16xf32>
        %add3A_931 = arith.addf %add3A_873, %get3A_930 : vector<16xf32>
        %get3A_932 = arith.constant 7 : i32
        %get3A_933 = arith.index_cast %get3A_932 : i32 to index
        %get3A_934 = arith.index_cast %scan3A_903 : i32 to index
        %get3A_935 = arith.constant 64 : index
        %get3A_936 = tpu.vector_load %arg6[%get3A_933, %get3A_934, %get3A_935] {strides = array<i32>} : memref<8x50x128xf32, #tpu.memory_space<vmem>>, vector<1x1x16xf32>,
        %get3A_937 = vector.shape_cast %get3A_936 : vector<1x1x16xf32> to vector<16xf32>
        %add3A_938 = arith.addf %add3A_880, %get3A_937 : vector<16xf32>
        %get3A_939 = arith.constant 7 : i32
        %get3A_940 = arith.index_cast %get3A_939 : i32 to index
        %get3A_941 = arith.index_cast %scan3A_903 : i32 to index
        %get3A_942 = arith.constant 80 : index
        %get3A_943 = tpu.vector_load %arg6[%get3A_940, %get3A_941, %get3A_942] {strides = array<i32>} : memref<8x50x128xf32, #tpu.memory_space<vmem>>, vector<1x1x16xf32>,
        %get3A_944 = vector.shape_cast %get3A_943 : vector<1x1x16xf32> to vector<16xf32>
        %add3A_945 = arith.addf %add3A_887, %get3A_944 : vector<16xf32>
        %get3A_946 = arith.constant 7 : i32
        %get3A_947 = arith.index_cast %get3A_946 : i32 to index
        %get3A_948 = arith.index_cast %scan3A_903 : i32 to index
        %get3A_949 = arith.constant 96 : index
        %get3A_950 = tpu.vector_load %arg6[%get3A_947, %get3A_948, %get3A_949] {strides = array<i32>} : memref<8x50x128xf32, #tpu.memory_space<vmem>>, vector<1x1x16xf32>,
        %get3A_951 = vector.shape_cast %get3A_950 : vector<1x1x16xf32> to vector<16xf32>
        %add3A_952 = arith.addf %add3A_894, %get3A_951 : vector<16xf32>
        %get3A_953 = arith.constant 7 : i32
        %get3A_954 = arith.index_cast %get3A_953 : i32 to index
        %get3A_955 = arith.index_cast %scan3A_903 : i32 to index
        %get3A_956 = arith.constant 112 : index
        %get3A_957 = tpu.vector_load %arg6[%get3A_954, %get3A_955, %get3A_956] {strides = array<i32>} : memref<8x50x128xf32, #tpu.memory_space<vmem>>, vector<1x1x16xf32>,
        %get3A_958 = vector.shape_cast %get3A_957 : vector<1x1x16xf32> to vector<16xf32>
        %add3A_959 = arith.addf %add3A_901, %get3A_958 : vector<16xf32>
        %scan3A_960 = arith.constant 3 : i32
        %scan3A_961 = arith.addi %scan3A_780, %scan3A_960 : i32
        %get3A_962 = arith.constant 7 : i32
        %get3A_963 = arith.index_cast %get3A_962 : i32 to index
        %get3A_964 = arith.index_cast %scan3A_961 : i32 to index
        %get3A_965 = arith.constant 0 : index
        %get3A_966 = tpu.vector_load %arg6[%get3A_963, %get3A_964, %get3A_965] {strides = array<i32>} : memref<8x50x128xf32, #tpu.memory_space<vmem>>, vector<1x1x16xf32>,
        %get3A_967 = vector.shape_cast %get3A_966 : vector<1x1x16xf32> to vector<16xf32>
        %add3A_968 = arith.addf %add3A_910, %get3A_967 : vector<16xf32>
        %get3A_969 = arith.constant 7 : i32
        %get3A_970 = arith.index_cast %get3A_969 : i32 to index
        %get3A_971 = arith.index_cast %scan3A_961 : i32 to index
        %get3A_972 = arith.constant 16 : index
        %get3A_973 = tpu.vector_load %arg6[%get3A_970, %get3A_971, %get3A_972] {strides = array<i32>} : memref<8x50x128xf32, #tpu.memory_space<vmem>>, vector<1x1x16xf32>,
        %get3A_974 = vector.shape_cast %get3A_973 : vector<1x1x16xf32> to vector<16xf32>
        %add3A_975 = arith.addf %add3A_917, %get3A_974 : vector<16xf32>
        %get3A_976 = arith.constant 7 : i32
        %get3A_977 = arith.index_cast %get3A_976 : i32 to index
        %get3A_978 = arith.index_cast %scan3A_961 : i32 to index
        %get3A_979 = arith.constant 32 : index
        %get3A_980 = tpu.vector_load %arg6[%get3A_977, %get3A_978, %get3A_979] {strides = array<i32>} : memref<8x50x128xf32, #tpu.memory_space<vmem>>, vector<1x1x16xf32>,
        %get3A_981 = vector.shape_cast %get3A_980 : vector<1x1x16xf32> to vector<16xf32>
        %add3A_982 = arith.addf %add3A_924, %get3A_981 : vector<16xf32>
        %get3A_983 = arith.constant 7 : i32
        %get3A_984 = arith.index_cast %get3A_983 : i32 to index
        %get3A_985 = arith.index_cast %scan3A_961 : i32 to index
        %get3A_986 = arith.constant 48 : index
        %get3A_987 = tpu.vector_load %arg6[%get3A_984, %get3A_985, %get3A_986] {strides = array<i32>} : memref<8x50x128xf32, #tpu.memory_space<vmem>>, vector<1x1x16xf32>,
        %get3A_988 = vector.shape_cast %get3A_987 : vector<1x1x16xf32> to vector<16xf32>
        %add3A_989 = arith.addf %add3A_931, %get3A_988 : vector<16xf32>
        %get3A_990 = arith.constant 7 : i32
        %get3A_991 = arith.index_cast %get3A_990 : i32 to index
        %get3A_992 = arith.index_cast %scan3A_961 : i32 to index
        %get3A_993 = arith.constant 64 : index
        %get3A_994 = tpu.vector_load %arg6[%get3A_991, %get3A_992, %get3A_993] {strides = array<i32>} : memref<8x50x128xf32, #tpu.memory_space<vmem>>, vector<1x1x16xf32>,
        %get3A_995 = vector.shape_cast %get3A_994 : vector<1x1x16xf32> to vector<16xf32>
        %add3A_996 = arith.addf %add3A_938, %get3A_995 : vector<16xf32>
        %get3A_997 = arith.constant 7 : i32
        %get3A_998 = arith.index_cast %get3A_997 : i32 to index
        %get3A_999 = arith.index_cast %scan3A_961 : i32 to index
        %get3A_1000 = arith.constant 80 : index
        %get3A_1001 = tpu.vector_load %arg6[%get3A_998, %get3A_999, %get3A_1000] {strides = array<i32>} : memref<8x50x128xf32, #tpu.memory_space<vmem>>, vector<1x1x16xf32>,
        %get3A_1002 = vector.shape_cast %get3A_1001 : vector<1x1x16xf32> to vector<16xf32>
        %add3A_1003 = arith.addf %add3A_945, %get3A_1002 : vector<16xf32>
        %get3A_1004 = arith.constant 7 : i32
        %get3A_1005 = arith.index_cast %get3A_1004 : i32 to index
        %get3A_1006 = arith.index_cast %scan3A_961 : i32 to index
        %get3A_1007 = arith.constant 96 : index
        %get3A_1008 = tpu.vector_load %arg6[%get3A_1005, %get3A_1006, %get3A_1007] {strides = array<i32>} : memref<8x50x128xf32, #tpu.memory_space<vmem>>, vector<1x1x16xf32>,
        %get3A_1009 = vector.shape_cast %get3A_1008 : vector<1x1x16xf32> to vector<16xf32>
        %add3A_1010 = arith.addf %add3A_952, %get3A_1009 : vector<16xf32>
        %get3A_1011 = arith.constant 7 : i32
        %get3A_1012 = arith.index_cast %get3A_1011 : i32 to index
        %get3A_1013 = arith.index_cast %scan3A_961 : i32 to index
        %get3A_1014 = arith.constant 112 : index
        %get3A_1015 = tpu.vector_load %arg6[%get3A_1012, %get3A_1013, %get3A_1014] {strides = array<i32>} : memref<8x50x128xf32, #tpu.memory_space<vmem>>, vector<1x1x16xf32>,
        %get3A_1016 = vector.shape_cast %get3A_1015 : vector<1x1x16xf32> to vector<16xf32>
        %add3A_1017 = arith.addf %add3A_959, %get3A_1016 : vector<16xf32>
        %scan3A_1018 = arith.constant 4 : i32
        %scan3A_1019 = arith.addi %scan3A_780, %scan3A_1018 : i32
        %get3A_1020 = arith.constant 7 : i32
        %get3A_1021 = arith.index_cast %get3A_1020 : i32 to index
        %get3A_1022 = arith.index_cast %scan3A_1019 : i32 to index
        %get3A_1023 = arith.constant 0 : index
        %get3A_1024 = tpu.vector_load %arg6[%get3A_1021, %get3A_1022, %get3A_1023] {strides = array<i32>} : memref<8x50x128xf32, #tpu.memory_space<vmem>>, vector<1x1x16xf32>,
        %get3A_1025 = vector.shape_cast %get3A_1024 : vector<1x1x16xf32> to vector<16xf32>
        %add3A_1026 = arith.addf %add3A_968, %get3A_1025 : vector<16xf32>
        %get3A_1027 = arith.constant 7 : i32
        %get3A_1028 = arith.index_cast %get3A_1027 : i32 to index
        %get3A_1029 = arith.index_cast %scan3A_1019 : i32 to index
        %get3A_1030 = arith.constant 16 : index
        %get3A_1031 = tpu.vector_load %arg6[%get3A_1028, %get3A_1029, %get3A_1030] {strides = array<i32>} : memref<8x50x128xf32, #tpu.memory_space<vmem>>, vector<1x1x16xf32>,
        %get3A_1032 = vector.shape_cast %get3A_1031 : vector<1x1x16xf32> to vector<16xf32>
        %add3A_1033 = arith.addf %add3A_975, %get3A_1032 : vector<16xf32>
        %get3A_1034 = arith.constant 7 : i32
        %get3A_1035 = arith.index_cast %get3A_1034 : i32 to index
        %get3A_1036 = arith.index_cast %scan3A_1019 : i32 to index
        %get3A_1037 = arith.constant 32 : index
        %get3A_1038 = tpu.vector_load %arg6[%get3A_1035, %get3A_1036, %get3A_1037] {strides = array<i32>} : memref<8x50x128xf32, #tpu.memory_space<vmem>>, vector<1x1x16xf32>,
        %get3A_1039 = vector.shape_cast %get3A_1038 : vector<1x1x16xf32> to vector<16xf32>
        %add3A_1040 = arith.addf %add3A_982, %get3A_1039 : vector<16xf32>
        %get3A_1041 = arith.constant 7 : i32
        %get3A_1042 = arith.index_cast %get3A_1041 : i32 to index
        %get3A_1043 = arith.index_cast %scan3A_1019 : i32 to index
        %get3A_1044 = arith.constant 48 : index
        %get3A_1045 = tpu.vector_load %arg6[%get3A_1042, %get3A_1043, %get3A_1044] {strides = array<i32>} : memref<8x50x128xf32, #tpu.memory_space<vmem>>, vector<1x1x16xf32>,
        %get3A_1046 = vector.shape_cast %get3A_1045 : vector<1x1x16xf32> to vector<16xf32>
        %add3A_1047 = arith.addf %add3A_989, %get3A_1046 : vector<16xf32>
        %get3A_1048 = arith.constant 7 : i32
        %get3A_1049 = arith.index_cast %get3A_1048 : i32 to index
        %get3A_1050 = arith.index_cast %scan3A_1019 : i32 to index
        %get3A_1051 = arith.constant 64 : index
        %get3A_1052 = tpu.vector_load %arg6[%get3A_1049, %get3A_1050, %get3A_1051] {strides = array<i32>} : memref<8x50x128xf32, #tpu.memory_space<vmem>>, vector<1x1x16xf32>,
        %get3A_1053 = vector.shape_cast %get3A_1052 : vector<1x1x16xf32> to vector<16xf32>
        %add3A_1054 = arith.addf %add3A_996, %get3A_1053 : vector<16xf32>
        %get3A_1055 = arith.constant 7 : i32
        %get3A_1056 = arith.index_cast %get3A_1055 : i32 to index
        %get3A_1057 = arith.index_cast %scan3A_1019 : i32 to index
        %get3A_1058 = arith.constant 80 : index
        %get3A_1059 = tpu.vector_load %arg6[%get3A_1056, %get3A_1057, %get3A_1058] {strides = array<i32>} : memref<8x50x128xf32, #tpu.memory_space<vmem>>, vector<1x1x16xf32>,
        %get3A_1060 = vector.shape_cast %get3A_1059 : vector<1x1x16xf32> to vector<16xf32>
        %add3A_1061 = arith.addf %add3A_1003, %get3A_1060 : vector<16xf32>
        %get3A_1062 = arith.constant 7 : i32
        %get3A_1063 = arith.index_cast %get3A_1062 : i32 to index
        %get3A_1064 = arith.index_cast %scan3A_1019 : i32 to index
        %get3A_1065 = arith.constant 96 : index
        %get3A_1066 = tpu.vector_load %arg6[%get3A_1063, %get3A_1064, %get3A_1065] {strides = array<i32>} : memref<8x50x128xf32, #tpu.memory_space<vmem>>, vector<1x1x16xf32>,
        %get3A_1067 = vector.shape_cast %get3A_1066 : vector<1x1x16xf32> to vector<16xf32>
        %add3A_1068 = arith.addf %add3A_1010, %get3A_1067 : vector<16xf32>
        %get3A_1069 = arith.constant 7 : i32
        %get3A_1070 = arith.index_cast %get3A_1069 : i32 to index
        %get3A_1071 = arith.index_cast %scan3A_1019 : i32 to index
        %get3A_1072 = arith.constant 112 : index
        %get3A_1073 = tpu.vector_load %arg6[%get3A_1070, %get3A_1071, %get3A_1072] {strides = array<i32>} : memref<8x50x128xf32, #tpu.memory_space<vmem>>, vector<1x1x16xf32>,
        %get3A_1074 = vector.shape_cast %get3A_1073 : vector<1x1x16xf32> to vector<16xf32>
        %add3A_1075 = arith.addf %add3A_1017, %get3A_1074 : vector<16xf32>
        scf.yield %add3A_1026, %add3A_1033, %add3A_1040, %add3A_1047, %add3A_1054, %add3A_1061, %add3A_1068, %add3A_1075 : vector<16xf32>, vector<16xf32>, vector<16xf32>, vector<16xf32>, vector<16xf32>, vector<16xf32>, vector<16xf32>, vector<16xf32>
      }
      %scan3A_730 = arith.constant 50 : i32
      %swap3A_731 = arith.index_cast %add3A_708 : i32 to index
      %swap3A_732 = arith.constant 0 : index
      %swap3A_733 = tpu.vector_load %arg7[%swap3A_731, %swap3A_732] {strides = array<i32>} : memref<128x128xf32, #tpu.memory_space<vmem>>, vector<1x16xf32>,
      %swap3A_734 = vector.shape_cast %swap3A_733 : vector<1x16xf32> to vector<16xf32>
      %swap3A_735 = vector.shape_cast %scan3A_729#0 : vector<16xf32> to vector<1x16xf32>
      tpu.vector_store %arg7[%swap3A_731, %swap3A_732], %swap3A_735 {strides = array<i32>} : memref<128x128xf32, #tpu.memory_space<vmem>>, vector<1x16xf32>,
      %swap3A_736 = arith.index_cast %add3A_708 : i32 to index
      %swap3A_737 = arith.constant 16 : index
      %swap3A_738 = tpu.vector_load %arg7[%swap3A_736, %swap3A_737] {strides = array<i32>} : memref<128x128xf32, #tpu.memory_space<vmem>>, vector<1x16xf32>,
      %swap3A_739 = vector.shape_cast %swap3A_738 : vector<1x16xf32> to vector<16xf32>
      %swap3A_740 = vector.shape_cast %scan3A_729#1 : vector<16xf32> to vector<1x16xf32>
      tpu.vector_store %arg7[%swap3A_736, %swap3A_737], %swap3A_740 {strides = array<i32>} : memref<128x128xf32, #tpu.memory_space<vmem>>, vector<1x16xf32>,
      %swap3A_741 = arith.index_cast %add3A_708 : i32 to index
      %swap3A_742 = arith.constant 32 : index
      %swap3A_743 = tpu.vector_load %arg7[%swap3A_741, %swap3A_742] {strides = array<i32>} : memref<128x128xf32, #tpu.memory_space<vmem>>, vector<1x16xf32>,
      %swap3A_744 = vector.shape_cast %swap3A_743 : vector<1x16xf32> to vector<16xf32>
      %swap3A_745 = vector.shape_cast %scan3A_729#2 : vector<16xf32> to vector<1x16xf32>
      tpu.vector_store %arg7[%swap3A_741, %swap3A_742], %swap3A_745 {strides = array<i32>} : memref<128x128xf32, #tpu.memory_space<vmem>>, vector<1x16xf32>,
      %swap3A_746 = arith.index_cast %add3A_708 : i32 to index
      %swap3A_747 = arith.constant 48 : index
      %swap3A_748 = tpu.vector_load %arg7[%swap3A_746, %swap3A_747] {strides = array<i32>} : memref<128x128xf32, #tpu.memory_space<vmem>>, vector<1x16xf32>,
      %swap3A_749 = vector.shape_cast %swap3A_748 : vector<1x16xf32> to vector<16xf32>
      %swap3A_750 = vector.shape_cast %scan3A_729#3 : vector<16xf32> to vector<1x16xf32>
      tpu.vector_store %arg7[%swap3A_746, %swap3A_747], %swap3A_750 {strides = array<i32>} : memref<128x128xf32, #tpu.memory_space<vmem>>, vector<1x16xf32>,
      %swap3A_751 = arith.index_cast %add3A_708 : i32 to index
      %swap3A_752 = arith.constant 64 : index
      %swap3A_753 = tpu.vector_load %arg7[%swap3A_751, %swap3A_752] {strides = array<i32>} : memref<128x128xf32, #tpu.memory_space<vmem>>, vector<1x16xf32>,
      %swap3A_754 = vector.shape_cast %swap3A_753 : vector<1x16xf32> to vector<16xf32>
      %swap3A_755 = vector.shape_cast %scan3A_729#4 : vector<16xf32> to vector<1x16xf32>
      tpu.vector_store %arg7[%swap3A_751, %swap3A_752], %swap3A_755 {strides = array<i32>} : memref<128x128xf32, #tpu.memory_space<vmem>>, vector<1x16xf32>,
      %swap3A_756 = arith.index_cast %add3A_708 : i32 to index
      %swap3A_757 = arith.constant 80 : index
      %swap3A_758 = tpu.vector_load %arg7[%swap3A_756, %swap3A_757] {strides = array<i32>} : memref<128x128xf32, #tpu.memory_space<vmem>>, vector<1x16xf32>,
      %swap3A_759 = vector.shape_cast %swap3A_758 : vector<1x16xf32> to vector<16xf32>
      %swap3A_760 = vector.shape_cast %scan3A_729#5 : vector<16xf32> to vector<1x16xf32>
      tpu.vector_store %arg7[%swap3A_756, %swap3A_757], %swap3A_760 {strides = array<i32>} : memref<128x128xf32, #tpu.memory_space<vmem>>, vector<1x16xf32>,
      %swap3A_761 = arith.index_cast %add3A_708 : i32 to index
      %swap3A_762 = arith.constant 96 : index
      %swap3A_763 = tpu.vector_load %arg7[%swap3A_761, %swap3A_762] {strides = array<i32>} : memref<128x128xf32, #tpu.memory_space<vmem>>, vector<1x16xf32>,
      %swap3A_764 = vector.shape_cast %swap3A_763 : vector<1x16xf32> to vector<16xf32>
      %swap3A_765 = vector.shape_cast %scan3A_729#6 : vector<16xf32> to vector<1x16xf32>
      tpu.vector_store %arg7[%swap3A_761, %swap3A_762], %swap3A_765 {strides = array<i32>} : memref<128x128xf32, #tpu.memory_space<vmem>>, vector<1x16xf32>,
      %swap3A_766 = arith.index_cast %add3A_708 : i32 to index
      %swap3A_767 = arith.constant 112 : index
      %swap3A_768 = tpu.vector_load %arg7[%swap3A_766, %swap3A_767] {strides = array<i32>} : memref<128x128xf32, #tpu.memory_space<vmem>>, vector<1x16xf32>,
      %swap3A_769 = vector.shape_cast %swap3A_768 : vector<1x16xf32> to vector<16xf32>
      %swap3A_770 = vector.shape_cast %scan3A_729#7 : vector<16xf32> to vector<1x16xf32>
      tpu.vector_store %arg7[%swap3A_766, %swap3A_767], %swap3A_770 {strides = array<i32>} : memref<128x128xf32, #tpu.memory_space<vmem>>, vector<1x16xf32>,
      %add3A_771 = arith.constant 8 : i32
      %add3A_772 = arith.addi %mul3A_105, %add3A_771 : i32
      %add3A_773 = arith.constant 7 : i32
      %add3A_774 = arith.addi %add3A_772, %add3A_773 : i32
      %lt3A_775 = arith.constant 128 : i32
      %lt3A_776 = arith.cmpi slt, %add3A_774, %lt3A_775 : i32
      %convert_element_type3A_777 = arith.extui %lt3A_776 : i1 to i32
      %cond3A_778 = arith.constant 0 : i32
      %cond3A_779 = arith.cmpi ne, %convert_element_type3A_777, %cond3A_778 : i32
      scf.if %cond3A_779 {
        %add3A_780 = arith.constant 8 : i32
        %add3A_781 = arith.addi %mul3A_105, %add3A_780 : i32
        %add3A_782 = arith.constant 7 : i32
        %add3A_783 = arith.addi %add3A_781, %add3A_782 : i32
        %dma_start3A_784 = arith.constant 7 : i32
        %dma_start3A_785 = arith.constant 0 : i32
        %dma_start3A_786 = arith.constant 0 : i32
        %dma_start3A_787 = tpu.memref_slice %arg6[%dma_start3A_784, %dma_start3A_785, %dma_start3A_786] : memref<8x50x128xf32, #tpu.memory_space<vmem>> -> memref<1x50x128xf32, #tpu.memory_space<vmem>>
        %dma_start3A_788 = tpu.memref_squeeze %dma_start3A_787 : memref<1x50x128xf32, #tpu.memory_space<vmem>> -> memref<50x128xf32, #tpu.memory_space<vmem>>
        %dma_start3A_789 = arith.constant 0 : i32
        %dma_start3A_790 = tpu.memref_slice %arg5[%add3A_783, %dma_start3A_789] : memref<128x50xi32, #tpu.memory_space<vmem>> -> memref<1x50xi32, #tpu.memory_space<vmem>>
        %dma_start3A_791 = tpu.memref_squeeze %dma_start3A_790 : memref<1x50xi32, #tpu.memory_space<vmem>> -> memref<50xi32, #tpu.memory_space<vmem>>
        %dma_start3A_792 = arith.constant 0 : i32
        %dma_start3A_793 = arith.constant 0 : i32
        %dma_start3A_794 = tpu.memref_slice %arg3[%dma_start3A_792, %dma_start3A_793] : memref<100000x128xf32, #tpu.memory_space<hbm>> -> memref<100000x128xf32, #tpu.memory_space<hbm>>
        tpu.enqueue_indirect_dma source(%dma_start3A_794 : memref<100000x128xf32, #tpu.memory_space<hbm>>) target(%dma_start3A_788 : memref<50x128xf32, #tpu.memory_space<vmem>>) offsets(%dma_start3A_791 : memref<50xi32, #tpu.memory_space<vmem>>) semaphore(%arg15 : memref<!tpu.dma_semaphore, #tpu.memory_space<semaphore_mem>>)
      } else {
      }
    }
    %scan3A_102 = arith.constant 16 : i32
    "tpu.region"() ({
      %run_scoped3A = tpu.sem_alloc : memref<!tpu.dma_semaphore, #tpu.memory_space<semaphore_mem>>
      %dma_start3A_103 = arith.constant 0 : i32
      %dma_start3A_104 = tpu.memref_slice %arg4[%mul3A_2, %dma_start3A_103] : memref<4096x128xf32, #tpu.memory_space<hbm>> -> memref<128x128xf32, #tpu.memory_space<hbm>>
      %dma_start3A_105 = arith.constant 0 : i32
      %dma_start3A_106 = tpu.memref_slice %arg4[%mul3A_2, %dma_start3A_105] : memref<4096x128xf32, #tpu.memory_space<hbm>> -> memref<128x128xf32, #tpu.memory_space<hbm>>
      tpu.enqueue_dma source(%arg7 : memref<128x128xf32, #tpu.memory_space<vmem>>) target(%dma_start3A_106 : memref<128x128xf32, #tpu.memory_space<hbm>>) target_semaphore(%run_scoped3A : memref<!tpu.dma_semaphore, #tpu.memory_space<semaphore_mem>>)
      %dma_wait3A = arith.constant 0 : i32
      %dma_wait3A_107 = tpu.memref_slice %arg4[%mul3A_2, %dma_wait3A] : memref<4096x128xf32, #tpu.memory_space<hbm>> -> memref<128x128xf32, #tpu.memory_space<hbm>>
      %dma_wait3A_108 = arith.constant 0 : i32
      %dma_wait3A_109 = tpu.memref_slice %arg4[%mul3A_2, %dma_wait3A_108] : memref<4096x128xf32, #tpu.memory_space<hbm>> -> memref<128x128xf32, #tpu.memory_space<hbm>>
      tpu.wait_dma2 semaphore(%run_scoped3A : memref<!tpu.dma_semaphore, #tpu.memory_space<semaphore_mem>>) src(%arg7 : memref<128x128xf32, #tpu.memory_space<vmem>>) dst(%dma_wait3A_109 : memref<128x128xf32, #tpu.memory_space<hbm>>)
      tpu.yield
    }) : () -> ()
    return
  }
}

module attributes {stable_mosaic.version = 14 : i64} {
  func.func @_mlp_body(%arg0: i32, %arg1: memref<2048x128xf32, #tpu.memory_space<vmem>>, %arg2: memref<128x1024xf32, #tpu.memory_space<vmem>>, %arg3: memref<1x1024xf32, #tpu.memory_space<vmem>>, %arg4: memref<1024x2xf32, #tpu.memory_space<vmem>>, %arg5: memref<1x2xf32, #tpu.memory_space<vmem>>, %arg6: memref<2048x2xf32, #tpu.memory_space<vmem>>) attributes {dimension_semantics = [#tpu.dimension_semantics<arbitrary>], iteration_bounds = array<i64: 2>, scalar_prefetch = 0 : i64, scratch_operands = 0 : i64, tpu.core_type = #tpu.core_type<tc>, window_params = [{transform_indices = @transform_0, window_bounds = array<i64: 2048, 128>}, {pipeline_mode = #tpu.pipeline_mode<synchronous>, transform_indices = @transform_1, window_bounds = array<i64: 128, 1024>}, {pipeline_mode = #tpu.pipeline_mode<synchronous>, transform_indices = @transform_2, window_bounds = array<i64: 1, 1024>}, {pipeline_mode = #tpu.pipeline_mode<synchronous>, transform_indices = @transform_3, window_bounds = array<i64: 1024, 2>}, {pipeline_mode = #tpu.pipeline_mode<synchronous>, transform_indices = @transform_4, window_bounds = array<i64: 1, 2>}, {transform_indices = @transform_5, window_bounds = array<i64: 2048, 2>}]} {
    %get3A = arith.constant 0 : index
    %get3A_0 = arith.constant 0 : index
    %get3A_1 = vector.load %arg1[%get3A, %get3A_0] : memref<2048x128xf32, #tpu.memory_space<vmem>>, vector<2048x128xf32>
    %mul3A = arith.constant 2.000000e-02 : f32
    %mul3A_2 = vector.broadcast %mul3A : f32 to vector<2048x128xf32>
    %mul3A_3 = arith.mulf %get3A_1, %mul3A_2 : vector<2048x128xf32>
    %convert_element_type3A = arith.truncf %mul3A_3 : vector<2048x128xf32> to vector<2048x128xbf16>
    %get3A_4 = arith.constant 0 : index
    %get3A_5 = arith.constant 0 : index
    %get3A_6 = vector.load %arg2[%get3A_4, %get3A_5] : memref<128x1024xf32, #tpu.memory_space<vmem>>, vector<128x1024xf32>
    %convert_element_type3A_7 = arith.truncf %get3A_6 : vector<128x1024xf32> to vector<128x1024xbf16>
    %dot_general3A = arith.constant dense<0.000000e+00> : vector<2048x1024xf32>
    %dot_general3A_8 = tpu.matmul %convert_element_type3A, %convert_element_type3A_7, %dot_general3A {dimension_numbers = #tpu.dot_dimension_numbers<[1], [0], [0], [1], [0, 0, 1, 1], [], []>, transpose_lhs_hint = false} : vector<2048x128xbf16>, vector<128x1024xbf16>, vector<2048x1024xf32> -> vector<2048x1024xf32>
    %get3A_9 = arith.constant 0 : index
    %get3A_10 = arith.constant 0 : index
    %get3A_11 = vector.load %arg3[%get3A_9, %get3A_10] : memref<1x1024xf32, #tpu.memory_space<vmem>>, vector<1x1024xf32>
    %add3A = vector.broadcast %get3A_11 : vector<1x1024xf32> to vector<2048x1024xf32>
    %add3A_12 = arith.addf %dot_general3A_8, %add3A : vector<2048x1024xf32>
    %max3A = arith.constant 0.000000e+00 : f32
    %max3A_13 = vector.broadcast %max3A : f32 to vector<2048x1024xf32>
    %max3A_14 = arith.maximumf %add3A_12, %max3A_13 : vector<2048x1024xf32>
    %get3A_15 = arith.constant 0 : index
    %get3A_16 = arith.constant 0 : index
    %get3A_17 = vector.load %arg4[%get3A_15, %get3A_16] : memref<1024x2xf32, #tpu.memory_space<vmem>>, vector<1024x2xf32>
    %dot_general3A_18 = arith.constant dense<0.000000e+00> : vector<2048x2xf32>
    %dot_general3A_19 = tpu.matmul %max3A_14, %get3A_17, %dot_general3A_18 {dimension_numbers = #tpu.dot_dimension_numbers<[1], [0], [0], [1], [0, 0, 1, 1], [], []>, transpose_lhs_hint = false} : vector<2048x1024xf32>, vector<1024x2xf32>, vector<2048x2xf32> -> vector<2048x2xf32>
    %get3A_20 = arith.constant 0 : index
    %get3A_21 = arith.constant 0 : index
    %get3A_22 = vector.load %arg5[%get3A_20, %get3A_21] : memref<1x2xf32, #tpu.memory_space<vmem>>, vector<1x2xf32>
    %add3A_23 = vector.broadcast %get3A_22 : vector<1x2xf32> to vector<2048x2xf32>
    %add3A_24 = arith.addf %dot_general3A_19, %add3A_23 : vector<2048x2xf32>
    %reduce_max3A = arith.constant dense<0xFF800000> : vector<2048xf32>
    %reduce_max3A_25 = vector.multi_reduction <maximumf>, %add3A_24, %reduce_max3A [1] : vector<2048x2xf32> to vector<2048xf32>
    %broadcast_in_dim3A = vector.shape_cast %reduce_max3A_25 : vector<2048xf32> to vector<2048x1xf32>
    %sub3A = vector.broadcast %broadcast_in_dim3A : vector<2048x1xf32> to vector<2048x2xf32>
    %sub3A_26 = arith.subf %add3A_24, %sub3A : vector<2048x2xf32>
    %exp3A = math.exp %sub3A_26 : vector<2048x2xf32>
    %reduce_sum3A = arith.constant dense<0.000000e+00> : vector<2048xf32>
    %reduce_sum3A_27 = vector.multi_reduction <add>, %exp3A, %reduce_sum3A [1] : vector<2048x2xf32> to vector<2048xf32>
    %broadcast_in_dim3A_28 = vector.shape_cast %reduce_sum3A_27 : vector<2048xf32> to vector<2048x1xf32>
    %log3A = math.log %broadcast_in_dim3A_28 : vector<2048x1xf32>
    %add3A_29 = arith.addf %broadcast_in_dim3A, %log3A : vector<2048x1xf32>
    %sub3A_30 = vector.broadcast %add3A_29 : vector<2048x1xf32> to vector<2048x2xf32>
    %sub3A_31 = arith.subf %add3A_24, %sub3A_30 : vector<2048x2xf32>
    %swap3A = arith.constant 0 : index
    %swap3A_32 = arith.constant 0 : index
    %swap3A_33 = vector.load %arg6[%swap3A, %swap3A_32] : memref<2048x2xf32, #tpu.memory_space<vmem>>, vector<2048x2xf32>
    tpu.vector_store %arg6[%swap3A, %swap3A_32], %sub3A_31 {strides = array<i32>} : memref<2048x2xf32, #tpu.memory_space<vmem>>, vector<2048x2xf32>,
    return
  }
  func.func @transform_0(%arg0: i32) -> (i32, i32) {
    %c0_i32 = arith.constant 0 : i32
    %c0_i32_0 = arith.constant 0 : i32
    return %arg0, %c0_i32 : i32, i32
  }
  func.func @transform_1(%arg0: i32) -> (i32, i32) {
    %c0_i32 = arith.constant 0 : i32
    %c0_i32_0 = arith.constant 0 : i32
    %c0_i32_1 = arith.constant 0 : i32
    return %c0_i32, %c0_i32_0 : i32, i32
  }
  func.func @transform_2(%arg0: i32) -> (i32, i32) {
    %c0_i32 = arith.constant 0 : i32
    %c0_i32_0 = arith.constant 0 : i32
    %c0_i32_1 = arith.constant 0 : i32
    return %c0_i32, %c0_i32_0 : i32, i32
  }
  func.func @transform_3(%arg0: i32) -> (i32, i32) {
    %c0_i32 = arith.constant 0 : i32
    %c0_i32_0 = arith.constant 0 : i32
    %c0_i32_1 = arith.constant 0 : i32
    return %c0_i32, %c0_i32_0 : i32, i32
  }
  func.func @transform_4(%arg0: i32) -> (i32, i32) {
    %c0_i32 = arith.constant 0 : i32
    %c0_i32_0 = arith.constant 0 : i32
    %c0_i32_1 = arith.constant 0 : i32
    return %c0_i32, %c0_i32_0 : i32, i32
  }
  func.func @transform_5(%arg0: i32) -> (i32, i32) {
    %c0_i32 = arith.constant 0 : i32
    %c0_i32_0 = arith.constant 0 : i32
    return %arg0, %c0_i32 : i32, i32
  }
}

</mosaic_0001>

<sc_bundles>
// kernel: _run.4.cloned.1.call-start
scs
__scs_entry_jumppad:
0x0: {  	(pc) =	sbr.rel $0x88, $3  }
0x1: {  	(tag) =	ssettag $0x0;
	lr =	simm.s32 $0x1  }
0x2: {  	[smem:$0x3F9B] =	sst lr;
	_ =	strace $0xD0000000  }
0x3: {  	_ = 	snop  }
0x4: {  	_ = 	snop  }
0x5: {  	_ = 	snop  }
0x6: {  	_ = 	snop  }
0x7: {  	_ = 	snop  }
__scs_overlays_trampoline_lowered:
0x8: {  	[smem:$0x3FAA] =	sst s0  }
0x9: {  	[smem:$0x3FAB] =	sst s1  }
0xa: {  	[smem:$0x3FAC] =	sst s2  }
0xb: {  	[smem:$0x3FAD] =	sst s3  }
0xc: {  	[smem:$0x3FAE] =	sst s4  }
0xd: {  	[smem:$0x3FAF] =	sst s5  }
0xe: {  	[smem:$0x3FB0] =	sst s6  }
0xf: {  	[smem:$0x3FB1] =	sst s7  }
0x10: {  	[smem:$0x3FB2] =	sst s8  }
0x11: {  	[smem:$0x3FB3] =	sst s9;
	s0 =	simm.s32 @!p0 $0x0  }
0x12: {  	s1 =	sld [smem:$0x3F99];
	s0 =	simm.s32 @p0 $0x1  }
0x13: {  	[smem:$0x3FB4] =	sst s0;
	s0 =	simm.s32 @!p1 $0x0  }
0x14: {  	s2 =	sld [smem:$0x3F98];
	s0 =	simm.s32 @p1 $0x1  }
0x15: {  	[smem:$0x3FB5] =	sst s0;
	s0 =	simm.s32 @!p2 $0x0  }
0x16: {  	s3 =	sld [smem:$0x3FDB];
	s0 =	simm.s32 @p2 $0x1  }
0x17: {  	s4 =	simm.s32 $0x1BF5;
	[smem:$0x3FB7] =	sst s0  }
0x18: {  	s0 =	sld [smem:$0x3F9A];
	_ =	swait.ge [sflag:s4], $0x0  }
0x19: {  	s7 =	sld [smem:$0x3F9B]  }
0x1a: {  	s8 =	sadd.s32 $0xFFFFE003, lr  }
0x1b: {  	s9 =	sadd.s32 $0xFFFFFEF7, lr;
	s5 =	simm.s32 $0xFFFFFFFF;
	p2 =	slt.u32 s8, $0xFFFFF086  }
0x1c: {  	p1 =	slt.u32 s9, $0xF7A;
	s5 =	simm.s32 @!p2 $0x0  }
0x1d: {  	s5 =	simm.s32 @p1 $0x1;
	p0 =	seq.s32 s7, s2  }
0x1e: {  	s7 =	smul.u32 @!p0 $0xF7A, s2;
	p2 =	seq.s32 @!p0 s5, $0x0  }
0x1f: {  	s9 =	smul.u32 $0xF7A, s1;
	s8 =	simm.s32 @!p0 $0x1BF5;
	p2 =	por !p2, p0  }
0x20: {  	[sflag:s8] =	ssyncset.s32 @!p0 $0xFFFFF086;
	s6 =	sadd.s32 @!p0 s3, s7;
	s7 =	simm.s32 @!p0 $0x108  }
0x21: {  	s3 =	sadd.s32 s3, s9;
	s6 =	sadd.s32 @!p0 $0x88, s6;
	s7 =	simm.s32 @p2 $0x1082  }
0x22: {  	[simem:s7], [sflag:s8] =	dma.local @!p0 [hbm:s6], $0xF7A  }
0x23: {  	s9 =	sor.u32 $0xD0000000, s2;
	s6 =	simm.s32 $0x108;
	_ =	swait.ge @!p0 [sflag:s8], $0x0  }
0x24: {  	s3 =	sadd.s32 $0x88, s3;
	s6 =	simm.s32 @!p1 $0x1082;
	[sflag:s4] =	ssyncset.s32 $0xFFFFF086  }
0x25: {  	[simem:s6], [sflag:s4] =	dma.local [hbm:s3], $0xF7A  }
0x26: {  	[smem:$0x3F9B] =	sst s1;
	(tag) =	ssettag s2;
	_ =	strace s9  }
0x27: {  	s1 =	sld [smem:$0x3FAB]  }
0x28: {  	s2 =	sld [smem:$0x3FAC]  }
0x29: {  	s4 =	sld [smem:$0x3FAE]  }
0x2a: {  	p0 =	seq.s32 s5, $0x0;
	s5 =	sld [smem:$0x3FAF]  }
0x2b: {  	s6 =	sld [smem:$0x3FB0]  }
0x2c: {  	s7 =	sld [smem:$0x3FB1]  }
0x2d: {  	s3 =	simm.s32 $0x108;
	s8 =	sld [smem:$0x3FB2]  }
0x2e: {  	s3 =	simm.s32 @!p0 $0x1082;
	s9 =	sld [smem:$0x3FB3]  }
0x2f: {  	lr =	sadd.s32 s0, s3;
	s0 =	sld [smem:$0x3FAA]  }
0x30: {  	s3 =	sld [smem:$0x3FAD]  }
0x31: {  	[smem:$0x3FB6] =	sst s10  }
0x32: {  	s10 =	sld [smem:$0x3FB4];
	_ =	sdelay $0x3  }
0x33: {  	p0 =	seq.s32 s10, $0x1;
	s10 =	sld [smem:$0x3FB6];
	_ =	sdelay $0x3  }
0x34: {  	[smem:$0x3FB6] =	sst s10  }
0x35: {  	s10 =	sld [smem:$0x3FB5];
	_ =	sdelay $0x3  }
0x36: {  	p1 =	seq.s32 s10, $0x1;
	s10 =	sld [smem:$0x3FB6];
	_ =	sdelay $0x3  }
0x37: {  	[smem:$0x3FB6] =	sst s10  }
0x38: {  	s10 =	sld [smem:$0x3FB7]  }
0x39: {  	_ = 	snop;
	(pc) =	sbr.ind lr, $3  }
0x3a: {  	_ = 	snop  }
0x3b: {  	_ = 	snop  }
0x3c: {  	p2 =	seq.s32 s10, $0x1;
	s10 =	sld [smem:$0x3FB6]  }
0x3d: {  	_ =	shalt  }
0x3e: {  	_ =	shalt  }
0x3f: {  	_ =	shalt  }
0x40: {  	_ =	shalt  }
0x41: {  	_ =	shalt  }
0x42: {  	_ =	shalt  }
0x43: {  	_ =	shalt  }
0x44: {  	_ =	shalt  }
0x45: {  	_ =	shalt  }
0x46: {  	_ =	shalt  }
0x47: {  	_ =	shalt  }
0x48: {  	_ =	shalt  }
0x49: {  	_ =	shalt  }
0x4a: {  	_ =	shalt  }
0x4b: {  	_ =	shalt  }
0x4c: {  	_ =	shalt  }
0x4d: {  	_ =	shalt  }
0x4e: {  	_ =	shalt  }
0x4f: {  	_ =	shalt  }
0x50: {  	_ =	shalt  }
0x51: {  	_ =	shalt  }
0x52: {  	_ =	shalt  }
0x53: {  	_ =	shalt  }
0x54: {  	_ =	shalt  }
0x55: {  	_ =	shalt  }
0x56: {  	_ =	shalt  }
0x57: {  	_ =	shalt  }
0x58: {  	_ =	shalt  }
0x59: {  	_ =	shalt  }
0x5a: {  	_ =	shalt  }
0x5b: {  	_ =	shalt  }
0x5c: {  	_ =	shalt  }
0x5d: {  	_ =	shalt  }
0x5e: {  	_ =	shalt  }
0x5f: {  	_ =	shalt  }
0x60: {  	_ =	shalt  }
0x61: {  	_ =	shalt  }
0x62: {  	_ =	shalt  }
0x63: {  	_ =	shalt  }
0x64: {  	_ =	shalt  }
0x65: {  	_ =	shalt  }
0x66: {  	_ =	shalt  }
0x67: {  	_ =	shalt  }
0x68: {  	_ =	shalt  }
0x69: {  	_ =	shalt  }
0x6a: {  	_ =	shalt  }
0x6b: {  	_ =	shalt  }
0x6c: {  	_ =	shalt  }
0x6d: {  	_ =	shalt  }
0x6e: {  	_ =	shalt  }
0x6f: {  	_ =	shalt  }
0x70: {  	_ =	shalt  }
0x71: {  	_ =	shalt  }
0x72: {  	_ =	shalt  }
0x73: {  	_ =	shalt  }
0x74: {  	_ =	shalt  }
0x75: {  	_ =	shalt  }
0x76: {  	_ =	shalt  }
0x77: {  	_ =	shalt  }
0x78: {  	_ =	shalt  }
0x79: {  	_ =	shalt  }
0x7a: {  	_ =	shalt  }
0x7b: {  	_ =	shalt  }
0x7c: {  	_ =	shalt  }
0x7d: {  	_ =	shalt  }
0x7e: {  	_ =	shalt  }
0x7f: {  	_ =	shalt  }
0x80: {  	_ =	shalt  }
0x81: {  	_ =	shalt  }
0x82: {  	_ =	shalt  }
0x83: {  	_ =	shalt  }
0x84: {  	_ =	shalt  }
0x85: {  	_ =	shalt  }
0x86: {  	_ =	shalt  }
0x87: {  	_ =	shalt  }
.Lfunc_end0:
.L_simem_size_0:
called_computation_lowered:
.L_overlay_start_0:
0x88: {  	s2 =	sld [smem:$0x3FD9]  }
0x89: {  	s3 =	sld [smem:$0x3FFE];
	_ =	sdelay $0x1  }
0x8a: {  	s1 =	srdreg.scid  }
0x8b: {  	s0 =	sand.u32 $0x1, s1  }
0x8c: {  	s17 =	sshll.u32 s0, $0xA;
	s2 =	sadd.s32 s3, s2  }
0x8d: {  	s2 =	sadd.s32 s2, s17  }
0x8e: {  	[smem:$0x3FC2] =	sst s2  }
0x8f: {  	_ = 	snop  }
0x90: {  	s2 =	sld [smem:$0x3FC8];
	(tm) =	ssettm $0x1  }
0x91: {  	s18 =	sld [smem:$0x3FFB];
	_ =	sdelay $0x3  }
0x92: {  	_ =	strace s18  }
0x93: {  	s3 =	sld [smem:$0x3FFC];
	_ =	sdelay $0x3  }
0x94: {  	_ =	strace s3  }
0x95: {  	s3 =	sld [smem:$0x3FFD];
	_ =	sdelay $0x3  }
0x96: {  	_ =	strace s3  }
0x97: {  	_ =	strace $0x8FFFFFFF  }
0x98: {  	s19 =	sld [smem:$0x3FDB];
	_ =	sdelay $0x1  }
0x99: {  	s4 =	simm.s32 $_scs_section_size  }
0x9a: {  	s5 =	simm.s32 $_size__tile_overlayer_lowered;
	s6 =	simm.s32 $_tile_overlayer_lowered  }
0x9b: {  	s22 =	simm.s32 $0x1BFF;
	s21 =	sshll.u32 s6, $0x1;
	s3 =	sadd.s32 s4, s19  }
0x9c: {  	s7 =	simm.s32 $0x0;
	s20 =	sshll.u32 s5, $0x1;
	s5 =	sadd.s32 s21, s3  }
0x9d: {  	[timem:s7], [sflag:s22] =	dma.local [hbm:s5], s20  }
0x9e: {  	_ =	swait.ge [sflag:s22], s20  }
0x9f: {  	s4 =	ssub.s32 $0x0, s20;
	[sflag:s22] =	ssyncset.done $0x0  }
0xa0: {  	[sflag:s22] =	ssyncadd.s32 s4;
	_ =	sdelay $0x1  }
0xa1: {  	s23 =	simm.s32 $0x1B8B  }
0xa2: {  	_ =	swait.ge [sflag:s23], $0x1  }
0xa3: {  	[sflag:s23] =	ssyncset.done $0x0  }
0xa4: {  	s25 =	simm.s32 $0x1B8E;
	s24 =	sld [smem:$0x3FFE];
	[sflag:s23] =	ssyncadd.s32 $0xFFFFFFFF  }
0xa5: {  	s26 =	simm.s32 $execute0_lowered;
	[smem:$0x3FD2] =	sst s25  }
0xa6: {  	s5 =	sshll.u32 s26, $0x1;
	_ =	strace $0x80000046;
	[dreg:$0x1] =	wrdreg $0xFFFFFFFF  }
0xa7: {  	s28 =	simm.s32 $_size_execute0_lowered;
	s3 =	sadd.s32 s3, s5;
	[dreg:$0x0] =	wrdreg $0x0  }
0xa8: {  	s5 =	sshll.u32 s28, $0x1;
	[dreg:$0x2] =	wrdreg s3  }
0xa9: {  	[dreg:$0x3] =	wrdreg s5  }
0xaa: {  	[dreg:$0x4] =	wrdreg $0xC0  }
0xab: {  	_ =	task [dreg:s7], $0x5FFFF  }
0xac: {  	[dreg:$0x1] =	wrdreg $0xFFFFFFFF  }
0xad: {  	[dreg:$0x0] =	wrdreg $0x60  }
0xae: {  	[dreg:$0x2] =	wrdreg s24  }
0xaf: {  	[dreg:$0x3] =	wrdreg s2  }
0xb0: {  	[dreg:$0x4] =	wrdreg $0x9  }
0xb1: {  	_ =	task.clear_ibuf [dreg:s7], $0x5FFFF;
	_ =	strace $0x90000046  }
0xb2: {  	s29 =	simm.s32 $0x9;
	_ =	strace $0x80000048  }
0xb3: {  	_ =	swait.ge [sflag:s29], $0x1  }
0xb4: {  	[sflag:s29] =	ssyncadd.s32 $0xFFFFFFFF  }
0xb5: {  	_ =	strace $0x90000048  }
0xb6: {  	_ =	sfence  }
0xb7: {  	s30 =	sld [smem:$0x0];
	_ =	sdelay $0x2  }
0xb8: {  	s31 =	sshll.u32 s1, $0xD;
	s1 =	sshrl.u32 s1, $0x2  }
0xb9: {  	s3 =	sand.u32 $0x4000, s31;
	s1 =	sadd.s32 s1, s30  }
0xba: {  	s0 =	sor.u32 s3, s0;
	s1 =	sshll.u32 s1, $0x11  }
0xbb: {  	s0 =	sor.u32 s1, s0  }
0xbc: {  	s0 =	sadd.s32 $0x8F2B, s0  }
0xbd: {  	[sflag:s0] =	ssyncadd.remote.s32 $0x1  }
0xbe: {  	_ =	sfence.sel $0xFFFF  }
0xbf: {  	[dreg:$0x0] =	wrdreg $0xFFFFFFFF;
	(pc) =	sbr.abs _section_cstart, $3  }
0xc0: {  	[dreg:$0x1] =	wrdreg $0xFFFFFFFF  }
0xc1: {  	_ =	task.clear_ibuf [dreg:s7], $0x2FFFF;
	_ =	strace $0x9FFFFFFF  }
0xc2: {  	(tm) =	ssettm $0x7FFFFFFF  }
0xc3: {  	_ =	shalt  }
tec
execute0_lowered:
.L_overlay_start_1:
0x0: {  	(tag) =	ssettag $0x1  }
0x1: {  	s0 =	rddreg [dreg:$0x0]  }
0x2: {  	s2 =	rddreg [dreg:$0x1];
	s1 =	srdreg.scid  }
0x3: {  	s3 =	simm.s32 $0x0;
	s4 =	stileid.u32;
	s7 =	simm.s32 $0x9  }
0x4: {  	s8 =	simm.s32 $0x32;
	s16 =	simm.s32 $0x200;
	s17 =	simm.s32 $0xB000  }
0x5: {  	s18 =	simm.s32 $0x280;
	s19 =	simm.s32 $0xCC00;
	s20 =	simm.s32 $0x300  }
0x6: {  	s21 =	simm.s32 $0xE800;
	s22 =	simm.s32 $0x380;
	s23 =	simm.s32 $0x10400  }
0x7: {  	s24 =	simm.s32 $0x1;
	s25 =	simm.s32 $0x2;
	s28 =	simm.s32 $0x4  }
0x8: {  	s29 =	simm.s32 $0x5;
	s30 =	simm.s32 $0x6;
	s31 =	simm.s32 $0x7  }
0x9: {  	s9 =	simm.s32 $0x0;
	s1 =	sand.u32 $0x1, s1;
	s4 =	sshll.u32 s4, $0xC  }
.Ltmp0:
0xa: {  	s5 =	sshll.u32 s1, $0xB;
	s1 =	ssub.s32 $0x2, s1;
	(pc) =	sbr.rel .LBB2_1-.Ltmp0, $4  }
0xb: {  	[smem:$0x7FF] =	sst s3;
	s4 =	sor.u32 s5, s4;
	s26 =	sshrl.u32 s1, $0x1  }
0xc: {  	_ =	strace $0x80000047;
	s0 =	sadd.s32 s4, s0;
	s1 =	ssub.s32 s1, s26  }
0xd: {  	s26 =	simm.s32 $0x3;
	s4 =	sadd.s32 $0xE00, s0;
	s5 =	sadd.s32 $0x10E00, s0  }
0xe: {  	s6 =	smax.u32 s1, $0x1;
	s0 =	simm.s32 $0x8;
	s1 =	simm.s32 $0x12000  }
.LBB2_20:
0xf: {  	s9 =	sadd.s32 $0x1, s9  }
0x10: {  	p0 =	sne.s32 s9, s6  }
.Ltmp1:
0x11: {  	_ = 	snop;
	(pc) =	sbr.rel @!p0 .LBB2_21-.Ltmp1, $4  }
0x12: {  	[hbm4b:s5+s3] =	stream.linear.scatter [tilespmem:s1], [sflag:$0x9], $0x4000, $0x38;
	[tilespmem:$0x16000] =	vst v63  }
0x13: {  	_ =	swait.ge [sflag:s7], $0x4000  }
0x14: {  	[sflag:s7] =	ssyncset.done $0x0  }
0x15: {  	[sflag:s7] =	ssyncadd.s32 $0xFFFFC000  }
.LBB2_1:
0x16: {  	[tilespmem:s3], [sflag:$0x9] =	stream.linear.gather [hbm4b:s4+s3], $0x4000, $0x38;
	[tilespmem:$0x16000] =	vst v63  }
0x17: {  	_ =	swait.ge [sflag:s7], $0x4000  }
0x18: {  	[sflag:s7] =	ssyncset.done $0x0  }
0x19: {  	s10 =	simm.s32 $0x4000;
	[sflag:s7] =	ssyncadd.s32 $0xFFFFC000  }
0x1a: {  	[tilespmem:s10], [sflag:$0x1] =	stream.indirect.gather [hbm4b:s2+s8], $0x80, s3, s8, $0xb8;
	[tilespmem:$0x16000] =	vst v63  }
0x1b: {  	s15 =	simm.s32 $0x80;
	s11 =	simm.s32 $0x5C00  }
0x1c: {  	[tilespmem:s11], [sflag:$0x2] =	stream.indirect.gather [hbm4b:s2+s8], $0x80, s15, s8, $0xb8;
	[tilespmem:$0x16000] =	vst v63  }
0x1d: {  	s12 =	simm.s32 $0x100;
	s13 =	simm.s32 $0x7800  }
0x1e: {  	[tilespmem:s13], [sflag:$0x3] =	stream.indirect.gather [hbm4b:s2+s8], $0x80, s12, s8, $0xb8;
	[tilespmem:$0x16000] =	vst v63  }
0x1f: {  	s14 =	simm.s32 $0x180;
	s15 =	simm.s32 $0x9400  }
0x20: {  	[tilespmem:s15], [sflag:$0x4] =	stream.indirect.gather [hbm4b:s2+s8], $0x80, s14, s8, $0xb8;
	[tilespmem:$0x16000] =	vst v63  }
0x21: {  	_ = 	snop  }
0x22: {  	[tilespmem:s17], [sflag:$0x5] =	stream.indirect.gather [hbm4b:s2+s8], $0x80, s16, s8, $0xb8;
	[tilespmem:$0x16000] =	vst v63  }
0x23: {  	_ = 	snop  }
0x24: {  	[tilespmem:s19], [sflag:$0x6] =	stream.indirect.gather [hbm4b:s2+s8], $0x80, s18, s8, $0xb8;
	[tilespmem:$0x16000] =	vst v63  }
0x25: {  	_ = 	snop  }
0x26: {  	[tilespmem:s21], [sflag:$0x7] =	stream.indirect.gather [hbm4b:s2+s8], $0x80, s20, s8, $0xb8;
	[tilespmem:$0x16000] =	vst v63  }
0x27: {  	s10 =	simm.s32 $0x0  }
0x28: {  	[tilespmem:s23], [sflag:$0x8] =	stream.indirect.gather [hbm4b:s2+s8], $0x80, s22, s8, $0xb8;
	[tilespmem:$0x16000] =	vst v63  }
.LBB2_2:
0x29: {  	_ =	swait.ge [sflag:s24], $0x1900  }
0x2a: {  	[sflag:s24] =	ssyncset.done $0x0  }
0x2b: {  	s12 =	simm.s32 $0x4140;
	[sflag:s24] =	ssyncadd.s32 $0xFFFFE700  }
0x2c: {  	v4 =	vld [tilespmem:s12+$0xC0]  }
0x2d: {  	v5 =	vld [tilespmem:s12+$0xD0]  }
0x2e: {  	v9 =	vld [tilespmem:s12+$0xE0]  }
0x2f: {  	v10 =	vld [tilespmem:s12+$0xF0]  }
0x30: {  	v0 =	vld [tilespmem:s12+$0x100]  }
0x31: {  	v1 =	vld [tilespmem:s12+$0x110]  }
0x32: {  	v6 =	vld [tilespmem:s12+$0x40]  }
0x33: {  	v7 =	vld [tilespmem:s12+$0x50]  }
0x34: {  	v8 =	vld [tilespmem:s12+$0x60]  }
0x35: {  	v11 =	vld [tilespmem:s12+$0x70]  }
0x36: {  	v3 =	vld [tilespmem:s12+$0x80]  }
0x37: {  	v2 =	vld [tilespmem:s12+$0x90]  }
0x38: {  	v12 =	vld [tilespmem:s12+$0xFFFFFFC0]  }
0x39: {  	v13 =	vld [tilespmem:s12+$0xFFFFFFD0]  }
0x3a: {  	v14 =	vld [tilespmem:s12+$0xFFFFFFE0]  }
0x3b: {  	v15 =	vld [tilespmem:s12+$0xFFFFFFF0]  }
0x3c: {  	v16 =	vld [tilespmem:s12+$0xFFFFFF40]  }
0x3d: {  	v17 =	vld [tilespmem:s12+$0xFFFFFF50]  }
0x3e: {  	v18 =	vld [tilespmem:s12+$0xFFFFFEC0]  }
0x3f: {  	v19 =	vld [tilespmem:s12+$0xFFFFFED0]  }
0x40: {  	v20 =	vld [tilespmem:s12+$0xFFFFFEE0]  }
0x41: {  	v21 =	vld [tilespmem:s12+$0xFFFFFEF0]  }
0x42: {  	v22 =	vld [tilespmem:s12+$0xFFFFFF60]  }
0x43: {  	v23 =	vld [tilespmem:s12+$0xFFFFFF70]  }
0x44: {  	v24 =	vimm.f32 $0.0e+00;
	v25 =	vld [tilespmem:s12+$0x0]  }
0x45: {  	v26 =	vld [tilespmem:s12+$0x10];
	v18 =	vadd.f32 v18, v24;
	v19 =	vadd.f32 v19, v24  }
0x46: {  	v27 =	vld [tilespmem:s12+$0xFFFFFF80];
	v20 =	vadd.f32 v20, v24;
	v21 =	vadd.f32 v21, v24  }
0x47: {  	v62 =	vld [tilespmem:s12+$0xFFFFFF10];
	v16 =	vadd.f32 v16, v18;
	v17 =	vadd.f32 v17, v19  }
0x48: {  	v63 =	vld [tilespmem:s12+$0xFFFFFFB0];
	v20 =	vadd.f32 v22, v20;
	v21 =	vadd.f32 v23, v21  }
0x49: {  	v19 =	vld [tilespmem:s12+$0xFFFFFF00];
	v12 =	vadd.f32 v12, v16;
	v13 =	vadd.f32 v13, v17  }
0x4a: {  	v16 =	vld [tilespmem:s12+$0xFFFFFF20];
	v14 =	vadd.f32 v14, v20;
	v15 =	vadd.f32 v15, v21  }
0x4b: {  	v17 =	vld [tilespmem:s12+$0xFFFFFF30];
	v6 =	vadd.f32 v6, v12;
	v12 =	vadd.f32 v7, v13  }
0x4c: {  	v18 =	vld [tilespmem:s12+$0xFFFFFF90];
	v14 =	vadd.f32 v8, v14;
	v11 =	vadd.f32 v11, v15  }
0x4d: {  	v13 =	vld [tilespmem:s12+$0xFFFFFFA0];
	v7 =	vadd.f32 v4, v6;
	v6 =	vadd.f32 v5, v12  }
0x4e: {  	v8 =	vld [tilespmem:s12+$0x20];
	v5 =	vadd.f32 v9, v14;
	v4 =	vadd.f32 v10, v11  }
0x4f: {  	v10 =	vadd.f32 v19, v24;
	v12 =	vadd.f32 v62, v24;
	v11 =	vld [tilespmem:s12+$0x30]  }
0x50: {  	v9 =	vld [tilespmem:s12+$0xA0];
	v14 =	vadd.f32 v16, v24;
	v16 =	vadd.f32 v17, v24  }
0x51: {  	v17 =	vadd.f32 v27, v10;
	v18 =	vadd.f32 v18, v12;
	v12 =	vld [tilespmem:s12+$0xB0]  }
0x52: {  	v10 =	vld [tilespmem:s12+$0x120];
	v15 =	vadd.f32 v13, v14;
	v14 =	vadd.f32 v63, v16  }
0x53: {  	s11 =	simm.s32 $0x0;
	v13 =	vld [tilespmem:s12+$0x130];
	s12 =	simm.s32 $0x43C0;
	v17 =	vadd.f32 v25, v17;
	v16 =	vadd.f32 v26, v18  }
.LBB2_3:
0x54: {  	v18 =	vld [tilespmem:s12+$0xC0];
	v8 =	vadd.f32 v8, v15;
	v11 =	vadd.f32 v11, v14  }
0x55: {  	v14 =	vld [tilespmem:s12+$0xD0];
	v3 =	vadd.f32 v3, v17;
	v2 =	vadd.f32 v2, v16  }
0x56: {  	v15 =	vld [tilespmem:s12+$0xE0];
	v8 =	vadd.f32 v9, v8;
	v9 =	vadd.f32 v12, v11  }
0x57: {  	v11 =	vld [tilespmem:s12+$0xF0];
	v12 =	vadd.f32 v0, v3;
	v16 =	vadd.f32 v1, v2  }
0x58: {  	v0 =	vld [tilespmem:s12+$0x100];
	v10 =	vadd.f32 v10, v8;
	v9 =	vadd.f32 v13, v9  }
0x59: {  	v1 =	vld [tilespmem:s12+$0x110]  }
0x5a: {  	v8 =	vld [tilespmem:s12+$0x40]  }
0x5b: {  	v13 =	vld [tilespmem:s12+$0x50]  }
0x5c: {  	v17 =	vld [tilespmem:s12+$0x60]  }
0x5d: {  	v19 =	vld [tilespmem:s12+$0x70]  }
0x5e: {  	v3 =	vld [tilespmem:s12+$0x80]  }
0x5f: {  	v2 =	vld [tilespmem:s12+$0x90]  }
0x60: {  	v20 =	vld [tilespmem:s12+$0xFFFFFFC0]  }
0x61: {  	v21 =	vld [tilespmem:s12+$0xFFFFFFD0]  }
0x62: {  	v22 =	vld [tilespmem:s12+$0xFFFFFFE0]  }
0x63: {  	v23 =	vld [tilespmem:s12+$0xFFFFFFF0]  }
0x64: {  	v24 =	vld [tilespmem:s12+$0xFFFFFF40]  }
0x65: {  	v25 =	vld [tilespmem:s12+$0xFFFFFF50]  }
0x66: {  	v26 =	vld [tilespmem:s12+$0xFFFFFEC0]  }
0x67: {  	v27 =	vld [tilespmem:s12+$0xFFFFFED0]  }
0x68: {  	v28 =	vld [tilespmem:s12+$0xFFFFFEE0]  }
0x69: {  	v29 =	vld [tilespmem:s12+$0xFFFFFEF0]  }
0x6a: {  	v30 =	vld [tilespmem:s12+$0xFFFFFF60]  }
0x6b: {  	v31 =	vld [tilespmem:s12+$0xFFFFFF70]  }
0x6c: {  	v32 =	vld [tilespmem:s12+$0x0]  }
0x6d: {  	v7 =	vadd.f32 v26, v7;
	v6 =	vadd.f32 v27, v6;
	v26 =	vld [tilespmem:s12+$0x10]  }
0x6e: {  	v5 =	vadd.f32 v28, v5;
	v4 =	vadd.f32 v29, v4;
	v27 =	vld [tilespmem:s12+$0xFFFFFF80]  }
0x6f: {  	v7 =	vadd.f32 v24, v7;
	v6 =	vadd.f32 v25, v6;
	v24 =	vld [tilespmem:s12+$0xFFFFFF90]  }
0x70: {  	v5 =	vadd.f32 v30, v5;
	v25 =	vld [tilespmem:s12+$0xFFFFFF00];
	v4 =	vadd.f32 v31, v4  }
0x71: {  	v7 =	vadd.f32 v20, v7;
	v6 =	vadd.f32 v21, v6;
	v28 =	vld [tilespmem:s12+$0xFFFFFF10]  }
0x72: {  	v5 =	vadd.f32 v22, v5;
	v20 =	vld [tilespmem:s12+$0xFFFFFF20];
	v4 =	vadd.f32 v23, v4  }
0x73: {  	s11 =	sadd.s32 $0x5, s11;
	v7 =	vadd.f32 v8, v7;
	v6 =	vadd.f32 v13, v6;
	v21 =	vld [tilespmem:s12+$0xFFFFFF30]  }
0x74: {  	p0 =	slt.u32 s11, $0x2D;
	v5 =	vadd.f32 v17, v5;
	v13 =	vld [tilespmem:s12+$0xFFFFFFA0];
	v4 =	vadd.f32 v19, v4  }
0x75: {  	v7 =	vadd.f32 v18, v7;
	v6 =	vadd.f32 v14, v6;
	v17 =	vld [tilespmem:s12+$0xFFFFFFB0]  }
0x76: {  	v5 =	vadd.f32 v15, v5;
	v8 =	vld [tilespmem:s12+$0x20];
	v4 =	vadd.f32 v11, v4  }
.Ltmp2:
0x77: {  	v12 =	vadd.f32 v25, v12;
	v14 =	vadd.f32 v28, v16;
	v11 =	vld [tilespmem:s12+$0x30];
	(pc) =	sbr.rel @p0 .LBB2_3-.Ltmp2, $4  }
0x78: {  	v10 =	vadd.f32 v20, v10;
	v16 =	vadd.f32 v21, v9;
	v9 =	vld [tilespmem:s12+$0xA0]  }
0x79: {  	v18 =	vadd.f32 v27, v12;
	v19 =	vadd.f32 v24, v14;
	v12 =	vld [tilespmem:s12+$0xB0]  }
0x7a: {  	v15 =	vadd.f32 v13, v10;
	v14 =	vadd.f32 v17, v16;
	v10 =	vld [tilespmem:s12+$0x120]  }
0x7b: {  	v17 =	vadd.f32 v32, v18;
	v16 =	vadd.f32 v26, v19;
	v13 =	vld [tilespmem:s12+$0x130];
	s12 =	sadd.s32 $0x280, s12  }
0x7c: {  	s12 =	sshll.u32 s10, $0xC  }
0x7d: {  	s11 =	sshrl.u32 s12, $0x2  }
0x7e: {  	v8 =	vadd.f32 v8, v15;
	v3 =	vadd.f32 v3, v17;
	[tilespmem:s11+$0x12000] =	vst v7  }
0x7f: {  	v2 =	vadd.f32 v2, v16;
	v7 =	vadd.f32 v11, v14;
	[tilespmem:s11+$0x12010] =	vst v6  }
0x80: {  	v6 =	vadd.f32 v9, v8;
	[tilespmem:s11+$0x12020] =	vst v5;
	v0 =	vadd.f32 v0, v3  }
0x81: {  	[tilespmem:s11+$0x12030] =	vst v4;
	v1 =	vadd.f32 v1, v2;
	v3 =	vadd.f32 v12, v7  }
0x82: {  	v2 =	vadd.f32 v10, v6;
	[tilespmem:s11+$0x12040] =	vst v0  }
0x83: {  	p0 =	seq.s32 s10, $0xF;
	[tilespmem:s11+$0x12050] =	vst v1;
	v0 =	vadd.f32 v13, v3  }
0x84: {  	s12 =	sshrl.u32 @!p0 s12, $0x2;
	[tilespmem:s11+$0x12060] =	vst v2  }
0x85: {  	s14 =	simm.s32 @!p0 $0x32;
	s15 =	simm.s32 @!p0 $0x4000;
	s13 =	sadd.s32 @!p0 $0x400, s12;
	[tilespmem:s11+$0x12070] =	vst v0  }
0x86: {  	[tilespmem:s15], [sflag:$0x1] =	stream.indirect.gather @!p0 [hbm4b:s2+s14], $0x80, s13, s14, $0xb8;
	[tilespmem:$0x16000] =	vst v63  }
0x87: {  	_ =	swait.ge [sflag:s25], $0x1900  }
0x88: {  	[sflag:s25] =	ssyncset.done $0x0  }
0x89: {  	s15 =	simm.s32 $0x5E70;
	[sflag:s25] =	ssyncadd.s32 $0xFFFFE700  }
0x8a: {  	v4 =	vld [tilespmem:s15+$0xFFFFFF90]  }
0x8b: {  	v5 =	vld [tilespmem:s15+$0xFFFFFFA0]  }
0x8c: {  	v9 =	vld [tilespmem:s15+$0xFFFFFFB0]  }
0x8d: {  	v10 =	vld [tilespmem:s15+$0xFFFFFFC0]  }
0x8e: {  	v0 =	vld [tilespmem:s15+$0xFFFFFFD0]  }
0x8f: {  	v1 =	vld [tilespmem:s15+$0xFFFFFFE0]  }
0x90: {  	v6 =	vld [tilespmem:s15+$0xFFFFFF10]  }
0x91: {  	v7 =	vld [tilespmem:s15+$0xFFFFFF20]  }
0x92: {  	v8 =	vld [tilespmem:s15+$0xFFFFFF30]  }
0x93: {  	v11 =	vld [tilespmem:s15+$0xFFFFFF40]  }
0x94: {  	v3 =	vld [tilespmem:s15+$0xFFFFFF50]  }
0x95: {  	v2 =	vld [tilespmem:s15+$0xFFFFFF60]  }
0x96: {  	v12 =	vld [tilespmem:s15+$0xFFFFFE90]  }
0x97: {  	v13 =	vld [tilespmem:s15+$0xFFFFFEA0]  }
0x98: {  	v14 =	vld [tilespmem:s15+$0xFFFFFEB0]  }
0x99: {  	v15 =	vld [tilespmem:s15+$0xFFFFFEC0]  }
0x9a: {  	v16 =	vld [tilespmem:s15+$0xFFFFFE10]  }
0x9b: {  	v17 =	vld [tilespmem:s15+$0xFFFFFE20]  }
0x9c: {  	v18 =	vld [tilespmem:s15+$0xFFFFFD90]  }
0x9d: {  	v19 =	vld [tilespmem:s15+$0xFFFFFDA0]  }
0x9e: {  	v20 =	vld [tilespmem:s15+$0xFFFFFDB0]  }
0x9f: {  	v21 =	vld [tilespmem:s15+$0xFFFFFDC0]  }
0xa0: {  	v22 =	vld [tilespmem:s15+$0xFFFFFE30]  }
0xa1: {  	v23 =	vld [tilespmem:s15+$0xFFFFFE40]  }
0xa2: {  	v24 =	vimm.f32 $0.0e+00;
	v25 =	vld [tilespmem:s15+$0xFFFFFED0]  }
0xa3: {  	v26 =	vld [tilespmem:s15+$0xFFFFFEE0];
	v18 =	vadd.f32 v18, v24;
	v19 =	vadd.f32 v19, v24  }
0xa4: {  	v27 =	vld [tilespmem:s15+$0xFFFFFE50];
	v20 =	vadd.f32 v20, v24;
	v21 =	vadd.f32 v21, v24  }
0xa5: {  	v62 =	vld [tilespmem:s15+$0xFFFFFDE0];
	v16 =	vadd.f32 v16, v18;
	v17 =	vadd.f32 v17, v19  }
0xa6: {  	v63 =	vld [tilespmem:s15+$0xFFFFFE80];
	v20 =	vadd.f32 v22, v20;
	v21 =	vadd.f32 v23, v21  }
0xa7: {  	v19 =	vld [tilespmem:s15+$0xFFFFFDD0];
	v12 =	vadd.f32 v12, v16;
	v13 =	vadd.f32 v13, v17  }
0xa8: {  	v16 =	vld [tilespmem:s15+$0xFFFFFDF0];
	v14 =	vadd.f32 v14, v20;
	v15 =	vadd.f32 v15, v21  }
0xa9: {  	v17 =	vld [tilespmem:s15+$0xFFFFFE00];
	v6 =	vadd.f32 v6, v12;
	v12 =	vadd.f32 v7, v13  }
0xaa: {  	v18 =	vld [tilespmem:s15+$0xFFFFFE60];
	v14 =	vadd.f32 v8, v14;
	v11 =	vadd.f32 v11, v15  }
0xab: {  	v13 =	vld [tilespmem:s15+$0xFFFFFE70];
	v7 =	vadd.f32 v4, v6;
	v6 =	vadd.f32 v5, v12  }
0xac: {  	v8 =	vld [tilespmem:s15+$0xFFFFFEF0];
	v5 =	vadd.f32 v9, v14;
	v4 =	vadd.f32 v10, v11  }
0xad: {  	v10 =	vadd.f32 v19, v24;
	v12 =	vadd.f32 v62, v24;
	v11 =	vld [tilespmem:s15+$0xFFFFFF00]  }
0xae: {  	v9 =	vld [tilespmem:s15+$0xFFFFFF70];
	v14 =	vadd.f32 v16, v24;
	v16 =	vadd.f32 v17, v24  }
0xaf: {  	v17 =	vadd.f32 v27, v10;
	v18 =	vadd.f32 v18, v12;
	v12 =	vld [tilespmem:s15+$0xFFFFFF80]  }
0xb0: {  	v10 =	vld [tilespmem:s15+$0xFFFFFFF0];
	v15 =	vadd.f32 v13, v14;
	v14 =	vadd.f32 v63, v16  }
0xb1: {  	s13 =	simm.s32 $0x0;
	s14 =	simm.s32 $0x60F0;
	v13 =	vld [tilespmem:s15+$0x0];
	v17 =	vadd.f32 v25, v17;
	v16 =	vadd.f32 v26, v18  }
.LBB2_5:
0xb2: {  	v18 =	vld [tilespmem:s14+$0xFFFFFF90];
	v8 =	vadd.f32 v8, v15;
	v11 =	vadd.f32 v11, v14  }
0xb3: {  	v14 =	vld [tilespmem:s14+$0xFFFFFFA0];
	v3 =	vadd.f32 v3, v17;
	v2 =	vadd.f32 v2, v16  }
0xb4: {  	v15 =	vld [tilespmem:s14+$0xFFFFFFB0];
	v8 =	vadd.f32 v9, v8;
	v9 =	vadd.f32 v12, v11  }
0xb5: {  	v11 =	vld [tilespmem:s14+$0xFFFFFFC0];
	v12 =	vadd.f32 v0, v3;
	v16 =	vadd.f32 v1, v2  }
0xb6: {  	v0 =	vld [tilespmem:s14+$0xFFFFFFD0];
	v10 =	vadd.f32 v10, v8;
	v9 =	vadd.f32 v13, v9  }
0xb7: {  	v1 =	vld [tilespmem:s14+$0xFFFFFFE0]  }
0xb8: {  	v8 =	vld [tilespmem:s14+$0xFFFFFF10]  }
0xb9: {  	v13 =	vld [tilespmem:s14+$0xFFFFFF20]  }
0xba: {  	v17 =	vld [tilespmem:s14+$0xFFFFFF30]  }
0xbb: {  	v19 =	vld [tilespmem:s14+$0xFFFFFF40]  }
0xbc: {  	v3 =	vld [tilespmem:s14+$0xFFFFFF50]  }
0xbd: {  	v2 =	vld [tilespmem:s14+$0xFFFFFF60]  }
0xbe: {  	v20 =	vld [tilespmem:s14+$0xFFFFFE90]  }
0xbf: {  	v21 =	vld [tilespmem:s14+$0xFFFFFEA0]  }
0xc0: {  	v22 =	vld [tilespmem:s14+$0xFFFFFEB0]  }
0xc1: {  	v23 =	vld [tilespmem:s14+$0xFFFFFEC0]  }
0xc2: {  	v24 =	vld [tilespmem:s14+$0xFFFFFE10]  }
0xc3: {  	v25 =	vld [tilespmem:s14+$0xFFFFFE20]  }
0xc4: {  	v26 =	vld [tilespmem:s14+$0xFFFFFD90]  }
0xc5: {  	v27 =	vld [tilespmem:s14+$0xFFFFFDA0]  }
0xc6: {  	v28 =	vld [tilespmem:s14+$0xFFFFFDB0]  }
0xc7: {  	v29 =	vld [tilespmem:s14+$0xFFFFFDC0]  }
0xc8: {  	v30 =	vld [tilespmem:s14+$0xFFFFFE30]  }
0xc9: {  	v31 =	vld [tilespmem:s14+$0xFFFFFE40]  }
0xca: {  	v32 =	vld [tilespmem:s14+$0xFFFFFED0]  }
0xcb: {  	v7 =	vadd.f32 v26, v7;
	v6 =	vadd.f32 v27, v6;
	v26 =	vld [tilespmem:s14+$0xFFFFFEE0]  }
0xcc: {  	v5 =	vadd.f32 v28, v5;
	v4 =	vadd.f32 v29, v4;
	v27 =	vld [tilespmem:s14+$0xFFFFFE50]  }
0xcd: {  	v7 =	vadd.f32 v24, v7;
	v6 =	vadd.f32 v25, v6;
	v24 =	vld [tilespmem:s14+$0xFFFFFE60]  }
0xce: {  	v5 =	vadd.f32 v30, v5;
	v25 =	vld [tilespmem:s14+$0xFFFFFDD0];
	v4 =	vadd.f32 v31, v4  }
0xcf: {  	v7 =	vadd.f32 v20, v7;
	v6 =	vadd.f32 v21, v6;
	v28 =	vld [tilespmem:s14+$0xFFFFFDE0]  }
0xd0: {  	v5 =	vadd.f32 v22, v5;
	v20 =	vld [tilespmem:s14+$0xFFFFFDF0];
	v4 =	vadd.f32 v23, v4  }
0xd1: {  	s13 =	sadd.s32 $0x5, s13;
	v7 =	vadd.f32 v8, v7;
	v6 =	vadd.f32 v13, v6;
	v21 =	vld [tilespmem:s14+$0xFFFFFE00]  }
0xd2: {  	p1 =	slt.u32 s13, $0x2D;
	v5 =	vadd.f32 v17, v5;
	v13 =	vld [tilespmem:s14+$0xFFFFFE70];
	v4 =	vadd.f32 v19, v4  }
0xd3: {  	v7 =	vadd.f32 v18, v7;
	v6 =	vadd.f32 v14, v6;
	v17 =	vld [tilespmem:s14+$0xFFFFFE80]  }
0xd4: {  	v5 =	vadd.f32 v15, v5;
	v8 =	vld [tilespmem:s14+$0xFFFFFEF0];
	v4 =	vadd.f32 v11, v4  }
.Ltmp3:
0xd5: {  	v12 =	vadd.f32 v25, v12;
	v14 =	vadd.f32 v28, v16;
	v11 =	vld [tilespmem:s14+$0xFFFFFF00];
	(pc) =	sbr.rel @p1 .LBB2_5-.Ltmp3, $4  }
0xd6: {  	v10 =	vadd.f32 v20, v10;
	v16 =	vadd.f32 v21, v9;
	v9 =	vld [tilespmem:s14+$0xFFFFFF70]  }
0xd7: {  	v18 =	vadd.f32 v27, v12;
	v19 =	vadd.f32 v24, v14;
	v12 =	vld [tilespmem:s14+$0xFFFFFF80]  }
0xd8: {  	v15 =	vadd.f32 v13, v10;
	v14 =	vadd.f32 v17, v16;
	v10 =	vld [tilespmem:s14+$0xFFFFFFF0]  }
0xd9: {  	v17 =	vadd.f32 v32, v18;
	v16 =	vadd.f32 v26, v19;
	v13 =	vld [tilespmem:s14+$0x0];
	s14 =	sadd.s32 $0x280, s14  }
0xda: {  	_ = 	snop  }
0xdb: {  	v8 =	vadd.f32 v8, v15;
	[tilespmem:s11+$0x12080] =	vst v7;
	v3 =	vadd.f32 v3, v17  }
0xdc: {  	v7 =	vadd.f32 v11, v14;
	[tilespmem:s11+$0x12090] =	vst v6;
	v2 =	vadd.f32 v2, v16  }
0xdd: {  	[tilespmem:s11+$0x120A0] =	vst v5;
	v6 =	vadd.f32 v9, v8;
	v0 =	vadd.f32 v0, v3  }
0xde: {  	[tilespmem:s11+$0x120B0] =	vst v4;
	v3 =	vadd.f32 v12, v7;
	v1 =	vadd.f32 v1, v2  }
0xdf: {  	v2 =	vadd.f32 v10, v6;
	[tilespmem:s11+$0x120C0] =	vst v0  }
0xe0: {  	v0 =	vadd.f32 v13, v3;
	[tilespmem:s11+$0x120D0] =	vst v1  }
0xe1: {  	[tilespmem:s11+$0x120E0] =	vst v2  }
0xe2: {  	s13 =	sadd.s32 @!p0 $0x480, s12;
	s14 =	simm.s32 @!p0 $0x32;
	s15 =	simm.s32 @!p0 $0x5C00;
	[tilespmem:s11+$0x120F0] =	vst v0  }
0xe3: {  	[tilespmem:s15], [sflag:$0x2] =	stream.indirect.gather @!p0 [hbm4b:s2+s14], $0x80, s13, s14, $0xb8;
	[tilespmem:$0x16000] =	vst v63  }
0xe4: {  	_ =	swait.ge [sflag:s26], $0x1900  }
0xe5: {  	[sflag:s26] =	ssyncset.done $0x0  }
0xe6: {  	s15 =	simm.s32 $0x7A70;
	[sflag:s26] =	ssyncadd.s32 $0xFFFFE700  }
0xe7: {  	v4 =	vld [tilespmem:s15+$0xFFFFFF90]  }
0xe8: {  	v5 =	vld [tilespmem:s15+$0xFFFFFFA0]  }
0xe9: {  	v9 =	vld [tilespmem:s15+$0xFFFFFFB0]  }
0xea: {  	v10 =	vld [tilespmem:s15+$0xFFFFFFC0]  }
0xeb: {  	v0 =	vld [tilespmem:s15+$0xFFFFFFD0]  }
0xec: {  	v1 =	vld [tilespmem:s15+$0xFFFFFFE0]  }
0xed: {  	v6 =	vld [tilespmem:s15+$0xFFFFFF10]  }
0xee: {  	v7 =	vld [tilespmem:s15+$0xFFFFFF20]  }
0xef: {  	v8 =	vld [tilespmem:s15+$0xFFFFFF30]  }
0xf0: {  	v11 =	vld [tilespmem:s15+$0xFFFFFF40]  }
0xf1: {  	v3 =	vld [tilespmem:s15+$0xFFFFFF50]  }
0xf2: {  	v2 =	vld [tilespmem:s15+$0xFFFFFF60]  }
0xf3: {  	v12 =	vld [tilespmem:s15+$0xFFFFFE90]  }
0xf4: {  	v13 =	vld [tilespmem:s15+$0xFFFFFEA0]  }
0xf5: {  	v14 =	vld [tilespmem:s15+$0xFFFFFEB0]  }
0xf6: {  	v15 =	vld [tilespmem:s15+$0xFFFFFEC0]  }
0xf7: {  	v16 =	vld [tilespmem:s15+$0xFFFFFE10]  }
0xf8: {  	v17 =	vld [tilespmem:s15+$0xFFFFFE20]  }
0xf9: {  	v18 =	vld [tilespmem:s15+$0xFFFFFD90]  }
0xfa: {  	v19 =	vld [tilespmem:s15+$0xFFFFFDA0]  }
0xfb: {  	v20 =	vld [tilespmem:s15+$0xFFFFFDB0]  }
0xfc: {  	v21 =	vld [tilespmem:s15+$0xFFFFFDC0]  }
0xfd: {  	v22 =	vld [tilespmem:s15+$0xFFFFFE30]  }
0xfe: {  	v23 =	vld [tilespmem:s15+$0xFFFFFE40]  }
0xff: {  	v24 =	vimm.f32 $0.0e+00;
	v25 =	vld [tilespmem:s15+$0xFFFFFED0]  }
0x100: {  	v26 =	vld [tilespmem:s15+$0xFFFFFEE0];
	v18 =	vadd.f32 v18, v24;
	v19 =	vadd.f32 v19, v24  }
0x101: {  	v27 =	vld [tilespmem:s15+$0xFFFFFE50];
	v20 =	vadd.f32 v20, v24;
	v21 =	vadd.f32 v21, v24  }
0x102: {  	v62 =	vld [tilespmem:s15+$0xFFFFFDE0];
	v16 =	vadd.f32 v16, v18;
	v17 =	vadd.f32 v17, v19  }
0x103: {  	v63 =	vld [tilespmem:s15+$0xFFFFFE80];
	v20 =	vadd.f32 v22, v20;
	v21 =	vadd.f32 v23, v21  }
0x104: {  	v19 =	vld [tilespmem:s15+$0xFFFFFDD0];
	v12 =	vadd.f32 v12, v16;
	v13 =	vadd.f32 v13, v17  }
0x105: {  	v16 =	vld [tilespmem:s15+$0xFFFFFDF0];
	v14 =	vadd.f32 v14, v20;
	v15 =	vadd.f32 v15, v21  }
0x106: {  	v17 =	vld [tilespmem:s15+$0xFFFFFE00];
	v6 =	vadd.f32 v6, v12;
	v12 =	vadd.f32 v7, v13  }
0x107: {  	v18 =	vld [tilespmem:s15+$0xFFFFFE60];
	v14 =	vadd.f32 v8, v14;
	v11 =	vadd.f32 v11, v15  }
0x108: {  	v13 =	vld [tilespmem:s15+$0xFFFFFE70];
	v7 =	vadd.f32 v4, v6;
	v6 =	vadd.f32 v5, v12  }
0x109: {  	v8 =	vld [tilespmem:s15+$0xFFFFFEF0];
	v5 =	vadd.f32 v9, v14;
	v4 =	vadd.f32 v10, v11  }
0x10a: {  	v10 =	vadd.f32 v19, v24;
	v12 =	vadd.f32 v62, v24;
	v11 =	vld [tilespmem:s15+$0xFFFFFF00]  }
0x10b: {  	v9 =	vld [tilespmem:s15+$0xFFFFFF70];
	v14 =	vadd.f32 v16, v24;
	v16 =	vadd.f32 v17, v24  }
0x10c: {  	v17 =	vadd.f32 v27, v10;
	v18 =	vadd.f32 v18, v12;
	v12 =	vld [tilespmem:s15+$0xFFFFFF80]  }
0x10d: {  	v10 =	vld [tilespmem:s15+$0xFFFFFFF0];
	v15 =	vadd.f32 v13, v14;
	v14 =	vadd.f32 v63, v16  }
0x10e: {  	s13 =	simm.s32 $0x0;
	s14 =	simm.s32 $0x7CF0;
	v13 =	vld [tilespmem:s15+$0x0];
	v17 =	vadd.f32 v25, v17;
	v16 =	vadd.f32 v26, v18  }
.LBB2_7:
0x10f: {  	v18 =	vld [tilespmem:s14+$0xFFFFFF90];
	v8 =	vadd.f32 v8, v15;
	v11 =	vadd.f32 v11, v14  }
0x110: {  	v14 =	vld [tilespmem:s14+$0xFFFFFFA0];
	v3 =	vadd.f32 v3, v17;
	v2 =	vadd.f32 v2, v16  }
0x111: {  	v15 =	vld [tilespmem:s14+$0xFFFFFFB0];
	v8 =	vadd.f32 v9, v8;
	v9 =	vadd.f32 v12, v11  }
0x112: {  	v11 =	vld [tilespmem:s14+$0xFFFFFFC0];
	v12 =	vadd.f32 v0, v3;
	v16 =	vadd.f32 v1, v2  }
0x113: {  	v0 =	vld [tilespmem:s14+$0xFFFFFFD0];
	v10 =	vadd.f32 v10, v8;
	v9 =	vadd.f32 v13, v9  }
0x114: {  	v1 =	vld [tilespmem:s14+$0xFFFFFFE0]  }
0x115: {  	v8 =	vld [tilespmem:s14+$0xFFFFFF10]  }
0x116: {  	v13 =	vld [tilespmem:s14+$0xFFFFFF20]  }
0x117: {  	v17 =	vld [tilespmem:s14+$0xFFFFFF30]  }
0x118: {  	v19 =	vld [tilespmem:s14+$0xFFFFFF40]  }
0x119: {  	v3 =	vld [tilespmem:s14+$0xFFFFFF50]  }
0x11a: {  	v2 =	vld [tilespmem:s14+$0xFFFFFF60]  }
0x11b: {  	v20 =	vld [tilespmem:s14+$0xFFFFFE90]  }
0x11c: {  	v21 =	vld [tilespmem:s14+$0xFFFFFEA0]  }
0x11d: {  	v22 =	vld [tilespmem:s14+$0xFFFFFEB0]  }
0x11e: {  	v23 =	vld [tilespmem:s14+$0xFFFFFEC0]  }
0x11f: {  	v24 =	vld [tilespmem:s14+$0xFFFFFE10]  }
0x120: {  	v25 =	vld [tilespmem:s14+$0xFFFFFE20]  }
0x121: {  	v26 =	vld [tilespmem:s14+$0xFFFFFD90]  }
0x122: {  	v27 =	vld [tilespmem:s14+$0xFFFFFDA0]  }
0x123: {  	v28 =	vld [tilespmem:s14+$0xFFFFFDB0]  }
0x124: {  	v29 =	vld [tilespmem:s14+$0xFFFFFDC0]  }
0x125: {  	v30 =	vld [tilespmem:s14+$0xFFFFFE30]  }
0x126: {  	v31 =	vld [tilespmem:s14+$0xFFFFFE40]  }
0x127: {  	v32 =	vld [tilespmem:s14+$0xFFFFFED0]  }
0x128: {  	v7 =	vadd.f32 v26, v7;
	v6 =	vadd.f32 v27, v6;
	v26 =	vld [tilespmem:s14+$0xFFFFFEE0]  }
0x129: {  	v5 =	vadd.f32 v28, v5;
	v4 =	vadd.f32 v29, v4;
	v27 =	vld [tilespmem:s14+$0xFFFFFE50]  }
0x12a: {  	v7 =	vadd.f32 v24, v7;
	v6 =	vadd.f32 v25, v6;
	v24 =	vld [tilespmem:s14+$0xFFFFFE60]  }
0x12b: {  	v5 =	vadd.f32 v30, v5;
	v25 =	vld [tilespmem:s14+$0xFFFFFDD0];
	v4 =	vadd.f32 v31, v4  }
0x12c: {  	v7 =	vadd.f32 v20, v7;
	v6 =	vadd.f32 v21, v6;
	v28 =	vld [tilespmem:s14+$0xFFFFFDE0]  }
0x12d: {  	v5 =	vadd.f32 v22, v5;
	v20 =	vld [tilespmem:s14+$0xFFFFFDF0];
	v4 =	vadd.f32 v23, v4  }
0x12e: {  	s13 =	sadd.s32 $0x5, s13;
	v7 =	vadd.f32 v8, v7;
	v6 =	vadd.f32 v13, v6;
	v21 =	vld [tilespmem:s14+$0xFFFFFE00]  }
0x12f: {  	p1 =	slt.u32 s13, $0x2D;
	v5 =	vadd.f32 v17, v5;
	v13 =	vld [tilespmem:s14+$0xFFFFFE70];
	v4 =	vadd.f32 v19, v4  }
0x130: {  	v7 =	vadd.f32 v18, v7;
	v6 =	vadd.f32 v14, v6;
	v17 =	vld [tilespmem:s14+$0xFFFFFE80]  }
0x131: {  	v5 =	vadd.f32 v15, v5;
	v8 =	vld [tilespmem:s14+$0xFFFFFEF0];
	v4 =	vadd.f32 v11, v4  }
.Ltmp4:
0x132: {  	v12 =	vadd.f32 v25, v12;
	v14 =	vadd.f32 v28, v16;
	v11 =	vld [tilespmem:s14+$0xFFFFFF00];
	(pc) =	sbr.rel @p1 .LBB2_7-.Ltmp4, $4  }
0x133: {  	v10 =	vadd.f32 v20, v10;
	v16 =	vadd.f32 v21, v9;
	v9 =	vld [tilespmem:s14+$0xFFFFFF70]  }
0x134: {  	v18 =	vadd.f32 v27, v12;
	v19 =	vadd.f32 v24, v14;
	v12 =	vld [tilespmem:s14+$0xFFFFFF80]  }
0x135: {  	v15 =	vadd.f32 v13, v10;
	v14 =	vadd.f32 v17, v16;
	v10 =	vld [tilespmem:s14+$0xFFFFFFF0]  }
0x136: {  	v17 =	vadd.f32 v32, v18;
	v16 =	vadd.f32 v26, v19;
	v13 =	vld [tilespmem:s14+$0x0];
	s14 =	sadd.s32 $0x280, s14  }
0x137: {  	_ = 	snop  }
0x138: {  	v8 =	vadd.f32 v8, v15;
	[tilespmem:s11+$0x12100] =	vst v7;
	v3 =	vadd.f32 v3, v17  }
0x139: {  	v7 =	vadd.f32 v11, v14;
	[tilespmem:s11+$0x12110] =	vst v6;
	v2 =	vadd.f32 v2, v16  }
0x13a: {  	[tilespmem:s11+$0x12120] =	vst v5;
	v6 =	vadd.f32 v9, v8;
	v0 =	vadd.f32 v0, v3  }
0x13b: {  	[tilespmem:s11+$0x12130] =	vst v4;
	v3 =	vadd.f32 v12, v7;
	v1 =	vadd.f32 v1, v2  }
0x13c: {  	v2 =	vadd.f32 v10, v6;
	[tilespmem:s11+$0x12140] =	vst v0  }
0x13d: {  	v0 =	vadd.f32 v13, v3;
	[tilespmem:s11+$0x12150] =	vst v1  }
0x13e: {  	[tilespmem:s11+$0x12160] =	vst v2  }
0x13f: {  	s13 =	sadd.s32 @!p0 $0x500, s12;
	s14 =	simm.s32 @!p0 $0x32;
	s15 =	simm.s32 @!p0 $0x7800;
	[tilespmem:s11+$0x12170] =	vst v0  }
0x140: {  	[tilespmem:s15], [sflag:$0x3] =	stream.indirect.gather @!p0 [hbm4b:s2+s14], $0x80, s13, s14, $0xb8;
	[tilespmem:$0x16000] =	vst v63  }
0x141: {  	_ =	swait.ge [sflag:s28], $0x1900  }
0x142: {  	[sflag:s28] =	ssyncset.done $0x0  }
0x143: {  	s15 =	simm.s32 $0x9400;
	[sflag:s28] =	ssyncadd.s32 $0xFFFFE700  }
0x144: {  	v4 =	vld [tilespmem:s15+$0x200]  }
0x145: {  	v5 =	vld [tilespmem:s15+$0x210]  }
0x146: {  	v9 =	vld [tilespmem:s15+$0x220]  }
0x147: {  	v10 =	vld [tilespmem:s15+$0x230]  }
0x148: {  	v0 =	vld [tilespmem:s15+$0x240]  }
0x149: {  	v1 =	vld [tilespmem:s15+$0x250]  }
0x14a: {  	v6 =	vld [tilespmem:s15+$0x180]  }
0x14b: {  	v7 =	vld [tilespmem:s15+$0x190]  }
0x14c: {  	v8 =	vld [tilespmem:s15+$0x1A0]  }
0x14d: {  	v11 =	vld [tilespmem:s15+$0x1B0]  }
0x14e: {  	v3 =	vld [tilespmem:s15+$0x1C0]  }
0x14f: {  	v2 =	vld [tilespmem:s15+$0x1D0]  }
0x150: {  	v12 =	vld [tilespmem:s15+$0x100]  }
0x151: {  	v13 =	vld [tilespmem:s15+$0x110]  }
0x152: {  	v14 =	vld [tilespmem:s15+$0x120]  }
0x153: {  	v15 =	vld [tilespmem:s15+$0x130]  }
0x154: {  	v16 =	vld [tilespmem:s15+$0x80]  }
0x155: {  	v17 =	vld [tilespmem:s15+$0x90]  }
0x156: {  	v18 =	vld [tilespmem:s15+$0x0]  }
0x157: {  	v19 =	vld [tilespmem:s15+$0x10]  }
0x158: {  	v20 =	vld [tilespmem:s15+$0x20]  }
0x159: {  	v21 =	vld [tilespmem:s15+$0x30]  }
0x15a: {  	v22 =	vld [tilespmem:s15+$0xA0]  }
0x15b: {  	v23 =	vld [tilespmem:s15+$0xB0]  }
0x15c: {  	v24 =	vimm.f32 $0.0e+00;
	v25 =	vld [tilespmem:s15+$0x140]  }
0x15d: {  	v26 =	vld [tilespmem:s15+$0x150];
	v18 =	vadd.f32 v18, v24;
	v19 =	vadd.f32 v19, v24  }
0x15e: {  	v27 =	vld [tilespmem:s15+$0xC0];
	v20 =	vadd.f32 v20, v24;
	v21 =	vadd.f32 v21, v24  }
0x15f: {  	v62 =	vld [tilespmem:s15+$0x50];
	v16 =	vadd.f32 v16, v18;
	v17 =	vadd.f32 v17, v19  }
0x160: {  	v63 =	vld [tilespmem:s15+$0xF0];
	v20 =	vadd.f32 v22, v20;
	v21 =	vadd.f32 v23, v21  }
0x161: {  	v19 =	vld [tilespmem:s15+$0x40];
	v12 =	vadd.f32 v12, v16;
	v13 =	vadd.f32 v13, v17  }
0x162: {  	v16 =	vld [tilespmem:s15+$0x60];
	v14 =	vadd.f32 v14, v20;
	v15 =	vadd.f32 v15, v21  }
0x163: {  	v17 =	vld [tilespmem:s15+$0x70];
	v6 =	vadd.f32 v6, v12;
	v12 =	vadd.f32 v7, v13  }
0x164: {  	v18 =	vld [tilespmem:s15+$0xD0];
	v14 =	vadd.f32 v8, v14;
	v11 =	vadd.f32 v11, v15  }
0x165: {  	v13 =	vld [tilespmem:s15+$0xE0];
	v7 =	vadd.f32 v4, v6;
	v6 =	vadd.f32 v5, v12  }
0x166: {  	v8 =	vld [tilespmem:s15+$0x160];
	v5 =	vadd.f32 v9, v14;
	v4 =	vadd.f32 v10, v11  }
0x167: {  	v10 =	vadd.f32 v19, v24;
	v12 =	vadd.f32 v62, v24;
	v11 =	vld [tilespmem:s15+$0x170]  }
0x168: {  	v9 =	vld [tilespmem:s15+$0x1E0];
	v14 =	vadd.f32 v16, v24;
	v16 =	vadd.f32 v17, v24  }
0x169: {  	v17 =	vadd.f32 v27, v10;
	v18 =	vadd.f32 v18, v12;
	v12 =	vld [tilespmem:s15+$0x1F0]  }
0x16a: {  	v10 =	vld [tilespmem:s15+$0x260];
	v15 =	vadd.f32 v13, v14;
	v14 =	vadd.f32 v63, v16  }
0x16b: {  	s13 =	simm.s32 $0x0;
	s14 =	simm.s32 $0x9680;
	v13 =	vld [tilespmem:s15+$0x270];
	v17 =	vadd.f32 v25, v17;
	v16 =	vadd.f32 v26, v18  }
.LBB2_9:
0x16c: {  	v18 =	vld [tilespmem:s14+$0x200];
	v8 =	vadd.f32 v8, v15;
	v11 =	vadd.f32 v11, v14  }
0x16d: {  	v14 =	vld [tilespmem:s14+$0x210];
	v3 =	vadd.f32 v3, v17;
	v2 =	vadd.f32 v2, v16  }
0x16e: {  	v15 =	vld [tilespmem:s14+$0x220];
	v8 =	vadd.f32 v9, v8;
	v9 =	vadd.f32 v12, v11  }
0x16f: {  	v11 =	vld [tilespmem:s14+$0x230];
	v12 =	vadd.f32 v0, v3;
	v16 =	vadd.f32 v1, v2  }
0x170: {  	v0 =	vld [tilespmem:s14+$0x240];
	v10 =	vadd.f32 v10, v8;
	v9 =	vadd.f32 v13, v9  }
0x171: {  	v1 =	vld [tilespmem:s14+$0x250]  }
0x172: {  	v8 =	vld [tilespmem:s14+$0x180]  }
0x173: {  	v13 =	vld [tilespmem:s14+$0x190]  }
0x174: {  	v17 =	vld [tilespmem:s14+$0x1A0]  }
0x175: {  	v19 =	vld [tilespmem:s14+$0x1B0]  }
0x176: {  	v3 =	vld [tilespmem:s14+$0x1C0]  }
0x177: {  	v2 =	vld [tilespmem:s14+$0x1D0]  }
0x178: {  	v20 =	vld [tilespmem:s14+$0x100]  }
0x179: {  	v21 =	vld [tilespmem:s14+$0x110]  }
0x17a: {  	v22 =	vld [tilespmem:s14+$0x120]  }
0x17b: {  	v23 =	vld [tilespmem:s14+$0x130]  }
0x17c: {  	v24 =	vld [tilespmem:s14+$0x80]  }
0x17d: {  	v25 =	vld [tilespmem:s14+$0x90]  }
0x17e: {  	v26 =	vld [tilespmem:s14+$0x0]  }
0x17f: {  	v27 =	vld [tilespmem:s14+$0x10]  }
0x180: {  	v28 =	vld [tilespmem:s14+$0x20]  }
0x181: {  	v29 =	vld [tilespmem:s14+$0x30]  }
0x182: {  	v30 =	vld [tilespmem:s14+$0xA0]  }
0x183: {  	v31 =	vld [tilespmem:s14+$0xB0]  }
0x184: {  	v32 =	vld [tilespmem:s14+$0x140]  }
0x185: {  	v7 =	vadd.f32 v26, v7;
	v6 =	vadd.f32 v27, v6;
	v26 =	vld [tilespmem:s14+$0x150]  }
0x186: {  	v5 =	vadd.f32 v28, v5;
	v4 =	vadd.f32 v29, v4;
	v27 =	vld [tilespmem:s14+$0xC0]  }
0x187: {  	v7 =	vadd.f32 v24, v7;
	v6 =	vadd.f32 v25, v6;
	v24 =	vld [tilespmem:s14+$0xD0]  }
0x188: {  	v5 =	vadd.f32 v30, v5;
	v25 =	vld [tilespmem:s14+$0x40];
	v4 =	vadd.f32 v31, v4  }
0x189: {  	v7 =	vadd.f32 v20, v7;
	v6 =	vadd.f32 v21, v6;
	v28 =	vld [tilespmem:s14+$0x50]  }
0x18a: {  	v5 =	vadd.f32 v22, v5;
	v20 =	vld [tilespmem:s14+$0x60];
	v4 =	vadd.f32 v23, v4  }
0x18b: {  	s13 =	sadd.s32 $0x5, s13;
	v7 =	vadd.f32 v8, v7;
	v6 =	vadd.f32 v13, v6;
	v21 =	vld [tilespmem:s14+$0x70]  }
0x18c: {  	p1 =	slt.u32 s13, $0x2D;
	v5 =	vadd.f32 v17, v5;
	v13 =	vld [tilespmem:s14+$0xE0];
	v4 =	vadd.f32 v19, v4  }
0x18d: {  	v7 =	vadd.f32 v18, v7;
	v6 =	vadd.f32 v14, v6;
	v17 =	vld [tilespmem:s14+$0xF0]  }
0x18e: {  	v5 =	vadd.f32 v15, v5;
	v8 =	vld [tilespmem:s14+$0x160];
	v4 =	vadd.f32 v11, v4  }
.Ltmp5:
0x18f: {  	v12 =	vadd.f32 v25, v12;
	v14 =	vadd.f32 v28, v16;
	v11 =	vld [tilespmem:s14+$0x170];
	(pc) =	sbr.rel @p1 .LBB2_9-.Ltmp5, $4  }
0x190: {  	v10 =	vadd.f32 v20, v10;
	v16 =	vadd.f32 v21, v9;
	v9 =	vld [tilespmem:s14+$0x1E0]  }
0x191: {  	v18 =	vadd.f32 v27, v12;
	v19 =	vadd.f32 v24, v14;
	v12 =	vld [tilespmem:s14+$0x1F0]  }
0x192: {  	v15 =	vadd.f32 v13, v10;
	v14 =	vadd.f32 v17, v16;
	v10 =	vld [tilespmem:s14+$0x260]  }
0x193: {  	v17 =	vadd.f32 v32, v18;
	v16 =	vadd.f32 v26, v19;
	v13 =	vld [tilespmem:s14+$0x270];
	s14 =	sadd.s32 $0x280, s14  }
0x194: {  	_ = 	snop  }
0x195: {  	v8 =	vadd.f32 v8, v15;
	[tilespmem:s11+$0x12180] =	vst v7;
	v3 =	vadd.f32 v3, v17  }
0x196: {  	v7 =	vadd.f32 v11, v14;
	[tilespmem:s11+$0x12190] =	vst v6;
	v2 =	vadd.f32 v2, v16  }
0x197: {  	[tilespmem:s11+$0x121A0] =	vst v5;
	v6 =	vadd.f32 v9, v8;
	v0 =	vadd.f32 v0, v3  }
0x198: {  	[tilespmem:s11+$0x121B0] =	vst v4;
	v3 =	vadd.f32 v12, v7;
	v1 =	vadd.f32 v1, v2  }
0x199: {  	v2 =	vadd.f32 v10, v6;
	[tilespmem:s11+$0x121C0] =	vst v0  }
0x19a: {  	v0 =	vadd.f32 v13, v3;
	[tilespmem:s11+$0x121D0] =	vst v1  }
0x19b: {  	[tilespmem:s11+$0x121E0] =	vst v2  }
0x19c: {  	s13 =	sadd.s32 @!p0 $0x580, s12;
	s14 =	simm.s32 @!p0 $0x32;
	s15 =	simm.s32 @!p0 $0x9400;
	[tilespmem:s11+$0x121F0] =	vst v0  }
0x19d: {  	[tilespmem:s15], [sflag:$0x4] =	stream.indirect.gather @!p0 [hbm4b:s2+s14], $0x80, s13, s14, $0xb8;
	[tilespmem:$0x16000] =	vst v63  }
0x19e: {  	_ =	swait.ge [sflag:s29], $0x1900  }
0x19f: {  	[sflag:s29] =	ssyncset.done $0x0  }
0x1a0: {  	s15 =	simm.s32 $0xB000;
	[sflag:s29] =	ssyncadd.s32 $0xFFFFE700  }
0x1a1: {  	v4 =	vld [tilespmem:s15+$0x200]  }
0x1a2: {  	v5 =	vld [tilespmem:s15+$0x210]  }
0x1a3: {  	v9 =	vld [tilespmem:s15+$0x220]  }
0x1a4: {  	v10 =	vld [tilespmem:s15+$0x230]  }
0x1a5: {  	v0 =	vld [tilespmem:s15+$0x240]  }
0x1a6: {  	v1 =	vld [tilespmem:s15+$0x250]  }
0x1a7: {  	v6 =	vld [tilespmem:s15+$0x180]  }
0x1a8: {  	v7 =	vld [tilespmem:s15+$0x190]  }
0x1a9: {  	v8 =	vld [tilespmem:s15+$0x1A0]  }
0x1aa: {  	v11 =	vld [tilespmem:s15+$0x1B0]  }
0x1ab: {  	v3 =	vld [tilespmem:s15+$0x1C0]  }
0x1ac: {  	v2 =	vld [tilespmem:s15+$0x1D0]  }
0x1ad: {  	v12 =	vld [tilespmem:s15+$0x100]  }
0x1ae: {  	v13 =	vld [tilespmem:s15+$0x110]  }
0x1af: {  	v14 =	vld [tilespmem:s15+$0x120]  }
0x1b0: {  	v15 =	vld [tilespmem:s15+$0x130]  }
0x1b1: {  	v16 =	vld [tilespmem:s15+$0x80]  }
0x1b2: {  	v17 =	vld [tilespmem:s15+$0x90]  }
0x1b3: {  	v18 =	vld [tilespmem:s15+$0x0]  }
0x1b4: {  	v19 =	vld [tilespmem:s15+$0x10]  }
0x1b5: {  	v20 =	vld [tilespmem:s15+$0x20]  }
0x1b6: {  	v21 =	vld [tilespmem:s15+$0x30]  }
0x1b7: {  	v22 =	vld [tilespmem:s15+$0xA0]  }
0x1b8: {  	v23 =	vld [tilespmem:s15+$0xB0]  }
0x1b9: {  	v24 =	vimm.f32 $0.0e+00;
	v25 =	vld [tilespmem:s15+$0x140]  }
0x1ba: {  	v26 =	vld [tilespmem:s15+$0x150];
	v18 =	vadd.f32 v18, v24;
	v19 =	vadd.f32 v19, v24  }
0x1bb: {  	v27 =	vld [tilespmem:s15+$0xC0];
	v20 =	vadd.f32 v20, v24;
	v21 =	vadd.f32 v21, v24  }
0x1bc: {  	v62 =	vld [tilespmem:s15+$0x50];
	v16 =	vadd.f32 v16, v18;
	v17 =	vadd.f32 v17, v19  }
0x1bd: {  	v63 =	vld [tilespmem:s15+$0xF0];
	v20 =	vadd.f32 v22, v20;
	v21 =	vadd.f32 v23, v21  }
0x1be: {  	v19 =	vld [tilespmem:s15+$0x40];
	v12 =	vadd.f32 v12, v16;
	v13 =	vadd.f32 v13, v17  }
0x1bf: {  	v16 =	vld [tilespmem:s15+$0x60];
	v14 =	vadd.f32 v14, v20;
	v15 =	vadd.f32 v15, v21  }
0x1c0: {  	v17 =	vld [tilespmem:s15+$0x70];
	v6 =	vadd.f32 v6, v12;
	v12 =	vadd.f32 v7, v13  }
0x1c1: {  	v18 =	vld [tilespmem:s15+$0xD0];
	v14 =	vadd.f32 v8, v14;
	v11 =	vadd.f32 v11, v15  }
0x1c2: {  	v13 =	vld [tilespmem:s15+$0xE0];
	v7 =	vadd.f32 v4, v6;
	v6 =	vadd.f32 v5, v12  }
0x1c3: {  	v8 =	vld [tilespmem:s15+$0x160];
	v5 =	vadd.f32 v9, v14;
	v4 =	vadd.f32 v10, v11  }
0x1c4: {  	v10 =	vadd.f32 v19, v24;
	v12 =	vadd.f32 v62, v24;
	v11 =	vld [tilespmem:s15+$0x170]  }
0x1c5: {  	v9 =	vld [tilespmem:s15+$0x1E0];
	v14 =	vadd.f32 v16, v24;
	v16 =	vadd.f32 v17, v24  }
0x1c6: {  	v17 =	vadd.f32 v27, v10;
	v18 =	vadd.f32 v18, v12;
	v12 =	vld [tilespmem:s15+$0x1F0]  }
0x1c7: {  	v10 =	vld [tilespmem:s15+$0x260];
	v15 =	vadd.f32 v13, v14;
	v14 =	vadd.f32 v63, v16  }
0x1c8: {  	s13 =	simm.s32 $0x0;
	s14 =	simm.s32 $0xB280;
	v13 =	vld [tilespmem:s15+$0x270];
	v17 =	vadd.f32 v25, v17;
	v16 =	vadd.f32 v26, v18  }
.LBB2_11:
0x1c9: {  	v18 =	vld [tilespmem:s14+$0x200];
	v8 =	vadd.f32 v8, v15;
	v11 =	vadd.f32 v11, v14  }
0x1ca: {  	v14 =	vld [tilespmem:s14+$0x210];
	v3 =	vadd.f32 v3, v17;
	v2 =	vadd.f32 v2, v16  }
0x1cb: {  	v15 =	vld [tilespmem:s14+$0x220];
	v8 =	vadd.f32 v9, v8;
	v9 =	vadd.f32 v12, v11  }
0x1cc: {  	v11 =	vld [tilespmem:s14+$0x230];
	v12 =	vadd.f32 v0, v3;
	v16 =	vadd.f32 v1, v2  }
0x1cd: {  	v0 =	vld [tilespmem:s14+$0x240];
	v10 =	vadd.f32 v10, v8;
	v9 =	vadd.f32 v13, v9  }
0x1ce: {  	v1 =	vld [tilespmem:s14+$0x250]  }
0x1cf: {  	v8 =	vld [tilespmem:s14+$0x180]  }
0x1d0: {  	v13 =	vld [tilespmem:s14+$0x190]  }
0x1d1: {  	v17 =	vld [tilespmem:s14+$0x1A0]  }
0x1d2: {  	v19 =	vld [tilespmem:s14+$0x1B0]  }
0x1d3: {  	v3 =	vld [tilespmem:s14+$0x1C0]  }
0x1d4: {  	v2 =	vld [tilespmem:s14+$0x1D0]  }
0x1d5: {  	v20 =	vld [tilespmem:s14+$0x100]  }
0x1d6: {  	v21 =	vld [tilespmem:s14+$0x110]  }
0x1d7: {  	v22 =	vld [tilespmem:s14+$0x120]  }
0x1d8: {  	v23 =	vld [tilespmem:s14+$0x130]  }
0x1d9: {  	v24 =	vld [tilespmem:s14+$0x80]  }
0x1da: {  	v25 =	vld [tilespmem:s14+$0x90]  }
0x1db: {  	v26 =	vld [tilespmem:s14+$0x0]  }
0x1dc: {  	v27 =	vld [tilespmem:s14+$0x10]  }
0x1dd: {  	v28 =	vld [tilespmem:s14+$0x20]  }
0x1de: {  	v29 =	vld [tilespmem:s14+$0x30]  }
0x1df: {  	v30 =	vld [tilespmem:s14+$0xA0]  }
0x1e0: {  	v31 =	vld [tilespmem:s14+$0xB0]  }
0x1e1: {  	v32 =	vld [tilespmem:s14+$0x140]  }
0x1e2: {  	v7 =	vadd.f32 v26, v7;
	v6 =	vadd.f32 v27, v6;
	v26 =	vld [tilespmem:s14+$0x150]  }
0x1e3: {  	v5 =	vadd.f32 v28, v5;
	v4 =	vadd.f32 v29, v4;
	v27 =	vld [tilespmem:s14+$0xC0]  }
0x1e4: {  	v7 =	vadd.f32 v24, v7;
	v6 =	vadd.f32 v25, v6;
	v24 =	vld [tilespmem:s14+$0xD0]  }
0x1e5: {  	v5 =	vadd.f32 v30, v5;
	v25 =	vld [tilespmem:s14+$0x40];
	v4 =	vadd.f32 v31, v4  }
0x1e6: {  	v7 =	vadd.f32 v20, v7;
	v6 =	vadd.f32 v21, v6;
	v28 =	vld [tilespmem:s14+$0x50]  }
0x1e7: {  	v5 =	vadd.f32 v22, v5;
	v20 =	vld [tilespmem:s14+$0x60];
	v4 =	vadd.f32 v23, v4  }
0x1e8: {  	s13 =	sadd.s32 $0x5, s13;
	v7 =	vadd.f32 v8, v7;
	v6 =	vadd.f32 v13, v6;
	v21 =	vld [tilespmem:s14+$0x70]  }
0x1e9: {  	p1 =	slt.u32 s13, $0x2D;
	v5 =	vadd.f32 v17, v5;
	v13 =	vld [tilespmem:s14+$0xE0];
	v4 =	vadd.f32 v19, v4  }
0x1ea: {  	v7 =	vadd.f32 v18, v7;
	v6 =	vadd.f32 v14, v6;
	v17 =	vld [tilespmem:s14+$0xF0]  }
0x1eb: {  	v5 =	vadd.f32 v15, v5;
	v8 =	vld [tilespmem:s14+$0x160];
	v4 =	vadd.f32 v11, v4  }
.Ltmp6:
0x1ec: {  	v12 =	vadd.f32 v25, v12;
	v14 =	vadd.f32 v28, v16;
	v11 =	vld [tilespmem:s14+$0x170];
	(pc) =	sbr.rel @p1 .LBB2_11-.Ltmp6, $4  }
0x1ed: {  	v10 =	vadd.f32 v20, v10;
	v16 =	vadd.f32 v21, v9;
	v9 =	vld [tilespmem:s14+$0x1E0]  }
0x1ee: {  	v18 =	vadd.f32 v27, v12;
	v19 =	vadd.f32 v24, v14;
	v12 =	vld [tilespmem:s14+$0x1F0]  }
0x1ef: {  	v15 =	vadd.f32 v13, v10;
	v14 =	vadd.f32 v17, v16;
	v10 =	vld [tilespmem:s14+$0x260]  }
0x1f0: {  	v17 =	vadd.f32 v32, v18;
	v16 =	vadd.f32 v26, v19;
	v13 =	vld [tilespmem:s14+$0x270];
	s14 =	sadd.s32 $0x280, s14  }
0x1f1: {  	_ = 	snop  }
0x1f2: {  	v8 =	vadd.f32 v8, v15;
	[tilespmem:s11+$0x12200] =	vst v7;
	v3 =	vadd.f32 v3, v17  }
0x1f3: {  	v7 =	vadd.f32 v11, v14;
	[tilespmem:s11+$0x12210] =	vst v6;
	v2 =	vadd.f32 v2, v16  }
0x1f4: {  	[tilespmem:s11+$0x12220] =	vst v5;
	v6 =	vadd.f32 v9, v8;
	v0 =	vadd.f32 v0, v3  }
0x1f5: {  	[tilespmem:s11+$0x12230] =	vst v4;
	v3 =	vadd.f32 v12, v7;
	v1 =	vadd.f32 v1, v2  }
0x1f6: {  	v2 =	vadd.f32 v10, v6;
	[tilespmem:s11+$0x12240] =	vst v0  }
0x1f7: {  	v0 =	vadd.f32 v13, v3;
	[tilespmem:s11+$0x12250] =	vst v1  }
0x1f8: {  	[tilespmem:s11+$0x12260] =	vst v2  }
0x1f9: {  	s13 =	sadd.s32 @!p0 $0x600, s12;
	s14 =	simm.s32 @!p0 $0x32;
	s15 =	simm.s32 @!p0 $0xB000;
	[tilespmem:s11+$0x12270] =	vst v0  }
0x1fa: {  	[tilespmem:s15], [sflag:$0x5] =	stream.indirect.gather @!p0 [hbm4b:s2+s14], $0x80, s13, s14, $0xb8;
	[tilespmem:$0x16000] =	vst v63  }
0x1fb: {  	_ =	swait.ge [sflag:s30], $0x1900  }
0x1fc: {  	[sflag:s30] =	ssyncset.done $0x0  }
0x1fd: {  	s15 =	simm.s32 $0xCC00;
	[sflag:s30] =	ssyncadd.s32 $0xFFFFE700  }
0x1fe: {  	v4 =	vld [tilespmem:s15+$0x200]  }
0x1ff: {  	v5 =	vld [tilespmem:s15+$0x210]  }
0x200: {  	v9 =	vld [tilespmem:s15+$0x220]  }
0x201: {  	v10 =	vld [tilespmem:s15+$0x230]  }
0x202: {  	v0 =	vld [tilespmem:s15+$0x240]  }
0x203: {  	v1 =	vld [tilespmem:s15+$0x250]  }
0x204: {  	v6 =	vld [tilespmem:s15+$0x180]  }
0x205: {  	v7 =	vld [tilespmem:s15+$0x190]  }
0x206: {  	v8 =	vld [tilespmem:s15+$0x1A0]  }
0x207: {  	v11 =	vld [tilespmem:s15+$0x1B0]  }
0x208: {  	v3 =	vld [tilespmem:s15+$0x1C0]  }
0x209: {  	v2 =	vld [tilespmem:s15+$0x1D0]  }
0x20a: {  	v12 =	vld [tilespmem:s15+$0x100]  }
0x20b: {  	v13 =	vld [tilespmem:s15+$0x110]  }
0x20c: {  	v14 =	vld [tilespmem:s15+$0x120]  }
0x20d: {  	v15 =	vld [tilespmem:s15+$0x130]  }
0x20e: {  	v16 =	vld [tilespmem:s15+$0x80]  }
0x20f: {  	v17 =	vld [tilespmem:s15+$0x90]  }
0x210: {  	v18 =	vld [tilespmem:s15+$0x0]  }
0x211: {  	v19 =	vld [tilespmem:s15+$0x10]  }
0x212: {  	v20 =	vld [tilespmem:s15+$0x20]  }
0x213: {  	v21 =	vld [tilespmem:s15+$0x30]  }
0x214: {  	v22 =	vld [tilespmem:s15+$0xA0]  }
0x215: {  	v23 =	vld [tilespmem:s15+$0xB0]  }
0x216: {  	v24 =	vimm.f32 $0.0e+00;
	v25 =	vld [tilespmem:s15+$0x140]  }
0x217: {  	v26 =	vld [tilespmem:s15+$0x150];
	v18 =	vadd.f32 v18, v24;
	v19 =	vadd.f32 v19, v24  }
0x218: {  	v27 =	vld [tilespmem:s15+$0xC0];
	v20 =	vadd.f32 v20, v24;
	v21 =	vadd.f32 v21, v24  }
0x219: {  	v62 =	vld [tilespmem:s15+$0x50];
	v16 =	vadd.f32 v16, v18;
	v17 =	vadd.f32 v17, v19  }
0x21a: {  	v63 =	vld [tilespmem:s15+$0xF0];
	v20 =	vadd.f32 v22, v20;
	v21 =	vadd.f32 v23, v21  }
0x21b: {  	v19 =	vld [tilespmem:s15+$0x40];
	v12 =	vadd.f32 v12, v16;
	v13 =	vadd.f32 v13, v17  }
0x21c: {  	v16 =	vld [tilespmem:s15+$0x60];
	v14 =	vadd.f32 v14, v20;
	v15 =	vadd.f32 v15, v21  }
0x21d: {  	v17 =	vld [tilespmem:s15+$0x70];
	v6 =	vadd.f32 v6, v12;
	v12 =	vadd.f32 v7, v13  }
0x21e: {  	v18 =	vld [tilespmem:s15+$0xD0];
	v14 =	vadd.f32 v8, v14;
	v11 =	vadd.f32 v11, v15  }
0x21f: {  	v13 =	vld [tilespmem:s15+$0xE0];
	v7 =	vadd.f32 v4, v6;
	v6 =	vadd.f32 v5, v12  }
0x220: {  	v8 =	vld [tilespmem:s15+$0x160];
	v5 =	vadd.f32 v9, v14;
	v4 =	vadd.f32 v10, v11  }
0x221: {  	v10 =	vadd.f32 v19, v24;
	v12 =	vadd.f32 v62, v24;
	v11 =	vld [tilespmem:s15+$0x170]  }
0x222: {  	v9 =	vld [tilespmem:s15+$0x1E0];
	v14 =	vadd.f32 v16, v24;
	v16 =	vadd.f32 v17, v24  }
0x223: {  	v17 =	vadd.f32 v27, v10;
	v18 =	vadd.f32 v18, v12;
	v12 =	vld [tilespmem:s15+$0x1F0]  }
0x224: {  	v10 =	vld [tilespmem:s15+$0x260];
	v15 =	vadd.f32 v13, v14;
	v14 =	vadd.f32 v63, v16  }
0x225: {  	s13 =	simm.s32 $0x0;
	s14 =	simm.s32 $0xCE80;
	v13 =	vld [tilespmem:s15+$0x270];
	v17 =	vadd.f32 v25, v17;
	v16 =	vadd.f32 v26, v18  }
.LBB2_13:
0x226: {  	v18 =	vld [tilespmem:s14+$0x200];
	v8 =	vadd.f32 v8, v15;
	v11 =	vadd.f32 v11, v14  }
0x227: {  	v14 =	vld [tilespmem:s14+$0x210];
	v3 =	vadd.f32 v3, v17;
	v2 =	vadd.f32 v2, v16  }
0x228: {  	v15 =	vld [tilespmem:s14+$0x220];
	v8 =	vadd.f32 v9, v8;
	v9 =	vadd.f32 v12, v11  }
0x229: {  	v11 =	vld [tilespmem:s14+$0x230];
	v12 =	vadd.f32 v0, v3;
	v16 =	vadd.f32 v1, v2  }
0x22a: {  	v0 =	vld [tilespmem:s14+$0x240];
	v10 =	vadd.f32 v10, v8;
	v9 =	vadd.f32 v13, v9  }
0x22b: {  	v1 =	vld [tilespmem:s14+$0x250]  }
0x22c: {  	v8 =	vld [tilespmem:s14+$0x180]  }
0x22d: {  	v13 =	vld [tilespmem:s14+$0x190]  }
0x22e: {  	v17 =	vld [tilespmem:s14+$0x1A0]  }
0x22f: {  	v19 =	vld [tilespmem:s14+$0x1B0]  }
0x230: {  	v3 =	vld [tilespmem:s14+$0x1C0]  }
0x231: {  	v2 =	vld [tilespmem:s14+$0x1D0]  }
0x232: {  	v20 =	vld [tilespmem:s14+$0x100]  }
0x233: {  	v21 =	vld [tilespmem:s14+$0x110]  }
0x234: {  	v22 =	vld [tilespmem:s14+$0x120]  }
0x235: {  	v23 =	vld [tilespmem:s14+$0x130]  }
0x236: {  	v24 =	vld [tilespmem:s14+$0x80]  }
0x237: {  	v25 =	vld [tilespmem:s14+$0x90]  }
0x238: {  	v26 =	vld [tilespmem:s14+$0x0]  }
0x239: {  	v27 =	vld [tilespmem:s14+$0x10]  }
0x23a: {  	v28 =	vld [tilespmem:s14+$0x20]  }
0x23b: {  	v29 =	vld [tilespmem:s14+$0x30]  }
0x23c: {  	v30 =	vld [tilespmem:s14+$0xA0]  }
0x23d: {  	v31 =	vld [tilespmem:s14+$0xB0]  }
0x23e: {  	v32 =	vld [tilespmem:s14+$0x140]  }
0x23f: {  	v7 =	vadd.f32 v26, v7;
	v6 =	vadd.f32 v27, v6;
	v26 =	vld [tilespmem:s14+$0x150]  }
0x240: {  	v5 =	vadd.f32 v28, v5;
	v4 =	vadd.f32 v29, v4;
	v27 =	vld [tilespmem:s14+$0xC0]  }
0x241: {  	v7 =	vadd.f32 v24, v7;
	v6 =	vadd.f32 v25, v6;
	v24 =	vld [tilespmem:s14+$0xD0]  }
0x242: {  	v5 =	vadd.f32 v30, v5;
	v25 =	vld [tilespmem:s14+$0x40];
	v4 =	vadd.f32 v31, v4  }
0x243: {  	v7 =	vadd.f32 v20, v7;
	v6 =	vadd.f32 v21, v6;
	v28 =	vld [tilespmem:s14+$0x50]  }
0x244: {  	v5 =	vadd.f32 v22, v5;
	v20 =	vld [tilespmem:s14+$0x60];
	v4 =	vadd.f32 v23, v4  }
0x245: {  	s13 =	sadd.s32 $0x5, s13;
	v7 =	vadd.f32 v8, v7;
	v6 =	vadd.f32 v13, v6;
	v21 =	vld [tilespmem:s14+$0x70]  }
0x246: {  	p1 =	slt.u32 s13, $0x2D;
	v5 =	vadd.f32 v17, v5;
	v13 =	vld [tilespmem:s14+$0xE0];
	v4 =	vadd.f32 v19, v4  }
0x247: {  	v7 =	vadd.f32 v18, v7;
	v6 =	vadd.f32 v14, v6;
	v17 =	vld [tilespmem:s14+$0xF0]  }
0x248: {  	v5 =	vadd.f32 v15, v5;
	v8 =	vld [tilespmem:s14+$0x160];
	v4 =	vadd.f32 v11, v4  }
.Ltmp7:
0x249: {  	v12 =	vadd.f32 v25, v12;
	v14 =	vadd.f32 v28, v16;
	v11 =	vld [tilespmem:s14+$0x170];
	(pc) =	sbr.rel @p1 .LBB2_13-.Ltmp7, $4  }
0x24a: {  	v10 =	vadd.f32 v20, v10;
	v16 =	vadd.f32 v21, v9;
	v9 =	vld [tilespmem:s14+$0x1E0]  }
0x24b: {  	v18 =	vadd.f32 v27, v12;
	v19 =	vadd.f32 v24, v14;
	v12 =	vld [tilespmem:s14+$0x1F0]  }
0x24c: {  	v15 =	vadd.f32 v13, v10;
	v14 =	vadd.f32 v17, v16;
	v10 =	vld [tilespmem:s14+$0x260]  }
0x24d: {  	v17 =	vadd.f32 v32, v18;
	v16 =	vadd.f32 v26, v19;
	v13 =	vld [tilespmem:s14+$0x270];
	s14 =	sadd.s32 $0x280, s14  }
0x24e: {  	_ = 	snop  }
0x24f: {  	v8 =	vadd.f32 v8, v15;
	[tilespmem:s11+$0x12280] =	vst v7;
	v3 =	vadd.f32 v3, v17  }
0x250: {  	v7 =	vadd.f32 v11, v14;
	[tilespmem:s11+$0x12290] =	vst v6;
	v2 =	vadd.f32 v2, v16  }
0x251: {  	[tilespmem:s11+$0x122A0] =	vst v5;
	v6 =	vadd.f32 v9, v8;
	v0 =	vadd.f32 v0, v3  }
0x252: {  	[tilespmem:s11+$0x122B0] =	vst v4;
	v3 =	vadd.f32 v12, v7;
	v1 =	vadd.f32 v1, v2  }
0x253: {  	v2 =	vadd.f32 v10, v6;
	[tilespmem:s11+$0x122C0] =	vst v0  }
0x254: {  	v0 =	vadd.f32 v13, v3;
	[tilespmem:s11+$0x122D0] =	vst v1  }
0x255: {  	[tilespmem:s11+$0x122E0] =	vst v2  }
0x256: {  	s13 =	sadd.s32 @!p0 $0x680, s12;
	s14 =	simm.s32 @!p0 $0x32;
	s15 =	simm.s32 @!p0 $0xCC00;
	[tilespmem:s11+$0x122F0] =	vst v0  }
0x257: {  	[tilespmem:s15], [sflag:$0x6] =	stream.indirect.gather @!p0 [hbm4b:s2+s14], $0x80, s13, s14, $0xb8;
	[tilespmem:$0x16000] =	vst v63  }
0x258: {  	_ =	swait.ge [sflag:s31], $0x1900  }
0x259: {  	[sflag:s31] =	ssyncset.done $0x0  }
0x25a: {  	s15 =	simm.s32 $0xE800;
	[sflag:s31] =	ssyncadd.s32 $0xFFFFE700  }
0x25b: {  	v4 =	vld [tilespmem:s15+$0x200]  }
0x25c: {  	v5 =	vld [tilespmem:s15+$0x210]  }
0x25d: {  	v9 =	vld [tilespmem:s15+$0x220]  }
0x25e: {  	v10 =	vld [tilespmem:s15+$0x230]  }
0x25f: {  	v0 =	vld [tilespmem:s15+$0x240]  }
0x260: {  	v1 =	vld [tilespmem:s15+$0x250]  }
0x261: {  	v6 =	vld [tilespmem:s15+$0x180]  }
0x262: {  	v7 =	vld [tilespmem:s15+$0x190]  }
0x263: {  	v8 =	vld [tilespmem:s15+$0x1A0]  }
0x264: {  	v11 =	vld [tilespmem:s15+$0x1B0]  }
0x265: {  	v3 =	vld [tilespmem:s15+$0x1C0]  }
0x266: {  	v2 =	vld [tilespmem:s15+$0x1D0]  }
0x267: {  	v12 =	vld [tilespmem:s15+$0x100]  }
0x268: {  	v13 =	vld [tilespmem:s15+$0x110]  }
0x269: {  	v14 =	vld [tilespmem:s15+$0x120]  }
0x26a: {  	v15 =	vld [tilespmem:s15+$0x130]  }
0x26b: {  	v16 =	vld [tilespmem:s15+$0x80]  }
0x26c: {  	v17 =	vld [tilespmem:s15+$0x90]  }
0x26d: {  	v18 =	vld [tilespmem:s15+$0x0]  }
0x26e: {  	v19 =	vld [tilespmem:s15+$0x10]  }
0x26f: {  	v20 =	vld [tilespmem:s15+$0x20]  }
0x270: {  	v21 =	vld [tilespmem:s15+$0x30]  }
0x271: {  	v22 =	vld [tilespmem:s15+$0xA0]  }
0x272: {  	v23 =	vld [tilespmem:s15+$0xB0]  }
0x273: {  	v24 =	vimm.f32 $0.0e+00;
	v25 =	vld [tilespmem:s15+$0x140]  }
0x274: {  	v26 =	vld [tilespmem:s15+$0x150];
	v18 =	vadd.f32 v18, v24;
	v19 =	vadd.f32 v19, v24  }
0x275: {  	v27 =	vld [tilespmem:s15+$0xC0];
	v20 =	vadd.f32 v20, v24;
	v21 =	vadd.f32 v21, v24  }
0x276: {  	v62 =	vld [tilespmem:s15+$0x50];
	v16 =	vadd.f32 v16, v18;
	v17 =	vadd.f32 v17, v19  }
0x277: {  	v63 =	vld [tilespmem:s15+$0xF0];
	v20 =	vadd.f32 v22, v20;
	v21 =	vadd.f32 v23, v21  }
0x278: {  	v19 =	vld [tilespmem:s15+$0x40];
	v12 =	vadd.f32 v12, v16;
	v13 =	vadd.f32 v13, v17  }
0x279: {  	v16 =	vld [tilespmem:s15+$0x60];
	v14 =	vadd.f32 v14, v20;
	v15 =	vadd.f32 v15, v21  }
0x27a: {  	v17 =	vld [tilespmem:s15+$0x70];
	v6 =	vadd.f32 v6, v12;
	v12 =	vadd.f32 v7, v13  }
0x27b: {  	v18 =	vld [tilespmem:s15+$0xD0];
	v14 =	vadd.f32 v8, v14;
	v11 =	vadd.f32 v11, v15  }
0x27c: {  	v13 =	vld [tilespmem:s15+$0xE0];
	v7 =	vadd.f32 v4, v6;
	v6 =	vadd.f32 v5, v12  }
0x27d: {  	v8 =	vld [tilespmem:s15+$0x160];
	v5 =	vadd.f32 v9, v14;
	v4 =	vadd.f32 v10, v11  }
0x27e: {  	v10 =	vadd.f32 v19, v24;
	v12 =	vadd.f32 v62, v24;
	v11 =	vld [tilespmem:s15+$0x170]  }
0x27f: {  	v9 =	vld [tilespmem:s15+$0x1E0];
	v14 =	vadd.f32 v16, v24;
	v16 =	vadd.f32 v17, v24  }
0x280: {  	v17 =	vadd.f32 v27, v10;
	v18 =	vadd.f32 v18, v12;
	v12 =	vld [tilespmem:s15+$0x1F0]  }
0x281: {  	v10 =	vld [tilespmem:s15+$0x260];
	v15 =	vadd.f32 v13, v14;
	v14 =	vadd.f32 v63, v16  }
0x282: {  	s13 =	simm.s32 $0x0;
	s14 =	simm.s32 $0xEA80;
	v13 =	vld [tilespmem:s15+$0x270];
	v17 =	vadd.f32 v25, v17;
	v16 =	vadd.f32 v26, v18  }
.LBB2_15:
0x283: {  	v18 =	vld [tilespmem:s14+$0x200];
	v8 =	vadd.f32 v8, v15;
	v11 =	vadd.f32 v11, v14  }
0x284: {  	v14 =	vld [tilespmem:s14+$0x210];
	v3 =	vadd.f32 v3, v17;
	v2 =	vadd.f32 v2, v16  }
0x285: {  	v15 =	vld [tilespmem:s14+$0x220];
	v8 =	vadd.f32 v9, v8;
	v9 =	vadd.f32 v12, v11  }
0x286: {  	v11 =	vld [tilespmem:s14+$0x230];
	v12 =	vadd.f32 v0, v3;
	v16 =	vadd.f32 v1, v2  }
0x287: {  	v0 =	vld [tilespmem:s14+$0x240];
	v10 =	vadd.f32 v10, v8;
	v9 =	vadd.f32 v13, v9  }
0x288: {  	v1 =	vld [tilespmem:s14+$0x250]  }
0x289: {  	v8 =	vld [tilespmem:s14+$0x180]  }
0x28a: {  	v13 =	vld [tilespmem:s14+$0x190]  }
0x28b: {  	v17 =	vld [tilespmem:s14+$0x1A0]  }
0x28c: {  	v19 =	vld [tilespmem:s14+$0x1B0]  }
0x28d: {  	v3 =	vld [tilespmem:s14+$0x1C0]  }
0x28e: {  	v2 =	vld [tilespmem:s14+$0x1D0]  }
0x28f: {  	v20 =	vld [tilespmem:s14+$0x100]  }
0x290: {  	v21 =	vld [tilespmem:s14+$0x110]  }
0x291: {  	v22 =	vld [tilespmem:s14+$0x120]  }
0x292: {  	v23 =	vld [tilespmem:s14+$0x130]  }
0x293: {  	v24 =	vld [tilespmem:s14+$0x80]  }
0x294: {  	v25 =	vld [tilespmem:s14+$0x90]  }
0x295: {  	v26 =	vld [tilespmem:s14+$0x0]  }
0x296: {  	v27 =	vld [tilespmem:s14+$0x10]  }
0x297: {  	v28 =	vld [tilespmem:s14+$0x20]  }
0x298: {  	v29 =	vld [tilespmem:s14+$0x30]  }
0x299: {  	v30 =	vld [tilespmem:s14+$0xA0]  }
0x29a: {  	v31 =	vld [tilespmem:s14+$0xB0]  }
0x29b: {  	v32 =	vld [tilespmem:s14+$0x140]  }
0x29c: {  	v7 =	vadd.f32 v26, v7;
	v6 =	vadd.f32 v27, v6;
	v26 =	vld [tilespmem:s14+$0x150]  }
0x29d: {  	v5 =	vadd.f32 v28, v5;
	v4 =	vadd.f32 v29, v4;
	v27 =	vld [tilespmem:s14+$0xC0]  }
0x29e: {  	v7 =	vadd.f32 v24, v7;
	v6 =	vadd.f32 v25, v6;
	v24 =	vld [tilespmem:s14+$0xD0]  }
0x29f: {  	v5 =	vadd.f32 v30, v5;
	v25 =	vld [tilespmem:s14+$0x40];
	v4 =	vadd.f32 v31, v4  }
0x2a0: {  	v7 =	vadd.f32 v20, v7;
	v6 =	vadd.f32 v21, v6;
	v28 =	vld [tilespmem:s14+$0x50]  }
0x2a1: {  	v5 =	vadd.f32 v22, v5;
	v20 =	vld [tilespmem:s14+$0x60];
	v4 =	vadd.f32 v23, v4  }
0x2a2: {  	s13 =	sadd.s32 $0x5, s13;
	v7 =	vadd.f32 v8, v7;
	v6 =	vadd.f32 v13, v6;
	v21 =	vld [tilespmem:s14+$0x70]  }
0x2a3: {  	p1 =	slt.u32 s13, $0x2D;
	v5 =	vadd.f32 v17, v5;
	v13 =	vld [tilespmem:s14+$0xE0];
	v4 =	vadd.f32 v19, v4  }
0x2a4: {  	v7 =	vadd.f32 v18, v7;
	v6 =	vadd.f32 v14, v6;
	v17 =	vld [tilespmem:s14+$0xF0]  }
0x2a5: {  	v5 =	vadd.f32 v15, v5;
	v8 =	vld [tilespmem:s14+$0x160];
	v4 =	vadd.f32 v11, v4  }
.Ltmp8:
0x2a6: {  	v12 =	vadd.f32 v25, v12;
	v14 =	vadd.f32 v28, v16;
	v11 =	vld [tilespmem:s14+$0x170];
	(pc) =	sbr.rel @p1 .LBB2_15-.Ltmp8, $4  }
0x2a7: {  	v10 =	vadd.f32 v20, v10;
	v16 =	vadd.f32 v21, v9;
	v9 =	vld [tilespmem:s14+$0x1E0]  }
0x2a8: {  	v18 =	vadd.f32 v27, v12;
	v19 =	vadd.f32 v24, v14;
	v12 =	vld [tilespmem:s14+$0x1F0]  }
0x2a9: {  	v15 =	vadd.f32 v13, v10;
	v14 =	vadd.f32 v17, v16;
	v10 =	vld [tilespmem:s14+$0x260]  }
0x2aa: {  	v17 =	vadd.f32 v32, v18;
	v16 =	vadd.f32 v26, v19;
	v13 =	vld [tilespmem:s14+$0x270];
	s14 =	sadd.s32 $0x280, s14  }
0x2ab: {  	_ = 	snop  }
0x2ac: {  	v8 =	vadd.f32 v8, v15;
	[tilespmem:s11+$0x12300] =	vst v7;
	v3 =	vadd.f32 v3, v17  }
0x2ad: {  	v7 =	vadd.f32 v11, v14;
	[tilespmem:s11+$0x12310] =	vst v6;
	v2 =	vadd.f32 v2, v16  }
0x2ae: {  	[tilespmem:s11+$0x12320] =	vst v5;
	v6 =	vadd.f32 v9, v8;
	v0 =	vadd.f32 v0, v3  }
0x2af: {  	[tilespmem:s11+$0x12330] =	vst v4;
	v3 =	vadd.f32 v12, v7;
	v1 =	vadd.f32 v1, v2  }
0x2b0: {  	v2 =	vadd.f32 v10, v6;
	[tilespmem:s11+$0x12340] =	vst v0  }
0x2b1: {  	v0 =	vadd.f32 v13, v3;
	[tilespmem:s11+$0x12350] =	vst v1  }
0x2b2: {  	[tilespmem:s11+$0x12360] =	vst v2  }
0x2b3: {  	s12 =	sadd.s32 @!p0 $0x700, s12;
	s13 =	simm.s32 @!p0 $0x32;
	s14 =	simm.s32 @!p0 $0xE800;
	[tilespmem:s11+$0x12370] =	vst v0  }
0x2b4: {  	[tilespmem:s14], [sflag:$0x7] =	stream.indirect.gather @!p0 [hbm4b:s2+s13], $0x80, s12, s13, $0xb8;
	[tilespmem:$0x16000] =	vst v63  }
0x2b5: {  	_ =	swait.ge [sflag:s0], $0x1900  }
0x2b6: {  	[sflag:s0] =	ssyncset.done $0x0  }
0x2b7: {  	s15 =	simm.s32 $0x10400;
	[sflag:s0] =	ssyncadd.s32 $0xFFFFE700  }
0x2b8: {  	v4 =	vld [tilespmem:s15+$0x200]  }
0x2b9: {  	v5 =	vld [tilespmem:s15+$0x210]  }
0x2ba: {  	v9 =	vld [tilespmem:s15+$0x220]  }
0x2bb: {  	v10 =	vld [tilespmem:s15+$0x230]  }
0x2bc: {  	v0 =	vld [tilespmem:s15+$0x240]  }
0x2bd: {  	v1 =	vld [tilespmem:s15+$0x250]  }
0x2be: {  	v6 =	vld [tilespmem:s15+$0x180]  }
0x2bf: {  	v7 =	vld [tilespmem:s15+$0x190]  }
0x2c0: {  	v8 =	vld [tilespmem:s15+$0x1A0]  }
0x2c1: {  	v11 =	vld [tilespmem:s15+$0x1B0]  }
0x2c2: {  	v3 =	vld [tilespmem:s15+$0x1C0]  }
0x2c3: {  	v2 =	vld [tilespmem:s15+$0x1D0]  }
0x2c4: {  	v12 =	vld [tilespmem:s15+$0x100]  }
0x2c5: {  	v13 =	vld [tilespmem:s15+$0x110]  }
0x2c6: {  	v14 =	vld [tilespmem:s15+$0x120]  }
0x2c7: {  	v15 =	vld [tilespmem:s15+$0x130]  }
0x2c8: {  	v16 =	vld [tilespmem:s15+$0x80]  }
0x2c9: {  	v17 =	vld [tilespmem:s15+$0x90]  }
0x2ca: {  	v18 =	vld [tilespmem:s15+$0x0]  }
0x2cb: {  	v19 =	vld [tilespmem:s15+$0x10]  }
0x2cc: {  	v20 =	vld [tilespmem:s15+$0x20]  }
0x2cd: {  	v21 =	vld [tilespmem:s15+$0x30]  }
0x2ce: {  	v22 =	vld [tilespmem:s15+$0xA0]  }
0x2cf: {  	v23 =	vld [tilespmem:s15+$0xB0]  }
0x2d0: {  	v24 =	vimm.f32 $0.0e+00;
	v25 =	vld [tilespmem:s15+$0x140]  }
0x2d1: {  	v26 =	vld [tilespmem:s15+$0x150];
	v18 =	vadd.f32 v18, v24;
	v19 =	vadd.f32 v19, v24  }
0x2d2: {  	v27 =	vld [tilespmem:s15+$0xC0];
	v20 =	vadd.f32 v20, v24;
	v21 =	vadd.f32 v21, v24  }
0x2d3: {  	v62 =	vld [tilespmem:s15+$0x50];
	v16 =	vadd.f32 v16, v18;
	v17 =	vadd.f32 v17, v19  }
0x2d4: {  	v63 =	vld [tilespmem:s15+$0xF0];
	v20 =	vadd.f32 v22, v20;
	v21 =	vadd.f32 v23, v21  }
0x2d5: {  	v19 =	vld [tilespmem:s15+$0x40];
	v12 =	vadd.f32 v12, v16;
	v13 =	vadd.f32 v13, v17  }
0x2d6: {  	v16 =	vld [tilespmem:s15+$0x60];
	v14 =	vadd.f32 v14, v20;
	v15 =	vadd.f32 v15, v21  }
0x2d7: {  	v17 =	vld [tilespmem:s15+$0x70];
	v6 =	vadd.f32 v6, v12;
	v12 =	vadd.f32 v7, v13  }
0x2d8: {  	v18 =	vld [tilespmem:s15+$0xD0];
	v14 =	vadd.f32 v8, v14;
	v11 =	vadd.f32 v11, v15  }
0x2d9: {  	v13 =	vld [tilespmem:s15+$0xE0];
	v7 =	vadd.f32 v4, v6;
	v6 =	vadd.f32 v5, v12  }
0x2da: {  	v8 =	vld [tilespmem:s15+$0x160];
	v5 =	vadd.f32 v9, v14;
	v4 =	vadd.f32 v10, v11  }
0x2db: {  	v10 =	vadd.f32 v19, v24;
	v12 =	vadd.f32 v62, v24;
	v11 =	vld [tilespmem:s15+$0x170]  }
0x2dc: {  	v9 =	vld [tilespmem:s15+$0x1E0];
	v14 =	vadd.f32 v16, v24;
	v16 =	vadd.f32 v17, v24  }
0x2dd: {  	v17 =	vadd.f32 v27, v10;
	v18 =	vadd.f32 v18, v12;
	v12 =	vld [tilespmem:s15+$0x1F0]  }
0x2de: {  	v10 =	vld [tilespmem:s15+$0x260];
	v15 =	vadd.f32 v13, v14;
	v14 =	vadd.f32 v63, v16  }
0x2df: {  	s12 =	simm.s32 $0x0;
	s13 =	simm.s32 $0x10680;
	v13 =	vld [tilespmem:s15+$0x270];
	v17 =	vadd.f32 v25, v17;
	v16 =	vadd.f32 v26, v18  }
.LBB2_17:
0x2e0: {  	v18 =	vld [tilespmem:s13+$0x200];
	v8 =	vadd.f32 v8, v15;
	v11 =	vadd.f32 v11, v14  }
0x2e1: {  	v14 =	vld [tilespmem:s13+$0x210];
	v3 =	vadd.f32 v3, v17;
	v2 =	vadd.f32 v2, v16  }
0x2e2: {  	v15 =	vld [tilespmem:s13+$0x220];
	v8 =	vadd.f32 v9, v8;
	v9 =	vadd.f32 v12, v11  }
0x2e3: {  	v11 =	vld [tilespmem:s13+$0x230];
	v12 =	vadd.f32 v0, v3;
	v16 =	vadd.f32 v1, v2  }
0x2e4: {  	v0 =	vld [tilespmem:s13+$0x240];
	v10 =	vadd.f32 v10, v8;
	v9 =	vadd.f32 v13, v9  }
0x2e5: {  	v1 =	vld [tilespmem:s13+$0x250]  }
0x2e6: {  	v8 =	vld [tilespmem:s13+$0x180]  }
0x2e7: {  	v13 =	vld [tilespmem:s13+$0x190]  }
0x2e8: {  	v17 =	vld [tilespmem:s13+$0x1A0]  }
0x2e9: {  	v19 =	vld [tilespmem:s13+$0x1B0]  }
0x2ea: {  	v3 =	vld [tilespmem:s13+$0x1C0]  }
0x2eb: {  	v2 =	vld [tilespmem:s13+$0x1D0]  }
0x2ec: {  	v20 =	vld [tilespmem:s13+$0x100]  }
0x2ed: {  	v21 =	vld [tilespmem:s13+$0x110]  }
0x2ee: {  	v22 =	vld [tilespmem:s13+$0x120]  }
0x2ef: {  	v23 =	vld [tilespmem:s13+$0x130]  }
0x2f0: {  	v24 =	vld [tilespmem:s13+$0x80]  }
0x2f1: {  	v25 =	vld [tilespmem:s13+$0x90]  }
0x2f2: {  	v26 =	vld [tilespmem:s13+$0x0]  }
0x2f3: {  	v27 =	vld [tilespmem:s13+$0x10]  }
0x2f4: {  	v28 =	vld [tilespmem:s13+$0x20]  }
0x2f5: {  	v29 =	vld [tilespmem:s13+$0x30]  }
0x2f6: {  	v30 =	vld [tilespmem:s13+$0xA0]  }
0x2f7: {  	v31 =	vld [tilespmem:s13+$0xB0]  }
0x2f8: {  	v32 =	vld [tilespmem:s13+$0x140]  }
0x2f9: {  	v7 =	vadd.f32 v26, v7;
	v6 =	vadd.f32 v27, v6;
	v26 =	vld [tilespmem:s13+$0x150]  }
0x2fa: {  	v5 =	vadd.f32 v28, v5;
	v4 =	vadd.f32 v29, v4;
	v27 =	vld [tilespmem:s13+$0xC0]  }
0x2fb: {  	v7 =	vadd.f32 v24, v7;
	v6 =	vadd.f32 v25, v6;
	v24 =	vld [tilespmem:s13+$0xD0]  }
0x2fc: {  	v5 =	vadd.f32 v30, v5;
	v25 =	vld [tilespmem:s13+$0x40];
	v4 =	vadd.f32 v31, v4  }
0x2fd: {  	v7 =	vadd.f32 v20, v7;
	v6 =	vadd.f32 v21, v6;
	v28 =	vld [tilespmem:s13+$0x50]  }
0x2fe: {  	v5 =	vadd.f32 v22, v5;
	v20 =	vld [tilespmem:s13+$0x60];
	v4 =	vadd.f32 v23, v4  }
0x2ff: {  	s12 =	sadd.s32 $0x5, s12;
	v7 =	vadd.f32 v8, v7;
	v6 =	vadd.f32 v13, v6;
	v21 =	vld [tilespmem:s13+$0x70]  }
0x300: {  	p1 =	slt.u32 s12, $0x2D;
	v5 =	vadd.f32 v17, v5;
	v13 =	vld [tilespmem:s13+$0xE0];
	v4 =	vadd.f32 v19, v4  }
0x301: {  	v7 =	vadd.f32 v18, v7;
	v6 =	vadd.f32 v14, v6;
	v17 =	vld [tilespmem:s13+$0xF0]  }
0x302: {  	v5 =	vadd.f32 v15, v5;
	v8 =	vld [tilespmem:s13+$0x160];
	v4 =	vadd.f32 v11, v4  }
.Ltmp9:
0x303: {  	v12 =	vadd.f32 v25, v12;
	v14 =	vadd.f32 v28, v16;
	v11 =	vld [tilespmem:s13+$0x170];
	(pc) =	sbr.rel @p1 .LBB2_17-.Ltmp9, $4  }
0x304: {  	v10 =	vadd.f32 v20, v10;
	v16 =	vadd.f32 v21, v9;
	v9 =	vld [tilespmem:s13+$0x1E0]  }
0x305: {  	v18 =	vadd.f32 v27, v12;
	v19 =	vadd.f32 v24, v14;
	v12 =	vld [tilespmem:s13+$0x1F0]  }
0x306: {  	v15 =	vadd.f32 v13, v10;
	v14 =	vadd.f32 v17, v16;
	v10 =	vld [tilespmem:s13+$0x260]  }
0x307: {  	v17 =	vadd.f32 v32, v18;
	v16 =	vadd.f32 v26, v19;
	v13 =	vld [tilespmem:s13+$0x270];
	s13 =	sadd.s32 $0x280, s13  }
0x308: {  	_ = 	snop  }
0x309: {  	v8 =	vadd.f32 v8, v15;
	[tilespmem:s11+$0x12380] =	vst v7;
	v3 =	vadd.f32 v3, v17  }
0x30a: {  	v59 =	vadd.f32 v11, v14;
	[tilespmem:s11+$0x12390] =	vst v6;
	v2 =	vadd.f32 v2, v16  }
0x30b: {  	[tilespmem:s11+$0x123A0] =	vst v5;
	v60 =	vadd.f32 v9, v8;
	v0 =	vadd.f32 v0, v3  }
.Ltmp10:
0x30c: {  	[tilespmem:s11+$0x123B0] =	vst v4;
	v61 =	vadd.f32 v12, v59;
	v1 =	vadd.f32 v1, v2;
	(pc) =	sbr.rel @p0 .LBB2_20-.Ltmp10, $4  }
0x30d: {  	v62 =	vadd.f32 v10, v60;
	[tilespmem:s11+$0x123C0] =	vst v0  }
0x30e: {  	v63 =	vadd.f32 v13, v61;
	[tilespmem:s11+$0x123D0] =	vst v1  }
0x30f: {  	[tilespmem:s11+$0x123E0] =	vst v62  }
0x310: {  	[tilespmem:s11+$0x123F0] =	vst v63  }
.Ltmp11:
0x311: {  	(pc) =	sbr.rel .LBB2_2-.Ltmp11, $3  }
0x312: {  	_ =	sdelay $0x1  }
0x313: {  	s11 =	sadd.s32 $0x780, s11;
	s10 =	sadd.s32 $0x1, s10  }
0x314: {  	[tilespmem:s23], [sflag:$0x8] =	stream.indirect.gather [hbm4b:s2+s8], $0x80, s11, s8, $0xb8;
	[tilespmem:$0x16000] =	vst v63  }
.LBB2_21:
0x315: {  	_ =	sfence.sel $0x180000  }
0x316: {  	[bflag:$0x0] =	sbarrier.arrive $0xFFFF  }
0x317: {  	_ =	strace $0x90000047  }
0x318: {  	s0 =	stileid.u32;
	[bflag:$0x2] =	sbarrier.arrive $0xFFFF  }
0x319: {  	p0 =	sne.s32 s0, $0x0;
	s0 =	rddreg [dreg:$0x2]  }
0x31a: {  	s0 =	sadd.s32 @!p0 $0x100000, s0  }
0x31b: {  	[sflag:s0] =	ssyncadd.tile.s32 @!p0 $0x1;
	_ =	shalt  }
.Lfunc_end2:
_tile_overlayer_lowered:
.L_overlay_start_2:
0x31c: {  	(tag) =	ssettag $0x2  }
0x31d: {  	s0 =	rddreg [dreg:$0x0];
	s2 =	stileid.u32  }
0x31e: {  	s1 =	rddreg [dreg:$0x1];
	p0 =	sne.s32 s2, $0x0  }
0x31f: {  	s3 =	rddreg [dreg:$0x2];
	[bflag:$0x3] =	sbarrier.arrive $0xFFFF;
	s2 =	simm.s32 @!p0 $0x1C09  }
0x320: {  	[timem:s3], [sflag:s2] =	dma.local @!p0 [hbm:s0], s1  }
0x321: {  	s0 =	simm.s32 @!p0 $0x9  }
0x322: {  	_ =	swait.ge @!p0 [sflag:s0], s1  }
0x323: {  	s1 =	ssub.s32 @!p0 $0x0, s1;
	[sflag:s0] =	ssyncset.done @!p0 $0x0  }
0x324: {  	[sflag:s0] =	ssyncadd.s32 @!p0 s1  }
0x325: {  	[bflag:$0x3] =	sbarrier.arrive $0xFFFF  }
0x326: {  	_ =	shalt  }

</sc_bundles>
